<compile_context>
chip_gen: v7x
topology: tpu7x:2x2x1
jax: 0.10.2.dev20260603
libtpu: 0.0.44.dev20260713+nightly
codegen_flags: <defaults>
</compile_context>

<pallas_src>
import functools

import jax
import jax.numpy as jnp
from jax import lax
from jax.experimental import pallas as pl
import jax.experimental.pallas.tpu as pltpu
from jax.experimental.pallas import tpu_sc as plsc

B, S, D = 8, 4096, 512
BS = 512
NS = S // BS
CHUNK = 1024
NTILES = 32
TPB = 4
GROUPS = CHUNK // 16
CH = 112
RB = CH // 16
NDUMMY = 8
L16 = 16


def _stage1_body(thr_ref, x_ref, ws_ref, wc_ref, z_ref, start_ref,
                 carry_z, carry_a):
    ns = pl.program_id(1)
    x = x_ref[0]
    a2 = jnp.dot(x, ws_ref[:D, :], preferred_element_type=jnp.float32)
    c2 = jnp.dot(x, ws_ref[D:, :], preferred_element_type=jnp.float32)
    y = jnp.dot(x, wc_ref[...], preferred_element_type=jnp.float32)

    @pl.when(ns == 0)
    def _():
        carry_z[...] = jnp.zeros_like(carry_z)
        carry_a[...] = jnp.zeros_like(carry_a)

    z = y
    sh = 1
    while sh < BS:
        z = z + jnp.concatenate(
            [jnp.zeros((sh, D), jnp.float32), z[:-sh]], axis=0)
        sh *= 2
    z = z + carry_z[0:1, :]
    z_ref[0] = z
    carry_z[...] = z[BS - 1:BS, :]

    a_prev = jnp.concatenate([carry_a[0:1, :], a2[:-1, :]], axis=0)
    pair_prev = a_prev + c2
    startv = (pair_prev <= thr_ref[0]).astype(jnp.int32)
    row = lax.broadcasted_iota(jnp.int32, (BS, 1), 0)
    startv = jnp.where(jnp.logical_and(ns == 0, row == 0), 1, startv)
    start_ref[0] = startv
    carry_a[...] = a2[BS - 1:BS, :]


def _stage1(frame_input, W_score, b_score, W_combine):
    thr = (0.5 - b_score).astype(jnp.float32)
    return pl.pallas_call(
        _stage1_body,
        grid=(B, NS),
        in_specs=[
            pl.BlockSpec(memory_space=pltpu.SMEM),
            pl.BlockSpec((1, BS, D), lambda b, ns: (b, ns, 0)),
            pl.BlockSpec((2 * D, 1), lambda b, ns: (0, 0)),
            pl.BlockSpec((D, D), lambda b, ns: (0, 0)),
        ],
        out_specs=[
            pl.BlockSpec((1, BS, D), lambda b, ns: (b, ns, 0)),
            pl.BlockSpec((1, BS, 1), lambda b, ns: (b, ns, 0)),
        ],
        out_shape=[
            jax.ShapeDtypeStruct((B, S, D), jnp.float32),
            jax.ShapeDtypeStruct((B, S, 1), jnp.int32),
        ],
        scratch_shapes=[
            pltpu.VMEM((1, D), jnp.float32),
            pltpu.VMEM((1, 1), jnp.float32),
        ],
        compiler_params=pltpu.CompilerParams(
            dimension_semantics=("arbitrary", "arbitrary")),
    )(thr, frame_input, W_score, W_combine)


def _iota16():
    return lax.iota(jnp.int32, L16)


def _lane(vec, i):
    return jnp.sum(jnp.where(_iota16() == i, vec, 0))


def _sc_body(z_hbm, start_hbm, bias_hbm, out_hbm,
             start_v, e_v, rows_v, outb_v, dst_v, recip_v, rec1_v, rec_v,
             bias_v, rec_s, sem):
    cid = lax.axis_index("c")
    sid = lax.axis_index("s")
    b = cid * TPB + sid // TPB
    tb = sid % TPB
    f0 = b * S + tb * CHUNK
    pb0 = tb * CHUNK
    iota = _iota16()

    pltpu.sync_copy(bias_hbm, bias_v)
    pltpu.sync_copy(start_hbm.at[pl.ds(f0, CHUNK + 16)], start_v)

    for t in range((CHUNK + 16) // 16):
        e_v[pl.ds(16 * t, 16)] = iota + 16 * t

    def groupA(g, carry):
        off, last = carry
        sv = plsc.load_gather(start_v, [iota + (16 * g + 1)])
        bpos = iota + (pb0 + 16 * g)
        mask = jnp.logical_or(sv != 0, bpos == S - 1)
        posg = iota + (f0 + 16 * g)
        rank = plsc.cumsum(mask.astype(jnp.int32))
        plsc.store_scatter(e_v, [off + rank], posg, mask=mask)
        cnt = jnp.sum(mask.astype(jnp.int32))
        lastg = jnp.max(jnp.where(mask, posg, -1))
        return off + cnt, jnp.maximum(last, lastg)

    k, last = lax.fori_loop(0, GROUPS, groupA,
                            (jnp.int32(1), jnp.int32(-1)))
    k = k - 1

    rec1_v[...] = jnp.where(iota == 0, k, jnp.where(iota == 1, last, 0))
    pltpu.sync_copy(rec1_v, rec_s.at[sid])
    plsc.subcore_barrier()
    pltpu.sync_copy(rec_s, rec_v)

    jp = jnp.int32(0)
    prev = jnp.int32(-1)
    nseg = jnp.int32(0)
    my_bgrp = sid // TPB
    for t in range(16):
        rv = rec_v[t]
        kt = _lane(rv, 0)
        lt = _lane(rv, 1)
        in_b = (t // TPB) == my_bgrp
        prior = jnp.logical_and(in_b, t < sid)
        jp = jp + jnp.where(prior, kt, 0)
        prev = jnp.maximum(prev, jnp.where(prior, lt, -1))
        nseg = nseg + jnp.where(in_b, kt, 0)

    plsc.store_scatter(e_v, [iota * 0], jnp.maximum(prev, 0) + iota * 0,
                       mask=iota == 0)
    zero_first = prev < 0

    def chunkB(c, _):
        cpy = pltpu.make_async_copy(
            z_hbm.at[e_v.at[pl.ds(c * CH, CH + 1)]], rows_v, sem)
        cpy.start()
        cpy.wait()

        @pl.when(jnp.logical_and(c == 0, zero_first))
        def _():
            for d in range(D // 16):
                rows_v[0, pl.ds(16 * d, 16)] = jnp.zeros((16,), jnp.float32)

        for rb in range(RB):
            gv0 = plsc.load_gather(e_v, [iota + (c * CH + 16 * rb)])
            gv1 = plsc.load_gather(e_v, [iota + (c * CH + 16 * rb + 1)])
            recip_v[pl.ds(16 * rb, 16)] = 1.0 / (gv1 - gv0).astype(jnp.float32)
            lidx = iota + (c * CH + 16 * rb)
            dstv = jnp.where(lidx < k, b * S + jp + lidx,
                             B * S + ((sid * 2 + iota) & (NDUMMY - 1)))
            dst_v[0, pl.ds(16 * rb, 16)] = dstv

        def rowfn(r, _):
            recr = plsc.load_gather(recip_v, [iota * 0 + r])
            for d in range(D // 16):
                hi = rows_v[r + 1, pl.ds(16 * d, 16)]
                lo = rows_v[r, pl.ds(16 * d, 16)]
                outb_v[r, pl.ds(16 * d, 16)] = (
                    (hi - lo) * recr + bias_v[pl.ds(16 * d, 16)])
            return 0

        lax.fori_loop(0, CH, rowfn, 0)

        ocpy = pltpu.make_async_copy(outb_v, out_hbm.at[dst_v.at[0]], sem)
        ocpy.start()
        ocpy.wait()
        return 0

    nch = (k + CH - 1) // CH
    lax.fori_loop(0, nch, chunkB, 0)

    def biasrow(r, _):
        for d in range(D // 16):
            outb_v[r, pl.ds(16 * d, 16)] = bias_v[pl.ds(16 * d, 16)]
        return 0

    lax.fori_loop(0, CH, biasrow, 0)

    ltail = S - nseg
    m_t = jnp.maximum(0, (ltail - tb + TPB - 1) // TPB)

    def tailfn(mc, _):
        for rb in range(RB):
            midx = iota + (mc * CH + 16 * rb)
            dstv = jnp.where(midx < m_t,
                             b * S + nseg + tb + TPB * midx,
                             B * S + ((sid * 2 + iota) & (NDUMMY - 1)))
            dst_v[0, pl.ds(16 * rb, 16)] = dstv
        tcpy = pltpu.make_async_copy(outb_v, out_hbm.at[dst_v.at[0]], sem)
        tcpy.start()
        tcpy.wait()
        return 0

    nmch = (m_t + CH - 1) // CH
    lax.fori_loop(0, nmch, tailfn, 0)


def _stage2(z2d, start_flat, b_combine):
    mesh = plsc.VectorSubcoreMesh(core_axis_name="c", subcore_axis_name="s")
    return pl.kernel(
        _sc_body,
        out_type=jax.ShapeDtypeStruct((B * S + NDUMMY, D), jnp.float32),
        mesh=mesh,
        scratch_types=[
            pltpu.VMEM((CHUNK + 16,), jnp.int32),
            pltpu.VMEM((CHUNK + 16,), jnp.int32),
            pltpu.VMEM((CH + 1, D), jnp.float32),
            pltpu.VMEM((CH, D), jnp.float32),
            pltpu.VMEM((1, CH), jnp.int32),
            pltpu.VMEM((CH,), jnp.float32),
            pltpu.VMEM((16,), jnp.int32),
            pltpu.VMEM((16, 16), jnp.int32),
            pltpu.VMEM((D,), jnp.float32),
            pltpu.VMEM_SHARED((16, 16), jnp.int32),
            pltpu.SemaphoreType.DMA,
        ],
        compiler_params=pltpu.CompilerParams(needs_layout_passes=False),
    )(z2d, start_flat, b_combine)


@jax.jit
def kernel(frame_input, W_score, b_score, W_combine, b_combine):
    z, start = _stage1(frame_input, W_score, b_score, W_combine)
    z2d = z.reshape(B * S, D)
    start_flat = jnp.pad(start.reshape(B * S), (0, 64), constant_values=1)
    out_full = _stage2(z2d, start_flat, b_combine.astype(jnp.float32))
    return out_full[:B * S].reshape(B, S, D)

# --- scband reference (transcript-rebuilt; emitter-appended) ---
"""Pipeline reference for scband-word-speech-continuous-fusion-4896262718144 (READ-ONLY COPY).

The authoritative reference and input builder live on the scoring server;
editing this copy changes nothing except your own understanding.
"""

import jax, jax.numpy as jnp
import numpy as np

B, S, D = 8, 4096, 512
FUSION_THRESHOLD = 0.5

def setup_inputs(seed: int = 0) -> dict:
    key = jax.random.key(seed)
    k1, k2, k3 = jax.random.split(key, 3)
    frame_input = jax.random.normal(k1, (B, S, D), dtype=jnp.float32)
    W_score = jax.random.normal(k2, (2 * D, 1), dtype=jnp.float32) * (1.0 / np.sqrt(2 * D))
    b_score = jnp.zeros((1,), dtype=jnp.float32)
    W_combine = jax.random.normal(k3, (D, D), dtype=jnp.float32) * (1.0 / np.sqrt(D))
    b_combine = jnp.zeros((D,), dtype=jnp.float32)
    return {"frame_input": frame_input, "W_score": W_score, "b_score": b_score,
            "W_combine": W_combine, "b_combine": b_combine}


def reference(frame_input, W_score, b_score, W_combine, b_combine):
    b, s, d = frame_input.shape
    x = frame_input
    # score_pair: unfold consecutive pairs -> [B, S-1, 2D] -> score_model
    x_pairs = jnp.concatenate([x[:, :-1, :], x[:, 1:, :]], axis=-1)
    pair_scores = x_pairs @ W_score + b_score  # [B, S-1, 1]
    # pair_to_fuse: boolean mask
    pair_to_fuse = pair_scores[..., 0] > FUSION_THRESHOLD  # [B, S-1]
    # compute_word_rep_step: fuse consecutive frames marked True into word segments.
    # A new segment starts at frame i>0 iff pair (i-1, i) is NOT fused.
    not_fuse = (~pair_to_fuse).astype(jnp.int32)
    seg = jnp.concatenate([jnp.zeros((b, 1), dtype=jnp.int32),
                           jnp.cumsum(not_fuse, axis=1)], axis=1)  # [B, S], values in [0, S)
    offs = (jnp.arange(b, dtype=jnp.int32) * s)[:, None]
    flat_seg = (seg + offs).reshape(-1)          # [B*S]
    flat_x = x.reshape(b * s, d)                 # [B*S, D]
    sums = jax.ops.segment_sum(flat_x, flat_seg, num_segments=b * s)
    counts = jax.ops.segment_sum(jnp.ones((b * s,), dtype=jnp.float32), flat_seg, num_segments=b * s)
    word_mean = sums / jnp.maximum(counts, 1.0)[:, None]   # pooled ragged word reps, padded
    word_rep = word_mean.reshape(b, s, d)
    # combine_model: projection applied to the pooled word representation
    out = word_rep @ W_combine + b_combine       # [B, S(word slots, padded), D]
    return out


if False:  # reference __main__ guard neutralized (emitter)
    inp = setup_inputs()
    out = reference(**inp)
    print(out.shape, out.dtype)

if __name__ == "__main__":
    import jax
    _d = setup_inputs()
    print(jax.jit(kernel)(*tuple(_d.values())))

</pallas_src>

<mosaic_0001>
#map = affine_map<(d0, d1) -> (0, 0)>
#map1 = affine_map<(d0, d1) -> (0)>
module attributes {stable_mosaic.version = 14 : i64} {
  func.func @_sc_body(%arg0: i32, %arg1: i32, %arg2: memref<32768x512xf32, #tpu.memory_space<hbm>>, %arg3: memref<32832xi32, #tpu.memory_space<hbm>>, %arg4: memref<512xf32, #tpu.memory_space<hbm>>, %arg5: memref<32776x512xf32, #tpu.memory_space<hbm>>, %arg6: memref<1040xi32, #tpu.memory_space<vmem>>, %arg7: memref<1040xi32, #tpu.memory_space<vmem>>, %arg8: memref<113x512xf32, #tpu.memory_space<vmem>>, %arg9: memref<112x512xf32, #tpu.memory_space<vmem>>, %arg10: memref<1x112xi32, #tpu.memory_space<vmem>>, %arg11: memref<112xf32, #tpu.memory_space<vmem>>, %arg12: memref<16xi32, #tpu.memory_space<vmem>>, %arg13: memref<16x16xi32, #tpu.memory_space<vmem>>, %arg14: memref<512xf32, #tpu.memory_space<vmem>>, %arg15: memref<16x16xi32, #tpu.memory_space<vmem_shared>>, %arg16: memref<!tpu.dma_semaphore, #tpu.memory_space<semaphore_mem>>) attributes {dimension_semantics = [#tpu.dimension_semantics<core_parallel>, #tpu.dimension_semantics<subcore_parallel>], iteration_bounds = array<i64: 2, 16>, scalar_prefetch = 0 : i64, scratch_operands = 11 : i64, tpu.core_type = #tpu.core_type<sc_vector_subcore>, window_params = [{transform_indices = #map}, {transform_indices = #map1}, {transform_indices = #map1}, {transform_indices = #map}]} {
    %mul3A = arith.constant 4 : i32
    %mul3A_0 = arith.muli %arg0, %mul3A : i32
    %jit3A = arith.constant 4 : i32
    %div3A = arith.divsi %arg1, %jit3A : i32
    %sign3A = arith.constant 0 : i32
    %sign3A_1 = arith.cmpi sgt, %arg1, %sign3A : i32
    %sign3A_2 = arith.extui %sign3A_1 : i1 to i32
    %sign3A_3 = arith.constant 0 : i32
    %sign3A_4 = arith.cmpi slt, %arg1, %sign3A_3 : i32
    %sign3A_5 = arith.extui %sign3A_4 : i1 to i32
    %sign3A_6 = arith.subi %sign3A_2, %sign3A_5 : i32
    %sign3A_7 = arith.constant 0 : i32
    %sign3A_8 = arith.cmpi sgt, %jit3A, %sign3A_7 : i32
    %sign3A_9 = arith.extui %sign3A_8 : i1 to i32
    %sign3A_10 = arith.constant 0 : i32
    %sign3A_11 = arith.cmpi slt, %jit3A, %sign3A_10 : i32
    %sign3A_12 = arith.extui %sign3A_11 : i1 to i32
    %sign3A_13 = arith.subi %sign3A_9, %sign3A_12 : i32
    %ne3A = arith.cmpi ne, %sign3A_6, %sign3A_13 : i32
    %rem3A = arith.remsi %arg1, %jit3A : i32
    %ne3A_14 = arith.constant 0 : i32
    %ne3A_15 = arith.cmpi ne, %rem3A, %ne3A_14 : i32
    %and3A = arith.andi %ne3A, %ne3A_15 : i1
    %sub3A = arith.constant 1 : i32
    %sub3A_16 = arith.subi %div3A, %sub3A : i32
    %select_n3A = arith.select %and3A, %sub3A_16, %div3A : i32
    %add3A = arith.addi %mul3A_0, %select_n3A : i32
    %jit3A_17 = arith.constant 4 : i32
    %eq3A = arith.constant 0 : i32
    %eq3A_18 = arith.cmpi eq, %jit3A_17, %eq3A : i32
    %jit3A_19 = arith.constant 1 : i32
    %select_n3A_20 = arith.select %eq3A_18, %jit3A_19, %jit3A_17 : i32
    %rem3A_21 = arith.remsi %arg1, %select_n3A_20 : i32
    %ne3A_22 = arith.constant 0 : i32
    %ne3A_23 = arith.cmpi ne, %rem3A_21, %ne3A_22 : i32
    %lt3A = arith.constant 0 : i32
    %lt3A_24 = arith.cmpi slt, %rem3A_21, %lt3A : i32
    %lt3A_25 = arith.constant 0 : i32
    %lt3A_26 = arith.cmpi slt, %select_n3A_20, %lt3A_25 : i32
    %ne3A_27 = arith.xori %lt3A_24, %lt3A_26 : i1
    %and3A_28 = arith.andi %ne3A_27, %ne3A_23 : i1
    %add3A_29 = arith.addi %rem3A_21, %select_n3A_20 : i32
    %select_n3A_30 = arith.select %and3A_28, %add3A_29, %rem3A_21 : i32
    %mul3A_31 = arith.constant 4096 : i32
    %mul3A_32 = arith.muli %add3A, %mul3A_31 : i32
    %mul3A_33 = arith.constant 1024 : i32
    %mul3A_34 = arith.muli %select_n3A_30, %mul3A_33 : i32
    %add3A_35 = arith.addi %mul3A_32, %mul3A_34 : i32
    %mul3A_36 = arith.constant 1024 : i32
    %mul3A_37 = arith.muli %select_n3A_30, %mul3A_36 : i32
    %iota3A = tpu.iota {dimensions = array<i32: 0>} : vector<16xi32>
    "tpu.region"() ({
      %run_scoped3A = tpu.sem_alloc : memref<!tpu.dma_semaphore, #tpu.memory_space<semaphore_mem>>
      tpu.enqueue_dma source(%arg4 : memref<512xf32, #tpu.memory_space<hbm>>) target(%arg14 : memref<512xf32, #tpu.memory_space<vmem>>) target_semaphore(%run_scoped3A : memref<!tpu.dma_semaphore, #tpu.memory_space<semaphore_mem>>)
      tpu.wait_dma2 semaphore(%run_scoped3A : memref<!tpu.dma_semaphore, #tpu.memory_space<semaphore_mem>>) src(%arg4 : memref<512xf32, #tpu.memory_space<hbm>>) dst(%arg14 : memref<512xf32, #tpu.memory_space<vmem>>)
      tpu.yield
    }) : () -> ()
    "tpu.region"() ({
      %run_scoped3A = tpu.sem_alloc : memref<!tpu.dma_semaphore, #tpu.memory_space<semaphore_mem>>
      %dma_start3A = tpu.memref_slice %arg3[%add3A_35] : memref<32832xi32, #tpu.memory_space<hbm>> -> memref<1040xi32, #tpu.memory_space<hbm>>
      %dma_start3A_1181 = tpu.memref_slice %arg3[%add3A_35] : memref<32832xi32, #tpu.memory_space<hbm>> -> memref<1040xi32, #tpu.memory_space<hbm>>
      tpu.enqueue_dma source(%dma_start3A_1181 : memref<1040xi32, #tpu.memory_space<hbm>>) target(%arg6 : memref<1040xi32, #tpu.memory_space<vmem>>) target_semaphore(%run_scoped3A : memref<!tpu.dma_semaphore, #tpu.memory_space<semaphore_mem>>)
      %dma_wait3A = tpu.memref_slice %arg3[%add3A_35] : memref<32832xi32, #tpu.memory_space<hbm>> -> memref<1040xi32, #tpu.memory_space<hbm>>
      %dma_wait3A_1182 = tpu.memref_slice %arg3[%add3A_35] : memref<32832xi32, #tpu.memory_space<hbm>> -> memref<1040xi32, #tpu.memory_space<hbm>>
      tpu.wait_dma2 semaphore(%run_scoped3A : memref<!tpu.dma_semaphore, #tpu.memory_space<semaphore_mem>>) src(%dma_wait3A_1182 : memref<1040xi32, #tpu.memory_space<hbm>>) dst(%arg6 : memref<1040xi32, #tpu.memory_space<vmem>>)
      tpu.yield
    }) : () -> ()
    %add3A_38 = arith.constant 0 : i32
    %add3A_39 = vector.broadcast %add3A_38 : i32 to vector<16xi32>
    %add3A_40 = arith.addi %iota3A, %add3A_39 : vector<16xi32>
    %swap3A = arith.constant 0 : index
    %swap3A_41 = tpu.vector_load %arg7[%swap3A] {strides = array<i32>} : memref<1040xi32, #tpu.memory_space<vmem>>, vector<16xi32>,
    tpu.vector_store %arg7[%swap3A], %add3A_40 {strides = array<i32>} : memref<1040xi32, #tpu.memory_space<vmem>>, vector<16xi32>,
    %add3A_42 = arith.constant 16 : i32
    %add3A_43 = vector.broadcast %add3A_42 : i32 to vector<16xi32>
    %add3A_44 = arith.addi %iota3A, %add3A_43 : vector<16xi32>
    %swap3A_45 = arith.constant 16 : index
    %swap3A_46 = tpu.vector_load %arg7[%swap3A_45] {strides = array<i32>} : memref<1040xi32, #tpu.memory_space<vmem>>, vector<16xi32>,
    tpu.vector_store %arg7[%swap3A_45], %add3A_44 {strides = array<i32>} : memref<1040xi32, #tpu.memory_space<vmem>>, vector<16xi32>,
    %add3A_47 = arith.constant 32 : i32
    %add3A_48 = vector.broadcast %add3A_47 : i32 to vector<16xi32>
    %add3A_49 = arith.addi %iota3A, %add3A_48 : vector<16xi32>
    %swap3A_50 = arith.constant 32 : index
    %swap3A_51 = tpu.vector_load %arg7[%swap3A_50] {strides = array<i32>} : memref<1040xi32, #tpu.memory_space<vmem>>, vector<16xi32>,
    tpu.vector_store %arg7[%swap3A_50], %add3A_49 {strides = array<i32>} : memref<1040xi32, #tpu.memory_space<vmem>>, vector<16xi32>,
    %add3A_52 = arith.constant 48 : i32
    %add3A_53 = vector.broadcast %add3A_52 : i32 to vector<16xi32>
    %add3A_54 = arith.addi %iota3A, %add3A_53 : vector<16xi32>
    %swap3A_55 = arith.constant 48 : index
    %swap3A_56 = tpu.vector_load %arg7[%swap3A_55] {strides = array<i32>} : memref<1040xi32, #tpu.memory_space<vmem>>, vector<16xi32>,
    tpu.vector_store %arg7[%swap3A_55], %add3A_54 {strides = array<i32>} : memref<1040xi32, #tpu.memory_space<vmem>>, vector<16xi32>,
    %add3A_57 = arith.constant 64 : i32
    %add3A_58 = vector.broadcast %add3A_57 : i32 to vector<16xi32>
    %add3A_59 = arith.addi %iota3A, %add3A_58 : vector<16xi32>
    %swap3A_60 = arith.constant 64 : index
    %swap3A_61 = tpu.vector_load %arg7[%swap3A_60] {strides = array<i32>} : memref<1040xi32, #tpu.memory_space<vmem>>, vector<16xi32>,
    tpu.vector_store %arg7[%swap3A_60], %add3A_59 {strides = array<i32>} : memref<1040xi32, #tpu.memory_space<vmem>>, vector<16xi32>,
    %add3A_62 = arith.constant 80 : i32
    %add3A_63 = vector.broadcast %add3A_62 : i32 to vector<16xi32>
    %add3A_64 = arith.addi %iota3A, %add3A_63 : vector<16xi32>
    %swap3A_65 = arith.constant 80 : index
    %swap3A_66 = tpu.vector_load %arg7[%swap3A_65] {strides = array<i32>} : memref<1040xi32, #tpu.memory_space<vmem>>, vector<16xi32>,
    tpu.vector_store %arg7[%swap3A_65], %add3A_64 {strides = array<i32>} : memref<1040xi32, #tpu.memory_space<vmem>>, vector<16xi32>,
    %add3A_67 = arith.constant 96 : i32
    %add3A_68 = vector.broadcast %add3A_67 : i32 to vector<16xi32>
    %add3A_69 = arith.addi %iota3A, %add3A_68 : vector<16xi32>
    %swap3A_70 = arith.constant 96 : index
    %swap3A_71 = tpu.vector_load %arg7[%swap3A_70] {strides = array<i32>} : memref<1040xi32, #tpu.memory_space<vmem>>, vector<16xi32>,
    tpu.vector_store %arg7[%swap3A_70], %add3A_69 {strides = array<i32>} : memref<1040xi32, #tpu.memory_space<vmem>>, vector<16xi32>,
    %add3A_72 = arith.constant 112 : i32
    %add3A_73 = vector.broadcast %add3A_72 : i32 to vector<16xi32>
    %add3A_74 = arith.addi %iota3A, %add3A_73 : vector<16xi32>
    %swap3A_75 = arith.constant 112 : index
    %swap3A_76 = tpu.vector_load %arg7[%swap3A_75] {strides = array<i32>} : memref<1040xi32, #tpu.memory_space<vmem>>, vector<16xi32>,
    tpu.vector_store %arg7[%swap3A_75], %add3A_74 {strides = array<i32>} : memref<1040xi32, #tpu.memory_space<vmem>>, vector<16xi32>,
    %add3A_77 = arith.constant 128 : i32
    %add3A_78 = vector.broadcast %add3A_77 : i32 to vector<16xi32>
    %add3A_79 = arith.addi %iota3A, %add3A_78 : vector<16xi32>
    %swap3A_80 = arith.constant 128 : index
    %swap3A_81 = tpu.vector_load %arg7[%swap3A_80] {strides = array<i32>} : memref<1040xi32, #tpu.memory_space<vmem>>, vector<16xi32>,
    tpu.vector_store %arg7[%swap3A_80], %add3A_79 {strides = array<i32>} : memref<1040xi32, #tpu.memory_space<vmem>>, vector<16xi32>,
    %add3A_82 = arith.constant 144 : i32
    %add3A_83 = vector.broadcast %add3A_82 : i32 to vector<16xi32>
    %add3A_84 = arith.addi %iota3A, %add3A_83 : vector<16xi32>
    %swap3A_85 = arith.constant 144 : index
    %swap3A_86 = tpu.vector_load %arg7[%swap3A_85] {strides = array<i32>} : memref<1040xi32, #tpu.memory_space<vmem>>, vector<16xi32>,
    tpu.vector_store %arg7[%swap3A_85], %add3A_84 {strides = array<i32>} : memref<1040xi32, #tpu.memory_space<vmem>>, vector<16xi32>,
    %add3A_87 = arith.constant 160 : i32
    %add3A_88 = vector.broadcast %add3A_87 : i32 to vector<16xi32>
    %add3A_89 = arith.addi %iota3A, %add3A_88 : vector<16xi32>
    %swap3A_90 = arith.constant 160 : index
    %swap3A_91 = tpu.vector_load %arg7[%swap3A_90] {strides = array<i32>} : memref<1040xi32, #tpu.memory_space<vmem>>, vector<16xi32>,
    tpu.vector_store %arg7[%swap3A_90], %add3A_89 {strides = array<i32>} : memref<1040xi32, #tpu.memory_space<vmem>>, vector<16xi32>,
    %add3A_92 = arith.constant 176 : i32
    %add3A_93 = vector.broadcast %add3A_92 : i32 to vector<16xi32>
    %add3A_94 = arith.addi %iota3A, %add3A_93 : vector<16xi32>
    %swap3A_95 = arith.constant 176 : index
    %swap3A_96 = tpu.vector_load %arg7[%swap3A_95] {strides = array<i32>} : memref<1040xi32, #tpu.memory_space<vmem>>, vector<16xi32>,
    tpu.vector_store %arg7[%swap3A_95], %add3A_94 {strides = array<i32>} : memref<1040xi32, #tpu.memory_space<vmem>>, vector<16xi32>,
    %add3A_97 = arith.constant 192 : i32
    %add3A_98 = vector.broadcast %add3A_97 : i32 to vector<16xi32>
    %add3A_99 = arith.addi %iota3A, %add3A_98 : vector<16xi32>
    %swap3A_100 = arith.constant 192 : index
    %swap3A_101 = tpu.vector_load %arg7[%swap3A_100] {strides = array<i32>} : memref<1040xi32, #tpu.memory_space<vmem>>, vector<16xi32>,
    tpu.vector_store %arg7[%swap3A_100], %add3A_99 {strides = array<i32>} : memref<1040xi32, #tpu.memory_space<vmem>>, vector<16xi32>,
    %add3A_102 = arith.constant 208 : i32
    %add3A_103 = vector.broadcast %add3A_102 : i32 to vector<16xi32>
    %add3A_104 = arith.addi %iota3A, %add3A_103 : vector<16xi32>
    %swap3A_105 = arith.constant 208 : index
    %swap3A_106 = tpu.vector_load %arg7[%swap3A_105] {strides = array<i32>} : memref<1040xi32, #tpu.memory_space<vmem>>, vector<16xi32>,
    tpu.vector_store %arg7[%swap3A_105], %add3A_104 {strides = array<i32>} : memref<1040xi32, #tpu.memory_space<vmem>>, vector<16xi32>,
    %add3A_107 = arith.constant 224 : i32
    %add3A_108 = vector.broadcast %add3A_107 : i32 to vector<16xi32>
    %add3A_109 = arith.addi %iota3A, %add3A_108 : vector<16xi32>
    %swap3A_110 = arith.constant 224 : index
    %swap3A_111 = tpu.vector_load %arg7[%swap3A_110] {strides = array<i32>} : memref<1040xi32, #tpu.memory_space<vmem>>, vector<16xi32>,
    tpu.vector_store %arg7[%swap3A_110], %add3A_109 {strides = array<i32>} : memref<1040xi32, #tpu.memory_space<vmem>>, vector<16xi32>,
    %add3A_112 = arith.constant 240 : i32
    %add3A_113 = vector.broadcast %add3A_112 : i32 to vector<16xi32>
    %add3A_114 = arith.addi %iota3A, %add3A_113 : vector<16xi32>
    %swap3A_115 = arith.constant 240 : index
    %swap3A_116 = tpu.vector_load %arg7[%swap3A_115] {strides = array<i32>} : memref<1040xi32, #tpu.memory_space<vmem>>, vector<16xi32>,
    tpu.vector_store %arg7[%swap3A_115], %add3A_114 {strides = array<i32>} : memref<1040xi32, #tpu.memory_space<vmem>>, vector<16xi32>,
    %add3A_117 = arith.constant 256 : i32
    %add3A_118 = vector.broadcast %add3A_117 : i32 to vector<16xi32>
    %add3A_119 = arith.addi %iota3A, %add3A_118 : vector<16xi32>
    %swap3A_120 = arith.constant 256 : index
    %swap3A_121 = tpu.vector_load %arg7[%swap3A_120] {strides = array<i32>} : memref<1040xi32, #tpu.memory_space<vmem>>, vector<16xi32>,
    tpu.vector_store %arg7[%swap3A_120], %add3A_119 {strides = array<i32>} : memref<1040xi32, #tpu.memory_space<vmem>>, vector<16xi32>,
    %add3A_122 = arith.constant 272 : i32
    %add3A_123 = vector.broadcast %add3A_122 : i32 to vector<16xi32>
    %add3A_124 = arith.addi %iota3A, %add3A_123 : vector<16xi32>
    %swap3A_125 = arith.constant 272 : index
    %swap3A_126 = tpu.vector_load %arg7[%swap3A_125] {strides = array<i32>} : memref<1040xi32, #tpu.memory_space<vmem>>, vector<16xi32>,
    tpu.vector_store %arg7[%swap3A_125], %add3A_124 {strides = array<i32>} : memref<1040xi32, #tpu.memory_space<vmem>>, vector<16xi32>,
    %add3A_127 = arith.constant 288 : i32
    %add3A_128 = vector.broadcast %add3A_127 : i32 to vector<16xi32>
    %add3A_129 = arith.addi %iota3A, %add3A_128 : vector<16xi32>
    %swap3A_130 = arith.constant 288 : index
    %swap3A_131 = tpu.vector_load %arg7[%swap3A_130] {strides = array<i32>} : memref<1040xi32, #tpu.memory_space<vmem>>, vector<16xi32>,
    tpu.vector_store %arg7[%swap3A_130], %add3A_129 {strides = array<i32>} : memref<1040xi32, #tpu.memory_space<vmem>>, vector<16xi32>,
    %add3A_132 = arith.constant 304 : i32
    %add3A_133 = vector.broadcast %add3A_132 : i32 to vector<16xi32>
    %add3A_134 = arith.addi %iota3A, %add3A_133 : vector<16xi32>
    %swap3A_135 = arith.constant 304 : index
    %swap3A_136 = tpu.vector_load %arg7[%swap3A_135] {strides = array<i32>} : memref<1040xi32, #tpu.memory_space<vmem>>, vector<16xi32>,
    tpu.vector_store %arg7[%swap3A_135], %add3A_134 {strides = array<i32>} : memref<1040xi32, #tpu.memory_space<vmem>>, vector<16xi32>,
    %add3A_137 = arith.constant 320 : i32
    %add3A_138 = vector.broadcast %add3A_137 : i32 to vector<16xi32>
    %add3A_139 = arith.addi %iota3A, %add3A_138 : vector<16xi32>
    %swap3A_140 = arith.constant 320 : index
    %swap3A_141 = tpu.vector_load %arg7[%swap3A_140] {strides = array<i32>} : memref<1040xi32, #tpu.memory_space<vmem>>, vector<16xi32>,
    tpu.vector_store %arg7[%swap3A_140], %add3A_139 {strides = array<i32>} : memref<1040xi32, #tpu.memory_space<vmem>>, vector<16xi32>,
    %add3A_142 = arith.constant 336 : i32
    %add3A_143 = vector.broadcast %add3A_142 : i32 to vector<16xi32>
    %add3A_144 = arith.addi %iota3A, %add3A_143 : vector<16xi32>
    %swap3A_145 = arith.constant 336 : index
    %swap3A_146 = tpu.vector_load %arg7[%swap3A_145] {strides = array<i32>} : memref<1040xi32, #tpu.memory_space<vmem>>, vector<16xi32>,
    tpu.vector_store %arg7[%swap3A_145], %add3A_144 {strides = array<i32>} : memref<1040xi32, #tpu.memory_space<vmem>>, vector<16xi32>,
    %add3A_147 = arith.constant 352 : i32
    %add3A_148 = vector.broadcast %add3A_147 : i32 to vector<16xi32>
    %add3A_149 = arith.addi %iota3A, %add3A_148 : vector<16xi32>
    %swap3A_150 = arith.constant 352 : index
    %swap3A_151 = tpu.vector_load %arg7[%swap3A_150] {strides = array<i32>} : memref<1040xi32, #tpu.memory_space<vmem>>, vector<16xi32>,
    tpu.vector_store %arg7[%swap3A_150], %add3A_149 {strides = array<i32>} : memref<1040xi32, #tpu.memory_space<vmem>>, vector<16xi32>,
    %add3A_152 = arith.constant 368 : i32
    %add3A_153 = vector.broadcast %add3A_152 : i32 to vector<16xi32>
    %add3A_154 = arith.addi %iota3A, %add3A_153 : vector<16xi32>
    %swap3A_155 = arith.constant 368 : index
    %swap3A_156 = tpu.vector_load %arg7[%swap3A_155] {strides = array<i32>} : memref<1040xi32, #tpu.memory_space<vmem>>, vector<16xi32>,
    tpu.vector_store %arg7[%swap3A_155], %add3A_154 {strides = array<i32>} : memref<1040xi32, #tpu.memory_space<vmem>>, vector<16xi32>,
    %add3A_157 = arith.constant 384 : i32
    %add3A_158 = vector.broadcast %add3A_157 : i32 to vector<16xi32>
    %add3A_159 = arith.addi %iota3A, %add3A_158 : vector<16xi32>
    %swap3A_160 = arith.constant 384 : index
    %swap3A_161 = tpu.vector_load %arg7[%swap3A_160] {strides = array<i32>} : memref<1040xi32, #tpu.memory_space<vmem>>, vector<16xi32>,
    tpu.vector_store %arg7[%swap3A_160], %add3A_159 {strides = array<i32>} : memref<1040xi32, #tpu.memory_space<vmem>>, vector<16xi32>,
    %add3A_162 = arith.constant 400 : i32
    %add3A_163 = vector.broadcast %add3A_162 : i32 to vector<16xi32>
    %add3A_164 = arith.addi %iota3A, %add3A_163 : vector<16xi32>
    %swap3A_165 = arith.constant 400 : index
    %swap3A_166 = tpu.vector_load %arg7[%swap3A_165] {strides = array<i32>} : memref<1040xi32, #tpu.memory_space<vmem>>, vector<16xi32>,
    tpu.vector_store %arg7[%swap3A_165], %add3A_164 {strides = array<i32>} : memref<1040xi32, #tpu.memory_space<vmem>>, vector<16xi32>,
    %add3A_167 = arith.constant 416 : i32
    %add3A_168 = vector.broadcast %add3A_167 : i32 to vector<16xi32>
    %add3A_169 = arith.addi %iota3A, %add3A_168 : vector<16xi32>
    %swap3A_170 = arith.constant 416 : index
    %swap3A_171 = tpu.vector_load %arg7[%swap3A_170] {strides = array<i32>} : memref<1040xi32, #tpu.memory_space<vmem>>, vector<16xi32>,
    tpu.vector_store %arg7[%swap3A_170], %add3A_169 {strides = array<i32>} : memref<1040xi32, #tpu.memory_space<vmem>>, vector<16xi32>,
    %add3A_172 = arith.constant 432 : i32
    %add3A_173 = vector.broadcast %add3A_172 : i32 to vector<16xi32>
    %add3A_174 = arith.addi %iota3A, %add3A_173 : vector<16xi32>
    %swap3A_175 = arith.constant 432 : index
    %swap3A_176 = tpu.vector_load %arg7[%swap3A_175] {strides = array<i32>} : memref<1040xi32, #tpu.memory_space<vmem>>, vector<16xi32>,
    tpu.vector_store %arg7[%swap3A_175], %add3A_174 {strides = array<i32>} : memref<1040xi32, #tpu.memory_space<vmem>>, vector<16xi32>,
    %add3A_177 = arith.constant 448 : i32
    %add3A_178 = vector.broadcast %add3A_177 : i32 to vector<16xi32>
    %add3A_179 = arith.addi %iota3A, %add3A_178 : vector<16xi32>
    %swap3A_180 = arith.constant 448 : index
    %swap3A_181 = tpu.vector_load %arg7[%swap3A_180] {strides = array<i32>} : memref<1040xi32, #tpu.memory_space<vmem>>, vector<16xi32>,
    tpu.vector_store %arg7[%swap3A_180], %add3A_179 {strides = array<i32>} : memref<1040xi32, #tpu.memory_space<vmem>>, vector<16xi32>,
    %add3A_182 = arith.constant 464 : i32
    %add3A_183 = vector.broadcast %add3A_182 : i32 to vector<16xi32>
    %add3A_184 = arith.addi %iota3A, %add3A_183 : vector<16xi32>
    %swap3A_185 = arith.constant 464 : index
    %swap3A_186 = tpu.vector_load %arg7[%swap3A_185] {strides = array<i32>} : memref<1040xi32, #tpu.memory_space<vmem>>, vector<16xi32>,
    tpu.vector_store %arg7[%swap3A_185], %add3A_184 {strides = array<i32>} : memref<1040xi32, #tpu.memory_space<vmem>>, vector<16xi32>,
    %add3A_187 = arith.constant 480 : i32
    %add3A_188 = vector.broadcast %add3A_187 : i32 to vector<16xi32>
    %add3A_189 = arith.addi %iota3A, %add3A_188 : vector<16xi32>
    %swap3A_190 = arith.constant 480 : index
    %swap3A_191 = tpu.vector_load %arg7[%swap3A_190] {strides = array<i32>} : memref<1040xi32, #tpu.memory_space<vmem>>, vector<16xi32>,
    tpu.vector_store %arg7[%swap3A_190], %add3A_189 {strides = array<i32>} : memref<1040xi32, #tpu.memory_space<vmem>>, vector<16xi32>,
    %add3A_192 = arith.constant 496 : i32
    %add3A_193 = vector.broadcast %add3A_192 : i32 to vector<16xi32>
    %add3A_194 = arith.addi %iota3A, %add3A_193 : vector<16xi32>
    %swap3A_195 = arith.constant 496 : index
    %swap3A_196 = tpu.vector_load %arg7[%swap3A_195] {strides = array<i32>} : memref<1040xi32, #tpu.memory_space<vmem>>, vector<16xi32>,
    tpu.vector_store %arg7[%swap3A_195], %add3A_194 {strides = array<i32>} : memref<1040xi32, #tpu.memory_space<vmem>>, vector<16xi32>,
    %add3A_197 = arith.constant 512 : i32
    %add3A_198 = vector.broadcast %add3A_197 : i32 to vector<16xi32>
    %add3A_199 = arith.addi %iota3A, %add3A_198 : vector<16xi32>
    %swap3A_200 = arith.constant 512 : index
    %swap3A_201 = tpu.vector_load %arg7[%swap3A_200] {strides = array<i32>} : memref<1040xi32, #tpu.memory_space<vmem>>, vector<16xi32>,
    tpu.vector_store %arg7[%swap3A_200], %add3A_199 {strides = array<i32>} : memref<1040xi32, #tpu.memory_space<vmem>>, vector<16xi32>,
    %add3A_202 = arith.constant 528 : i32
    %add3A_203 = vector.broadcast %add3A_202 : i32 to vector<16xi32>
    %add3A_204 = arith.addi %iota3A, %add3A_203 : vector<16xi32>
    %swap3A_205 = arith.constant 528 : index
    %swap3A_206 = tpu.vector_load %arg7[%swap3A_205] {strides = array<i32>} : memref<1040xi32, #tpu.memory_space<vmem>>, vector<16xi32>,
    tpu.vector_store %arg7[%swap3A_205], %add3A_204 {strides = array<i32>} : memref<1040xi32, #tpu.memory_space<vmem>>, vector<16xi32>,
    %add3A_207 = arith.constant 544 : i32
    %add3A_208 = vector.broadcast %add3A_207 : i32 to vector<16xi32>
    %add3A_209 = arith.addi %iota3A, %add3A_208 : vector<16xi32>
    %swap3A_210 = arith.constant 544 : index
    %swap3A_211 = tpu.vector_load %arg7[%swap3A_210] {strides = array<i32>} : memref<1040xi32, #tpu.memory_space<vmem>>, vector<16xi32>,
    tpu.vector_store %arg7[%swap3A_210], %add3A_209 {strides = array<i32>} : memref<1040xi32, #tpu.memory_space<vmem>>, vector<16xi32>,
    %add3A_212 = arith.constant 560 : i32
    %add3A_213 = vector.broadcast %add3A_212 : i32 to vector<16xi32>
    %add3A_214 = arith.addi %iota3A, %add3A_213 : vector<16xi32>
    %swap3A_215 = arith.constant 560 : index
    %swap3A_216 = tpu.vector_load %arg7[%swap3A_215] {strides = array<i32>} : memref<1040xi32, #tpu.memory_space<vmem>>, vector<16xi32>,
    tpu.vector_store %arg7[%swap3A_215], %add3A_214 {strides = array<i32>} : memref<1040xi32, #tpu.memory_space<vmem>>, vector<16xi32>,
    %add3A_217 = arith.constant 576 : i32
    %add3A_218 = vector.broadcast %add3A_217 : i32 to vector<16xi32>
    %add3A_219 = arith.addi %iota3A, %add3A_218 : vector<16xi32>
    %swap3A_220 = arith.constant 576 : index
    %swap3A_221 = tpu.vector_load %arg7[%swap3A_220] {strides = array<i32>} : memref<1040xi32, #tpu.memory_space<vmem>>, vector<16xi32>,
    tpu.vector_store %arg7[%swap3A_220], %add3A_219 {strides = array<i32>} : memref<1040xi32, #tpu.memory_space<vmem>>, vector<16xi32>,
    %add3A_222 = arith.constant 592 : i32
    %add3A_223 = vector.broadcast %add3A_222 : i32 to vector<16xi32>
    %add3A_224 = arith.addi %iota3A, %add3A_223 : vector<16xi32>
    %swap3A_225 = arith.constant 592 : index
    %swap3A_226 = tpu.vector_load %arg7[%swap3A_225] {strides = array<i32>} : memref<1040xi32, #tpu.memory_space<vmem>>, vector<16xi32>,
    tpu.vector_store %arg7[%swap3A_225], %add3A_224 {strides = array<i32>} : memref<1040xi32, #tpu.memory_space<vmem>>, vector<16xi32>,
    %add3A_227 = arith.constant 608 : i32
    %add3A_228 = vector.broadcast %add3A_227 : i32 to vector<16xi32>
    %add3A_229 = arith.addi %iota3A, %add3A_228 : vector<16xi32>
    %swap3A_230 = arith.constant 608 : index
    %swap3A_231 = tpu.vector_load %arg7[%swap3A_230] {strides = array<i32>} : memref<1040xi32, #tpu.memory_space<vmem>>, vector<16xi32>,
    tpu.vector_store %arg7[%swap3A_230], %add3A_229 {strides = array<i32>} : memref<1040xi32, #tpu.memory_space<vmem>>, vector<16xi32>,
    %add3A_232 = arith.constant 624 : i32
    %add3A_233 = vector.broadcast %add3A_232 : i32 to vector<16xi32>
    %add3A_234 = arith.addi %iota3A, %add3A_233 : vector<16xi32>
    %swap3A_235 = arith.constant 624 : index
    %swap3A_236 = tpu.vector_load %arg7[%swap3A_235] {strides = array<i32>} : memref<1040xi32, #tpu.memory_space<vmem>>, vector<16xi32>,
    tpu.vector_store %arg7[%swap3A_235], %add3A_234 {strides = array<i32>} : memref<1040xi32, #tpu.memory_space<vmem>>, vector<16xi32>,
    %add3A_237 = arith.constant 640 : i32
    %add3A_238 = vector.broadcast %add3A_237 : i32 to vector<16xi32>
    %add3A_239 = arith.addi %iota3A, %add3A_238 : vector<16xi32>
    %swap3A_240 = arith.constant 640 : index
    %swap3A_241 = tpu.vector_load %arg7[%swap3A_240] {strides = array<i32>} : memref<1040xi32, #tpu.memory_space<vmem>>, vector<16xi32>,
    tpu.vector_store %arg7[%swap3A_240], %add3A_239 {strides = array<i32>} : memref<1040xi32, #tpu.memory_space<vmem>>, vector<16xi32>,
    %add3A_242 = arith.constant 656 : i32
    %add3A_243 = vector.broadcast %add3A_242 : i32 to vector<16xi32>
    %add3A_244 = arith.addi %iota3A, %add3A_243 : vector<16xi32>
    %swap3A_245 = arith.constant 656 : index
    %swap3A_246 = tpu.vector_load %arg7[%swap3A_245] {strides = array<i32>} : memref<1040xi32, #tpu.memory_space<vmem>>, vector<16xi32>,
    tpu.vector_store %arg7[%swap3A_245], %add3A_244 {strides = array<i32>} : memref<1040xi32, #tpu.memory_space<vmem>>, vector<16xi32>,
    %add3A_247 = arith.constant 672 : i32
    %add3A_248 = vector.broadcast %add3A_247 : i32 to vector<16xi32>
    %add3A_249 = arith.addi %iota3A, %add3A_248 : vector<16xi32>
    %swap3A_250 = arith.constant 672 : index
    %swap3A_251 = tpu.vector_load %arg7[%swap3A_250] {strides = array<i32>} : memref<1040xi32, #tpu.memory_space<vmem>>, vector<16xi32>,
    tpu.vector_store %arg7[%swap3A_250], %add3A_249 {strides = array<i32>} : memref<1040xi32, #tpu.memory_space<vmem>>, vector<16xi32>,
    %add3A_252 = arith.constant 688 : i32
    %add3A_253 = vector.broadcast %add3A_252 : i32 to vector<16xi32>
    %add3A_254 = arith.addi %iota3A, %add3A_253 : vector<16xi32>
    %swap3A_255 = arith.constant 688 : index
    %swap3A_256 = tpu.vector_load %arg7[%swap3A_255] {strides = array<i32>} : memref<1040xi32, #tpu.memory_space<vmem>>, vector<16xi32>,
    tpu.vector_store %arg7[%swap3A_255], %add3A_254 {strides = array<i32>} : memref<1040xi32, #tpu.memory_space<vmem>>, vector<16xi32>,
    %add3A_257 = arith.constant 704 : i32
    %add3A_258 = vector.broadcast %add3A_257 : i32 to vector<16xi32>
    %add3A_259 = arith.addi %iota3A, %add3A_258 : vector<16xi32>
    %swap3A_260 = arith.constant 704 : index
    %swap3A_261 = tpu.vector_load %arg7[%swap3A_260] {strides = array<i32>} : memref<1040xi32, #tpu.memory_space<vmem>>, vector<16xi32>,
    tpu.vector_store %arg7[%swap3A_260], %add3A_259 {strides = array<i32>} : memref<1040xi32, #tpu.memory_space<vmem>>, vector<16xi32>,
    %add3A_262 = arith.constant 720 : i32
    %add3A_263 = vector.broadcast %add3A_262 : i32 to vector<16xi32>
    %add3A_264 = arith.addi %iota3A, %add3A_263 : vector<16xi32>
    %swap3A_265 = arith.constant 720 : index
    %swap3A_266 = tpu.vector_load %arg7[%swap3A_265] {strides = array<i32>} : memref<1040xi32, #tpu.memory_space<vmem>>, vector<16xi32>,
    tpu.vector_store %arg7[%swap3A_265], %add3A_264 {strides = array<i32>} : memref<1040xi32, #tpu.memory_space<vmem>>, vector<16xi32>,
    %add3A_267 = arith.constant 736 : i32
    %add3A_268 = vector.broadcast %add3A_267 : i32 to vector<16xi32>
    %add3A_269 = arith.addi %iota3A, %add3A_268 : vector<16xi32>
    %swap3A_270 = arith.constant 736 : index
    %swap3A_271 = tpu.vector_load %arg7[%swap3A_270] {strides = array<i32>} : memref<1040xi32, #tpu.memory_space<vmem>>, vector<16xi32>,
    tpu.vector_store %arg7[%swap3A_270], %add3A_269 {strides = array<i32>} : memref<1040xi32, #tpu.memory_space<vmem>>, vector<16xi32>,
    %add3A_272 = arith.constant 752 : i32
    %add3A_273 = vector.broadcast %add3A_272 : i32 to vector<16xi32>
    %add3A_274 = arith.addi %iota3A, %add3A_273 : vector<16xi32>
    %swap3A_275 = arith.constant 752 : index
    %swap3A_276 = tpu.vector_load %arg7[%swap3A_275] {strides = array<i32>} : memref<1040xi32, #tpu.memory_space<vmem>>, vector<16xi32>,
    tpu.vector_store %arg7[%swap3A_275], %add3A_274 {strides = array<i32>} : memref<1040xi32, #tpu.memory_space<vmem>>, vector<16xi32>,
    %add3A_277 = arith.constant 768 : i32
    %add3A_278 = vector.broadcast %add3A_277 : i32 to vector<16xi32>
    %add3A_279 = arith.addi %iota3A, %add3A_278 : vector<16xi32>
    %swap3A_280 = arith.constant 768 : index
    %swap3A_281 = tpu.vector_load %arg7[%swap3A_280] {strides = array<i32>} : memref<1040xi32, #tpu.memory_space<vmem>>, vector<16xi32>,
    tpu.vector_store %arg7[%swap3A_280], %add3A_279 {strides = array<i32>} : memref<1040xi32, #tpu.memory_space<vmem>>, vector<16xi32>,
    %add3A_282 = arith.constant 784 : i32
    %add3A_283 = vector.broadcast %add3A_282 : i32 to vector<16xi32>
    %add3A_284 = arith.addi %iota3A, %add3A_283 : vector<16xi32>
    %swap3A_285 = arith.constant 784 : index
    %swap3A_286 = tpu.vector_load %arg7[%swap3A_285] {strides = array<i32>} : memref<1040xi32, #tpu.memory_space<vmem>>, vector<16xi32>,
    tpu.vector_store %arg7[%swap3A_285], %add3A_284 {strides = array<i32>} : memref<1040xi32, #tpu.memory_space<vmem>>, vector<16xi32>,
    %add3A_287 = arith.constant 800 : i32
    %add3A_288 = vector.broadcast %add3A_287 : i32 to vector<16xi32>
    %add3A_289 = arith.addi %iota3A, %add3A_288 : vector<16xi32>
    %swap3A_290 = arith.constant 800 : index
    %swap3A_291 = tpu.vector_load %arg7[%swap3A_290] {strides = array<i32>} : memref<1040xi32, #tpu.memory_space<vmem>>, vector<16xi32>,
    tpu.vector_store %arg7[%swap3A_290], %add3A_289 {strides = array<i32>} : memref<1040xi32, #tpu.memory_space<vmem>>, vector<16xi32>,
    %add3A_292 = arith.constant 816 : i32
    %add3A_293 = vector.broadcast %add3A_292 : i32 to vector<16xi32>
    %add3A_294 = arith.addi %iota3A, %add3A_293 : vector<16xi32>
    %swap3A_295 = arith.constant 816 : index
    %swap3A_296 = tpu.vector_load %arg7[%swap3A_295] {strides = array<i32>} : memref<1040xi32, #tpu.memory_space<vmem>>, vector<16xi32>,
    tpu.vector_store %arg7[%swap3A_295], %add3A_294 {strides = array<i32>} : memref<1040xi32, #tpu.memory_space<vmem>>, vector<16xi32>,
    %add3A_297 = arith.constant 832 : i32
    %add3A_298 = vector.broadcast %add3A_297 : i32 to vector<16xi32>
    %add3A_299 = arith.addi %iota3A, %add3A_298 : vector<16xi32>
    %swap3A_300 = arith.constant 832 : index
    %swap3A_301 = tpu.vector_load %arg7[%swap3A_300] {strides = array<i32>} : memref<1040xi32, #tpu.memory_space<vmem>>, vector<16xi32>,
    tpu.vector_store %arg7[%swap3A_300], %add3A_299 {strides = array<i32>} : memref<1040xi32, #tpu.memory_space<vmem>>, vector<16xi32>,
    %add3A_302 = arith.constant 848 : i32
    %add3A_303 = vector.broadcast %add3A_302 : i32 to vector<16xi32>
    %add3A_304 = arith.addi %iota3A, %add3A_303 : vector<16xi32>
    %swap3A_305 = arith.constant 848 : index
    %swap3A_306 = tpu.vector_load %arg7[%swap3A_305] {strides = array<i32>} : memref<1040xi32, #tpu.memory_space<vmem>>, vector<16xi32>,
    tpu.vector_store %arg7[%swap3A_305], %add3A_304 {strides = array<i32>} : memref<1040xi32, #tpu.memory_space<vmem>>, vector<16xi32>,
    %add3A_307 = arith.constant 864 : i32
    %add3A_308 = vector.broadcast %add3A_307 : i32 to vector<16xi32>
    %add3A_309 = arith.addi %iota3A, %add3A_308 : vector<16xi32>
    %swap3A_310 = arith.constant 864 : index
    %swap3A_311 = tpu.vector_load %arg7[%swap3A_310] {strides = array<i32>} : memref<1040xi32, #tpu.memory_space<vmem>>, vector<16xi32>,
    tpu.vector_store %arg7[%swap3A_310], %add3A_309 {strides = array<i32>} : memref<1040xi32, #tpu.memory_space<vmem>>, vector<16xi32>,
    %add3A_312 = arith.constant 880 : i32
    %add3A_313 = vector.broadcast %add3A_312 : i32 to vector<16xi32>
    %add3A_314 = arith.addi %iota3A, %add3A_313 : vector<16xi32>
    %swap3A_315 = arith.constant 880 : index
    %swap3A_316 = tpu.vector_load %arg7[%swap3A_315] {strides = array<i32>} : memref<1040xi32, #tpu.memory_space<vmem>>, vector<16xi32>,
    tpu.vector_store %arg7[%swap3A_315], %add3A_314 {strides = array<i32>} : memref<1040xi32, #tpu.memory_space<vmem>>, vector<16xi32>,
    %add3A_317 = arith.constant 896 : i32
    %add3A_318 = vector.broadcast %add3A_317 : i32 to vector<16xi32>
    %add3A_319 = arith.addi %iota3A, %add3A_318 : vector<16xi32>
    %swap3A_320 = arith.constant 896 : index
    %swap3A_321 = tpu.vector_load %arg7[%swap3A_320] {strides = array<i32>} : memref<1040xi32, #tpu.memory_space<vmem>>, vector<16xi32>,
    tpu.vector_store %arg7[%swap3A_320], %add3A_319 {strides = array<i32>} : memref<1040xi32, #tpu.memory_space<vmem>>, vector<16xi32>,
    %add3A_322 = arith.constant 912 : i32
    %add3A_323 = vector.broadcast %add3A_322 : i32 to vector<16xi32>
    %add3A_324 = arith.addi %iota3A, %add3A_323 : vector<16xi32>
    %swap3A_325 = arith.constant 912 : index
    %swap3A_326 = tpu.vector_load %arg7[%swap3A_325] {strides = array<i32>} : memref<1040xi32, #tpu.memory_space<vmem>>, vector<16xi32>,
    tpu.vector_store %arg7[%swap3A_325], %add3A_324 {strides = array<i32>} : memref<1040xi32, #tpu.memory_space<vmem>>, vector<16xi32>,
    %add3A_327 = arith.constant 928 : i32
    %add3A_328 = vector.broadcast %add3A_327 : i32 to vector<16xi32>
    %add3A_329 = arith.addi %iota3A, %add3A_328 : vector<16xi32>
    %swap3A_330 = arith.constant 928 : index
    %swap3A_331 = tpu.vector_load %arg7[%swap3A_330] {strides = array<i32>} : memref<1040xi32, #tpu.memory_space<vmem>>, vector<16xi32>,
    tpu.vector_store %arg7[%swap3A_330], %add3A_329 {strides = array<i32>} : memref<1040xi32, #tpu.memory_space<vmem>>, vector<16xi32>,
    %add3A_332 = arith.constant 944 : i32
    %add3A_333 = vector.broadcast %add3A_332 : i32 to vector<16xi32>
    %add3A_334 = arith.addi %iota3A, %add3A_333 : vector<16xi32>
    %swap3A_335 = arith.constant 944 : index
    %swap3A_336 = tpu.vector_load %arg7[%swap3A_335] {strides = array<i32>} : memref<1040xi32, #tpu.memory_space<vmem>>, vector<16xi32>,
    tpu.vector_store %arg7[%swap3A_335], %add3A_334 {strides = array<i32>} : memref<1040xi32, #tpu.memory_space<vmem>>, vector<16xi32>,
    %add3A_337 = arith.constant 960 : i32
    %add3A_338 = vector.broadcast %add3A_337 : i32 to vector<16xi32>
    %add3A_339 = arith.addi %iota3A, %add3A_338 : vector<16xi32>
    %swap3A_340 = arith.constant 960 : index
    %swap3A_341 = tpu.vector_load %arg7[%swap3A_340] {strides = array<i32>} : memref<1040xi32, #tpu.memory_space<vmem>>, vector<16xi32>,
    tpu.vector_store %arg7[%swap3A_340], %add3A_339 {strides = array<i32>} : memref<1040xi32, #tpu.memory_space<vmem>>, vector<16xi32>,
    %add3A_342 = arith.constant 976 : i32
    %add3A_343 = vector.broadcast %add3A_342 : i32 to vector<16xi32>
    %add3A_344 = arith.addi %iota3A, %add3A_343 : vector<16xi32>
    %swap3A_345 = arith.constant 976 : index
    %swap3A_346 = tpu.vector_load %arg7[%swap3A_345] {strides = array<i32>} : memref<1040xi32, #tpu.memory_space<vmem>>, vector<16xi32>,
    tpu.vector_store %arg7[%swap3A_345], %add3A_344 {strides = array<i32>} : memref<1040xi32, #tpu.memory_space<vmem>>, vector<16xi32>,
    %add3A_347 = arith.constant 992 : i32
    %add3A_348 = vector.broadcast %add3A_347 : i32 to vector<16xi32>
    %add3A_349 = arith.addi %iota3A, %add3A_348 : vector<16xi32>
    %swap3A_350 = arith.constant 992 : index
    %swap3A_351 = tpu.vector_load %arg7[%swap3A_350] {strides = array<i32>} : memref<1040xi32, #tpu.memory_space<vmem>>, vector<16xi32>,
    tpu.vector_store %arg7[%swap3A_350], %add3A_349 {strides = array<i32>} : memref<1040xi32, #tpu.memory_space<vmem>>, vector<16xi32>,
    %add3A_352 = arith.constant 1008 : i32
    %add3A_353 = vector.broadcast %add3A_352 : i32 to vector<16xi32>
    %add3A_354 = arith.addi %iota3A, %add3A_353 : vector<16xi32>
    %swap3A_355 = arith.constant 1008 : index
    %swap3A_356 = tpu.vector_load %arg7[%swap3A_355] {strides = array<i32>} : memref<1040xi32, #tpu.memory_space<vmem>>, vector<16xi32>,
    tpu.vector_store %arg7[%swap3A_355], %add3A_354 {strides = array<i32>} : memref<1040xi32, #tpu.memory_space<vmem>>, vector<16xi32>,
    %add3A_357 = arith.constant 1024 : i32
    %add3A_358 = vector.broadcast %add3A_357 : i32 to vector<16xi32>
    %add3A_359 = arith.addi %iota3A, %add3A_358 : vector<16xi32>
    %swap3A_360 = arith.constant 1024 : index
    %swap3A_361 = tpu.vector_load %arg7[%swap3A_360] {strides = array<i32>} : memref<1040xi32, #tpu.memory_space<vmem>>, vector<16xi32>,
    tpu.vector_store %arg7[%swap3A_360], %add3A_359 {strides = array<i32>} : memref<1040xi32, #tpu.memory_space<vmem>>, vector<16xi32>,
    %scan3A = arith.constant 1 : i32
    %scan3A_362 = arith.constant -1 : i32
    %scan3A_363 = arith.constant 0 : i32
    %scan3A_364 = arith.constant 64 : i32
    %scan3A_365 = arith.addi %scan3A_363, %scan3A_364 : i32
    %scan3A_366 = arith.constant 1 : i32
    %scan3A_367:2 = scf.for %scan3A_1181 = %scan3A_363 to %scan3A_365 step %scan3A_366 iter_args(%scan3A_1182 = %scan3A, %scan3A_1183 = %scan3A_362) -> (i32, i32)  : i32 {
      %mul3A_1184 = arith.constant 16 : i32
      %mul3A_1185 = arith.muli %mul3A_1184, %scan3A_1181 : i32
      %add3A_1186 = arith.constant 1 : i32
      %add3A_1187 = arith.addi %mul3A_1185, %add3A_1186 : i32
      %add3A_1188 = vector.broadcast %add3A_1187 : i32 to vector<16xi32>
      %add3A_1189 = arith.addi %iota3A, %add3A_1188 : vector<16xi32>
      %gather3A = tpu.vector_load_idx %arg6[%add3A_1189] : memref<1040xi32, #tpu.memory_space<vmem>>[vector<16xi32>], vector<16xi32>,
      %mul3A_1190 = arith.constant 16 : i32
      %mul3A_1191 = arith.muli %mul3A_1190, %scan3A_1181 : i32
      %add3A_1192 = arith.addi %mul3A_37, %mul3A_1191 : i32
      %add3A_1193 = vector.broadcast %add3A_1192 : i32 to vector<16xi32>
      %add3A_1194 = arith.addi %iota3A, %add3A_1193 : vector<16xi32>
      %ne3A_1195 = arith.constant 0 : i32
      %ne3A_1196 = vector.broadcast %ne3A_1195 : i32 to vector<16xi32>
      %ne3A_1197 = arith.cmpi ne, %gather3A, %ne3A_1196 : vector<16xi32>
      %eq3A_1198 = arith.constant 4095 : i32
      %eq3A_1199 = vector.broadcast %eq3A_1198 : i32 to vector<16xi32>
      %eq3A_1200 = arith.cmpi eq, %add3A_1194, %eq3A_1199 : vector<16xi32>
      %or3A = arith.ori %ne3A_1197, %eq3A_1200 : vector<16xi1>
      %mul3A_1201 = arith.constant 16 : i32
      %mul3A_1202 = arith.muli %mul3A_1201, %scan3A_1181 : i32
      %add3A_1203 = arith.addi %add3A_35, %mul3A_1202 : i32
      %add3A_1204 = vector.broadcast %add3A_1203 : i32 to vector<16xi32>
      %add3A_1205 = arith.addi %iota3A, %add3A_1204 : vector<16xi32>
      %convert_element_type3A = arith.extui %or3A : vector<16xi1> to vector<16xi32>
      %broadcast_in_dim3A_1206 = arith.constant true
      %broadcast_in_dim3A_1207 = vector.broadcast %broadcast_in_dim3A_1206 : i1 to vector<16xi1>
      %masked_cumsum3A = tpu.scan <sum>, %convert_element_type3A masked %broadcast_in_dim3A_1207 : vector<16xi32>, vector<16xi1> -> vector<16xi32>
      %add3A_1208 = vector.broadcast %scan3A_1182 : i32 to vector<16xi32>
      %add3A_1209 = arith.addi %add3A_1208, %masked_cumsum3A : vector<16xi32>
      tpu.vector_store_idx %arg7[%add3A_1209], %add3A_1205 masked %or3A : memref<1040xi32, #tpu.memory_space<vmem>>[vector<16xi32>], vector<16xi32>, vector<16xi1>
      %convert_element_type3A_1210 = arith.extui %or3A : vector<16xi1> to vector<16xi32>
      %reduce_sum3A_1211 = arith.constant true
      %reduce_sum3A_1212 = vector.broadcast %reduce_sum3A_1211 : i1 to vector<16xi1>
      %reduce_sum3A_1213 = tpu.scan <sum>, %convert_element_type3A_1210 masked %reduce_sum3A_1212 : vector<16xi32>, vector<16xi1> -> vector<16xi32>
      %reduce_sum3A_1214 = vector.extract %reduce_sum3A_1213[15] : i32 from vector<16xi32>
      %jit3A_1215 = arith.constant -1 : i32
      %broadcast_in_dim3A_1216 = vector.broadcast %jit3A_1215 : i32 to vector<16xi32>
      %select_n3A_1217 = arith.select %or3A, %add3A_1205, %broadcast_in_dim3A_1216 : vector<16xi1>, vector<16xi32>
      %reduce_max3A = arith.constant true
      %reduce_max3A_1218 = vector.broadcast %reduce_max3A : i1 to vector<16xi1>
      %reduce_max3A_1219 = arith.constant -2147483648 : i32
      %reduce_max3A_1220 = vector.broadcast %reduce_max3A_1219 : i32 to vector<16xi32>
      %reduce_max3A_1221 = arith.xori %select_n3A_1217, %reduce_max3A_1220 : vector<16xi32>
      %reduce_max3A_1222 = tpu.scan <max>, %reduce_max3A_1221 masked %reduce_max3A_1218 : vector<16xi32>, vector<16xi1> -> vector<16xi32>
      %reduce_max3A_1223 = arith.xori %reduce_max3A_1222, %reduce_max3A_1220 : vector<16xi32>
      %reduce_max3A_1224 = vector.extract %reduce_max3A_1223[15] : i32 from vector<16xi32>
      %add3A_1225 = arith.addi %scan3A_1182, %reduce_sum3A_1214 : i32
      %max3A_1226 = arith.maxsi %scan3A_1183, %reduce_max3A_1224 : i32
      scf.yield %add3A_1225, %max3A_1226 : i32, i32
    }
    %scan3A_368 = arith.constant 64 : i32
    %sub3A_369 = arith.constant 1 : i32
    %sub3A_370 = arith.subi %scan3A_367#0, %sub3A_369 : i32
    %eq3A_371 = arith.constant 0 : i32
    %eq3A_372 = vector.broadcast %eq3A_371 : i32 to vector<16xi32>
    %eq3A_373 = arith.cmpi eq, %iota3A, %eq3A_372 : vector<16xi32>
    %eq3A_374 = arith.constant 1 : i32
    %eq3A_375 = vector.broadcast %eq3A_374 : i32 to vector<16xi32>
    %eq3A_376 = arith.cmpi eq, %iota3A, %eq3A_375 : vector<16xi32>
    %jit3A_377 = arith.constant 0 : i32
    %broadcast_in_dim3A = vector.broadcast %scan3A_367#1 : i32 to vector<16xi32>
    %broadcast_in_dim3A_378 = vector.broadcast %jit3A_377 : i32 to vector<16xi32>
    %select_n3A_379 = arith.select %eq3A_376, %broadcast_in_dim3A, %broadcast_in_dim3A_378 : vector<16xi1>, vector<16xi32>
    %broadcast_in_dim3A_380 = vector.broadcast %sub3A_370 : i32 to vector<16xi32>
    %select_n3A_381 = arith.select %eq3A_373, %broadcast_in_dim3A_380, %select_n3A_379 : vector<16xi1>, vector<16xi32>
    %swap3A_382 = arith.constant 0 : index
    %swap3A_383 = tpu.vector_load %arg12[%swap3A_382] {strides = array<i32>} : memref<16xi32, #tpu.memory_space<vmem>>, vector<16xi32>,
    tpu.vector_store %arg12[%swap3A_382], %select_n3A_381 {strides = array<i32>} : memref<16xi32, #tpu.memory_space<vmem>>, vector<16xi32>,
    "tpu.region"() ({
      %run_scoped3A = tpu.sem_alloc : memref<!tpu.dma_semaphore, #tpu.memory_space<semaphore_mem>>
      %dma_start3A = arith.constant 0 : i32
      %dma_start3A_1181 = tpu.memref_slice %arg15[%arg1, %dma_start3A] : memref<16x16xi32, #tpu.memory_space<vmem_shared>> -> memref<1x16xi32, #tpu.memory_space<vmem_shared>>
      %dma_start3A_1182 = tpu.memref_squeeze %dma_start3A_1181 : memref<1x16xi32, #tpu.memory_space<vmem_shared>> -> memref<16xi32, #tpu.memory_space<vmem_shared>>
      %dma_start3A_1183 = arith.constant 0 : i32
      %dma_start3A_1184 = tpu.memref_slice %arg15[%arg1, %dma_start3A_1183] : memref<16x16xi32, #tpu.memory_space<vmem_shared>> -> memref<1x16xi32, #tpu.memory_space<vmem_shared>>
      %dma_start3A_1185 = tpu.memref_squeeze %dma_start3A_1184 : memref<1x16xi32, #tpu.memory_space<vmem_shared>> -> memref<16xi32, #tpu.memory_space<vmem_shared>>
      tpu.enqueue_dma source(%arg12 : memref<16xi32, #tpu.memory_space<vmem>>) target(%dma_start3A_1185 : memref<16xi32, #tpu.memory_space<vmem_shared>>) target_semaphore(%run_scoped3A : memref<!tpu.dma_semaphore, #tpu.memory_space<semaphore_mem>>)
      %dma_wait3A = arith.constant 0 : i32
      %dma_wait3A_1186 = tpu.memref_slice %arg15[%arg1, %dma_wait3A] : memref<16x16xi32, #tpu.memory_space<vmem_shared>> -> memref<1x16xi32, #tpu.memory_space<vmem_shared>>
      %dma_wait3A_1187 = tpu.memref_squeeze %dma_wait3A_1186 : memref<1x16xi32, #tpu.memory_space<vmem_shared>> -> memref<16xi32, #tpu.memory_space<vmem_shared>>
      %dma_wait3A_1188 = arith.constant 0 : i32
      %dma_wait3A_1189 = tpu.memref_slice %arg15[%arg1, %dma_wait3A_1188] : memref<16x16xi32, #tpu.memory_space<vmem_shared>> -> memref<1x16xi32, #tpu.memory_space<vmem_shared>>
      %dma_wait3A_1190 = tpu.memref_squeeze %dma_wait3A_1189 : memref<1x16xi32, #tpu.memory_space<vmem_shared>> -> memref<16xi32, #tpu.memory_space<vmem_shared>>
      tpu.wait_dma2 semaphore(%run_scoped3A : memref<!tpu.dma_semaphore, #tpu.memory_space<semaphore_mem>>) src(%arg12 : memref<16xi32, #tpu.memory_space<vmem>>) dst(%dma_wait3A_1190 : memref<16xi32, #tpu.memory_space<vmem_shared>>)
      tpu.yield
    }) : () -> ()
    %barrier3A = arith.constant 0 : index
    tpu.barrier barrier_id(%barrier3A)
    "tpu.region"() ({
      %run_scoped3A = tpu.sem_alloc : memref<!tpu.dma_semaphore, #tpu.memory_space<semaphore_mem>>
      tpu.enqueue_dma source(%arg15 : memref<16x16xi32, #tpu.memory_space<vmem_shared>>) target(%arg13 : memref<16x16xi32, #tpu.memory_space<vmem>>) target_semaphore(%run_scoped3A : memref<!tpu.dma_semaphore, #tpu.memory_space<semaphore_mem>>)
      tpu.wait_dma2 semaphore(%run_scoped3A : memref<!tpu.dma_semaphore, #tpu.memory_space<semaphore_mem>>) src(%arg15 : memref<16x16xi32, #tpu.memory_space<vmem_shared>>) dst(%arg13 : memref<16x16xi32, #tpu.memory_space<vmem>>)
      tpu.yield
    }) : () -> ()
    %jit3A_384 = arith.constant 4 : i32
    %div3A_385 = arith.divsi %arg1, %jit3A_384 : i32
    %sign3A_386 = arith.constant 0 : i32
    %sign3A_387 = arith.cmpi sgt, %arg1, %sign3A_386 : i32
    %sign3A_388 = arith.extui %sign3A_387 : i1 to i32
    %sign3A_389 = arith.constant 0 : i32
    %sign3A_390 = arith.cmpi slt, %arg1, %sign3A_389 : i32
    %sign3A_391 = arith.extui %sign3A_390 : i1 to i32
    %sign3A_392 = arith.subi %sign3A_388, %sign3A_391 : i32
    %sign3A_393 = arith.constant 0 : i32
    %sign3A_394 = arith.cmpi sgt, %jit3A_384, %sign3A_393 : i32
    %sign3A_395 = arith.extui %sign3A_394 : i1 to i32
    %sign3A_396 = arith.constant 0 : i32
    %sign3A_397 = arith.cmpi slt, %jit3A_384, %sign3A_396 : i32
    %sign3A_398 = arith.extui %sign3A_397 : i1 to i32
    %sign3A_399 = arith.subi %sign3A_395, %sign3A_398 : i32
    %ne3A_400 = arith.cmpi ne, %sign3A_392, %sign3A_399 : i32
    %rem3A_401 = arith.remsi %arg1, %jit3A_384 : i32
    %ne3A_402 = arith.constant 0 : i32
    %ne3A_403 = arith.cmpi ne, %rem3A_401, %ne3A_402 : i32
    %and3A_404 = arith.andi %ne3A_400, %ne3A_403 : i1
    %sub3A_405 = arith.constant 1 : i32
    %sub3A_406 = arith.subi %div3A_385, %sub3A_405 : i32
    %select_n3A_407 = arith.select %and3A_404, %sub3A_406, %div3A_385 : i32
    %get3A = arith.constant 0 : i32
    %get3A_408 = arith.index_cast %get3A : i32 to index
    %get3A_409 = arith.constant 0 : index
    %get3A_410 = tpu.vector_load %arg13[%get3A_408, %get3A_409] {strides = array<i32>} : memref<16x16xi32, #tpu.memory_space<vmem>>, vector<16xi32>,
    %iota3A_411 = tpu.iota {dimensions = array<i32: 0>} : vector<16xi32>
    %eq3A_412 = arith.constant 0 : i32
    %eq3A_413 = vector.broadcast %eq3A_412 : i32 to vector<16xi32>
    %eq3A_414 = arith.cmpi eq, %iota3A_411, %eq3A_413 : vector<16xi32>
    %jit3A_415 = arith.constant 0 : i32
    %broadcast_in_dim3A_416 = vector.broadcast %jit3A_415 : i32 to vector<16xi32>
    %select_n3A_417 = arith.select %eq3A_414, %get3A_410, %broadcast_in_dim3A_416 : vector<16xi1>, vector<16xi32>
    %reduce_sum3A = arith.constant true
    %reduce_sum3A_418 = vector.broadcast %reduce_sum3A : i1 to vector<16xi1>
    %reduce_sum3A_419 = tpu.scan <sum>, %select_n3A_417 masked %reduce_sum3A_418 : vector<16xi32>, vector<16xi1> -> vector<16xi32>
    %reduce_sum3A_420 = vector.extract %reduce_sum3A_419[15] : i32 from vector<16xi32>
    %iota3A_421 = tpu.iota {dimensions = array<i32: 0>} : vector<16xi32>
    %eq3A_422 = arith.constant 1 : i32
    %eq3A_423 = vector.broadcast %eq3A_422 : i32 to vector<16xi32>
    %eq3A_424 = arith.cmpi eq, %iota3A_421, %eq3A_423 : vector<16xi32>
    %jit3A_425 = arith.constant 0 : i32
    %broadcast_in_dim3A_426 = vector.broadcast %jit3A_425 : i32 to vector<16xi32>
    %select_n3A_427 = arith.select %eq3A_424, %get3A_410, %broadcast_in_dim3A_426 : vector<16xi1>, vector<16xi32>
    %reduce_sum3A_428 = arith.constant true
    %reduce_sum3A_429 = vector.broadcast %reduce_sum3A_428 : i1 to vector<16xi1>
    %reduce_sum3A_430 = tpu.scan <sum>, %select_n3A_427 masked %reduce_sum3A_429 : vector<16xi32>, vector<16xi1> -> vector<16xi32>
    %reduce_sum3A_431 = vector.extract %reduce_sum3A_430[15] : i32 from vector<16xi32>
    %eq3A_432 = arith.constant 0 : i32
    %eq3A_433 = arith.cmpi eq, %select_n3A_407, %eq3A_432 : i32
    %gt3A = arith.constant 0 : i32
    %gt3A_434 = arith.cmpi sgt, %arg1, %gt3A : i32
    %and3A_435 = arith.andi %eq3A_433, %gt3A_434 : i1
    %jit3A_436 = arith.constant 0 : i32
    %select_n3A_437 = arith.select %and3A_435, %reduce_sum3A_420, %jit3A_436 : i32
    %add3A_438 = arith.constant 0 : i32
    %add3A_439 = arith.addi %add3A_438, %select_n3A_437 : i32
    %jit3A_440 = arith.constant -1 : i32
    %select_n3A_441 = arith.select %and3A_435, %reduce_sum3A_431, %jit3A_440 : i32
    %max3A = arith.constant -1 : i32
    %max3A_442 = arith.maxsi %max3A, %select_n3A_441 : i32
    %jit3A_443 = arith.constant 0 : i32
    %select_n3A_444 = arith.select %eq3A_433, %reduce_sum3A_420, %jit3A_443 : i32
    %add3A_445 = arith.constant 0 : i32
    %add3A_446 = arith.addi %add3A_445, %select_n3A_444 : i32
    %get3A_447 = arith.constant 1 : i32
    %get3A_448 = arith.index_cast %get3A_447 : i32 to index
    %get3A_449 = arith.constant 0 : index
    %get3A_450 = tpu.vector_load %arg13[%get3A_448, %get3A_449] {strides = array<i32>} : memref<16x16xi32, #tpu.memory_space<vmem>>, vector<16xi32>,
    %iota3A_451 = tpu.iota {dimensions = array<i32: 0>} : vector<16xi32>
    %eq3A_452 = arith.constant 0 : i32
    %eq3A_453 = vector.broadcast %eq3A_452 : i32 to vector<16xi32>
    %eq3A_454 = arith.cmpi eq, %iota3A_451, %eq3A_453 : vector<16xi32>
    %jit3A_455 = arith.constant 0 : i32
    %broadcast_in_dim3A_456 = vector.broadcast %jit3A_455 : i32 to vector<16xi32>
    %select_n3A_457 = arith.select %eq3A_454, %get3A_450, %broadcast_in_dim3A_456 : vector<16xi1>, vector<16xi32>
    %reduce_sum3A_458 = arith.constant true
    %reduce_sum3A_459 = vector.broadcast %reduce_sum3A_458 : i1 to vector<16xi1>
    %reduce_sum3A_460 = tpu.scan <sum>, %select_n3A_457 masked %reduce_sum3A_459 : vector<16xi32>, vector<16xi1> -> vector<16xi32>
    %reduce_sum3A_461 = vector.extract %reduce_sum3A_460[15] : i32 from vector<16xi32>
    %iota3A_462 = tpu.iota {dimensions = array<i32: 0>} : vector<16xi32>
    %eq3A_463 = arith.constant 1 : i32
    %eq3A_464 = vector.broadcast %eq3A_463 : i32 to vector<16xi32>
    %eq3A_465 = arith.cmpi eq, %iota3A_462, %eq3A_464 : vector<16xi32>
    %jit3A_466 = arith.constant 0 : i32
    %broadcast_in_dim3A_467 = vector.broadcast %jit3A_466 : i32 to vector<16xi32>
    %select_n3A_468 = arith.select %eq3A_465, %get3A_450, %broadcast_in_dim3A_467 : vector<16xi1>, vector<16xi32>
    %reduce_sum3A_469 = arith.constant true
    %reduce_sum3A_470 = vector.broadcast %reduce_sum3A_469 : i1 to vector<16xi1>
    %reduce_sum3A_471 = tpu.scan <sum>, %select_n3A_468 masked %reduce_sum3A_470 : vector<16xi32>, vector<16xi1> -> vector<16xi32>
    %reduce_sum3A_472 = vector.extract %reduce_sum3A_471[15] : i32 from vector<16xi32>
    %eq3A_473 = arith.constant 0 : i32
    %eq3A_474 = arith.cmpi eq, %select_n3A_407, %eq3A_473 : i32
    %gt3A_475 = arith.constant 1 : i32
    %gt3A_476 = arith.cmpi sgt, %arg1, %gt3A_475 : i32
    %and3A_477 = arith.andi %eq3A_474, %gt3A_476 : i1
    %jit3A_478 = arith.constant 0 : i32
    %select_n3A_479 = arith.select %and3A_477, %reduce_sum3A_461, %jit3A_478 : i32
    %add3A_480 = arith.addi %add3A_439, %select_n3A_479 : i32
    %jit3A_481 = arith.constant -1 : i32
    %select_n3A_482 = arith.select %and3A_477, %reduce_sum3A_472, %jit3A_481 : i32
    %max3A_483 = arith.maxsi %max3A_442, %select_n3A_482 : i32
    %jit3A_484 = arith.constant 0 : i32
    %select_n3A_485 = arith.select %eq3A_474, %reduce_sum3A_461, %jit3A_484 : i32
    %add3A_486 = arith.addi %add3A_446, %select_n3A_485 : i32
    %get3A_487 = arith.constant 2 : i32
    %get3A_488 = arith.index_cast %get3A_487 : i32 to index
    %get3A_489 = arith.constant 0 : index
    %get3A_490 = tpu.vector_load %arg13[%get3A_488, %get3A_489] {strides = array<i32>} : memref<16x16xi32, #tpu.memory_space<vmem>>, vector<16xi32>,
    %iota3A_491 = tpu.iota {dimensions = array<i32: 0>} : vector<16xi32>
    %eq3A_492 = arith.constant 0 : i32
    %eq3A_493 = vector.broadcast %eq3A_492 : i32 to vector<16xi32>
    %eq3A_494 = arith.cmpi eq, %iota3A_491, %eq3A_493 : vector<16xi32>
    %jit3A_495 = arith.constant 0 : i32
    %broadcast_in_dim3A_496 = vector.broadcast %jit3A_495 : i32 to vector<16xi32>
    %select_n3A_497 = arith.select %eq3A_494, %get3A_490, %broadcast_in_dim3A_496 : vector<16xi1>, vector<16xi32>
    %reduce_sum3A_498 = arith.constant true
    %reduce_sum3A_499 = vector.broadcast %reduce_sum3A_498 : i1 to vector<16xi1>
    %reduce_sum3A_500 = tpu.scan <sum>, %select_n3A_497 masked %reduce_sum3A_499 : vector<16xi32>, vector<16xi1> -> vector<16xi32>
    %reduce_sum3A_501 = vector.extract %reduce_sum3A_500[15] : i32 from vector<16xi32>
    %iota3A_502 = tpu.iota {dimensions = array<i32: 0>} : vector<16xi32>
    %eq3A_503 = arith.constant 1 : i32
    %eq3A_504 = vector.broadcast %eq3A_503 : i32 to vector<16xi32>
    %eq3A_505 = arith.cmpi eq, %iota3A_502, %eq3A_504 : vector<16xi32>
    %jit3A_506 = arith.constant 0 : i32
    %broadcast_in_dim3A_507 = vector.broadcast %jit3A_506 : i32 to vector<16xi32>
    %select_n3A_508 = arith.select %eq3A_505, %get3A_490, %broadcast_in_dim3A_507 : vector<16xi1>, vector<16xi32>
    %reduce_sum3A_509 = arith.constant true
    %reduce_sum3A_510 = vector.broadcast %reduce_sum3A_509 : i1 to vector<16xi1>
    %reduce_sum3A_511 = tpu.scan <sum>, %select_n3A_508 masked %reduce_sum3A_510 : vector<16xi32>, vector<16xi1> -> vector<16xi32>
    %reduce_sum3A_512 = vector.extract %reduce_sum3A_511[15] : i32 from vector<16xi32>
    %eq3A_513 = arith.constant 0 : i32
    %eq3A_514 = arith.cmpi eq, %select_n3A_407, %eq3A_513 : i32
    %gt3A_515 = arith.constant 2 : i32
    %gt3A_516 = arith.cmpi sgt, %arg1, %gt3A_515 : i32
    %and3A_517 = arith.andi %eq3A_514, %gt3A_516 : i1
    %jit3A_518 = arith.constant 0 : i32
    %select_n3A_519 = arith.select %and3A_517, %reduce_sum3A_501, %jit3A_518 : i32
    %add3A_520 = arith.addi %add3A_480, %select_n3A_519 : i32
    %jit3A_521 = arith.constant -1 : i32
    %select_n3A_522 = arith.select %and3A_517, %reduce_sum3A_512, %jit3A_521 : i32
    %max3A_523 = arith.maxsi %max3A_483, %select_n3A_522 : i32
    %jit3A_524 = arith.constant 0 : i32
    %select_n3A_525 = arith.select %eq3A_514, %reduce_sum3A_501, %jit3A_524 : i32
    %add3A_526 = arith.addi %add3A_486, %select_n3A_525 : i32
    %get3A_527 = arith.constant 3 : i32
    %get3A_528 = arith.index_cast %get3A_527 : i32 to index
    %get3A_529 = arith.constant 0 : index
    %get3A_530 = tpu.vector_load %arg13[%get3A_528, %get3A_529] {strides = array<i32>} : memref<16x16xi32, #tpu.memory_space<vmem>>, vector<16xi32>,
    %iota3A_531 = tpu.iota {dimensions = array<i32: 0>} : vector<16xi32>
    %eq3A_532 = arith.constant 0 : i32
    %eq3A_533 = vector.broadcast %eq3A_532 : i32 to vector<16xi32>
    %eq3A_534 = arith.cmpi eq, %iota3A_531, %eq3A_533 : vector<16xi32>
    %jit3A_535 = arith.constant 0 : i32
    %broadcast_in_dim3A_536 = vector.broadcast %jit3A_535 : i32 to vector<16xi32>
    %select_n3A_537 = arith.select %eq3A_534, %get3A_530, %broadcast_in_dim3A_536 : vector<16xi1>, vector<16xi32>
    %reduce_sum3A_538 = arith.constant true
    %reduce_sum3A_539 = vector.broadcast %reduce_sum3A_538 : i1 to vector<16xi1>
    %reduce_sum3A_540 = tpu.scan <sum>, %select_n3A_537 masked %reduce_sum3A_539 : vector<16xi32>, vector<16xi1> -> vector<16xi32>
    %reduce_sum3A_541 = vector.extract %reduce_sum3A_540[15] : i32 from vector<16xi32>
    %iota3A_542 = tpu.iota {dimensions = array<i32: 0>} : vector<16xi32>
    %eq3A_543 = arith.constant 1 : i32
    %eq3A_544 = vector.broadcast %eq3A_543 : i32 to vector<16xi32>
    %eq3A_545 = arith.cmpi eq, %iota3A_542, %eq3A_544 : vector<16xi32>
    %jit3A_546 = arith.constant 0 : i32
    %broadcast_in_dim3A_547 = vector.broadcast %jit3A_546 : i32 to vector<16xi32>
    %select_n3A_548 = arith.select %eq3A_545, %get3A_530, %broadcast_in_dim3A_547 : vector<16xi1>, vector<16xi32>
    %reduce_sum3A_549 = arith.constant true
    %reduce_sum3A_550 = vector.broadcast %reduce_sum3A_549 : i1 to vector<16xi1>
    %reduce_sum3A_551 = tpu.scan <sum>, %select_n3A_548 masked %reduce_sum3A_550 : vector<16xi32>, vector<16xi1> -> vector<16xi32>
    %reduce_sum3A_552 = vector.extract %reduce_sum3A_551[15] : i32 from vector<16xi32>
    %eq3A_553 = arith.constant 0 : i32
    %eq3A_554 = arith.cmpi eq, %select_n3A_407, %eq3A_553 : i32
    %gt3A_555 = arith.constant 3 : i32
    %gt3A_556 = arith.cmpi sgt, %arg1, %gt3A_555 : i32
    %and3A_557 = arith.andi %eq3A_554, %gt3A_556 : i1
    %jit3A_558 = arith.constant 0 : i32
    %select_n3A_559 = arith.select %and3A_557, %reduce_sum3A_541, %jit3A_558 : i32
    %add3A_560 = arith.addi %add3A_520, %select_n3A_559 : i32
    %jit3A_561 = arith.constant -1 : i32
    %select_n3A_562 = arith.select %and3A_557, %reduce_sum3A_552, %jit3A_561 : i32
    %max3A_563 = arith.maxsi %max3A_523, %select_n3A_562 : i32
    %jit3A_564 = arith.constant 0 : i32
    %select_n3A_565 = arith.select %eq3A_554, %reduce_sum3A_541, %jit3A_564 : i32
    %add3A_566 = arith.addi %add3A_526, %select_n3A_565 : i32
    %get3A_567 = arith.constant 4 : i32
    %get3A_568 = arith.index_cast %get3A_567 : i32 to index
    %get3A_569 = arith.constant 0 : index
    %get3A_570 = tpu.vector_load %arg13[%get3A_568, %get3A_569] {strides = array<i32>} : memref<16x16xi32, #tpu.memory_space<vmem>>, vector<16xi32>,
    %iota3A_571 = tpu.iota {dimensions = array<i32: 0>} : vector<16xi32>
    %eq3A_572 = arith.constant 0 : i32
    %eq3A_573 = vector.broadcast %eq3A_572 : i32 to vector<16xi32>
    %eq3A_574 = arith.cmpi eq, %iota3A_571, %eq3A_573 : vector<16xi32>
    %jit3A_575 = arith.constant 0 : i32
    %broadcast_in_dim3A_576 = vector.broadcast %jit3A_575 : i32 to vector<16xi32>
    %select_n3A_577 = arith.select %eq3A_574, %get3A_570, %broadcast_in_dim3A_576 : vector<16xi1>, vector<16xi32>
    %reduce_sum3A_578 = arith.constant true
    %reduce_sum3A_579 = vector.broadcast %reduce_sum3A_578 : i1 to vector<16xi1>
    %reduce_sum3A_580 = tpu.scan <sum>, %select_n3A_577 masked %reduce_sum3A_579 : vector<16xi32>, vector<16xi1> -> vector<16xi32>
    %reduce_sum3A_581 = vector.extract %reduce_sum3A_580[15] : i32 from vector<16xi32>
    %iota3A_582 = tpu.iota {dimensions = array<i32: 0>} : vector<16xi32>
    %eq3A_583 = arith.constant 1 : i32
    %eq3A_584 = vector.broadcast %eq3A_583 : i32 to vector<16xi32>
    %eq3A_585 = arith.cmpi eq, %iota3A_582, %eq3A_584 : vector<16xi32>
    %jit3A_586 = arith.constant 0 : i32
    %broadcast_in_dim3A_587 = vector.broadcast %jit3A_586 : i32 to vector<16xi32>
    %select_n3A_588 = arith.select %eq3A_585, %get3A_570, %broadcast_in_dim3A_587 : vector<16xi1>, vector<16xi32>
    %reduce_sum3A_589 = arith.constant true
    %reduce_sum3A_590 = vector.broadcast %reduce_sum3A_589 : i1 to vector<16xi1>
    %reduce_sum3A_591 = tpu.scan <sum>, %select_n3A_588 masked %reduce_sum3A_590 : vector<16xi32>, vector<16xi1> -> vector<16xi32>
    %reduce_sum3A_592 = vector.extract %reduce_sum3A_591[15] : i32 from vector<16xi32>
    %eq3A_593 = arith.constant 1 : i32
    %eq3A_594 = arith.cmpi eq, %select_n3A_407, %eq3A_593 : i32
    %gt3A_595 = arith.constant 4 : i32
    %gt3A_596 = arith.cmpi sgt, %arg1, %gt3A_595 : i32
    %and3A_597 = arith.andi %eq3A_594, %gt3A_596 : i1
    %jit3A_598 = arith.constant 0 : i32
    %select_n3A_599 = arith.select %and3A_597, %reduce_sum3A_581, %jit3A_598 : i32
    %add3A_600 = arith.addi %add3A_560, %select_n3A_599 : i32
    %jit3A_601 = arith.constant -1 : i32
    %select_n3A_602 = arith.select %and3A_597, %reduce_sum3A_592, %jit3A_601 : i32
    %max3A_603 = arith.maxsi %max3A_563, %select_n3A_602 : i32
    %jit3A_604 = arith.constant 0 : i32
    %select_n3A_605 = arith.select %eq3A_594, %reduce_sum3A_581, %jit3A_604 : i32
    %add3A_606 = arith.addi %add3A_566, %select_n3A_605 : i32
    %get3A_607 = arith.constant 5 : i32
    %get3A_608 = arith.index_cast %get3A_607 : i32 to index
    %get3A_609 = arith.constant 0 : index
    %get3A_610 = tpu.vector_load %arg13[%get3A_608, %get3A_609] {strides = array<i32>} : memref<16x16xi32, #tpu.memory_space<vmem>>, vector<16xi32>,
    %iota3A_611 = tpu.iota {dimensions = array<i32: 0>} : vector<16xi32>
    %eq3A_612 = arith.constant 0 : i32
    %eq3A_613 = vector.broadcast %eq3A_612 : i32 to vector<16xi32>
    %eq3A_614 = arith.cmpi eq, %iota3A_611, %eq3A_613 : vector<16xi32>
    %jit3A_615 = arith.constant 0 : i32
    %broadcast_in_dim3A_616 = vector.broadcast %jit3A_615 : i32 to vector<16xi32>
    %select_n3A_617 = arith.select %eq3A_614, %get3A_610, %broadcast_in_dim3A_616 : vector<16xi1>, vector<16xi32>
    %reduce_sum3A_618 = arith.constant true
    %reduce_sum3A_619 = vector.broadcast %reduce_sum3A_618 : i1 to vector<16xi1>
    %reduce_sum3A_620 = tpu.scan <sum>, %select_n3A_617 masked %reduce_sum3A_619 : vector<16xi32>, vector<16xi1> -> vector<16xi32>
    %reduce_sum3A_621 = vector.extract %reduce_sum3A_620[15] : i32 from vector<16xi32>
    %iota3A_622 = tpu.iota {dimensions = array<i32: 0>} : vector<16xi32>
    %eq3A_623 = arith.constant 1 : i32
    %eq3A_624 = vector.broadcast %eq3A_623 : i32 to vector<16xi32>
    %eq3A_625 = arith.cmpi eq, %iota3A_622, %eq3A_624 : vector<16xi32>
    %jit3A_626 = arith.constant 0 : i32
    %broadcast_in_dim3A_627 = vector.broadcast %jit3A_626 : i32 to vector<16xi32>
    %select_n3A_628 = arith.select %eq3A_625, %get3A_610, %broadcast_in_dim3A_627 : vector<16xi1>, vector<16xi32>
    %reduce_sum3A_629 = arith.constant true
    %reduce_sum3A_630 = vector.broadcast %reduce_sum3A_629 : i1 to vector<16xi1>
    %reduce_sum3A_631 = tpu.scan <sum>, %select_n3A_628 masked %reduce_sum3A_630 : vector<16xi32>, vector<16xi1> -> vector<16xi32>
    %reduce_sum3A_632 = vector.extract %reduce_sum3A_631[15] : i32 from vector<16xi32>
    %eq3A_633 = arith.constant 1 : i32
    %eq3A_634 = arith.cmpi eq, %select_n3A_407, %eq3A_633 : i32
    %gt3A_635 = arith.constant 5 : i32
    %gt3A_636 = arith.cmpi sgt, %arg1, %gt3A_635 : i32
    %and3A_637 = arith.andi %eq3A_634, %gt3A_636 : i1
    %jit3A_638 = arith.constant 0 : i32
    %select_n3A_639 = arith.select %and3A_637, %reduce_sum3A_621, %jit3A_638 : i32
    %add3A_640 = arith.addi %add3A_600, %select_n3A_639 : i32
    %jit3A_641 = arith.constant -1 : i32
    %select_n3A_642 = arith.select %and3A_637, %reduce_sum3A_632, %jit3A_641 : i32
    %max3A_643 = arith.maxsi %max3A_603, %select_n3A_642 : i32
    %jit3A_644 = arith.constant 0 : i32
    %select_n3A_645 = arith.select %eq3A_634, %reduce_sum3A_621, %jit3A_644 : i32
    %add3A_646 = arith.addi %add3A_606, %select_n3A_645 : i32
    %get3A_647 = arith.constant 6 : i32
    %get3A_648 = arith.index_cast %get3A_647 : i32 to index
    %get3A_649 = arith.constant 0 : index
    %get3A_650 = tpu.vector_load %arg13[%get3A_648, %get3A_649] {strides = array<i32>} : memref<16x16xi32, #tpu.memory_space<vmem>>, vector<16xi32>,
    %iota3A_651 = tpu.iota {dimensions = array<i32: 0>} : vector<16xi32>
    %eq3A_652 = arith.constant 0 : i32
    %eq3A_653 = vector.broadcast %eq3A_652 : i32 to vector<16xi32>
    %eq3A_654 = arith.cmpi eq, %iota3A_651, %eq3A_653 : vector<16xi32>
    %jit3A_655 = arith.constant 0 : i32
    %broadcast_in_dim3A_656 = vector.broadcast %jit3A_655 : i32 to vector<16xi32>
    %select_n3A_657 = arith.select %eq3A_654, %get3A_650, %broadcast_in_dim3A_656 : vector<16xi1>, vector<16xi32>
    %reduce_sum3A_658 = arith.constant true
    %reduce_sum3A_659 = vector.broadcast %reduce_sum3A_658 : i1 to vector<16xi1>
    %reduce_sum3A_660 = tpu.scan <sum>, %select_n3A_657 masked %reduce_sum3A_659 : vector<16xi32>, vector<16xi1> -> vector<16xi32>
    %reduce_sum3A_661 = vector.extract %reduce_sum3A_660[15] : i32 from vector<16xi32>
    %iota3A_662 = tpu.iota {dimensions = array<i32: 0>} : vector<16xi32>
    %eq3A_663 = arith.constant 1 : i32
    %eq3A_664 = vector.broadcast %eq3A_663 : i32 to vector<16xi32>
    %eq3A_665 = arith.cmpi eq, %iota3A_662, %eq3A_664 : vector<16xi32>
    %jit3A_666 = arith.constant 0 : i32
    %broadcast_in_dim3A_667 = vector.broadcast %jit3A_666 : i32 to vector<16xi32>
    %select_n3A_668 = arith.select %eq3A_665, %get3A_650, %broadcast_in_dim3A_667 : vector<16xi1>, vector<16xi32>
    %reduce_sum3A_669 = arith.constant true
    %reduce_sum3A_670 = vector.broadcast %reduce_sum3A_669 : i1 to vector<16xi1>
    %reduce_sum3A_671 = tpu.scan <sum>, %select_n3A_668 masked %reduce_sum3A_670 : vector<16xi32>, vector<16xi1> -> vector<16xi32>
    %reduce_sum3A_672 = vector.extract %reduce_sum3A_671[15] : i32 from vector<16xi32>
    %eq3A_673 = arith.constant 1 : i32
    %eq3A_674 = arith.cmpi eq, %select_n3A_407, %eq3A_673 : i32
    %gt3A_675 = arith.constant 6 : i32
    %gt3A_676 = arith.cmpi sgt, %arg1, %gt3A_675 : i32
    %and3A_677 = arith.andi %eq3A_674, %gt3A_676 : i1
    %jit3A_678 = arith.constant 0 : i32
    %select_n3A_679 = arith.select %and3A_677, %reduce_sum3A_661, %jit3A_678 : i32
    %add3A_680 = arith.addi %add3A_640, %select_n3A_679 : i32
    %jit3A_681 = arith.constant -1 : i32
    %select_n3A_682 = arith.select %and3A_677, %reduce_sum3A_672, %jit3A_681 : i32
    %max3A_683 = arith.maxsi %max3A_643, %select_n3A_682 : i32
    %jit3A_684 = arith.constant 0 : i32
    %select_n3A_685 = arith.select %eq3A_674, %reduce_sum3A_661, %jit3A_684 : i32
    %add3A_686 = arith.addi %add3A_646, %select_n3A_685 : i32
    %get3A_687 = arith.constant 7 : i32
    %get3A_688 = arith.index_cast %get3A_687 : i32 to index
    %get3A_689 = arith.constant 0 : index
    %get3A_690 = tpu.vector_load %arg13[%get3A_688, %get3A_689] {strides = array<i32>} : memref<16x16xi32, #tpu.memory_space<vmem>>, vector<16xi32>,
    %iota3A_691 = tpu.iota {dimensions = array<i32: 0>} : vector<16xi32>
    %eq3A_692 = arith.constant 0 : i32
    %eq3A_693 = vector.broadcast %eq3A_692 : i32 to vector<16xi32>
    %eq3A_694 = arith.cmpi eq, %iota3A_691, %eq3A_693 : vector<16xi32>
    %jit3A_695 = arith.constant 0 : i32
    %broadcast_in_dim3A_696 = vector.broadcast %jit3A_695 : i32 to vector<16xi32>
    %select_n3A_697 = arith.select %eq3A_694, %get3A_690, %broadcast_in_dim3A_696 : vector<16xi1>, vector<16xi32>
    %reduce_sum3A_698 = arith.constant true
    %reduce_sum3A_699 = vector.broadcast %reduce_sum3A_698 : i1 to vector<16xi1>
    %reduce_sum3A_700 = tpu.scan <sum>, %select_n3A_697 masked %reduce_sum3A_699 : vector<16xi32>, vector<16xi1> -> vector<16xi32>
    %reduce_sum3A_701 = vector.extract %reduce_sum3A_700[15] : i32 from vector<16xi32>
    %iota3A_702 = tpu.iota {dimensions = array<i32: 0>} : vector<16xi32>
    %eq3A_703 = arith.constant 1 : i32
    %eq3A_704 = vector.broadcast %eq3A_703 : i32 to vector<16xi32>
    %eq3A_705 = arith.cmpi eq, %iota3A_702, %eq3A_704 : vector<16xi32>
    %jit3A_706 = arith.constant 0 : i32
    %broadcast_in_dim3A_707 = vector.broadcast %jit3A_706 : i32 to vector<16xi32>
    %select_n3A_708 = arith.select %eq3A_705, %get3A_690, %broadcast_in_dim3A_707 : vector<16xi1>, vector<16xi32>
    %reduce_sum3A_709 = arith.constant true
    %reduce_sum3A_710 = vector.broadcast %reduce_sum3A_709 : i1 to vector<16xi1>
    %reduce_sum3A_711 = tpu.scan <sum>, %select_n3A_708 masked %reduce_sum3A_710 : vector<16xi32>, vector<16xi1> -> vector<16xi32>
    %reduce_sum3A_712 = vector.extract %reduce_sum3A_711[15] : i32 from vector<16xi32>
    %eq3A_713 = arith.constant 1 : i32
    %eq3A_714 = arith.cmpi eq, %select_n3A_407, %eq3A_713 : i32
    %gt3A_715 = arith.constant 7 : i32
    %gt3A_716 = arith.cmpi sgt, %arg1, %gt3A_715 : i32
    %and3A_717 = arith.andi %eq3A_714, %gt3A_716 : i1
    %jit3A_718 = arith.constant 0 : i32
    %select_n3A_719 = arith.select %and3A_717, %reduce_sum3A_701, %jit3A_718 : i32
    %add3A_720 = arith.addi %add3A_680, %select_n3A_719 : i32
    %jit3A_721 = arith.constant -1 : i32
    %select_n3A_722 = arith.select %and3A_717, %reduce_sum3A_712, %jit3A_721 : i32
    %max3A_723 = arith.maxsi %max3A_683, %select_n3A_722 : i32
    %jit3A_724 = arith.constant 0 : i32
    %select_n3A_725 = arith.select %eq3A_714, %reduce_sum3A_701, %jit3A_724 : i32
    %add3A_726 = arith.addi %add3A_686, %select_n3A_725 : i32
    %get3A_727 = arith.constant 8 : i32
    %get3A_728 = arith.index_cast %get3A_727 : i32 to index
    %get3A_729 = arith.constant 0 : index
    %get3A_730 = tpu.vector_load %arg13[%get3A_728, %get3A_729] {strides = array<i32>} : memref<16x16xi32, #tpu.memory_space<vmem>>, vector<16xi32>,
    %iota3A_731 = tpu.iota {dimensions = array<i32: 0>} : vector<16xi32>
    %eq3A_732 = arith.constant 0 : i32
    %eq3A_733 = vector.broadcast %eq3A_732 : i32 to vector<16xi32>
    %eq3A_734 = arith.cmpi eq, %iota3A_731, %eq3A_733 : vector<16xi32>
    %jit3A_735 = arith.constant 0 : i32
    %broadcast_in_dim3A_736 = vector.broadcast %jit3A_735 : i32 to vector<16xi32>
    %select_n3A_737 = arith.select %eq3A_734, %get3A_730, %broadcast_in_dim3A_736 : vector<16xi1>, vector<16xi32>
    %reduce_sum3A_738 = arith.constant true
    %reduce_sum3A_739 = vector.broadcast %reduce_sum3A_738 : i1 to vector<16xi1>
    %reduce_sum3A_740 = tpu.scan <sum>, %select_n3A_737 masked %reduce_sum3A_739 : vector<16xi32>, vector<16xi1> -> vector<16xi32>
    %reduce_sum3A_741 = vector.extract %reduce_sum3A_740[15] : i32 from vector<16xi32>
    %iota3A_742 = tpu.iota {dimensions = array<i32: 0>} : vector<16xi32>
    %eq3A_743 = arith.constant 1 : i32
    %eq3A_744 = vector.broadcast %eq3A_743 : i32 to vector<16xi32>
    %eq3A_745 = arith.cmpi eq, %iota3A_742, %eq3A_744 : vector<16xi32>
    %jit3A_746 = arith.constant 0 : i32
    %broadcast_in_dim3A_747 = vector.broadcast %jit3A_746 : i32 to vector<16xi32>
    %select_n3A_748 = arith.select %eq3A_745, %get3A_730, %broadcast_in_dim3A_747 : vector<16xi1>, vector<16xi32>
    %reduce_sum3A_749 = arith.constant true
    %reduce_sum3A_750 = vector.broadcast %reduce_sum3A_749 : i1 to vector<16xi1>
    %reduce_sum3A_751 = tpu.scan <sum>, %select_n3A_748 masked %reduce_sum3A_750 : vector<16xi32>, vector<16xi1> -> vector<16xi32>
    %reduce_sum3A_752 = vector.extract %reduce_sum3A_751[15] : i32 from vector<16xi32>
    %eq3A_753 = arith.constant 2 : i32
    %eq3A_754 = arith.cmpi eq, %select_n3A_407, %eq3A_753 : i32
    %gt3A_755 = arith.constant 8 : i32
    %gt3A_756 = arith.cmpi sgt, %arg1, %gt3A_755 : i32
    %and3A_757 = arith.andi %eq3A_754, %gt3A_756 : i1
    %jit3A_758 = arith.constant 0 : i32
    %select_n3A_759 = arith.select %and3A_757, %reduce_sum3A_741, %jit3A_758 : i32
    %add3A_760 = arith.addi %add3A_720, %select_n3A_759 : i32
    %jit3A_761 = arith.constant -1 : i32
    %select_n3A_762 = arith.select %and3A_757, %reduce_sum3A_752, %jit3A_761 : i32
    %max3A_763 = arith.maxsi %max3A_723, %select_n3A_762 : i32
    %jit3A_764 = arith.constant 0 : i32
    %select_n3A_765 = arith.select %eq3A_754, %reduce_sum3A_741, %jit3A_764 : i32
    %add3A_766 = arith.addi %add3A_726, %select_n3A_765 : i32
    %get3A_767 = arith.constant 9 : i32
    %get3A_768 = arith.index_cast %get3A_767 : i32 to index
    %get3A_769 = arith.constant 0 : index
    %get3A_770 = tpu.vector_load %arg13[%get3A_768, %get3A_769] {strides = array<i32>} : memref<16x16xi32, #tpu.memory_space<vmem>>, vector<16xi32>,
    %iota3A_771 = tpu.iota {dimensions = array<i32: 0>} : vector<16xi32>
    %eq3A_772 = arith.constant 0 : i32
    %eq3A_773 = vector.broadcast %eq3A_772 : i32 to vector<16xi32>
    %eq3A_774 = arith.cmpi eq, %iota3A_771, %eq3A_773 : vector<16xi32>
    %jit3A_775 = arith.constant 0 : i32
    %broadcast_in_dim3A_776 = vector.broadcast %jit3A_775 : i32 to vector<16xi32>
    %select_n3A_777 = arith.select %eq3A_774, %get3A_770, %broadcast_in_dim3A_776 : vector<16xi1>, vector<16xi32>
    %reduce_sum3A_778 = arith.constant true
    %reduce_sum3A_779 = vector.broadcast %reduce_sum3A_778 : i1 to vector<16xi1>
    %reduce_sum3A_780 = tpu.scan <sum>, %select_n3A_777 masked %reduce_sum3A_779 : vector<16xi32>, vector<16xi1> -> vector<16xi32>
    %reduce_sum3A_781 = vector.extract %reduce_sum3A_780[15] : i32 from vector<16xi32>
    %iota3A_782 = tpu.iota {dimensions = array<i32: 0>} : vector<16xi32>
    %eq3A_783 = arith.constant 1 : i32
    %eq3A_784 = vector.broadcast %eq3A_783 : i32 to vector<16xi32>
    %eq3A_785 = arith.cmpi eq, %iota3A_782, %eq3A_784 : vector<16xi32>
    %jit3A_786 = arith.constant 0 : i32
    %broadcast_in_dim3A_787 = vector.broadcast %jit3A_786 : i32 to vector<16xi32>
    %select_n3A_788 = arith.select %eq3A_785, %get3A_770, %broadcast_in_dim3A_787 : vector<16xi1>, vector<16xi32>
    %reduce_sum3A_789 = arith.constant true
    %reduce_sum3A_790 = vector.broadcast %reduce_sum3A_789 : i1 to vector<16xi1>
    %reduce_sum3A_791 = tpu.scan <sum>, %select_n3A_788 masked %reduce_sum3A_790 : vector<16xi32>, vector<16xi1> -> vector<16xi32>
    %reduce_sum3A_792 = vector.extract %reduce_sum3A_791[15] : i32 from vector<16xi32>
    %eq3A_793 = arith.constant 2 : i32
    %eq3A_794 = arith.cmpi eq, %select_n3A_407, %eq3A_793 : i32
    %gt3A_795 = arith.constant 9 : i32
    %gt3A_796 = arith.cmpi sgt, %arg1, %gt3A_795 : i32
    %and3A_797 = arith.andi %eq3A_794, %gt3A_796 : i1
    %jit3A_798 = arith.constant 0 : i32
    %select_n3A_799 = arith.select %and3A_797, %reduce_sum3A_781, %jit3A_798 : i32
    %add3A_800 = arith.addi %add3A_760, %select_n3A_799 : i32
    %jit3A_801 = arith.constant -1 : i32
    %select_n3A_802 = arith.select %and3A_797, %reduce_sum3A_792, %jit3A_801 : i32
    %max3A_803 = arith.maxsi %max3A_763, %select_n3A_802 : i32
    %jit3A_804 = arith.constant 0 : i32
    %select_n3A_805 = arith.select %eq3A_794, %reduce_sum3A_781, %jit3A_804 : i32
    %add3A_806 = arith.addi %add3A_766, %select_n3A_805 : i32
    %get3A_807 = arith.constant 10 : i32
    %get3A_808 = arith.index_cast %get3A_807 : i32 to index
    %get3A_809 = arith.constant 0 : index
    %get3A_810 = tpu.vector_load %arg13[%get3A_808, %get3A_809] {strides = array<i32>} : memref<16x16xi32, #tpu.memory_space<vmem>>, vector<16xi32>,
    %iota3A_811 = tpu.iota {dimensions = array<i32: 0>} : vector<16xi32>
    %eq3A_812 = arith.constant 0 : i32
    %eq3A_813 = vector.broadcast %eq3A_812 : i32 to vector<16xi32>
    %eq3A_814 = arith.cmpi eq, %iota3A_811, %eq3A_813 : vector<16xi32>
    %jit3A_815 = arith.constant 0 : i32
    %broadcast_in_dim3A_816 = vector.broadcast %jit3A_815 : i32 to vector<16xi32>
    %select_n3A_817 = arith.select %eq3A_814, %get3A_810, %broadcast_in_dim3A_816 : vector<16xi1>, vector<16xi32>
    %reduce_sum3A_818 = arith.constant true
    %reduce_sum3A_819 = vector.broadcast %reduce_sum3A_818 : i1 to vector<16xi1>
    %reduce_sum3A_820 = tpu.scan <sum>, %select_n3A_817 masked %reduce_sum3A_819 : vector<16xi32>, vector<16xi1> -> vector<16xi32>
    %reduce_sum3A_821 = vector.extract %reduce_sum3A_820[15] : i32 from vector<16xi32>
    %iota3A_822 = tpu.iota {dimensions = array<i32: 0>} : vector<16xi32>
    %eq3A_823 = arith.constant 1 : i32
    %eq3A_824 = vector.broadcast %eq3A_823 : i32 to vector<16xi32>
    %eq3A_825 = arith.cmpi eq, %iota3A_822, %eq3A_824 : vector<16xi32>
    %jit3A_826 = arith.constant 0 : i32
    %broadcast_in_dim3A_827 = vector.broadcast %jit3A_826 : i32 to vector<16xi32>
    %select_n3A_828 = arith.select %eq3A_825, %get3A_810, %broadcast_in_dim3A_827 : vector<16xi1>, vector<16xi32>
    %reduce_sum3A_829 = arith.constant true
    %reduce_sum3A_830 = vector.broadcast %reduce_sum3A_829 : i1 to vector<16xi1>
    %reduce_sum3A_831 = tpu.scan <sum>, %select_n3A_828 masked %reduce_sum3A_830 : vector<16xi32>, vector<16xi1> -> vector<16xi32>
    %reduce_sum3A_832 = vector.extract %reduce_sum3A_831[15] : i32 from vector<16xi32>
    %eq3A_833 = arith.constant 2 : i32
    %eq3A_834 = arith.cmpi eq, %select_n3A_407, %eq3A_833 : i32
    %gt3A_835 = arith.constant 10 : i32
    %gt3A_836 = arith.cmpi sgt, %arg1, %gt3A_835 : i32
    %and3A_837 = arith.andi %eq3A_834, %gt3A_836 : i1
    %jit3A_838 = arith.constant 0 : i32
    %select_n3A_839 = arith.select %and3A_837, %reduce_sum3A_821, %jit3A_838 : i32
    %add3A_840 = arith.addi %add3A_800, %select_n3A_839 : i32
    %jit3A_841 = arith.constant -1 : i32
    %select_n3A_842 = arith.select %and3A_837, %reduce_sum3A_832, %jit3A_841 : i32
    %max3A_843 = arith.maxsi %max3A_803, %select_n3A_842 : i32
    %jit3A_844 = arith.constant 0 : i32
    %select_n3A_845 = arith.select %eq3A_834, %reduce_sum3A_821, %jit3A_844 : i32
    %add3A_846 = arith.addi %add3A_806, %select_n3A_845 : i32
    %get3A_847 = arith.constant 11 : i32
    %get3A_848 = arith.index_cast %get3A_847 : i32 to index
    %get3A_849 = arith.constant 0 : index
    %get3A_850 = tpu.vector_load %arg13[%get3A_848, %get3A_849] {strides = array<i32>} : memref<16x16xi32, #tpu.memory_space<vmem>>, vector<16xi32>,
    %iota3A_851 = tpu.iota {dimensions = array<i32: 0>} : vector<16xi32>
    %eq3A_852 = arith.constant 0 : i32
    %eq3A_853 = vector.broadcast %eq3A_852 : i32 to vector<16xi32>
    %eq3A_854 = arith.cmpi eq, %iota3A_851, %eq3A_853 : vector<16xi32>
    %jit3A_855 = arith.constant 0 : i32
    %broadcast_in_dim3A_856 = vector.broadcast %jit3A_855 : i32 to vector<16xi32>
    %select_n3A_857 = arith.select %eq3A_854, %get3A_850, %broadcast_in_dim3A_856 : vector<16xi1>, vector<16xi32>
    %reduce_sum3A_858 = arith.constant true
    %reduce_sum3A_859 = vector.broadcast %reduce_sum3A_858 : i1 to vector<16xi1>
    %reduce_sum3A_860 = tpu.scan <sum>, %select_n3A_857 masked %reduce_sum3A_859 : vector<16xi32>, vector<16xi1> -> vector<16xi32>
    %reduce_sum3A_861 = vector.extract %reduce_sum3A_860[15] : i32 from vector<16xi32>
    %iota3A_862 = tpu.iota {dimensions = array<i32: 0>} : vector<16xi32>
    %eq3A_863 = arith.constant 1 : i32
    %eq3A_864 = vector.broadcast %eq3A_863 : i32 to vector<16xi32>
    %eq3A_865 = arith.cmpi eq, %iota3A_862, %eq3A_864 : vector<16xi32>
    %jit3A_866 = arith.constant 0 : i32
    %broadcast_in_dim3A_867 = vector.broadcast %jit3A_866 : i32 to vector<16xi32>
    %select_n3A_868 = arith.select %eq3A_865, %get3A_850, %broadcast_in_dim3A_867 : vector<16xi1>, vector<16xi32>
    %reduce_sum3A_869 = arith.constant true
    %reduce_sum3A_870 = vector.broadcast %reduce_sum3A_869 : i1 to vector<16xi1>
    %reduce_sum3A_871 = tpu.scan <sum>, %select_n3A_868 masked %reduce_sum3A_870 : vector<16xi32>, vector<16xi1> -> vector<16xi32>
    %reduce_sum3A_872 = vector.extract %reduce_sum3A_871[15] : i32 from vector<16xi32>
    %eq3A_873 = arith.constant 2 : i32
    %eq3A_874 = arith.cmpi eq, %select_n3A_407, %eq3A_873 : i32
    %gt3A_875 = arith.constant 11 : i32
    %gt3A_876 = arith.cmpi sgt, %arg1, %gt3A_875 : i32
    %and3A_877 = arith.andi %eq3A_874, %gt3A_876 : i1
    %jit3A_878 = arith.constant 0 : i32
    %select_n3A_879 = arith.select %and3A_877, %reduce_sum3A_861, %jit3A_878 : i32
    %add3A_880 = arith.addi %add3A_840, %select_n3A_879 : i32
    %jit3A_881 = arith.constant -1 : i32
    %select_n3A_882 = arith.select %and3A_877, %reduce_sum3A_872, %jit3A_881 : i32
    %max3A_883 = arith.maxsi %max3A_843, %select_n3A_882 : i32
    %jit3A_884 = arith.constant 0 : i32
    %select_n3A_885 = arith.select %eq3A_874, %reduce_sum3A_861, %jit3A_884 : i32
    %add3A_886 = arith.addi %add3A_846, %select_n3A_885 : i32
    %get3A_887 = arith.constant 12 : i32
    %get3A_888 = arith.index_cast %get3A_887 : i32 to index
    %get3A_889 = arith.constant 0 : index
    %get3A_890 = tpu.vector_load %arg13[%get3A_888, %get3A_889] {strides = array<i32>} : memref<16x16xi32, #tpu.memory_space<vmem>>, vector<16xi32>,
    %iota3A_891 = tpu.iota {dimensions = array<i32: 0>} : vector<16xi32>
    %eq3A_892 = arith.constant 0 : i32
    %eq3A_893 = vector.broadcast %eq3A_892 : i32 to vector<16xi32>
    %eq3A_894 = arith.cmpi eq, %iota3A_891, %eq3A_893 : vector<16xi32>
    %jit3A_895 = arith.constant 0 : i32
    %broadcast_in_dim3A_896 = vector.broadcast %jit3A_895 : i32 to vector<16xi32>
    %select_n3A_897 = arith.select %eq3A_894, %get3A_890, %broadcast_in_dim3A_896 : vector<16xi1>, vector<16xi32>
    %reduce_sum3A_898 = arith.constant true
    %reduce_sum3A_899 = vector.broadcast %reduce_sum3A_898 : i1 to vector<16xi1>
    %reduce_sum3A_900 = tpu.scan <sum>, %select_n3A_897 masked %reduce_sum3A_899 : vector<16xi32>, vector<16xi1> -> vector<16xi32>
    %reduce_sum3A_901 = vector.extract %reduce_sum3A_900[15] : i32 from vector<16xi32>
    %iota3A_902 = tpu.iota {dimensions = array<i32: 0>} : vector<16xi32>
    %eq3A_903 = arith.constant 1 : i32
    %eq3A_904 = vector.broadcast %eq3A_903 : i32 to vector<16xi32>
    %eq3A_905 = arith.cmpi eq, %iota3A_902, %eq3A_904 : vector<16xi32>
    %jit3A_906 = arith.constant 0 : i32
    %broadcast_in_dim3A_907 = vector.broadcast %jit3A_906 : i32 to vector<16xi32>
    %select_n3A_908 = arith.select %eq3A_905, %get3A_890, %broadcast_in_dim3A_907 : vector<16xi1>, vector<16xi32>
    %reduce_sum3A_909 = arith.constant true
    %reduce_sum3A_910 = vector.broadcast %reduce_sum3A_909 : i1 to vector<16xi1>
    %reduce_sum3A_911 = tpu.scan <sum>, %select_n3A_908 masked %reduce_sum3A_910 : vector<16xi32>, vector<16xi1> -> vector<16xi32>
    %reduce_sum3A_912 = vector.extract %reduce_sum3A_911[15] : i32 from vector<16xi32>
    %eq3A_913 = arith.constant 3 : i32
    %eq3A_914 = arith.cmpi eq, %select_n3A_407, %eq3A_913 : i32
    %gt3A_915 = arith.constant 12 : i32
    %gt3A_916 = arith.cmpi sgt, %arg1, %gt3A_915 : i32
    %and3A_917 = arith.andi %eq3A_914, %gt3A_916 : i1
    %jit3A_918 = arith.constant 0 : i32
    %select_n3A_919 = arith.select %and3A_917, %reduce_sum3A_901, %jit3A_918 : i32
    %add3A_920 = arith.addi %add3A_880, %select_n3A_919 : i32
    %jit3A_921 = arith.constant -1 : i32
    %select_n3A_922 = arith.select %and3A_917, %reduce_sum3A_912, %jit3A_921 : i32
    %max3A_923 = arith.maxsi %max3A_883, %select_n3A_922 : i32
    %jit3A_924 = arith.constant 0 : i32
    %select_n3A_925 = arith.select %eq3A_914, %reduce_sum3A_901, %jit3A_924 : i32
    %add3A_926 = arith.addi %add3A_886, %select_n3A_925 : i32
    %get3A_927 = arith.constant 13 : i32
    %get3A_928 = arith.index_cast %get3A_927 : i32 to index
    %get3A_929 = arith.constant 0 : index
    %get3A_930 = tpu.vector_load %arg13[%get3A_928, %get3A_929] {strides = array<i32>} : memref<16x16xi32, #tpu.memory_space<vmem>>, vector<16xi32>,
    %iota3A_931 = tpu.iota {dimensions = array<i32: 0>} : vector<16xi32>
    %eq3A_932 = arith.constant 0 : i32
    %eq3A_933 = vector.broadcast %eq3A_932 : i32 to vector<16xi32>
    %eq3A_934 = arith.cmpi eq, %iota3A_931, %eq3A_933 : vector<16xi32>
    %jit3A_935 = arith.constant 0 : i32
    %broadcast_in_dim3A_936 = vector.broadcast %jit3A_935 : i32 to vector<16xi32>
    %select_n3A_937 = arith.select %eq3A_934, %get3A_930, %broadcast_in_dim3A_936 : vector<16xi1>, vector<16xi32>
    %reduce_sum3A_938 = arith.constant true
    %reduce_sum3A_939 = vector.broadcast %reduce_sum3A_938 : i1 to vector<16xi1>
    %reduce_sum3A_940 = tpu.scan <sum>, %select_n3A_937 masked %reduce_sum3A_939 : vector<16xi32>, vector<16xi1> -> vector<16xi32>
    %reduce_sum3A_941 = vector.extract %reduce_sum3A_940[15] : i32 from vector<16xi32>
    %iota3A_942 = tpu.iota {dimensions = array<i32: 0>} : vector<16xi32>
    %eq3A_943 = arith.constant 1 : i32
    %eq3A_944 = vector.broadcast %eq3A_943 : i32 to vector<16xi32>
    %eq3A_945 = arith.cmpi eq, %iota3A_942, %eq3A_944 : vector<16xi32>
    %jit3A_946 = arith.constant 0 : i32
    %broadcast_in_dim3A_947 = vector.broadcast %jit3A_946 : i32 to vector<16xi32>
    %select_n3A_948 = arith.select %eq3A_945, %get3A_930, %broadcast_in_dim3A_947 : vector<16xi1>, vector<16xi32>
    %reduce_sum3A_949 = arith.constant true
    %reduce_sum3A_950 = vector.broadcast %reduce_sum3A_949 : i1 to vector<16xi1>
    %reduce_sum3A_951 = tpu.scan <sum>, %select_n3A_948 masked %reduce_sum3A_950 : vector<16xi32>, vector<16xi1> -> vector<16xi32>
    %reduce_sum3A_952 = vector.extract %reduce_sum3A_951[15] : i32 from vector<16xi32>
    %eq3A_953 = arith.constant 3 : i32
    %eq3A_954 = arith.cmpi eq, %select_n3A_407, %eq3A_953 : i32
    %gt3A_955 = arith.constant 13 : i32
    %gt3A_956 = arith.cmpi sgt, %arg1, %gt3A_955 : i32
    %and3A_957 = arith.andi %eq3A_954, %gt3A_956 : i1
    %jit3A_958 = arith.constant 0 : i32
    %select_n3A_959 = arith.select %and3A_957, %reduce_sum3A_941, %jit3A_958 : i32
    %add3A_960 = arith.addi %add3A_920, %select_n3A_959 : i32
    %jit3A_961 = arith.constant -1 : i32
    %select_n3A_962 = arith.select %and3A_957, %reduce_sum3A_952, %jit3A_961 : i32
    %max3A_963 = arith.maxsi %max3A_923, %select_n3A_962 : i32
    %jit3A_964 = arith.constant 0 : i32
    %select_n3A_965 = arith.select %eq3A_954, %reduce_sum3A_941, %jit3A_964 : i32
    %add3A_966 = arith.addi %add3A_926, %select_n3A_965 : i32
    %get3A_967 = arith.constant 14 : i32
    %get3A_968 = arith.index_cast %get3A_967 : i32 to index
    %get3A_969 = arith.constant 0 : index
    %get3A_970 = tpu.vector_load %arg13[%get3A_968, %get3A_969] {strides = array<i32>} : memref<16x16xi32, #tpu.memory_space<vmem>>, vector<16xi32>,
    %iota3A_971 = tpu.iota {dimensions = array<i32: 0>} : vector<16xi32>
    %eq3A_972 = arith.constant 0 : i32
    %eq3A_973 = vector.broadcast %eq3A_972 : i32 to vector<16xi32>
    %eq3A_974 = arith.cmpi eq, %iota3A_971, %eq3A_973 : vector<16xi32>
    %jit3A_975 = arith.constant 0 : i32
    %broadcast_in_dim3A_976 = vector.broadcast %jit3A_975 : i32 to vector<16xi32>
    %select_n3A_977 = arith.select %eq3A_974, %get3A_970, %broadcast_in_dim3A_976 : vector<16xi1>, vector<16xi32>
    %reduce_sum3A_978 = arith.constant true
    %reduce_sum3A_979 = vector.broadcast %reduce_sum3A_978 : i1 to vector<16xi1>
    %reduce_sum3A_980 = tpu.scan <sum>, %select_n3A_977 masked %reduce_sum3A_979 : vector<16xi32>, vector<16xi1> -> vector<16xi32>
    %reduce_sum3A_981 = vector.extract %reduce_sum3A_980[15] : i32 from vector<16xi32>
    %iota3A_982 = tpu.iota {dimensions = array<i32: 0>} : vector<16xi32>
    %eq3A_983 = arith.constant 1 : i32
    %eq3A_984 = vector.broadcast %eq3A_983 : i32 to vector<16xi32>
    %eq3A_985 = arith.cmpi eq, %iota3A_982, %eq3A_984 : vector<16xi32>
    %jit3A_986 = arith.constant 0 : i32
    %broadcast_in_dim3A_987 = vector.broadcast %jit3A_986 : i32 to vector<16xi32>
    %select_n3A_988 = arith.select %eq3A_985, %get3A_970, %broadcast_in_dim3A_987 : vector<16xi1>, vector<16xi32>
    %reduce_sum3A_989 = arith.constant true
    %reduce_sum3A_990 = vector.broadcast %reduce_sum3A_989 : i1 to vector<16xi1>
    %reduce_sum3A_991 = tpu.scan <sum>, %select_n3A_988 masked %reduce_sum3A_990 : vector<16xi32>, vector<16xi1> -> vector<16xi32>
    %reduce_sum3A_992 = vector.extract %reduce_sum3A_991[15] : i32 from vector<16xi32>
    %eq3A_993 = arith.constant 3 : i32
    %eq3A_994 = arith.cmpi eq, %select_n3A_407, %eq3A_993 : i32
    %gt3A_995 = arith.constant 14 : i32
    %gt3A_996 = arith.cmpi sgt, %arg1, %gt3A_995 : i32
    %and3A_997 = arith.andi %eq3A_994, %gt3A_996 : i1
    %jit3A_998 = arith.constant 0 : i32
    %select_n3A_999 = arith.select %and3A_997, %reduce_sum3A_981, %jit3A_998 : i32
    %add3A_1000 = arith.addi %add3A_960, %select_n3A_999 : i32
    %jit3A_1001 = arith.constant -1 : i32
    %select_n3A_1002 = arith.select %and3A_997, %reduce_sum3A_992, %jit3A_1001 : i32
    %max3A_1003 = arith.maxsi %max3A_963, %select_n3A_1002 : i32
    %jit3A_1004 = arith.constant 0 : i32
    %select_n3A_1005 = arith.select %eq3A_994, %reduce_sum3A_981, %jit3A_1004 : i32
    %add3A_1006 = arith.addi %add3A_966, %select_n3A_1005 : i32
    %get3A_1007 = arith.constant 15 : i32
    %get3A_1008 = arith.index_cast %get3A_1007 : i32 to index
    %get3A_1009 = arith.constant 0 : index
    %get3A_1010 = tpu.vector_load %arg13[%get3A_1008, %get3A_1009] {strides = array<i32>} : memref<16x16xi32, #tpu.memory_space<vmem>>, vector<16xi32>,
    %iota3A_1011 = tpu.iota {dimensions = array<i32: 0>} : vector<16xi32>
    %eq3A_1012 = arith.constant 0 : i32
    %eq3A_1013 = vector.broadcast %eq3A_1012 : i32 to vector<16xi32>
    %eq3A_1014 = arith.cmpi eq, %iota3A_1011, %eq3A_1013 : vector<16xi32>
    %jit3A_1015 = arith.constant 0 : i32
    %broadcast_in_dim3A_1016 = vector.broadcast %jit3A_1015 : i32 to vector<16xi32>
    %select_n3A_1017 = arith.select %eq3A_1014, %get3A_1010, %broadcast_in_dim3A_1016 : vector<16xi1>, vector<16xi32>
    %reduce_sum3A_1018 = arith.constant true
    %reduce_sum3A_1019 = vector.broadcast %reduce_sum3A_1018 : i1 to vector<16xi1>
    %reduce_sum3A_1020 = tpu.scan <sum>, %select_n3A_1017 masked %reduce_sum3A_1019 : vector<16xi32>, vector<16xi1> -> vector<16xi32>
    %reduce_sum3A_1021 = vector.extract %reduce_sum3A_1020[15] : i32 from vector<16xi32>
    %iota3A_1022 = tpu.iota {dimensions = array<i32: 0>} : vector<16xi32>
    %eq3A_1023 = arith.constant 1 : i32
    %eq3A_1024 = vector.broadcast %eq3A_1023 : i32 to vector<16xi32>
    %eq3A_1025 = arith.cmpi eq, %iota3A_1022, %eq3A_1024 : vector<16xi32>
    %jit3A_1026 = arith.constant 0 : i32
    %broadcast_in_dim3A_1027 = vector.broadcast %jit3A_1026 : i32 to vector<16xi32>
    %select_n3A_1028 = arith.select %eq3A_1025, %get3A_1010, %broadcast_in_dim3A_1027 : vector<16xi1>, vector<16xi32>
    %reduce_sum3A_1029 = arith.constant true
    %reduce_sum3A_1030 = vector.broadcast %reduce_sum3A_1029 : i1 to vector<16xi1>
    %reduce_sum3A_1031 = tpu.scan <sum>, %select_n3A_1028 masked %reduce_sum3A_1030 : vector<16xi32>, vector<16xi1> -> vector<16xi32>
    %reduce_sum3A_1032 = vector.extract %reduce_sum3A_1031[15] : i32 from vector<16xi32>
    %eq3A_1033 = arith.constant 3 : i32
    %eq3A_1034 = arith.cmpi eq, %select_n3A_407, %eq3A_1033 : i32
    %gt3A_1035 = arith.constant 15 : i32
    %gt3A_1036 = arith.cmpi sgt, %arg1, %gt3A_1035 : i32
    %and3A_1037 = arith.andi %eq3A_1034, %gt3A_1036 : i1
    %jit3A_1038 = arith.constant 0 : i32
    %select_n3A_1039 = arith.select %and3A_1037, %reduce_sum3A_1021, %jit3A_1038 : i32
    %add3A_1040 = arith.addi %add3A_1000, %select_n3A_1039 : i32
    %jit3A_1041 = arith.constant -1 : i32
    %select_n3A_1042 = arith.select %and3A_1037, %reduce_sum3A_1032, %jit3A_1041 : i32
    %max3A_1043 = arith.maxsi %max3A_1003, %select_n3A_1042 : i32
    %jit3A_1044 = arith.constant 0 : i32
    %select_n3A_1045 = arith.select %eq3A_1034, %reduce_sum3A_1021, %jit3A_1044 : i32
    %add3A_1046 = arith.addi %add3A_1006, %select_n3A_1045 : i32
    %mul3A_1047 = arith.constant 0 : i32
    %mul3A_1048 = vector.broadcast %mul3A_1047 : i32 to vector<16xi32>
    %mul3A_1049 = arith.muli %iota3A, %mul3A_1048 : vector<16xi32>
    %max3A_1050 = arith.constant 0 : i32
    %max3A_1051 = arith.maxsi %max3A_1043, %max3A_1050 : i32
    %mul3A_1052 = arith.constant 0 : i32
    %mul3A_1053 = vector.broadcast %mul3A_1052 : i32 to vector<16xi32>
    %mul3A_1054 = arith.muli %iota3A, %mul3A_1053 : vector<16xi32>
    %add3A_1055 = vector.broadcast %max3A_1051 : i32 to vector<16xi32>
    %add3A_1056 = arith.addi %add3A_1055, %mul3A_1054 : vector<16xi32>
    %eq3A_1057 = arith.constant 0 : i32
    %eq3A_1058 = vector.broadcast %eq3A_1057 : i32 to vector<16xi32>
    %eq3A_1059 = arith.cmpi eq, %iota3A, %eq3A_1058 : vector<16xi32>
    tpu.vector_store_idx %arg7[%mul3A_1049], %add3A_1056 masked %eq3A_1059 : memref<1040xi32, #tpu.memory_space<vmem>>[vector<16xi32>], vector<16xi32>, vector<16xi1>
    %lt3A_1060 = arith.constant 0 : i32
    %lt3A_1061 = arith.cmpi slt, %max3A_1043, %lt3A_1060 : i32
    %add3A_1062 = arith.constant 112 : i32
    %add3A_1063 = arith.addi %sub3A_370, %add3A_1062 : i32
    %sub3A_1064 = arith.constant 1 : i32
    %sub3A_1065 = arith.subi %add3A_1063, %sub3A_1064 : i32
    %jit3A_1066 = arith.constant 112 : i32
    %div3A_1067 = arith.divsi %sub3A_1065, %jit3A_1066 : i32
    %sign3A_1068 = arith.constant 0 : i32
    %sign3A_1069 = arith.cmpi sgt, %sub3A_1065, %sign3A_1068 : i32
    %sign3A_1070 = arith.extui %sign3A_1069 : i1 to i32
    %sign3A_1071 = arith.constant 0 : i32
    %sign3A_1072 = arith.cmpi slt, %sub3A_1065, %sign3A_1071 : i32
    %sign3A_1073 = arith.extui %sign3A_1072 : i1 to i32
    %sign3A_1074 = arith.subi %sign3A_1070, %sign3A_1073 : i32
    %sign3A_1075 = arith.constant 0 : i32
    %sign3A_1076 = arith.cmpi sgt, %jit3A_1066, %sign3A_1075 : i32
    %sign3A_1077 = arith.extui %sign3A_1076 : i1 to i32
    %sign3A_1078 = arith.constant 0 : i32
    %sign3A_1079 = arith.cmpi slt, %jit3A_1066, %sign3A_1078 : i32
    %sign3A_1080 = arith.extui %sign3A_1079 : i1 to i32
    %sign3A_1081 = arith.subi %sign3A_1077, %sign3A_1080 : i32
    %ne3A_1082 = arith.cmpi ne, %sign3A_1074, %sign3A_1081 : i32
    %rem3A_1083 = arith.remsi %sub3A_1065, %jit3A_1066 : i32
    %ne3A_1084 = arith.constant 0 : i32
    %ne3A_1085 = arith.cmpi ne, %rem3A_1083, %ne3A_1084 : i32
    %and3A_1086 = arith.andi %ne3A_1082, %ne3A_1085 : i1
    %sub3A_1087 = arith.constant 1 : i32
    %sub3A_1088 = arith.subi %div3A_1067, %sub3A_1087 : i32
    %select_n3A_1089 = arith.select %and3A_1086, %sub3A_1088, %div3A_1067 : i32
    %while3A = arith.constant 0 : i32
    %while3A_1090 = arith.constant 0 : i32
    %while3A_1091 = arith.subi %select_n3A_1089, %while3A : i32
    %while3A_1092 = arith.addi %while3A, %while3A_1091 : i32
    %while3A_1093 = arith.constant 1 : i32
    %while3A_1094 = arith.divsi %while3A_1091, %while3A_1093 : i32
    %while3A_1095 = arith.muli %while3A_1094, %while3A_1093 : i32
    %while3A_1096 = arith.addi %while3A, %while3A_1095 : i32
    %while3A_1097 = arith.constant 1 : i32
    %while3A_1098 = scf.for %while3A_1181 = %while3A to %while3A_1096 step %while3A_1097 iter_args(%while3A_1182 = %while3A_1090) -> (i32)  : i32 {
      %mul3A_1183 = arith.constant 112 : i32
      %mul3A_1184 = arith.muli %while3A_1181, %mul3A_1183 : i32
      %dma_start3A = tpu.memref_slice %arg7[%mul3A_1184] : memref<1040xi32, #tpu.memory_space<vmem>> -> memref<113xi32, #tpu.memory_space<vmem>>
      %dma_start3A_1185 = arith.constant 0 : i32
      %dma_start3A_1186 = arith.constant 0 : i32
      %dma_start3A_1187 = tpu.memref_slice %arg2[%dma_start3A_1185, %dma_start3A_1186] : memref<32768x512xf32, #tpu.memory_space<hbm>> -> memref<32768x512xf32, #tpu.memory_space<hbm>>
      tpu.enqueue_indirect_dma source(%dma_start3A_1187 : memref<32768x512xf32, #tpu.memory_space<hbm>>) target(%arg8 : memref<113x512xf32, #tpu.memory_space<vmem>>) offsets(%dma_start3A : memref<113xi32, #tpu.memory_space<vmem>>) semaphore(%arg16 : memref<!tpu.dma_semaphore, #tpu.memory_space<semaphore_mem>>)
      %dma_wait3A = tpu.memref_slice %arg7[%mul3A_1184] : memref<1040xi32, #tpu.memory_space<vmem>> -> memref<113xi32, #tpu.memory_space<vmem>>
      %dma_wait3A_1188 = arith.constant 0 : i32
      %dma_wait3A_1189 = arith.constant 0 : i32
      %dma_wait3A_1190 = tpu.memref_slice %arg2[%dma_wait3A_1188, %dma_wait3A_1189] : memref<32768x512xf32, #tpu.memory_space<hbm>> -> memref<32768x512xf32, #tpu.memory_space<hbm>>
      tpu.wait_indirect_dma semaphore(%arg16 : memref<!tpu.dma_semaphore, #tpu.memory_space<semaphore_mem>>) src(%dma_wait3A_1190 : memref<32768x512xf32, #tpu.memory_space<hbm>>) dst(%arg8 : memref<113x512xf32, #tpu.memory_space<vmem>>)
      %eq3A_1191 = arith.constant 0 : i32
      %eq3A_1192 = arith.cmpi eq, %while3A_1181, %eq3A_1191 : i32
      %and3A_1193 = arith.andi %eq3A_1192, %lt3A_1061 : i1
      %convert_element_type3A = arith.extui %and3A_1193 : i1 to i32
      %cond3A = arith.constant 0 : i32
      %cond3A_1194 = arith.cmpi ne, %convert_element_type3A, %cond3A : i32
      scf.if %cond3A_1194 {
        %broadcast_in_dim3A_1573 = arith.constant 0.000000e+00 : f32
        %broadcast_in_dim3A_1574 = vector.broadcast %broadcast_in_dim3A_1573 : f32 to vector<16xf32>
        %swap3A_1575 = arith.constant 0 : i32
        %swap3A_1576 = arith.index_cast %swap3A_1575 : i32 to index
        %swap3A_1577 = arith.constant 0 : index
        %swap3A_1578 = tpu.vector_load %arg8[%swap3A_1576, %swap3A_1577] {strides = array<i32>} : memref<113x512xf32, #tpu.memory_space<vmem>>, vector<16xf32>,
        tpu.vector_store %arg8[%swap3A_1576, %swap3A_1577], %broadcast_in_dim3A_1574 {strides = array<i32>} : memref<113x512xf32, #tpu.memory_space<vmem>>, vector<16xf32>,
        %broadcast_in_dim3A_1579 = arith.constant 0.000000e+00 : f32
        %broadcast_in_dim3A_1580 = vector.broadcast %broadcast_in_dim3A_1579 : f32 to vector<16xf32>
        %swap3A_1581 = arith.constant 0 : i32
        %swap3A_1582 = arith.index_cast %swap3A_1581 : i32 to index
        %swap3A_1583 = arith.constant 16 : index
        %swap3A_1584 = tpu.vector_load %arg8[%swap3A_1582, %swap3A_1583] {strides = array<i32>} : memref<113x512xf32, #tpu.memory_space<vmem>>, vector<16xf32>,
        tpu.vector_store %arg8[%swap3A_1582, %swap3A_1583], %broadcast_in_dim3A_1580 {strides = array<i32>} : memref<113x512xf32, #tpu.memory_space<vmem>>, vector<16xf32>,
        %broadcast_in_dim3A_1585 = arith.constant 0.000000e+00 : f32
        %broadcast_in_dim3A_1586 = vector.broadcast %broadcast_in_dim3A_1585 : f32 to vector<16xf32>
        %swap3A_1587 = arith.constant 0 : i32
        %swap3A_1588 = arith.index_cast %swap3A_1587 : i32 to index
        %swap3A_1589 = arith.constant 32 : index
        %swap3A_1590 = tpu.vector_load %arg8[%swap3A_1588, %swap3A_1589] {strides = array<i32>} : memref<113x512xf32, #tpu.memory_space<vmem>>, vector<16xf32>,
        tpu.vector_store %arg8[%swap3A_1588, %swap3A_1589], %broadcast_in_dim3A_1586 {strides = array<i32>} : memref<113x512xf32, #tpu.memory_space<vmem>>, vector<16xf32>,
        %broadcast_in_dim3A_1591 = arith.constant 0.000000e+00 : f32
        %broadcast_in_dim3A_1592 = vector.broadcast %broadcast_in_dim3A_1591 : f32 to vector<16xf32>
        %swap3A_1593 = arith.constant 0 : i32
        %swap3A_1594 = arith.index_cast %swap3A_1593 : i32 to index
        %swap3A_1595 = arith.constant 48 : index
        %swap3A_1596 = tpu.vector_load %arg8[%swap3A_1594, %swap3A_1595] {strides = array<i32>} : memref<113x512xf32, #tpu.memory_space<vmem>>, vector<16xf32>,
        tpu.vector_store %arg8[%swap3A_1594, %swap3A_1595], %broadcast_in_dim3A_1592 {strides = array<i32>} : memref<113x512xf32, #tpu.memory_space<vmem>>, vector<16xf32>,
        %broadcast_in_dim3A_1597 = arith.constant 0.000000e+00 : f32
        %broadcast_in_dim3A_1598 = vector.broadcast %broadcast_in_dim3A_1597 : f32 to vector<16xf32>
        %swap3A_1599 = arith.constant 0 : i32
        %swap3A_1600 = arith.index_cast %swap3A_1599 : i32 to index
        %swap3A_1601 = arith.constant 64 : index
        %swap3A_1602 = tpu.vector_load %arg8[%swap3A_1600, %swap3A_1601] {strides = array<i32>} : memref<113x512xf32, #tpu.memory_space<vmem>>, vector<16xf32>,
        tpu.vector_store %arg8[%swap3A_1600, %swap3A_1601], %broadcast_in_dim3A_1598 {strides = array<i32>} : memref<113x512xf32, #tpu.memory_space<vmem>>, vector<16xf32>,
        %broadcast_in_dim3A_1603 = arith.constant 0.000000e+00 : f32
        %broadcast_in_dim3A_1604 = vector.broadcast %broadcast_in_dim3A_1603 : f32 to vector<16xf32>
        %swap3A_1605 = arith.constant 0 : i32
        %swap3A_1606 = arith.index_cast %swap3A_1605 : i32 to index
        %swap3A_1607 = arith.constant 80 : index
        %swap3A_1608 = tpu.vector_load %arg8[%swap3A_1606, %swap3A_1607] {strides = array<i32>} : memref<113x512xf32, #tpu.memory_space<vmem>>, vector<16xf32>,
        tpu.vector_store %arg8[%swap3A_1606, %swap3A_1607], %broadcast_in_dim3A_1604 {strides = array<i32>} : memref<113x512xf32, #tpu.memory_space<vmem>>, vector<16xf32>,
        %broadcast_in_dim3A_1609 = arith.constant 0.000000e+00 : f32
        %broadcast_in_dim3A_1610 = vector.broadcast %broadcast_in_dim3A_1609 : f32 to vector<16xf32>
        %swap3A_1611 = arith.constant 0 : i32
        %swap3A_1612 = arith.index_cast %swap3A_1611 : i32 to index
        %swap3A_1613 = arith.constant 96 : index
        %swap3A_1614 = tpu.vector_load %arg8[%swap3A_1612, %swap3A_1613] {strides = array<i32>} : memref<113x512xf32, #tpu.memory_space<vmem>>, vector<16xf32>,
        tpu.vector_store %arg8[%swap3A_1612, %swap3A_1613], %broadcast_in_dim3A_1610 {strides = array<i32>} : memref<113x512xf32, #tpu.memory_space<vmem>>, vector<16xf32>,
        %broadcast_in_dim3A_1615 = arith.constant 0.000000e+00 : f32
        %broadcast_in_dim3A_1616 = vector.broadcast %broadcast_in_dim3A_1615 : f32 to vector<16xf32>
        %swap3A_1617 = arith.constant 0 : i32
        %swap3A_1618 = arith.index_cast %swap3A_1617 : i32 to index
        %swap3A_1619 = arith.constant 112 : index
        %swap3A_1620 = tpu.vector_load %arg8[%swap3A_1618, %swap3A_1619] {strides = array<i32>} : memref<113x512xf32, #tpu.memory_space<vmem>>, vector<16xf32>,
        tpu.vector_store %arg8[%swap3A_1618, %swap3A_1619], %broadcast_in_dim3A_1616 {strides = array<i32>} : memref<113x512xf32, #tpu.memory_space<vmem>>, vector<16xf32>,
        %broadcast_in_dim3A_1621 = arith.constant 0.000000e+00 : f32
        %broadcast_in_dim3A_1622 = vector.broadcast %broadcast_in_dim3A_1621 : f32 to vector<16xf32>
        %swap3A_1623 = arith.constant 0 : i32
        %swap3A_1624 = arith.index_cast %swap3A_1623 : i32 to index
        %swap3A_1625 = arith.constant 128 : index
        %swap3A_1626 = tpu.vector_load %arg8[%swap3A_1624, %swap3A_1625] {strides = array<i32>} : memref<113x512xf32, #tpu.memory_space<vmem>>, vector<16xf32>,
        tpu.vector_store %arg8[%swap3A_1624, %swap3A_1625], %broadcast_in_dim3A_1622 {strides = array<i32>} : memref<113x512xf32, #tpu.memory_space<vmem>>, vector<16xf32>,
        %broadcast_in_dim3A_1627 = arith.constant 0.000000e+00 : f32
        %broadcast_in_dim3A_1628 = vector.broadcast %broadcast_in_dim3A_1627 : f32 to vector<16xf32>
        %swap3A_1629 = arith.constant 0 : i32
        %swap3A_1630 = arith.index_cast %swap3A_1629 : i32 to index
        %swap3A_1631 = arith.constant 144 : index
        %swap3A_1632 = tpu.vector_load %arg8[%swap3A_1630, %swap3A_1631] {strides = array<i32>} : memref<113x512xf32, #tpu.memory_space<vmem>>, vector<16xf32>,
        tpu.vector_store %arg8[%swap3A_1630, %swap3A_1631], %broadcast_in_dim3A_1628 {strides = array<i32>} : memref<113x512xf32, #tpu.memory_space<vmem>>, vector<16xf32>,
        %broadcast_in_dim3A_1633 = arith.constant 0.000000e+00 : f32
        %broadcast_in_dim3A_1634 = vector.broadcast %broadcast_in_dim3A_1633 : f32 to vector<16xf32>
        %swap3A_1635 = arith.constant 0 : i32
        %swap3A_1636 = arith.index_cast %swap3A_1635 : i32 to index
        %swap3A_1637 = arith.constant 160 : index
        %swap3A_1638 = tpu.vector_load %arg8[%swap3A_1636, %swap3A_1637] {strides = array<i32>} : memref<113x512xf32, #tpu.memory_space<vmem>>, vector<16xf32>,
        tpu.vector_store %arg8[%swap3A_1636, %swap3A_1637], %broadcast_in_dim3A_1634 {strides = array<i32>} : memref<113x512xf32, #tpu.memory_space<vmem>>, vector<16xf32>,
        %broadcast_in_dim3A_1639 = arith.constant 0.000000e+00 : f32
        %broadcast_in_dim3A_1640 = vector.broadcast %broadcast_in_dim3A_1639 : f32 to vector<16xf32>
        %swap3A_1641 = arith.constant 0 : i32
        %swap3A_1642 = arith.index_cast %swap3A_1641 : i32 to index
        %swap3A_1643 = arith.constant 176 : index
        %swap3A_1644 = tpu.vector_load %arg8[%swap3A_1642, %swap3A_1643] {strides = array<i32>} : memref<113x512xf32, #tpu.memory_space<vmem>>, vector<16xf32>,
        tpu.vector_store %arg8[%swap3A_1642, %swap3A_1643], %broadcast_in_dim3A_1640 {strides = array<i32>} : memref<113x512xf32, #tpu.memory_space<vmem>>, vector<16xf32>,
        %broadcast_in_dim3A_1645 = arith.constant 0.000000e+00 : f32
        %broadcast_in_dim3A_1646 = vector.broadcast %broadcast_in_dim3A_1645 : f32 to vector<16xf32>
        %swap3A_1647 = arith.constant 0 : i32
        %swap3A_1648 = arith.index_cast %swap3A_1647 : i32 to index
        %swap3A_1649 = arith.constant 192 : index
        %swap3A_1650 = tpu.vector_load %arg8[%swap3A_1648, %swap3A_1649] {strides = array<i32>} : memref<113x512xf32, #tpu.memory_space<vmem>>, vector<16xf32>,
        tpu.vector_store %arg8[%swap3A_1648, %swap3A_1649], %broadcast_in_dim3A_1646 {strides = array<i32>} : memref<113x512xf32, #tpu.memory_space<vmem>>, vector<16xf32>,
        %broadcast_in_dim3A_1651 = arith.constant 0.000000e+00 : f32
        %broadcast_in_dim3A_1652 = vector.broadcast %broadcast_in_dim3A_1651 : f32 to vector<16xf32>
        %swap3A_1653 = arith.constant 0 : i32
        %swap3A_1654 = arith.index_cast %swap3A_1653 : i32 to index
        %swap3A_1655 = arith.constant 208 : index
        %swap3A_1656 = tpu.vector_load %arg8[%swap3A_1654, %swap3A_1655] {strides = array<i32>} : memref<113x512xf32, #tpu.memory_space<vmem>>, vector<16xf32>,
        tpu.vector_store %arg8[%swap3A_1654, %swap3A_1655], %broadcast_in_dim3A_1652 {strides = array<i32>} : memref<113x512xf32, #tpu.memory_space<vmem>>, vector<16xf32>,
        %broadcast_in_dim3A_1657 = arith.constant 0.000000e+00 : f32
        %broadcast_in_dim3A_1658 = vector.broadcast %broadcast_in_dim3A_1657 : f32 to vector<16xf32>
        %swap3A_1659 = arith.constant 0 : i32
        %swap3A_1660 = arith.index_cast %swap3A_1659 : i32 to index
        %swap3A_1661 = arith.constant 224 : index
        %swap3A_1662 = tpu.vector_load %arg8[%swap3A_1660, %swap3A_1661] {strides = array<i32>} : memref<113x512xf32, #tpu.memory_space<vmem>>, vector<16xf32>,
        tpu.vector_store %arg8[%swap3A_1660, %swap3A_1661], %broadcast_in_dim3A_1658 {strides = array<i32>} : memref<113x512xf32, #tpu.memory_space<vmem>>, vector<16xf32>,
        %broadcast_in_dim3A_1663 = arith.constant 0.000000e+00 : f32
        %broadcast_in_dim3A_1664 = vector.broadcast %broadcast_in_dim3A_1663 : f32 to vector<16xf32>
        %swap3A_1665 = arith.constant 0 : i32
        %swap3A_1666 = arith.index_cast %swap3A_1665 : i32 to index
        %swap3A_1667 = arith.constant 240 : index
        %swap3A_1668 = tpu.vector_load %arg8[%swap3A_1666, %swap3A_1667] {strides = array<i32>} : memref<113x512xf32, #tpu.memory_space<vmem>>, vector<16xf32>,
        tpu.vector_store %arg8[%swap3A_1666, %swap3A_1667], %broadcast_in_dim3A_1664 {strides = array<i32>} : memref<113x512xf32, #tpu.memory_space<vmem>>, vector<16xf32>,
        %broadcast_in_dim3A_1669 = arith.constant 0.000000e+00 : f32
        %broadcast_in_dim3A_1670 = vector.broadcast %broadcast_in_dim3A_1669 : f32 to vector<16xf32>
        %swap3A_1671 = arith.constant 0 : i32
        %swap3A_1672 = arith.index_cast %swap3A_1671 : i32 to index
        %swap3A_1673 = arith.constant 256 : index
        %swap3A_1674 = tpu.vector_load %arg8[%swap3A_1672, %swap3A_1673] {strides = array<i32>} : memref<113x512xf32, #tpu.memory_space<vmem>>, vector<16xf32>,
        tpu.vector_store %arg8[%swap3A_1672, %swap3A_1673], %broadcast_in_dim3A_1670 {strides = array<i32>} : memref<113x512xf32, #tpu.memory_space<vmem>>, vector<16xf32>,
        %broadcast_in_dim3A_1675 = arith.constant 0.000000e+00 : f32
        %broadcast_in_dim3A_1676 = vector.broadcast %broadcast_in_dim3A_1675 : f32 to vector<16xf32>
        %swap3A_1677 = arith.constant 0 : i32
        %swap3A_1678 = arith.index_cast %swap3A_1677 : i32 to index
        %swap3A_1679 = arith.constant 272 : index
        %swap3A_1680 = tpu.vector_load %arg8[%swap3A_1678, %swap3A_1679] {strides = array<i32>} : memref<113x512xf32, #tpu.memory_space<vmem>>, vector<16xf32>,
        tpu.vector_store %arg8[%swap3A_1678, %swap3A_1679], %broadcast_in_dim3A_1676 {strides = array<i32>} : memref<113x512xf32, #tpu.memory_space<vmem>>, vector<16xf32>,
        %broadcast_in_dim3A_1681 = arith.constant 0.000000e+00 : f32
        %broadcast_in_dim3A_1682 = vector.broadcast %broadcast_in_dim3A_1681 : f32 to vector<16xf32>
        %swap3A_1683 = arith.constant 0 : i32
        %swap3A_1684 = arith.index_cast %swap3A_1683 : i32 to index
        %swap3A_1685 = arith.constant 288 : index
        %swap3A_1686 = tpu.vector_load %arg8[%swap3A_1684, %swap3A_1685] {strides = array<i32>} : memref<113x512xf32, #tpu.memory_space<vmem>>, vector<16xf32>,
        tpu.vector_store %arg8[%swap3A_1684, %swap3A_1685], %broadcast_in_dim3A_1682 {strides = array<i32>} : memref<113x512xf32, #tpu.memory_space<vmem>>, vector<16xf32>,
        %broadcast_in_dim3A_1687 = arith.constant 0.000000e+00 : f32
        %broadcast_in_dim3A_1688 = vector.broadcast %broadcast_in_dim3A_1687 : f32 to vector<16xf32>
        %swap3A_1689 = arith.constant 0 : i32
        %swap3A_1690 = arith.index_cast %swap3A_1689 : i32 to index
        %swap3A_1691 = arith.constant 304 : index
        %swap3A_1692 = tpu.vector_load %arg8[%swap3A_1690, %swap3A_1691] {strides = array<i32>} : memref<113x512xf32, #tpu.memory_space<vmem>>, vector<16xf32>,
        tpu.vector_store %arg8[%swap3A_1690, %swap3A_1691], %broadcast_in_dim3A_1688 {strides = array<i32>} : memref<113x512xf32, #tpu.memory_space<vmem>>, vector<16xf32>,
        %broadcast_in_dim3A_1693 = arith.constant 0.000000e+00 : f32
        %broadcast_in_dim3A_1694 = vector.broadcast %broadcast_in_dim3A_1693 : f32 to vector<16xf32>
        %swap3A_1695 = arith.constant 0 : i32
        %swap3A_1696 = arith.index_cast %swap3A_1695 : i32 to index
        %swap3A_1697 = arith.constant 320 : index
        %swap3A_1698 = tpu.vector_load %arg8[%swap3A_1696, %swap3A_1697] {strides = array<i32>} : memref<113x512xf32, #tpu.memory_space<vmem>>, vector<16xf32>,
        tpu.vector_store %arg8[%swap3A_1696, %swap3A_1697], %broadcast_in_dim3A_1694 {strides = array<i32>} : memref<113x512xf32, #tpu.memory_space<vmem>>, vector<16xf32>,
        %broadcast_in_dim3A_1699 = arith.constant 0.000000e+00 : f32
        %broadcast_in_dim3A_1700 = vector.broadcast %broadcast_in_dim3A_1699 : f32 to vector<16xf32>
        %swap3A_1701 = arith.constant 0 : i32
        %swap3A_1702 = arith.index_cast %swap3A_1701 : i32 to index
        %swap3A_1703 = arith.constant 336 : index
        %swap3A_1704 = tpu.vector_load %arg8[%swap3A_1702, %swap3A_1703] {strides = array<i32>} : memref<113x512xf32, #tpu.memory_space<vmem>>, vector<16xf32>,
        tpu.vector_store %arg8[%swap3A_1702, %swap3A_1703], %broadcast_in_dim3A_1700 {strides = array<i32>} : memref<113x512xf32, #tpu.memory_space<vmem>>, vector<16xf32>,
        %broadcast_in_dim3A_1705 = arith.constant 0.000000e+00 : f32
        %broadcast_in_dim3A_1706 = vector.broadcast %broadcast_in_dim3A_1705 : f32 to vector<16xf32>
        %swap3A_1707 = arith.constant 0 : i32
        %swap3A_1708 = arith.index_cast %swap3A_1707 : i32 to index
        %swap3A_1709 = arith.constant 352 : index
        %swap3A_1710 = tpu.vector_load %arg8[%swap3A_1708, %swap3A_1709] {strides = array<i32>} : memref<113x512xf32, #tpu.memory_space<vmem>>, vector<16xf32>,
        tpu.vector_store %arg8[%swap3A_1708, %swap3A_1709], %broadcast_in_dim3A_1706 {strides = array<i32>} : memref<113x512xf32, #tpu.memory_space<vmem>>, vector<16xf32>,
        %broadcast_in_dim3A_1711 = arith.constant 0.000000e+00 : f32
        %broadcast_in_dim3A_1712 = vector.broadcast %broadcast_in_dim3A_1711 : f32 to vector<16xf32>
        %swap3A_1713 = arith.constant 0 : i32
        %swap3A_1714 = arith.index_cast %swap3A_1713 : i32 to index
        %swap3A_1715 = arith.constant 368 : index
        %swap3A_1716 = tpu.vector_load %arg8[%swap3A_1714, %swap3A_1715] {strides = array<i32>} : memref<113x512xf32, #tpu.memory_space<vmem>>, vector<16xf32>,
        tpu.vector_store %arg8[%swap3A_1714, %swap3A_1715], %broadcast_in_dim3A_1712 {strides = array<i32>} : memref<113x512xf32, #tpu.memory_space<vmem>>, vector<16xf32>,
        %broadcast_in_dim3A_1717 = arith.constant 0.000000e+00 : f32
        %broadcast_in_dim3A_1718 = vector.broadcast %broadcast_in_dim3A_1717 : f32 to vector<16xf32>
        %swap3A_1719 = arith.constant 0 : i32
        %swap3A_1720 = arith.index_cast %swap3A_1719 : i32 to index
        %swap3A_1721 = arith.constant 384 : index
        %swap3A_1722 = tpu.vector_load %arg8[%swap3A_1720, %swap3A_1721] {strides = array<i32>} : memref<113x512xf32, #tpu.memory_space<vmem>>, vector<16xf32>,
        tpu.vector_store %arg8[%swap3A_1720, %swap3A_1721], %broadcast_in_dim3A_1718 {strides = array<i32>} : memref<113x512xf32, #tpu.memory_space<vmem>>, vector<16xf32>,
        %broadcast_in_dim3A_1723 = arith.constant 0.000000e+00 : f32
        %broadcast_in_dim3A_1724 = vector.broadcast %broadcast_in_dim3A_1723 : f32 to vector<16xf32>
        %swap3A_1725 = arith.constant 0 : i32
        %swap3A_1726 = arith.index_cast %swap3A_1725 : i32 to index
        %swap3A_1727 = arith.constant 400 : index
        %swap3A_1728 = tpu.vector_load %arg8[%swap3A_1726, %swap3A_1727] {strides = array<i32>} : memref<113x512xf32, #tpu.memory_space<vmem>>, vector<16xf32>,
        tpu.vector_store %arg8[%swap3A_1726, %swap3A_1727], %broadcast_in_dim3A_1724 {strides = array<i32>} : memref<113x512xf32, #tpu.memory_space<vmem>>, vector<16xf32>,
        %broadcast_in_dim3A_1729 = arith.constant 0.000000e+00 : f32
        %broadcast_in_dim3A_1730 = vector.broadcast %broadcast_in_dim3A_1729 : f32 to vector<16xf32>
        %swap3A_1731 = arith.constant 0 : i32
        %swap3A_1732 = arith.index_cast %swap3A_1731 : i32 to index
        %swap3A_1733 = arith.constant 416 : index
        %swap3A_1734 = tpu.vector_load %arg8[%swap3A_1732, %swap3A_1733] {strides = array<i32>} : memref<113x512xf32, #tpu.memory_space<vmem>>, vector<16xf32>,
        tpu.vector_store %arg8[%swap3A_1732, %swap3A_1733], %broadcast_in_dim3A_1730 {strides = array<i32>} : memref<113x512xf32, #tpu.memory_space<vmem>>, vector<16xf32>,
        %broadcast_in_dim3A_1735 = arith.constant 0.000000e+00 : f32
        %broadcast_in_dim3A_1736 = vector.broadcast %broadcast_in_dim3A_1735 : f32 to vector<16xf32>
        %swap3A_1737 = arith.constant 0 : i32
        %swap3A_1738 = arith.index_cast %swap3A_1737 : i32 to index
        %swap3A_1739 = arith.constant 432 : index
        %swap3A_1740 = tpu.vector_load %arg8[%swap3A_1738, %swap3A_1739] {strides = array<i32>} : memref<113x512xf32, #tpu.memory_space<vmem>>, vector<16xf32>,
        tpu.vector_store %arg8[%swap3A_1738, %swap3A_1739], %broadcast_in_dim3A_1736 {strides = array<i32>} : memref<113x512xf32, #tpu.memory_space<vmem>>, vector<16xf32>,
        %broadcast_in_dim3A_1741 = arith.constant 0.000000e+00 : f32
        %broadcast_in_dim3A_1742 = vector.broadcast %broadcast_in_dim3A_1741 : f32 to vector<16xf32>
        %swap3A_1743 = arith.constant 0 : i32
        %swap3A_1744 = arith.index_cast %swap3A_1743 : i32 to index
        %swap3A_1745 = arith.constant 448 : index
        %swap3A_1746 = tpu.vector_load %arg8[%swap3A_1744, %swap3A_1745] {strides = array<i32>} : memref<113x512xf32, #tpu.memory_space<vmem>>, vector<16xf32>,
        tpu.vector_store %arg8[%swap3A_1744, %swap3A_1745], %broadcast_in_dim3A_1742 {strides = array<i32>} : memref<113x512xf32, #tpu.memory_space<vmem>>, vector<16xf32>,
        %broadcast_in_dim3A_1747 = arith.constant 0.000000e+00 : f32
        %broadcast_in_dim3A_1748 = vector.broadcast %broadcast_in_dim3A_1747 : f32 to vector<16xf32>
        %swap3A_1749 = arith.constant 0 : i32
        %swap3A_1750 = arith.index_cast %swap3A_1749 : i32 to index
        %swap3A_1751 = arith.constant 464 : index
        %swap3A_1752 = tpu.vector_load %arg8[%swap3A_1750, %swap3A_1751] {strides = array<i32>} : memref<113x512xf32, #tpu.memory_space<vmem>>, vector<16xf32>,
        tpu.vector_store %arg8[%swap3A_1750, %swap3A_1751], %broadcast_in_dim3A_1748 {strides = array<i32>} : memref<113x512xf32, #tpu.memory_space<vmem>>, vector<16xf32>,
        %broadcast_in_dim3A_1753 = arith.constant 0.000000e+00 : f32
        %broadcast_in_dim3A_1754 = vector.broadcast %broadcast_in_dim3A_1753 : f32 to vector<16xf32>
        %swap3A_1755 = arith.constant 0 : i32
        %swap3A_1756 = arith.index_cast %swap3A_1755 : i32 to index
        %swap3A_1757 = arith.constant 480 : index
        %swap3A_1758 = tpu.vector_load %arg8[%swap3A_1756, %swap3A_1757] {strides = array<i32>} : memref<113x512xf32, #tpu.memory_space<vmem>>, vector<16xf32>,
        tpu.vector_store %arg8[%swap3A_1756, %swap3A_1757], %broadcast_in_dim3A_1754 {strides = array<i32>} : memref<113x512xf32, #tpu.memory_space<vmem>>, vector<16xf32>,
        %broadcast_in_dim3A_1759 = arith.constant 0.000000e+00 : f32
        %broadcast_in_dim3A_1760 = vector.broadcast %broadcast_in_dim3A_1759 : f32 to vector<16xf32>
        %swap3A_1761 = arith.constant 0 : i32
        %swap3A_1762 = arith.index_cast %swap3A_1761 : i32 to index
        %swap3A_1763 = arith.constant 496 : index
        %swap3A_1764 = tpu.vector_load %arg8[%swap3A_1762, %swap3A_1763] {strides = array<i32>} : memref<113x512xf32, #tpu.memory_space<vmem>>, vector<16xf32>,
        tpu.vector_store %arg8[%swap3A_1762, %swap3A_1763], %broadcast_in_dim3A_1760 {strides = array<i32>} : memref<113x512xf32, #tpu.memory_space<vmem>>, vector<16xf32>,
      } else {
      }
      %mul3A_1195 = arith.constant 112 : i32
      %mul3A_1196 = arith.muli %while3A_1181, %mul3A_1195 : i32
      %add3A_1197 = arith.constant 0 : i32
      %add3A_1198 = arith.addi %mul3A_1196, %add3A_1197 : i32
      %add3A_1199 = vector.broadcast %add3A_1198 : i32 to vector<16xi32>
      %add3A_1200 = arith.addi %iota3A, %add3A_1199 : vector<16xi32>
      %gather3A = tpu.vector_load_idx %arg7[%add3A_1200] : memref<1040xi32, #tpu.memory_space<vmem>>[vector<16xi32>], vector<16xi32>,
      %mul3A_1201 = arith.constant 112 : i32
      %mul3A_1202 = arith.muli %while3A_1181, %mul3A_1201 : i32
      %add3A_1203 = arith.constant 0 : i32
      %add3A_1204 = arith.addi %mul3A_1202, %add3A_1203 : i32
      %add3A_1205 = arith.constant 1 : i32
      %add3A_1206 = arith.addi %add3A_1204, %add3A_1205 : i32
      %add3A_1207 = vector.broadcast %add3A_1206 : i32 to vector<16xi32>
      %add3A_1208 = arith.addi %iota3A, %add3A_1207 : vector<16xi32>
      %gather3A_1209 = tpu.vector_load_idx %arg7[%add3A_1208] : memref<1040xi32, #tpu.memory_space<vmem>>[vector<16xi32>], vector<16xi32>,
      %sub3A_1210 = arith.subi %gather3A_1209, %gather3A : vector<16xi32>
      %convert_element_type3A_1211 = arith.sitofp %sub3A_1210 : vector<16xi32> to vector<16xf32>
      %div3A_1212 = arith.constant 1.000000e+00 : f32
      %div3A_1213 = vector.broadcast %div3A_1212 : f32 to vector<16xf32>
      %div3A_1214 = arith.divf %div3A_1213, %convert_element_type3A_1211 : vector<16xf32>
      %swap3A_1215 = arith.constant 0 : index
      %swap3A_1216 = tpu.vector_load %arg11[%swap3A_1215] {strides = array<i32>} : memref<112xf32, #tpu.memory_space<vmem>>, vector<16xf32>,
      tpu.vector_store %arg11[%swap3A_1215], %div3A_1214 {strides = array<i32>} : memref<112xf32, #tpu.memory_space<vmem>>, vector<16xf32>,
      %mul3A_1217 = arith.constant 112 : i32
      %mul3A_1218 = arith.muli %while3A_1181, %mul3A_1217 : i32
      %add3A_1219 = arith.constant 0 : i32
      %add3A_1220 = arith.addi %mul3A_1218, %add3A_1219 : i32
      %add3A_1221 = vector.broadcast %add3A_1220 : i32 to vector<16xi32>
      %add3A_1222 = arith.addi %iota3A, %add3A_1221 : vector<16xi32>
      %lt3A_1223 = vector.broadcast %sub3A_370 : i32 to vector<16xi32>
      %lt3A_1224 = arith.cmpi slt, %add3A_1222, %lt3A_1223 : vector<16xi32>
      %mul3A_1225 = arith.constant 4096 : i32
      %mul3A_1226 = arith.muli %add3A, %mul3A_1225 : i32
      %add3A_1227 = arith.addi %mul3A_1226, %add3A_1040 : i32
      %add3A_1228 = vector.broadcast %add3A_1227 : i32 to vector<16xi32>
      %add3A_1229 = arith.addi %add3A_1228, %add3A_1222 : vector<16xi32>
      %mul3A_1230 = arith.constant 2 : i32
      %mul3A_1231 = arith.muli %arg1, %mul3A_1230 : i32
      %add3A_1232 = vector.broadcast %mul3A_1231 : i32 to vector<16xi32>
      %add3A_1233 = arith.addi %add3A_1232, %iota3A : vector<16xi32>
      %and3A_1234 = arith.constant 7 : i32
      %and3A_1235 = vector.broadcast %and3A_1234 : i32 to vector<16xi32>
      %and3A_1236 = arith.andi %add3A_1233, %and3A_1235 : vector<16xi32>
      %add3A_1237 = arith.constant 32768 : i32
      %add3A_1238 = vector.broadcast %add3A_1237 : i32 to vector<16xi32>
      %add3A_1239 = arith.addi %add3A_1238, %and3A_1236 : vector<16xi32>
      %select_n3A_1240 = arith.select %lt3A_1224, %add3A_1229, %add3A_1239 : vector<16xi1>, vector<16xi32>
      %swap3A_1241 = arith.constant 0 : i32
      %swap3A_1242 = arith.index_cast %swap3A_1241 : i32 to index
      %swap3A_1243 = arith.constant 0 : index
      %swap3A_1244 = tpu.vector_load %arg10[%swap3A_1242, %swap3A_1243] {strides = array<i32>} : memref<1x112xi32, #tpu.memory_space<vmem>>, vector<16xi32>,
      tpu.vector_store %arg10[%swap3A_1242, %swap3A_1243], %select_n3A_1240 {strides = array<i32>} : memref<1x112xi32, #tpu.memory_space<vmem>>, vector<16xi32>,
      %mul3A_1245 = arith.constant 112 : i32
      %mul3A_1246 = arith.muli %while3A_1181, %mul3A_1245 : i32
      %add3A_1247 = arith.constant 16 : i32
      %add3A_1248 = arith.addi %mul3A_1246, %add3A_1247 : i32
      %add3A_1249 = vector.broadcast %add3A_1248 : i32 to vector<16xi32>
      %add3A_1250 = arith.addi %iota3A, %add3A_1249 : vector<16xi32>
      %gather3A_1251 = tpu.vector_load_idx %arg7[%add3A_1250] : memref<1040xi32, #tpu.memory_space<vmem>>[vector<16xi32>], vector<16xi32>,
      %mul3A_1252 = arith.constant 112 : i32
      %mul3A_1253 = arith.muli %while3A_1181, %mul3A_1252 : i32
      %add3A_1254 = arith.constant 16 : i32
      %add3A_1255 = arith.addi %mul3A_1253, %add3A_1254 : i32
      %add3A_1256 = arith.constant 1 : i32
      %add3A_1257 = arith.addi %add3A_1255, %add3A_1256 : i32
      %add3A_1258 = vector.broadcast %add3A_1257 : i32 to vector<16xi32>
      %add3A_1259 = arith.addi %iota3A, %add3A_1258 : vector<16xi32>
      %gather3A_1260 = tpu.vector_load_idx %arg7[%add3A_1259] : memref<1040xi32, #tpu.memory_space<vmem>>[vector<16xi32>], vector<16xi32>,
      %sub3A_1261 = arith.subi %gather3A_1260, %gather3A_1251 : vector<16xi32>
      %convert_element_type3A_1262 = arith.sitofp %sub3A_1261 : vector<16xi32> to vector<16xf32>
      %div3A_1263 = arith.constant 1.000000e+00 : f32
      %div3A_1264 = vector.broadcast %div3A_1263 : f32 to vector<16xf32>
      %div3A_1265 = arith.divf %div3A_1264, %convert_element_type3A_1262 : vector<16xf32>
      %swap3A_1266 = arith.constant 16 : index
      %swap3A_1267 = tpu.vector_load %arg11[%swap3A_1266] {strides = array<i32>} : memref<112xf32, #tpu.memory_space<vmem>>, vector<16xf32>,
      tpu.vector_store %arg11[%swap3A_1266], %div3A_1265 {strides = array<i32>} : memref<112xf32, #tpu.memory_space<vmem>>, vector<16xf32>,
      %mul3A_1268 = arith.constant 112 : i32
      %mul3A_1269 = arith.muli %while3A_1181, %mul3A_1268 : i32
      %add3A_1270 = arith.constant 16 : i32
      %add3A_1271 = arith.addi %mul3A_1269, %add3A_1270 : i32
      %add3A_1272 = vector.broadcast %add3A_1271 : i32 to vector<16xi32>
      %add3A_1273 = arith.addi %iota3A, %add3A_1272 : vector<16xi32>
      %lt3A_1274 = vector.broadcast %sub3A_370 : i32 to vector<16xi32>
      %lt3A_1275 = arith.cmpi slt, %add3A_1273, %lt3A_1274 : vector<16xi32>
      %mul3A_1276 = arith.constant 4096 : i32
      %mul3A_1277 = arith.muli %add3A, %mul3A_1276 : i32
      %add3A_1278 = arith.addi %mul3A_1277, %add3A_1040 : i32
      %add3A_1279 = vector.broadcast %add3A_1278 : i32 to vector<16xi32>
      %add3A_1280 = arith.addi %add3A_1279, %add3A_1273 : vector<16xi32>
      %mul3A_1281 = arith.constant 2 : i32
      %mul3A_1282 = arith.muli %arg1, %mul3A_1281 : i32
      %add3A_1283 = vector.broadcast %mul3A_1282 : i32 to vector<16xi32>
      %add3A_1284 = arith.addi %add3A_1283, %iota3A : vector<16xi32>
      %and3A_1285 = arith.constant 7 : i32
      %and3A_1286 = vector.broadcast %and3A_1285 : i32 to vector<16xi32>
      %and3A_1287 = arith.andi %add3A_1284, %and3A_1286 : vector<16xi32>
      %add3A_1288 = arith.constant 32768 : i32
      %add3A_1289 = vector.broadcast %add3A_1288 : i32 to vector<16xi32>
      %add3A_1290 = arith.addi %add3A_1289, %and3A_1287 : vector<16xi32>
      %select_n3A_1291 = arith.select %lt3A_1275, %add3A_1280, %add3A_1290 : vector<16xi1>, vector<16xi32>
      %swap3A_1292 = arith.constant 0 : i32
      %swap3A_1293 = arith.index_cast %swap3A_1292 : i32 to index
      %swap3A_1294 = arith.constant 16 : index
      %swap3A_1295 = tpu.vector_load %arg10[%swap3A_1293, %swap3A_1294] {strides = array<i32>} : memref<1x112xi32, #tpu.memory_space<vmem>>, vector<16xi32>,
      tpu.vector_store %arg10[%swap3A_1293, %swap3A_1294], %select_n3A_1291 {strides = array<i32>} : memref<1x112xi32, #tpu.memory_space<vmem>>, vector<16xi32>,
      %mul3A_1296 = arith.constant 112 : i32
      %mul3A_1297 = arith.muli %while3A_1181, %mul3A_1296 : i32
      %add3A_1298 = arith.constant 32 : i32
      %add3A_1299 = arith.addi %mul3A_1297, %add3A_1298 : i32
      %add3A_1300 = vector.broadcast %add3A_1299 : i32 to vector<16xi32>
      %add3A_1301 = arith.addi %iota3A, %add3A_1300 : vector<16xi32>
      %gather3A_1302 = tpu.vector_load_idx %arg7[%add3A_1301] : memref<1040xi32, #tpu.memory_space<vmem>>[vector<16xi32>], vector<16xi32>,
      %mul3A_1303 = arith.constant 112 : i32
      %mul3A_1304 = arith.muli %while3A_1181, %mul3A_1303 : i32
      %add3A_1305 = arith.constant 32 : i32
      %add3A_1306 = arith.addi %mul3A_1304, %add3A_1305 : i32
      %add3A_1307 = arith.constant 1 : i32
      %add3A_1308 = arith.addi %add3A_1306, %add3A_1307 : i32
      %add3A_1309 = vector.broadcast %add3A_1308 : i32 to vector<16xi32>
      %add3A_1310 = arith.addi %iota3A, %add3A_1309 : vector<16xi32>
      %gather3A_1311 = tpu.vector_load_idx %arg7[%add3A_1310] : memref<1040xi32, #tpu.memory_space<vmem>>[vector<16xi32>], vector<16xi32>,
      %sub3A_1312 = arith.subi %gather3A_1311, %gather3A_1302 : vector<16xi32>
      %convert_element_type3A_1313 = arith.sitofp %sub3A_1312 : vector<16xi32> to vector<16xf32>
      %div3A_1314 = arith.constant 1.000000e+00 : f32
      %div3A_1315 = vector.broadcast %div3A_1314 : f32 to vector<16xf32>
      %div3A_1316 = arith.divf %div3A_1315, %convert_element_type3A_1313 : vector<16xf32>
      %swap3A_1317 = arith.constant 32 : index
      %swap3A_1318 = tpu.vector_load %arg11[%swap3A_1317] {strides = array<i32>} : memref<112xf32, #tpu.memory_space<vmem>>, vector<16xf32>,
      tpu.vector_store %arg11[%swap3A_1317], %div3A_1316 {strides = array<i32>} : memref<112xf32, #tpu.memory_space<vmem>>, vector<16xf32>,
      %mul3A_1319 = arith.constant 112 : i32
      %mul3A_1320 = arith.muli %while3A_1181, %mul3A_1319 : i32
      %add3A_1321 = arith.constant 32 : i32
      %add3A_1322 = arith.addi %mul3A_1320, %add3A_1321 : i32
      %add3A_1323 = vector.broadcast %add3A_1322 : i32 to vector<16xi32>
      %add3A_1324 = arith.addi %iota3A, %add3A_1323 : vector<16xi32>
      %lt3A_1325 = vector.broadcast %sub3A_370 : i32 to vector<16xi32>
      %lt3A_1326 = arith.cmpi slt, %add3A_1324, %lt3A_1325 : vector<16xi32>
      %mul3A_1327 = arith.constant 4096 : i32
      %mul3A_1328 = arith.muli %add3A, %mul3A_1327 : i32
      %add3A_1329 = arith.addi %mul3A_1328, %add3A_1040 : i32
      %add3A_1330 = vector.broadcast %add3A_1329 : i32 to vector<16xi32>
      %add3A_1331 = arith.addi %add3A_1330, %add3A_1324 : vector<16xi32>
      %mul3A_1332 = arith.constant 2 : i32
      %mul3A_1333 = arith.muli %arg1, %mul3A_1332 : i32
      %add3A_1334 = vector.broadcast %mul3A_1333 : i32 to vector<16xi32>
      %add3A_1335 = arith.addi %add3A_1334, %iota3A : vector<16xi32>
      %and3A_1336 = arith.constant 7 : i32
      %and3A_1337 = vector.broadcast %and3A_1336 : i32 to vector<16xi32>
      %and3A_1338 = arith.andi %add3A_1335, %and3A_1337 : vector<16xi32>
      %add3A_1339 = arith.constant 32768 : i32
      %add3A_1340 = vector.broadcast %add3A_1339 : i32 to vector<16xi32>
      %add3A_1341 = arith.addi %add3A_1340, %and3A_1338 : vector<16xi32>
      %select_n3A_1342 = arith.select %lt3A_1326, %add3A_1331, %add3A_1341 : vector<16xi1>, vector<16xi32>
      %swap3A_1343 = arith.constant 0 : i32
      %swap3A_1344 = arith.index_cast %swap3A_1343 : i32 to index
      %swap3A_1345 = arith.constant 32 : index
      %swap3A_1346 = tpu.vector_load %arg10[%swap3A_1344, %swap3A_1345] {strides = array<i32>} : memref<1x112xi32, #tpu.memory_space<vmem>>, vector<16xi32>,
      tpu.vector_store %arg10[%swap3A_1344, %swap3A_1345], %select_n3A_1342 {strides = array<i32>} : memref<1x112xi32, #tpu.memory_space<vmem>>, vector<16xi32>,
      %mul3A_1347 = arith.constant 112 : i32
      %mul3A_1348 = arith.muli %while3A_1181, %mul3A_1347 : i32
      %add3A_1349 = arith.constant 48 : i32
      %add3A_1350 = arith.addi %mul3A_1348, %add3A_1349 : i32
      %add3A_1351 = vector.broadcast %add3A_1350 : i32 to vector<16xi32>
      %add3A_1352 = arith.addi %iota3A, %add3A_1351 : vector<16xi32>
      %gather3A_1353 = tpu.vector_load_idx %arg7[%add3A_1352] : memref<1040xi32, #tpu.memory_space<vmem>>[vector<16xi32>], vector<16xi32>,
      %mul3A_1354 = arith.constant 112 : i32
      %mul3A_1355 = arith.muli %while3A_1181, %mul3A_1354 : i32
      %add3A_1356 = arith.constant 48 : i32
      %add3A_1357 = arith.addi %mul3A_1355, %add3A_1356 : i32
      %add3A_1358 = arith.constant 1 : i32
      %add3A_1359 = arith.addi %add3A_1357, %add3A_1358 : i32
      %add3A_1360 = vector.broadcast %add3A_1359 : i32 to vector<16xi32>
      %add3A_1361 = arith.addi %iota3A, %add3A_1360 : vector<16xi32>
      %gather3A_1362 = tpu.vector_load_idx %arg7[%add3A_1361] : memref<1040xi32, #tpu.memory_space<vmem>>[vector<16xi32>], vector<16xi32>,
      %sub3A_1363 = arith.subi %gather3A_1362, %gather3A_1353 : vector<16xi32>
      %convert_element_type3A_1364 = arith.sitofp %sub3A_1363 : vector<16xi32> to vector<16xf32>
      %div3A_1365 = arith.constant 1.000000e+00 : f32
      %div3A_1366 = vector.broadcast %div3A_1365 : f32 to vector<16xf32>
      %div3A_1367 = arith.divf %div3A_1366, %convert_element_type3A_1364 : vector<16xf32>
      %swap3A_1368 = arith.constant 48 : index
      %swap3A_1369 = tpu.vector_load %arg11[%swap3A_1368] {strides = array<i32>} : memref<112xf32, #tpu.memory_space<vmem>>, vector<16xf32>,
      tpu.vector_store %arg11[%swap3A_1368], %div3A_1367 {strides = array<i32>} : memref<112xf32, #tpu.memory_space<vmem>>, vector<16xf32>,
      %mul3A_1370 = arith.constant 112 : i32
      %mul3A_1371 = arith.muli %while3A_1181, %mul3A_1370 : i32
      %add3A_1372 = arith.constant 48 : i32
      %add3A_1373 = arith.addi %mul3A_1371, %add3A_1372 : i32
      %add3A_1374 = vector.broadcast %add3A_1373 : i32 to vector<16xi32>
      %add3A_1375 = arith.addi %iota3A, %add3A_1374 : vector<16xi32>
      %lt3A_1376 = vector.broadcast %sub3A_370 : i32 to vector<16xi32>
      %lt3A_1377 = arith.cmpi slt, %add3A_1375, %lt3A_1376 : vector<16xi32>
      %mul3A_1378 = arith.constant 4096 : i32
      %mul3A_1379 = arith.muli %add3A, %mul3A_1378 : i32
      %add3A_1380 = arith.addi %mul3A_1379, %add3A_1040 : i32
      %add3A_1381 = vector.broadcast %add3A_1380 : i32 to vector<16xi32>
      %add3A_1382 = arith.addi %add3A_1381, %add3A_1375 : vector<16xi32>
      %mul3A_1383 = arith.constant 2 : i32
      %mul3A_1384 = arith.muli %arg1, %mul3A_1383 : i32
      %add3A_1385 = vector.broadcast %mul3A_1384 : i32 to vector<16xi32>
      %add3A_1386 = arith.addi %add3A_1385, %iota3A : vector<16xi32>
      %and3A_1387 = arith.constant 7 : i32
      %and3A_1388 = vector.broadcast %and3A_1387 : i32 to vector<16xi32>
      %and3A_1389 = arith.andi %add3A_1386, %and3A_1388 : vector<16xi32>
      %add3A_1390 = arith.constant 32768 : i32
      %add3A_1391 = vector.broadcast %add3A_1390 : i32 to vector<16xi32>
      %add3A_1392 = arith.addi %add3A_1391, %and3A_1389 : vector<16xi32>
      %select_n3A_1393 = arith.select %lt3A_1377, %add3A_1382, %add3A_1392 : vector<16xi1>, vector<16xi32>
      %swap3A_1394 = arith.constant 0 : i32
      %swap3A_1395 = arith.index_cast %swap3A_1394 : i32 to index
      %swap3A_1396 = arith.constant 48 : index
      %swap3A_1397 = tpu.vector_load %arg10[%swap3A_1395, %swap3A_1396] {strides = array<i32>} : memref<1x112xi32, #tpu.memory_space<vmem>>, vector<16xi32>,
      tpu.vector_store %arg10[%swap3A_1395, %swap3A_1396], %select_n3A_1393 {strides = array<i32>} : memref<1x112xi32, #tpu.memory_space<vmem>>, vector<16xi32>,
      %mul3A_1398 = arith.constant 112 : i32
      %mul3A_1399 = arith.muli %while3A_1181, %mul3A_1398 : i32
      %add3A_1400 = arith.constant 64 : i32
      %add3A_1401 = arith.addi %mul3A_1399, %add3A_1400 : i32
      %add3A_1402 = vector.broadcast %add3A_1401 : i32 to vector<16xi32>
      %add3A_1403 = arith.addi %iota3A, %add3A_1402 : vector<16xi32>
      %gather3A_1404 = tpu.vector_load_idx %arg7[%add3A_1403] : memref<1040xi32, #tpu.memory_space<vmem>>[vector<16xi32>], vector<16xi32>,
      %mul3A_1405 = arith.constant 112 : i32
      %mul3A_1406 = arith.muli %while3A_1181, %mul3A_1405 : i32
      %add3A_1407 = arith.constant 64 : i32
      %add3A_1408 = arith.addi %mul3A_1406, %add3A_1407 : i32
      %add3A_1409 = arith.constant 1 : i32
      %add3A_1410 = arith.addi %add3A_1408, %add3A_1409 : i32
      %add3A_1411 = vector.broadcast %add3A_1410 : i32 to vector<16xi32>
      %add3A_1412 = arith.addi %iota3A, %add3A_1411 : vector<16xi32>
      %gather3A_1413 = tpu.vector_load_idx %arg7[%add3A_1412] : memref<1040xi32, #tpu.memory_space<vmem>>[vector<16xi32>], vector<16xi32>,
      %sub3A_1414 = arith.subi %gather3A_1413, %gather3A_1404 : vector<16xi32>
      %convert_element_type3A_1415 = arith.sitofp %sub3A_1414 : vector<16xi32> to vector<16xf32>
      %div3A_1416 = arith.constant 1.000000e+00 : f32
      %div3A_1417 = vector.broadcast %div3A_1416 : f32 to vector<16xf32>
      %div3A_1418 = arith.divf %div3A_1417, %convert_element_type3A_1415 : vector<16xf32>
      %swap3A_1419 = arith.constant 64 : index
      %swap3A_1420 = tpu.vector_load %arg11[%swap3A_1419] {strides = array<i32>} : memref<112xf32, #tpu.memory_space<vmem>>, vector<16xf32>,
      tpu.vector_store %arg11[%swap3A_1419], %div3A_1418 {strides = array<i32>} : memref<112xf32, #tpu.memory_space<vmem>>, vector<16xf32>,
      %mul3A_1421 = arith.constant 112 : i32
      %mul3A_1422 = arith.muli %while3A_1181, %mul3A_1421 : i32
      %add3A_1423 = arith.constant 64 : i32
      %add3A_1424 = arith.addi %mul3A_1422, %add3A_1423 : i32
      %add3A_1425 = vector.broadcast %add3A_1424 : i32 to vector<16xi32>
      %add3A_1426 = arith.addi %iota3A, %add3A_1425 : vector<16xi32>
      %lt3A_1427 = vector.broadcast %sub3A_370 : i32 to vector<16xi32>
      %lt3A_1428 = arith.cmpi slt, %add3A_1426, %lt3A_1427 : vector<16xi32>
      %mul3A_1429 = arith.constant 4096 : i32
      %mul3A_1430 = arith.muli %add3A, %mul3A_1429 : i32
      %add3A_1431 = arith.addi %mul3A_1430, %add3A_1040 : i32
      %add3A_1432 = vector.broadcast %add3A_1431 : i32 to vector<16xi32>
      %add3A_1433 = arith.addi %add3A_1432, %add3A_1426 : vector<16xi32>
      %mul3A_1434 = arith.constant 2 : i32
      %mul3A_1435 = arith.muli %arg1, %mul3A_1434 : i32
      %add3A_1436 = vector.broadcast %mul3A_1435 : i32 to vector<16xi32>
      %add3A_1437 = arith.addi %add3A_1436, %iota3A : vector<16xi32>
      %and3A_1438 = arith.constant 7 : i32
      %and3A_1439 = vector.broadcast %and3A_1438 : i32 to vector<16xi32>
      %and3A_1440 = arith.andi %add3A_1437, %and3A_1439 : vector<16xi32>
      %add3A_1441 = arith.constant 32768 : i32
      %add3A_1442 = vector.broadcast %add3A_1441 : i32 to vector<16xi32>
      %add3A_1443 = arith.addi %add3A_1442, %and3A_1440 : vector<16xi32>
      %select_n3A_1444 = arith.select %lt3A_1428, %add3A_1433, %add3A_1443 : vector<16xi1>, vector<16xi32>
      %swap3A_1445 = arith.constant 0 : i32
      %swap3A_1446 = arith.index_cast %swap3A_1445 : i32 to index
      %swap3A_1447 = arith.constant 64 : index
      %swap3A_1448 = tpu.vector_load %arg10[%swap3A_1446, %swap3A_1447] {strides = array<i32>} : memref<1x112xi32, #tpu.memory_space<vmem>>, vector<16xi32>,
      tpu.vector_store %arg10[%swap3A_1446, %swap3A_1447], %select_n3A_1444 {strides = array<i32>} : memref<1x112xi32, #tpu.memory_space<vmem>>, vector<16xi32>,
      %mul3A_1449 = arith.constant 112 : i32
      %mul3A_1450 = arith.muli %while3A_1181, %mul3A_1449 : i32
      %add3A_1451 = arith.constant 80 : i32
      %add3A_1452 = arith.addi %mul3A_1450, %add3A_1451 : i32
      %add3A_1453 = vector.broadcast %add3A_1452 : i32 to vector<16xi32>
      %add3A_1454 = arith.addi %iota3A, %add3A_1453 : vector<16xi32>
      %gather3A_1455 = tpu.vector_load_idx %arg7[%add3A_1454] : memref<1040xi32, #tpu.memory_space<vmem>>[vector<16xi32>], vector<16xi32>,
      %mul3A_1456 = arith.constant 112 : i32
      %mul3A_1457 = arith.muli %while3A_1181, %mul3A_1456 : i32
      %add3A_1458 = arith.constant 80 : i32
      %add3A_1459 = arith.addi %mul3A_1457, %add3A_1458 : i32
      %add3A_1460 = arith.constant 1 : i32
      %add3A_1461 = arith.addi %add3A_1459, %add3A_1460 : i32
      %add3A_1462 = vector.broadcast %add3A_1461 : i32 to vector<16xi32>
      %add3A_1463 = arith.addi %iota3A, %add3A_1462 : vector<16xi32>
      %gather3A_1464 = tpu.vector_load_idx %arg7[%add3A_1463] : memref<1040xi32, #tpu.memory_space<vmem>>[vector<16xi32>], vector<16xi32>,
      %sub3A_1465 = arith.subi %gather3A_1464, %gather3A_1455 : vector<16xi32>
      %convert_element_type3A_1466 = arith.sitofp %sub3A_1465 : vector<16xi32> to vector<16xf32>
      %div3A_1467 = arith.constant 1.000000e+00 : f32
      %div3A_1468 = vector.broadcast %div3A_1467 : f32 to vector<16xf32>
      %div3A_1469 = arith.divf %div3A_1468, %convert_element_type3A_1466 : vector<16xf32>
      %swap3A_1470 = arith.constant 80 : index
      %swap3A_1471 = tpu.vector_load %arg11[%swap3A_1470] {strides = array<i32>} : memref<112xf32, #tpu.memory_space<vmem>>, vector<16xf32>,
      tpu.vector_store %arg11[%swap3A_1470], %div3A_1469 {strides = array<i32>} : memref<112xf32, #tpu.memory_space<vmem>>, vector<16xf32>,
      %mul3A_1472 = arith.constant 112 : i32
      %mul3A_1473 = arith.muli %while3A_1181, %mul3A_1472 : i32
      %add3A_1474 = arith.constant 80 : i32
      %add3A_1475 = arith.addi %mul3A_1473, %add3A_1474 : i32
      %add3A_1476 = vector.broadcast %add3A_1475 : i32 to vector<16xi32>
      %add3A_1477 = arith.addi %iota3A, %add3A_1476 : vector<16xi32>
      %lt3A_1478 = vector.broadcast %sub3A_370 : i32 to vector<16xi32>
      %lt3A_1479 = arith.cmpi slt, %add3A_1477, %lt3A_1478 : vector<16xi32>
      %mul3A_1480 = arith.constant 4096 : i32
      %mul3A_1481 = arith.muli %add3A, %mul3A_1480 : i32
      %add3A_1482 = arith.addi %mul3A_1481, %add3A_1040 : i32
      %add3A_1483 = vector.broadcast %add3A_1482 : i32 to vector<16xi32>
      %add3A_1484 = arith.addi %add3A_1483, %add3A_1477 : vector<16xi32>
      %mul3A_1485 = arith.constant 2 : i32
      %mul3A_1486 = arith.muli %arg1, %mul3A_1485 : i32
      %add3A_1487 = vector.broadcast %mul3A_1486 : i32 to vector<16xi32>
      %add3A_1488 = arith.addi %add3A_1487, %iota3A : vector<16xi32>
      %and3A_1489 = arith.constant 7 : i32
      %and3A_1490 = vector.broadcast %and3A_1489 : i32 to vector<16xi32>
      %and3A_1491 = arith.andi %add3A_1488, %and3A_1490 : vector<16xi32>
      %add3A_1492 = arith.constant 32768 : i32
      %add3A_1493 = vector.broadcast %add3A_1492 : i32 to vector<16xi32>
      %add3A_1494 = arith.addi %add3A_1493, %and3A_1491 : vector<16xi32>
      %select_n3A_1495 = arith.select %lt3A_1479, %add3A_1484, %add3A_1494 : vector<16xi1>, vector<16xi32>
      %swap3A_1496 = arith.constant 0 : i32
      %swap3A_1497 = arith.index_cast %swap3A_1496 : i32 to index
      %swap3A_1498 = arith.constant 80 : index
      %swap3A_1499 = tpu.vector_load %arg10[%swap3A_1497, %swap3A_1498] {strides = array<i32>} : memref<1x112xi32, #tpu.memory_space<vmem>>, vector<16xi32>,
      tpu.vector_store %arg10[%swap3A_1497, %swap3A_1498], %select_n3A_1495 {strides = array<i32>} : memref<1x112xi32, #tpu.memory_space<vmem>>, vector<16xi32>,
      %mul3A_1500 = arith.constant 112 : i32
      %mul3A_1501 = arith.muli %while3A_1181, %mul3A_1500 : i32
      %add3A_1502 = arith.constant 96 : i32
      %add3A_1503 = arith.addi %mul3A_1501, %add3A_1502 : i32
      %add3A_1504 = vector.broadcast %add3A_1503 : i32 to vector<16xi32>
      %add3A_1505 = arith.addi %iota3A, %add3A_1504 : vector<16xi32>
      %gather3A_1506 = tpu.vector_load_idx %arg7[%add3A_1505] : memref<1040xi32, #tpu.memory_space<vmem>>[vector<16xi32>], vector<16xi32>,
      %mul3A_1507 = arith.constant 112 : i32
      %mul3A_1508 = arith.muli %while3A_1181, %mul3A_1507 : i32
      %add3A_1509 = arith.constant 96 : i32
      %add3A_1510 = arith.addi %mul3A_1508, %add3A_1509 : i32
      %add3A_1511 = arith.constant 1 : i32
      %add3A_1512 = arith.addi %add3A_1510, %add3A_1511 : i32
      %add3A_1513 = vector.broadcast %add3A_1512 : i32 to vector<16xi32>
      %add3A_1514 = arith.addi %iota3A, %add3A_1513 : vector<16xi32>
      %gather3A_1515 = tpu.vector_load_idx %arg7[%add3A_1514] : memref<1040xi32, #tpu.memory_space<vmem>>[vector<16xi32>], vector<16xi32>,
      %sub3A_1516 = arith.subi %gather3A_1515, %gather3A_1506 : vector<16xi32>
      %convert_element_type3A_1517 = arith.sitofp %sub3A_1516 : vector<16xi32> to vector<16xf32>
      %div3A_1518 = arith.constant 1.000000e+00 : f32
      %div3A_1519 = vector.broadcast %div3A_1518 : f32 to vector<16xf32>
      %div3A_1520 = arith.divf %div3A_1519, %convert_element_type3A_1517 : vector<16xf32>
      %swap3A_1521 = arith.constant 96 : index
      %swap3A_1522 = tpu.vector_load %arg11[%swap3A_1521] {strides = array<i32>} : memref<112xf32, #tpu.memory_space<vmem>>, vector<16xf32>,
      tpu.vector_store %arg11[%swap3A_1521], %div3A_1520 {strides = array<i32>} : memref<112xf32, #tpu.memory_space<vmem>>, vector<16xf32>,
      %mul3A_1523 = arith.constant 112 : i32
      %mul3A_1524 = arith.muli %while3A_1181, %mul3A_1523 : i32
      %add3A_1525 = arith.constant 96 : i32
      %add3A_1526 = arith.addi %mul3A_1524, %add3A_1525 : i32
      %add3A_1527 = vector.broadcast %add3A_1526 : i32 to vector<16xi32>
      %add3A_1528 = arith.addi %iota3A, %add3A_1527 : vector<16xi32>
      %lt3A_1529 = vector.broadcast %sub3A_370 : i32 to vector<16xi32>
      %lt3A_1530 = arith.cmpi slt, %add3A_1528, %lt3A_1529 : vector<16xi32>
      %mul3A_1531 = arith.constant 4096 : i32
      %mul3A_1532 = arith.muli %add3A, %mul3A_1531 : i32
      %add3A_1533 = arith.addi %mul3A_1532, %add3A_1040 : i32
      %add3A_1534 = vector.broadcast %add3A_1533 : i32 to vector<16xi32>
      %add3A_1535 = arith.addi %add3A_1534, %add3A_1528 : vector<16xi32>
      %mul3A_1536 = arith.constant 2 : i32
      %mul3A_1537 = arith.muli %arg1, %mul3A_1536 : i32
      %add3A_1538 = vector.broadcast %mul3A_1537 : i32 to vector<16xi32>
      %add3A_1539 = arith.addi %add3A_1538, %iota3A : vector<16xi32>
      %and3A_1540 = arith.constant 7 : i32
      %and3A_1541 = vector.broadcast %and3A_1540 : i32 to vector<16xi32>
      %and3A_1542 = arith.andi %add3A_1539, %and3A_1541 : vector<16xi32>
      %add3A_1543 = arith.constant 32768 : i32
      %add3A_1544 = vector.broadcast %add3A_1543 : i32 to vector<16xi32>
      %add3A_1545 = arith.addi %add3A_1544, %and3A_1542 : vector<16xi32>
      %select_n3A_1546 = arith.select %lt3A_1530, %add3A_1535, %add3A_1545 : vector<16xi1>, vector<16xi32>
      %swap3A_1547 = arith.constant 0 : i32
      %swap3A_1548 = arith.index_cast %swap3A_1547 : i32 to index
      %swap3A_1549 = arith.constant 96 : index
      %swap3A_1550 = tpu.vector_load %arg10[%swap3A_1548, %swap3A_1549] {strides = array<i32>} : memref<1x112xi32, #tpu.memory_space<vmem>>, vector<16xi32>,
      tpu.vector_store %arg10[%swap3A_1548, %swap3A_1549], %select_n3A_1546 {strides = array<i32>} : memref<1x112xi32, #tpu.memory_space<vmem>>, vector<16xi32>,
      %scan3A_1551 = arith.constant 0 : i32
      %scan3A_1552 = arith.constant 0 : i32
      %scan3A_1553 = arith.constant 112 : i32
      %scan3A_1554 = arith.addi %scan3A_1552, %scan3A_1553 : i32
      %scan3A_1555 = arith.constant 1 : i32
      %scan3A_1556 = scf.for %scan3A_1573 = %scan3A_1552 to %scan3A_1554 step %scan3A_1555 iter_args(%scan3A_1574 = %scan3A_1551) -> (i32)  : i32 {
        %mul3A_1575 = arith.constant 0 : i32
        %mul3A_1576 = vector.broadcast %mul3A_1575 : i32 to vector<16xi32>
        %mul3A_1577 = arith.muli %iota3A, %mul3A_1576 : vector<16xi32>
        %add3A_1578 = vector.broadcast %scan3A_1573 : i32 to vector<16xi32>
        %add3A_1579 = arith.addi %mul3A_1577, %add3A_1578 : vector<16xi32>
        %gather3A_1580 = tpu.vector_load_idx %arg11[%add3A_1579] : memref<112xf32, #tpu.memory_space<vmem>>[vector<16xi32>], vector<16xf32>,
        %add3A_1581 = arith.constant 1 : i32
        %add3A_1582 = arith.addi %scan3A_1573, %add3A_1581 : i32
        %get3A_1583 = arith.index_cast %add3A_1582 : i32 to index
        %get3A_1584 = arith.constant 0 : index
        %get3A_1585 = tpu.vector_load %arg8[%get3A_1583, %get3A_1584] {strides = array<i32>} : memref<113x512xf32, #tpu.memory_space<vmem>>, vector<16xf32>,
        %get3A_1586 = arith.index_cast %scan3A_1573 : i32 to index
        %get3A_1587 = arith.constant 0 : index
        %get3A_1588 = tpu.vector_load %arg8[%get3A_1586, %get3A_1587] {strides = array<i32>} : memref<113x512xf32, #tpu.memory_space<vmem>>, vector<16xf32>,
        %sub3A_1589 = arith.subf %get3A_1585, %get3A_1588 : vector<16xf32>
        %mul3A_1590 = arith.mulf %sub3A_1589, %gather3A_1580 : vector<16xf32>
        %get3A_1591 = arith.constant 0 : index
        %get3A_1592 = tpu.vector_load %arg14[%get3A_1591] {strides = array<i32>} : memref<512xf32, #tpu.memory_space<vmem>>, vector<16xf32>,
        %add3A_1593 = arith.addf %mul3A_1590, %get3A_1592 : vector<16xf32>
        %swap3A_1594 = arith.index_cast %scan3A_1573 : i32 to index
        %swap3A_1595 = arith.constant 0 : index
        %swap3A_1596 = tpu.vector_load %arg9[%swap3A_1594, %swap3A_1595] {strides = array<i32>} : memref<112x512xf32, #tpu.memory_space<vmem>>, vector<16xf32>,
        tpu.vector_store %arg9[%swap3A_1594, %swap3A_1595], %add3A_1593 {strides = array<i32>} : memref<112x512xf32, #tpu.memory_space<vmem>>, vector<16xf32>,
        %add3A_1597 = arith.constant 1 : i32
        %add3A_1598 = arith.addi %scan3A_1573, %add3A_1597 : i32
        %get3A_1599 = arith.index_cast %add3A_1598 : i32 to index
        %get3A_1600 = arith.constant 16 : index
        %get3A_1601 = tpu.vector_load %arg8[%get3A_1599, %get3A_1600] {strides = array<i32>} : memref<113x512xf32, #tpu.memory_space<vmem>>, vector<16xf32>,
        %get3A_1602 = arith.index_cast %scan3A_1573 : i32 to index
        %get3A_1603 = arith.constant 16 : index
        %get3A_1604 = tpu.vector_load %arg8[%get3A_1602, %get3A_1603] {strides = array<i32>} : memref<113x512xf32, #tpu.memory_space<vmem>>, vector<16xf32>,
        %sub3A_1605 = arith.subf %get3A_1601, %get3A_1604 : vector<16xf32>
        %mul3A_1606 = arith.mulf %sub3A_1605, %gather3A_1580 : vector<16xf32>
        %get3A_1607 = arith.constant 16 : index
        %get3A_1608 = tpu.vector_load %arg14[%get3A_1607] {strides = array<i32>} : memref<512xf32, #tpu.memory_space<vmem>>, vector<16xf32>,
        %add3A_1609 = arith.addf %mul3A_1606, %get3A_1608 : vector<16xf32>
        %swap3A_1610 = arith.index_cast %scan3A_1573 : i32 to index
        %swap3A_1611 = arith.constant 16 : index
        %swap3A_1612 = tpu.vector_load %arg9[%swap3A_1610, %swap3A_1611] {strides = array<i32>} : memref<112x512xf32, #tpu.memory_space<vmem>>, vector<16xf32>,
        tpu.vector_store %arg9[%swap3A_1610, %swap3A_1611], %add3A_1609 {strides = array<i32>} : memref<112x512xf32, #tpu.memory_space<vmem>>, vector<16xf32>,
        %add3A_1613 = arith.constant 1 : i32
        %add3A_1614 = arith.addi %scan3A_1573, %add3A_1613 : i32
        %get3A_1615 = arith.index_cast %add3A_1614 : i32 to index
        %get3A_1616 = arith.constant 32 : index
        %get3A_1617 = tpu.vector_load %arg8[%get3A_1615, %get3A_1616] {strides = array<i32>} : memref<113x512xf32, #tpu.memory_space<vmem>>, vector<16xf32>,
        %get3A_1618 = arith.index_cast %scan3A_1573 : i32 to index
        %get3A_1619 = arith.constant 32 : index
        %get3A_1620 = tpu.vector_load %arg8[%get3A_1618, %get3A_1619] {strides = array<i32>} : memref<113x512xf32, #tpu.memory_space<vmem>>, vector<16xf32>,
        %sub3A_1621 = arith.subf %get3A_1617, %get3A_1620 : vector<16xf32>
        %mul3A_1622 = arith.mulf %sub3A_1621, %gather3A_1580 : vector<16xf32>
        %get3A_1623 = arith.constant 32 : index
        %get3A_1624 = tpu.vector_load %arg14[%get3A_1623] {strides = array<i32>} : memref<512xf32, #tpu.memory_space<vmem>>, vector<16xf32>,
        %add3A_1625 = arith.addf %mul3A_1622, %get3A_1624 : vector<16xf32>
        %swap3A_1626 = arith.index_cast %scan3A_1573 : i32 to index
        %swap3A_1627 = arith.constant 32 : index
        %swap3A_1628 = tpu.vector_load %arg9[%swap3A_1626, %swap3A_1627] {strides = array<i32>} : memref<112x512xf32, #tpu.memory_space<vmem>>, vector<16xf32>,
        tpu.vector_store %arg9[%swap3A_1626, %swap3A_1627], %add3A_1625 {strides = array<i32>} : memref<112x512xf32, #tpu.memory_space<vmem>>, vector<16xf32>,
        %add3A_1629 = arith.constant 1 : i32
        %add3A_1630 = arith.addi %scan3A_1573, %add3A_1629 : i32
        %get3A_1631 = arith.index_cast %add3A_1630 : i32 to index
        %get3A_1632 = arith.constant 48 : index
        %get3A_1633 = tpu.vector_load %arg8[%get3A_1631, %get3A_1632] {strides = array<i32>} : memref<113x512xf32, #tpu.memory_space<vmem>>, vector<16xf32>,
        %get3A_1634 = arith.index_cast %scan3A_1573 : i32 to index
        %get3A_1635 = arith.constant 48 : index
        %get3A_1636 = tpu.vector_load %arg8[%get3A_1634, %get3A_1635] {strides = array<i32>} : memref<113x512xf32, #tpu.memory_space<vmem>>, vector<16xf32>,
        %sub3A_1637 = arith.subf %get3A_1633, %get3A_1636 : vector<16xf32>
        %mul3A_1638 = arith.mulf %sub3A_1637, %gather3A_1580 : vector<16xf32>
        %get3A_1639 = arith.constant 48 : index
        %get3A_1640 = tpu.vector_load %arg14[%get3A_1639] {strides = array<i32>} : memref<512xf32, #tpu.memory_space<vmem>>, vector<16xf32>,
        %add3A_1641 = arith.addf %mul3A_1638, %get3A_1640 : vector<16xf32>
        %swap3A_1642 = arith.index_cast %scan3A_1573 : i32 to index
        %swap3A_1643 = arith.constant 48 : index
        %swap3A_1644 = tpu.vector_load %arg9[%swap3A_1642, %swap3A_1643] {strides = array<i32>} : memref<112x512xf32, #tpu.memory_space<vmem>>, vector<16xf32>,
        tpu.vector_store %arg9[%swap3A_1642, %swap3A_1643], %add3A_1641 {strides = array<i32>} : memref<112x512xf32, #tpu.memory_space<vmem>>, vector<16xf32>,
        %add3A_1645 = arith.constant 1 : i32
        %add3A_1646 = arith.addi %scan3A_1573, %add3A_1645 : i32
        %get3A_1647 = arith.index_cast %add3A_1646 : i32 to index
        %get3A_1648 = arith.constant 64 : index
        %get3A_1649 = tpu.vector_load %arg8[%get3A_1647, %get3A_1648] {strides = array<i32>} : memref<113x512xf32, #tpu.memory_space<vmem>>, vector<16xf32>,
        %get3A_1650 = arith.index_cast %scan3A_1573 : i32 to index
        %get3A_1651 = arith.constant 64 : index
        %get3A_1652 = tpu.vector_load %arg8[%get3A_1650, %get3A_1651] {strides = array<i32>} : memref<113x512xf32, #tpu.memory_space<vmem>>, vector<16xf32>,
        %sub3A_1653 = arith.subf %get3A_1649, %get3A_1652 : vector<16xf32>
        %mul3A_1654 = arith.mulf %sub3A_1653, %gather3A_1580 : vector<16xf32>
        %get3A_1655 = arith.constant 64 : index
        %get3A_1656 = tpu.vector_load %arg14[%get3A_1655] {strides = array<i32>} : memref<512xf32, #tpu.memory_space<vmem>>, vector<16xf32>,
        %add3A_1657 = arith.addf %mul3A_1654, %get3A_1656 : vector<16xf32>
        %swap3A_1658 = arith.index_cast %scan3A_1573 : i32 to index
        %swap3A_1659 = arith.constant 64 : index
        %swap3A_1660 = tpu.vector_load %arg9[%swap3A_1658, %swap3A_1659] {strides = array<i32>} : memref<112x512xf32, #tpu.memory_space<vmem>>, vector<16xf32>,
        tpu.vector_store %arg9[%swap3A_1658, %swap3A_1659], %add3A_1657 {strides = array<i32>} : memref<112x512xf32, #tpu.memory_space<vmem>>, vector<16xf32>,
        %add3A_1661 = arith.constant 1 : i32
        %add3A_1662 = arith.addi %scan3A_1573, %add3A_1661 : i32
        %get3A_1663 = arith.index_cast %add3A_1662 : i32 to index
        %get3A_1664 = arith.constant 80 : index
        %get3A_1665 = tpu.vector_load %arg8[%get3A_1663, %get3A_1664] {strides = array<i32>} : memref<113x512xf32, #tpu.memory_space<vmem>>, vector<16xf32>,
        %get3A_1666 = arith.index_cast %scan3A_1573 : i32 to index
        %get3A_1667 = arith.constant 80 : index
        %get3A_1668 = tpu.vector_load %arg8[%get3A_1666, %get3A_1667] {strides = array<i32>} : memref<113x512xf32, #tpu.memory_space<vmem>>, vector<16xf32>,
        %sub3A_1669 = arith.subf %get3A_1665, %get3A_1668 : vector<16xf32>
        %mul3A_1670 = arith.mulf %sub3A_1669, %gather3A_1580 : vector<16xf32>
        %get3A_1671 = arith.constant 80 : index
        %get3A_1672 = tpu.vector_load %arg14[%get3A_1671] {strides = array<i32>} : memref<512xf32, #tpu.memory_space<vmem>>, vector<16xf32>,
        %add3A_1673 = arith.addf %mul3A_1670, %get3A_1672 : vector<16xf32>
        %swap3A_1674 = arith.index_cast %scan3A_1573 : i32 to index
        %swap3A_1675 = arith.constant 80 : index
        %swap3A_1676 = tpu.vector_load %arg9[%swap3A_1674, %swap3A_1675] {strides = array<i32>} : memref<112x512xf32, #tpu.memory_space<vmem>>, vector<16xf32>,
        tpu.vector_store %arg9[%swap3A_1674, %swap3A_1675], %add3A_1673 {strides = array<i32>} : memref<112x512xf32, #tpu.memory_space<vmem>>, vector<16xf32>,
        %add3A_1677 = arith.constant 1 : i32
        %add3A_1678 = arith.addi %scan3A_1573, %add3A_1677 : i32
        %get3A_1679 = arith.index_cast %add3A_1678 : i32 to index
        %get3A_1680 = arith.constant 96 : index
        %get3A_1681 = tpu.vector_load %arg8[%get3A_1679, %get3A_1680] {strides = array<i32>} : memref<113x512xf32, #tpu.memory_space<vmem>>, vector<16xf32>,
        %get3A_1682 = arith.index_cast %scan3A_1573 : i32 to index
        %get3A_1683 = arith.constant 96 : index
        %get3A_1684 = tpu.vector_load %arg8[%get3A_1682, %get3A_1683] {strides = array<i32>} : memref<113x512xf32, #tpu.memory_space<vmem>>, vector<16xf32>,
        %sub3A_1685 = arith.subf %get3A_1681, %get3A_1684 : vector<16xf32>
        %mul3A_1686 = arith.mulf %sub3A_1685, %gather3A_1580 : vector<16xf32>
        %get3A_1687 = arith.constant 96 : index
        %get3A_1688 = tpu.vector_load %arg14[%get3A_1687] {strides = array<i32>} : memref<512xf32, #tpu.memory_space<vmem>>, vector<16xf32>,
        %add3A_1689 = arith.addf %mul3A_1686, %get3A_1688 : vector<16xf32>
        %swap3A_1690 = arith.index_cast %scan3A_1573 : i32 to index
        %swap3A_1691 = arith.constant 96 : index
        %swap3A_1692 = tpu.vector_load %arg9[%swap3A_1690, %swap3A_1691] {strides = array<i32>} : memref<112x512xf32, #tpu.memory_space<vmem>>, vector<16xf32>,
        tpu.vector_store %arg9[%swap3A_1690, %swap3A_1691], %add3A_1689 {strides = array<i32>} : memref<112x512xf32, #tpu.memory_space<vmem>>, vector<16xf32>,
        %add3A_1693 = arith.constant 1 : i32
        %add3A_1694 = arith.addi %scan3A_1573, %add3A_1693 : i32
        %get3A_1695 = arith.index_cast %add3A_1694 : i32 to index
        %get3A_1696 = arith.constant 112 : index
        %get3A_1697 = tpu.vector_load %arg8[%get3A_1695, %get3A_1696] {strides = array<i32>} : memref<113x512xf32, #tpu.memory_space<vmem>>, vector<16xf32>,
        %get3A_1698 = arith.index_cast %scan3A_1573 : i32 to index
        %get3A_1699 = arith.constant 112 : index
        %get3A_1700 = tpu.vector_load %arg8[%get3A_1698, %get3A_1699] {strides = array<i32>} : memref<113x512xf32, #tpu.memory_space<vmem>>, vector<16xf32>,
        %sub3A_1701 = arith.subf %get3A_1697, %get3A_1700 : vector<16xf32>
        %mul3A_1702 = arith.mulf %sub3A_1701, %gather3A_1580 : vector<16xf32>
        %get3A_1703 = arith.constant 112 : index
        %get3A_1704 = tpu.vector_load %arg14[%get3A_1703] {strides = array<i32>} : memref<512xf32, #tpu.memory_space<vmem>>, vector<16xf32>,
        %add3A_1705 = arith.addf %mul3A_1702, %get3A_1704 : vector<16xf32>
        %swap3A_1706 = arith.index_cast %scan3A_1573 : i32 to index
        %swap3A_1707 = arith.constant 112 : index
        %swap3A_1708 = tpu.vector_load %arg9[%swap3A_1706, %swap3A_1707] {strides = array<i32>} : memref<112x512xf32, #tpu.memory_space<vmem>>, vector<16xf32>,
        tpu.vector_store %arg9[%swap3A_1706, %swap3A_1707], %add3A_1705 {strides = array<i32>} : memref<112x512xf32, #tpu.memory_space<vmem>>, vector<16xf32>,
        %add3A_1709 = arith.constant 1 : i32
        %add3A_1710 = arith.addi %scan3A_1573, %add3A_1709 : i32
        %get3A_1711 = arith.index_cast %add3A_1710 : i32 to index
        %get3A_1712 = arith.constant 128 : index
        %get3A_1713 = tpu.vector_load %arg8[%get3A_1711, %get3A_1712] {strides = array<i32>} : memref<113x512xf32, #tpu.memory_space<vmem>>, vector<16xf32>,
        %get3A_1714 = arith.index_cast %scan3A_1573 : i32 to index
        %get3A_1715 = arith.constant 128 : index
        %get3A_1716 = tpu.vector_load %arg8[%get3A_1714, %get3A_1715] {strides = array<i32>} : memref<113x512xf32, #tpu.memory_space<vmem>>, vector<16xf32>,
        %sub3A_1717 = arith.subf %get3A_1713, %get3A_1716 : vector<16xf32>
        %mul3A_1718 = arith.mulf %sub3A_1717, %gather3A_1580 : vector<16xf32>
        %get3A_1719 = arith.constant 128 : index
        %get3A_1720 = tpu.vector_load %arg14[%get3A_1719] {strides = array<i32>} : memref<512xf32, #tpu.memory_space<vmem>>, vector<16xf32>,
        %add3A_1721 = arith.addf %mul3A_1718, %get3A_1720 : vector<16xf32>
        %swap3A_1722 = arith.index_cast %scan3A_1573 : i32 to index
        %swap3A_1723 = arith.constant 128 : index
        %swap3A_1724 = tpu.vector_load %arg9[%swap3A_1722, %swap3A_1723] {strides = array<i32>} : memref<112x512xf32, #tpu.memory_space<vmem>>, vector<16xf32>,
        tpu.vector_store %arg9[%swap3A_1722, %swap3A_1723], %add3A_1721 {strides = array<i32>} : memref<112x512xf32, #tpu.memory_space<vmem>>, vector<16xf32>,
        %add3A_1725 = arith.constant 1 : i32
        %add3A_1726 = arith.addi %scan3A_1573, %add3A_1725 : i32
        %get3A_1727 = arith.index_cast %add3A_1726 : i32 to index
        %get3A_1728 = arith.constant 144 : index
        %get3A_1729 = tpu.vector_load %arg8[%get3A_1727, %get3A_1728] {strides = array<i32>} : memref<113x512xf32, #tpu.memory_space<vmem>>, vector<16xf32>,
        %get3A_1730 = arith.index_cast %scan3A_1573 : i32 to index
        %get3A_1731 = arith.constant 144 : index
        %get3A_1732 = tpu.vector_load %arg8[%get3A_1730, %get3A_1731] {strides = array<i32>} : memref<113x512xf32, #tpu.memory_space<vmem>>, vector<16xf32>,
        %sub3A_1733 = arith.subf %get3A_1729, %get3A_1732 : vector<16xf32>
        %mul3A_1734 = arith.mulf %sub3A_1733, %gather3A_1580 : vector<16xf32>
        %get3A_1735 = arith.constant 144 : index
        %get3A_1736 = tpu.vector_load %arg14[%get3A_1735] {strides = array<i32>} : memref<512xf32, #tpu.memory_space<vmem>>, vector<16xf32>,
        %add3A_1737 = arith.addf %mul3A_1734, %get3A_1736 : vector<16xf32>
        %swap3A_1738 = arith.index_cast %scan3A_1573 : i32 to index
        %swap3A_1739 = arith.constant 144 : index
        %swap3A_1740 = tpu.vector_load %arg9[%swap3A_1738, %swap3A_1739] {strides = array<i32>} : memref<112x512xf32, #tpu.memory_space<vmem>>, vector<16xf32>,
        tpu.vector_store %arg9[%swap3A_1738, %swap3A_1739], %add3A_1737 {strides = array<i32>} : memref<112x512xf32, #tpu.memory_space<vmem>>, vector<16xf32>,
        %add3A_1741 = arith.constant 1 : i32
        %add3A_1742 = arith.addi %scan3A_1573, %add3A_1741 : i32
        %get3A_1743 = arith.index_cast %add3A_1742 : i32 to index
        %get3A_1744 = arith.constant 160 : index
        %get3A_1745 = tpu.vector_load %arg8[%get3A_1743, %get3A_1744] {strides = array<i32>} : memref<113x512xf32, #tpu.memory_space<vmem>>, vector<16xf32>,
        %get3A_1746 = arith.index_cast %scan3A_1573 : i32 to index
        %get3A_1747 = arith.constant 160 : index
        %get3A_1748 = tpu.vector_load %arg8[%get3A_1746, %get3A_1747] {strides = array<i32>} : memref<113x512xf32, #tpu.memory_space<vmem>>, vector<16xf32>,
        %sub3A_1749 = arith.subf %get3A_1745, %get3A_1748 : vector<16xf32>
        %mul3A_1750 = arith.mulf %sub3A_1749, %gather3A_1580 : vector<16xf32>
        %get3A_1751 = arith.constant 160 : index
        %get3A_1752 = tpu.vector_load %arg14[%get3A_1751] {strides = array<i32>} : memref<512xf32, #tpu.memory_space<vmem>>, vector<16xf32>,
        %add3A_1753 = arith.addf %mul3A_1750, %get3A_1752 : vector<16xf32>
        %swap3A_1754 = arith.index_cast %scan3A_1573 : i32 to index
        %swap3A_1755 = arith.constant 160 : index
        %swap3A_1756 = tpu.vector_load %arg9[%swap3A_1754, %swap3A_1755] {strides = array<i32>} : memref<112x512xf32, #tpu.memory_space<vmem>>, vector<16xf32>,
        tpu.vector_store %arg9[%swap3A_1754, %swap3A_1755], %add3A_1753 {strides = array<i32>} : memref<112x512xf32, #tpu.memory_space<vmem>>, vector<16xf32>,
        %add3A_1757 = arith.constant 1 : i32
        %add3A_1758 = arith.addi %scan3A_1573, %add3A_1757 : i32
        %get3A_1759 = arith.index_cast %add3A_1758 : i32 to index
        %get3A_1760 = arith.constant 176 : index
        %get3A_1761 = tpu.vector_load %arg8[%get3A_1759, %get3A_1760] {strides = array<i32>} : memref<113x512xf32, #tpu.memory_space<vmem>>, vector<16xf32>,
        %get3A_1762 = arith.index_cast %scan3A_1573 : i32 to index
        %get3A_1763 = arith.constant 176 : index
        %get3A_1764 = tpu.vector_load %arg8[%get3A_1762, %get3A_1763] {strides = array<i32>} : memref<113x512xf32, #tpu.memory_space<vmem>>, vector<16xf32>,
        %sub3A_1765 = arith.subf %get3A_1761, %get3A_1764 : vector<16xf32>
        %mul3A_1766 = arith.mulf %sub3A_1765, %gather3A_1580 : vector<16xf32>
        %get3A_1767 = arith.constant 176 : index
        %get3A_1768 = tpu.vector_load %arg14[%get3A_1767] {strides = array<i32>} : memref<512xf32, #tpu.memory_space<vmem>>, vector<16xf32>,
        %add3A_1769 = arith.addf %mul3A_1766, %get3A_1768 : vector<16xf32>
        %swap3A_1770 = arith.index_cast %scan3A_1573 : i32 to index
        %swap3A_1771 = arith.constant 176 : index
        %swap3A_1772 = tpu.vector_load %arg9[%swap3A_1770, %swap3A_1771] {strides = array<i32>} : memref<112x512xf32, #tpu.memory_space<vmem>>, vector<16xf32>,
        tpu.vector_store %arg9[%swap3A_1770, %swap3A_1771], %add3A_1769 {strides = array<i32>} : memref<112x512xf32, #tpu.memory_space<vmem>>, vector<16xf32>,
        %add3A_1773 = arith.constant 1 : i32
        %add3A_1774 = arith.addi %scan3A_1573, %add3A_1773 : i32
        %get3A_1775 = arith.index_cast %add3A_1774 : i32 to index
        %get3A_1776 = arith.constant 192 : index
        %get3A_1777 = tpu.vector_load %arg8[%get3A_1775, %get3A_1776] {strides = array<i32>} : memref<113x512xf32, #tpu.memory_space<vmem>>, vector<16xf32>,
        %get3A_1778 = arith.index_cast %scan3A_1573 : i32 to index
        %get3A_1779 = arith.constant 192 : index
        %get3A_1780 = tpu.vector_load %arg8[%get3A_1778, %get3A_1779] {strides = array<i32>} : memref<113x512xf32, #tpu.memory_space<vmem>>, vector<16xf32>,
        %sub3A_1781 = arith.subf %get3A_1777, %get3A_1780 : vector<16xf32>
        %mul3A_1782 = arith.mulf %sub3A_1781, %gather3A_1580 : vector<16xf32>
        %get3A_1783 = arith.constant 192 : index
        %get3A_1784 = tpu.vector_load %arg14[%get3A_1783] {strides = array<i32>} : memref<512xf32, #tpu.memory_space<vmem>>, vector<16xf32>,
        %add3A_1785 = arith.addf %mul3A_1782, %get3A_1784 : vector<16xf32>
        %swap3A_1786 = arith.index_cast %scan3A_1573 : i32 to index
        %swap3A_1787 = arith.constant 192 : index
        %swap3A_1788 = tpu.vector_load %arg9[%swap3A_1786, %swap3A_1787] {strides = array<i32>} : memref<112x512xf32, #tpu.memory_space<vmem>>, vector<16xf32>,
        tpu.vector_store %arg9[%swap3A_1786, %swap3A_1787], %add3A_1785 {strides = array<i32>} : memref<112x512xf32, #tpu.memory_space<vmem>>, vector<16xf32>,
        %add3A_1789 = arith.constant 1 : i32
        %add3A_1790 = arith.addi %scan3A_1573, %add3A_1789 : i32
        %get3A_1791 = arith.index_cast %add3A_1790 : i32 to index
        %get3A_1792 = arith.constant 208 : index
        %get3A_1793 = tpu.vector_load %arg8[%get3A_1791, %get3A_1792] {strides = array<i32>} : memref<113x512xf32, #tpu.memory_space<vmem>>, vector<16xf32>,
        %get3A_1794 = arith.index_cast %scan3A_1573 : i32 to index
        %get3A_1795 = arith.constant 208 : index
        %get3A_1796 = tpu.vector_load %arg8[%get3A_1794, %get3A_1795] {strides = array<i32>} : memref<113x512xf32, #tpu.memory_space<vmem>>, vector<16xf32>,
        %sub3A_1797 = arith.subf %get3A_1793, %get3A_1796 : vector<16xf32>
        %mul3A_1798 = arith.mulf %sub3A_1797, %gather3A_1580 : vector<16xf32>
        %get3A_1799 = arith.constant 208 : index
        %get3A_1800 = tpu.vector_load %arg14[%get3A_1799] {strides = array<i32>} : memref<512xf32, #tpu.memory_space<vmem>>, vector<16xf32>,
        %add3A_1801 = arith.addf %mul3A_1798, %get3A_1800 : vector<16xf32>
        %swap3A_1802 = arith.index_cast %scan3A_1573 : i32 to index
        %swap3A_1803 = arith.constant 208 : index
        %swap3A_1804 = tpu.vector_load %arg9[%swap3A_1802, %swap3A_1803] {strides = array<i32>} : memref<112x512xf32, #tpu.memory_space<vmem>>, vector<16xf32>,
        tpu.vector_store %arg9[%swap3A_1802, %swap3A_1803], %add3A_1801 {strides = array<i32>} : memref<112x512xf32, #tpu.memory_space<vmem>>, vector<16xf32>,
        %add3A_1805 = arith.constant 1 : i32
        %add3A_1806 = arith.addi %scan3A_1573, %add3A_1805 : i32
        %get3A_1807 = arith.index_cast %add3A_1806 : i32 to index
        %get3A_1808 = arith.constant 224 : index
        %get3A_1809 = tpu.vector_load %arg8[%get3A_1807, %get3A_1808] {strides = array<i32>} : memref<113x512xf32, #tpu.memory_space<vmem>>, vector<16xf32>,
        %get3A_1810 = arith.index_cast %scan3A_1573 : i32 to index
        %get3A_1811 = arith.constant 224 : index
        %get3A_1812 = tpu.vector_load %arg8[%get3A_1810, %get3A_1811] {strides = array<i32>} : memref<113x512xf32, #tpu.memory_space<vmem>>, vector<16xf32>,
        %sub3A_1813 = arith.subf %get3A_1809, %get3A_1812 : vector<16xf32>
        %mul3A_1814 = arith.mulf %sub3A_1813, %gather3A_1580 : vector<16xf32>
        %get3A_1815 = arith.constant 224 : index
        %get3A_1816 = tpu.vector_load %arg14[%get3A_1815] {strides = array<i32>} : memref<512xf32, #tpu.memory_space<vmem>>, vector<16xf32>,
        %add3A_1817 = arith.addf %mul3A_1814, %get3A_1816 : vector<16xf32>
        %swap3A_1818 = arith.index_cast %scan3A_1573 : i32 to index
        %swap3A_1819 = arith.constant 224 : index
        %swap3A_1820 = tpu.vector_load %arg9[%swap3A_1818, %swap3A_1819] {strides = array<i32>} : memref<112x512xf32, #tpu.memory_space<vmem>>, vector<16xf32>,
        tpu.vector_store %arg9[%swap3A_1818, %swap3A_1819], %add3A_1817 {strides = array<i32>} : memref<112x512xf32, #tpu.memory_space<vmem>>, vector<16xf32>,
        %add3A_1821 = arith.constant 1 : i32
        %add3A_1822 = arith.addi %scan3A_1573, %add3A_1821 : i32
        %get3A_1823 = arith.index_cast %add3A_1822 : i32 to index
        %get3A_1824 = arith.constant 240 : index
        %get3A_1825 = tpu.vector_load %arg8[%get3A_1823, %get3A_1824] {strides = array<i32>} : memref<113x512xf32, #tpu.memory_space<vmem>>, vector<16xf32>,
        %get3A_1826 = arith.index_cast %scan3A_1573 : i32 to index
        %get3A_1827 = arith.constant 240 : index
        %get3A_1828 = tpu.vector_load %arg8[%get3A_1826, %get3A_1827] {strides = array<i32>} : memref<113x512xf32, #tpu.memory_space<vmem>>, vector<16xf32>,
        %sub3A_1829 = arith.subf %get3A_1825, %get3A_1828 : vector<16xf32>
        %mul3A_1830 = arith.mulf %sub3A_1829, %gather3A_1580 : vector<16xf32>
        %get3A_1831 = arith.constant 240 : index
        %get3A_1832 = tpu.vector_load %arg14[%get3A_1831] {strides = array<i32>} : memref<512xf32, #tpu.memory_space<vmem>>, vector<16xf32>,
        %add3A_1833 = arith.addf %mul3A_1830, %get3A_1832 : vector<16xf32>
        %swap3A_1834 = arith.index_cast %scan3A_1573 : i32 to index
        %swap3A_1835 = arith.constant 240 : index
        %swap3A_1836 = tpu.vector_load %arg9[%swap3A_1834, %swap3A_1835] {strides = array<i32>} : memref<112x512xf32, #tpu.memory_space<vmem>>, vector<16xf32>,
        tpu.vector_store %arg9[%swap3A_1834, %swap3A_1835], %add3A_1833 {strides = array<i32>} : memref<112x512xf32, #tpu.memory_space<vmem>>, vector<16xf32>,
        %add3A_1837 = arith.constant 1 : i32
        %add3A_1838 = arith.addi %scan3A_1573, %add3A_1837 : i32
        %get3A_1839 = arith.index_cast %add3A_1838 : i32 to index
        %get3A_1840 = arith.constant 256 : index
        %get3A_1841 = tpu.vector_load %arg8[%get3A_1839, %get3A_1840] {strides = array<i32>} : memref<113x512xf32, #tpu.memory_space<vmem>>, vector<16xf32>,
        %get3A_1842 = arith.index_cast %scan3A_1573 : i32 to index
        %get3A_1843 = arith.constant 256 : index
        %get3A_1844 = tpu.vector_load %arg8[%get3A_1842, %get3A_1843] {strides = array<i32>} : memref<113x512xf32, #tpu.memory_space<vmem>>, vector<16xf32>,
        %sub3A_1845 = arith.subf %get3A_1841, %get3A_1844 : vector<16xf32>
        %mul3A_1846 = arith.mulf %sub3A_1845, %gather3A_1580 : vector<16xf32>
        %get3A_1847 = arith.constant 256 : index
        %get3A_1848 = tpu.vector_load %arg14[%get3A_1847] {strides = array<i32>} : memref<512xf32, #tpu.memory_space<vmem>>, vector<16xf32>,
        %add3A_1849 = arith.addf %mul3A_1846, %get3A_1848 : vector<16xf32>
        %swap3A_1850 = arith.index_cast %scan3A_1573 : i32 to index
        %swap3A_1851 = arith.constant 256 : index
        %swap3A_1852 = tpu.vector_load %arg9[%swap3A_1850, %swap3A_1851] {strides = array<i32>} : memref<112x512xf32, #tpu.memory_space<vmem>>, vector<16xf32>,
        tpu.vector_store %arg9[%swap3A_1850, %swap3A_1851], %add3A_1849 {strides = array<i32>} : memref<112x512xf32, #tpu.memory_space<vmem>>, vector<16xf32>,
        %add3A_1853 = arith.constant 1 : i32
        %add3A_1854 = arith.addi %scan3A_1573, %add3A_1853 : i32
        %get3A_1855 = arith.index_cast %add3A_1854 : i32 to index
        %get3A_1856 = arith.constant 272 : index
        %get3A_1857 = tpu.vector_load %arg8[%get3A_1855, %get3A_1856] {strides = array<i32>} : memref<113x512xf32, #tpu.memory_space<vmem>>, vector<16xf32>,
        %get3A_1858 = arith.index_cast %scan3A_1573 : i32 to index
        %get3A_1859 = arith.constant 272 : index
        %get3A_1860 = tpu.vector_load %arg8[%get3A_1858, %get3A_1859] {strides = array<i32>} : memref<113x512xf32, #tpu.memory_space<vmem>>, vector<16xf32>,
        %sub3A_1861 = arith.subf %get3A_1857, %get3A_1860 : vector<16xf32>
        %mul3A_1862 = arith.mulf %sub3A_1861, %gather3A_1580 : vector<16xf32>
        %get3A_1863 = arith.constant 272 : index
        %get3A_1864 = tpu.vector_load %arg14[%get3A_1863] {strides = array<i32>} : memref<512xf32, #tpu.memory_space<vmem>>, vector<16xf32>,
        %add3A_1865 = arith.addf %mul3A_1862, %get3A_1864 : vector<16xf32>
        %swap3A_1866 = arith.index_cast %scan3A_1573 : i32 to index
        %swap3A_1867 = arith.constant 272 : index
        %swap3A_1868 = tpu.vector_load %arg9[%swap3A_1866, %swap3A_1867] {strides = array<i32>} : memref<112x512xf32, #tpu.memory_space<vmem>>, vector<16xf32>,
        tpu.vector_store %arg9[%swap3A_1866, %swap3A_1867], %add3A_1865 {strides = array<i32>} : memref<112x512xf32, #tpu.memory_space<vmem>>, vector<16xf32>,
        %add3A_1869 = arith.constant 1 : i32
        %add3A_1870 = arith.addi %scan3A_1573, %add3A_1869 : i32
        %get3A_1871 = arith.index_cast %add3A_1870 : i32 to index
        %get3A_1872 = arith.constant 288 : index
        %get3A_1873 = tpu.vector_load %arg8[%get3A_1871, %get3A_1872] {strides = array<i32>} : memref<113x512xf32, #tpu.memory_space<vmem>>, vector<16xf32>,
        %get3A_1874 = arith.index_cast %scan3A_1573 : i32 to index
        %get3A_1875 = arith.constant 288 : index
        %get3A_1876 = tpu.vector_load %arg8[%get3A_1874, %get3A_1875] {strides = array<i32>} : memref<113x512xf32, #tpu.memory_space<vmem>>, vector<16xf32>,
        %sub3A_1877 = arith.subf %get3A_1873, %get3A_1876 : vector<16xf32>
        %mul3A_1878 = arith.mulf %sub3A_1877, %gather3A_1580 : vector<16xf32>
        %get3A_1879 = arith.constant 288 : index
        %get3A_1880 = tpu.vector_load %arg14[%get3A_1879] {strides = array<i32>} : memref<512xf32, #tpu.memory_space<vmem>>, vector<16xf32>,
        %add3A_1881 = arith.addf %mul3A_1878, %get3A_1880 : vector<16xf32>
        %swap3A_1882 = arith.index_cast %scan3A_1573 : i32 to index
        %swap3A_1883 = arith.constant 288 : index
        %swap3A_1884 = tpu.vector_load %arg9[%swap3A_1882, %swap3A_1883] {strides = array<i32>} : memref<112x512xf32, #tpu.memory_space<vmem>>, vector<16xf32>,
        tpu.vector_store %arg9[%swap3A_1882, %swap3A_1883], %add3A_1881 {strides = array<i32>} : memref<112x512xf32, #tpu.memory_space<vmem>>, vector<16xf32>,
        %add3A_1885 = arith.constant 1 : i32
        %add3A_1886 = arith.addi %scan3A_1573, %add3A_1885 : i32
        %get3A_1887 = arith.index_cast %add3A_1886 : i32 to index
        %get3A_1888 = arith.constant 304 : index
        %get3A_1889 = tpu.vector_load %arg8[%get3A_1887, %get3A_1888] {strides = array<i32>} : memref<113x512xf32, #tpu.memory_space<vmem>>, vector<16xf32>,
        %get3A_1890 = arith.index_cast %scan3A_1573 : i32 to index
        %get3A_1891 = arith.constant 304 : index
        %get3A_1892 = tpu.vector_load %arg8[%get3A_1890, %get3A_1891] {strides = array<i32>} : memref<113x512xf32, #tpu.memory_space<vmem>>, vector<16xf32>,
        %sub3A_1893 = arith.subf %get3A_1889, %get3A_1892 : vector<16xf32>
        %mul3A_1894 = arith.mulf %sub3A_1893, %gather3A_1580 : vector<16xf32>
        %get3A_1895 = arith.constant 304 : index
        %get3A_1896 = tpu.vector_load %arg14[%get3A_1895] {strides = array<i32>} : memref<512xf32, #tpu.memory_space<vmem>>, vector<16xf32>,
        %add3A_1897 = arith.addf %mul3A_1894, %get3A_1896 : vector<16xf32>
        %swap3A_1898 = arith.index_cast %scan3A_1573 : i32 to index
        %swap3A_1899 = arith.constant 304 : index
        %swap3A_1900 = tpu.vector_load %arg9[%swap3A_1898, %swap3A_1899] {strides = array<i32>} : memref<112x512xf32, #tpu.memory_space<vmem>>, vector<16xf32>,
        tpu.vector_store %arg9[%swap3A_1898, %swap3A_1899], %add3A_1897 {strides = array<i32>} : memref<112x512xf32, #tpu.memory_space<vmem>>, vector<16xf32>,
        %add3A_1901 = arith.constant 1 : i32
        %add3A_1902 = arith.addi %scan3A_1573, %add3A_1901 : i32
        %get3A_1903 = arith.index_cast %add3A_1902 : i32 to index
        %get3A_1904 = arith.constant 320 : index
        %get3A_1905 = tpu.vector_load %arg8[%get3A_1903, %get3A_1904] {strides = array<i32>} : memref<113x512xf32, #tpu.memory_space<vmem>>, vector<16xf32>,
        %get3A_1906 = arith.index_cast %scan3A_1573 : i32 to index
        %get3A_1907 = arith.constant 320 : index
        %get3A_1908 = tpu.vector_load %arg8[%get3A_1906, %get3A_1907] {strides = array<i32>} : memref<113x512xf32, #tpu.memory_space<vmem>>, vector<16xf32>,
        %sub3A_1909 = arith.subf %get3A_1905, %get3A_1908 : vector<16xf32>
        %mul3A_1910 = arith.mulf %sub3A_1909, %gather3A_1580 : vector<16xf32>
        %get3A_1911 = arith.constant 320 : index
        %get3A_1912 = tpu.vector_load %arg14[%get3A_1911] {strides = array<i32>} : memref<512xf32, #tpu.memory_space<vmem>>, vector<16xf32>,
        %add3A_1913 = arith.addf %mul3A_1910, %get3A_1912 : vector<16xf32>
        %swap3A_1914 = arith.index_cast %scan3A_1573 : i32 to index
        %swap3A_1915 = arith.constant 320 : index
        %swap3A_1916 = tpu.vector_load %arg9[%swap3A_1914, %swap3A_1915] {strides = array<i32>} : memref<112x512xf32, #tpu.memory_space<vmem>>, vector<16xf32>,
        tpu.vector_store %arg9[%swap3A_1914, %swap3A_1915], %add3A_1913 {strides = array<i32>} : memref<112x512xf32, #tpu.memory_space<vmem>>, vector<16xf32>,
        %add3A_1917 = arith.constant 1 : i32
        %add3A_1918 = arith.addi %scan3A_1573, %add3A_1917 : i32
        %get3A_1919 = arith.index_cast %add3A_1918 : i32 to index
        %get3A_1920 = arith.constant 336 : index
        %get3A_1921 = tpu.vector_load %arg8[%get3A_1919, %get3A_1920] {strides = array<i32>} : memref<113x512xf32, #tpu.memory_space<vmem>>, vector<16xf32>,
        %get3A_1922 = arith.index_cast %scan3A_1573 : i32 to index
        %get3A_1923 = arith.constant 336 : index
        %get3A_1924 = tpu.vector_load %arg8[%get3A_1922, %get3A_1923] {strides = array<i32>} : memref<113x512xf32, #tpu.memory_space<vmem>>, vector<16xf32>,
        %sub3A_1925 = arith.subf %get3A_1921, %get3A_1924 : vector<16xf32>
        %mul3A_1926 = arith.mulf %sub3A_1925, %gather3A_1580 : vector<16xf32>
        %get3A_1927 = arith.constant 336 : index
        %get3A_1928 = tpu.vector_load %arg14[%get3A_1927] {strides = array<i32>} : memref<512xf32, #tpu.memory_space<vmem>>, vector<16xf32>,
        %add3A_1929 = arith.addf %mul3A_1926, %get3A_1928 : vector<16xf32>
        %swap3A_1930 = arith.index_cast %scan3A_1573 : i32 to index
        %swap3A_1931 = arith.constant 336 : index
        %swap3A_1932 = tpu.vector_load %arg9[%swap3A_1930, %swap3A_1931] {strides = array<i32>} : memref<112x512xf32, #tpu.memory_space<vmem>>, vector<16xf32>,
        tpu.vector_store %arg9[%swap3A_1930, %swap3A_1931], %add3A_1929 {strides = array<i32>} : memref<112x512xf32, #tpu.memory_space<vmem>>, vector<16xf32>,
        %add3A_1933 = arith.constant 1 : i32
        %add3A_1934 = arith.addi %scan3A_1573, %add3A_1933 : i32
        %get3A_1935 = arith.index_cast %add3A_1934 : i32 to index
        %get3A_1936 = arith.constant 352 : index
        %get3A_1937 = tpu.vector_load %arg8[%get3A_1935, %get3A_1936] {strides = array<i32>} : memref<113x512xf32, #tpu.memory_space<vmem>>, vector<16xf32>,
        %get3A_1938 = arith.index_cast %scan3A_1573 : i32 to index
        %get3A_1939 = arith.constant 352 : index
        %get3A_1940 = tpu.vector_load %arg8[%get3A_1938, %get3A_1939] {strides = array<i32>} : memref<113x512xf32, #tpu.memory_space<vmem>>, vector<16xf32>,
        %sub3A_1941 = arith.subf %get3A_1937, %get3A_1940 : vector<16xf32>
        %mul3A_1942 = arith.mulf %sub3A_1941, %gather3A_1580 : vector<16xf32>
        %get3A_1943 = arith.constant 352 : index
        %get3A_1944 = tpu.vector_load %arg14[%get3A_1943] {strides = array<i32>} : memref<512xf32, #tpu.memory_space<vmem>>, vector<16xf32>,
        %add3A_1945 = arith.addf %mul3A_1942, %get3A_1944 : vector<16xf32>
        %swap3A_1946 = arith.index_cast %scan3A_1573 : i32 to index
        %swap3A_1947 = arith.constant 352 : index
        %swap3A_1948 = tpu.vector_load %arg9[%swap3A_1946, %swap3A_1947] {strides = array<i32>} : memref<112x512xf32, #tpu.memory_space<vmem>>, vector<16xf32>,
        tpu.vector_store %arg9[%swap3A_1946, %swap3A_1947], %add3A_1945 {strides = array<i32>} : memref<112x512xf32, #tpu.memory_space<vmem>>, vector<16xf32>,
        %add3A_1949 = arith.constant 1 : i32
        %add3A_1950 = arith.addi %scan3A_1573, %add3A_1949 : i32
        %get3A_1951 = arith.index_cast %add3A_1950 : i32 to index
        %get3A_1952 = arith.constant 368 : index
        %get3A_1953 = tpu.vector_load %arg8[%get3A_1951, %get3A_1952] {strides = array<i32>} : memref<113x512xf32, #tpu.memory_space<vmem>>, vector<16xf32>,
        %get3A_1954 = arith.index_cast %scan3A_1573 : i32 to index
        %get3A_1955 = arith.constant 368 : index
        %get3A_1956 = tpu.vector_load %arg8[%get3A_1954, %get3A_1955] {strides = array<i32>} : memref<113x512xf32, #tpu.memory_space<vmem>>, vector<16xf32>,
        %sub3A_1957 = arith.subf %get3A_1953, %get3A_1956 : vector<16xf32>
        %mul3A_1958 = arith.mulf %sub3A_1957, %gather3A_1580 : vector<16xf32>
        %get3A_1959 = arith.constant 368 : index
        %get3A_1960 = tpu.vector_load %arg14[%get3A_1959] {strides = array<i32>} : memref<512xf32, #tpu.memory_space<vmem>>, vector<16xf32>,
        %add3A_1961 = arith.addf %mul3A_1958, %get3A_1960 : vector<16xf32>
        %swap3A_1962 = arith.index_cast %scan3A_1573 : i32 to index
        %swap3A_1963 = arith.constant 368 : index
        %swap3A_1964 = tpu.vector_load %arg9[%swap3A_1962, %swap3A_1963] {strides = array<i32>} : memref<112x512xf32, #tpu.memory_space<vmem>>, vector<16xf32>,
        tpu.vector_store %arg9[%swap3A_1962, %swap3A_1963], %add3A_1961 {strides = array<i32>} : memref<112x512xf32, #tpu.memory_space<vmem>>, vector<16xf32>,
        %add3A_1965 = arith.constant 1 : i32
        %add3A_1966 = arith.addi %scan3A_1573, %add3A_1965 : i32
        %get3A_1967 = arith.index_cast %add3A_1966 : i32 to index
        %get3A_1968 = arith.constant 384 : index
        %get3A_1969 = tpu.vector_load %arg8[%get3A_1967, %get3A_1968] {strides = array<i32>} : memref<113x512xf32, #tpu.memory_space<vmem>>, vector<16xf32>,
        %get3A_1970 = arith.index_cast %scan3A_1573 : i32 to index
        %get3A_1971 = arith.constant 384 : index
        %get3A_1972 = tpu.vector_load %arg8[%get3A_1970, %get3A_1971] {strides = array<i32>} : memref<113x512xf32, #tpu.memory_space<vmem>>, vector<16xf32>,
        %sub3A_1973 = arith.subf %get3A_1969, %get3A_1972 : vector<16xf32>
        %mul3A_1974 = arith.mulf %sub3A_1973, %gather3A_1580 : vector<16xf32>
        %get3A_1975 = arith.constant 384 : index
        %get3A_1976 = tpu.vector_load %arg14[%get3A_1975] {strides = array<i32>} : memref<512xf32, #tpu.memory_space<vmem>>, vector<16xf32>,
        %add3A_1977 = arith.addf %mul3A_1974, %get3A_1976 : vector<16xf32>
        %swap3A_1978 = arith.index_cast %scan3A_1573 : i32 to index
        %swap3A_1979 = arith.constant 384 : index
        %swap3A_1980 = tpu.vector_load %arg9[%swap3A_1978, %swap3A_1979] {strides = array<i32>} : memref<112x512xf32, #tpu.memory_space<vmem>>, vector<16xf32>,
        tpu.vector_store %arg9[%swap3A_1978, %swap3A_1979], %add3A_1977 {strides = array<i32>} : memref<112x512xf32, #tpu.memory_space<vmem>>, vector<16xf32>,
        %add3A_1981 = arith.constant 1 : i32
        %add3A_1982 = arith.addi %scan3A_1573, %add3A_1981 : i32
        %get3A_1983 = arith.index_cast %add3A_1982 : i32 to index
        %get3A_1984 = arith.constant 400 : index
        %get3A_1985 = tpu.vector_load %arg8[%get3A_1983, %get3A_1984] {strides = array<i32>} : memref<113x512xf32, #tpu.memory_space<vmem>>, vector<16xf32>,
        %get3A_1986 = arith.index_cast %scan3A_1573 : i32 to index
        %get3A_1987 = arith.constant 400 : index
        %get3A_1988 = tpu.vector_load %arg8[%get3A_1986, %get3A_1987] {strides = array<i32>} : memref<113x512xf32, #tpu.memory_space<vmem>>, vector<16xf32>,
        %sub3A_1989 = arith.subf %get3A_1985, %get3A_1988 : vector<16xf32>
        %mul3A_1990 = arith.mulf %sub3A_1989, %gather3A_1580 : vector<16xf32>
        %get3A_1991 = arith.constant 400 : index
        %get3A_1992 = tpu.vector_load %arg14[%get3A_1991] {strides = array<i32>} : memref<512xf32, #tpu.memory_space<vmem>>, vector<16xf32>,
        %add3A_1993 = arith.addf %mul3A_1990, %get3A_1992 : vector<16xf32>
        %swap3A_1994 = arith.index_cast %scan3A_1573 : i32 to index
        %swap3A_1995 = arith.constant 400 : index
        %swap3A_1996 = tpu.vector_load %arg9[%swap3A_1994, %swap3A_1995] {strides = array<i32>} : memref<112x512xf32, #tpu.memory_space<vmem>>, vector<16xf32>,
        tpu.vector_store %arg9[%swap3A_1994, %swap3A_1995], %add3A_1993 {strides = array<i32>} : memref<112x512xf32, #tpu.memory_space<vmem>>, vector<16xf32>,
        %add3A_1997 = arith.constant 1 : i32
        %add3A_1998 = arith.addi %scan3A_1573, %add3A_1997 : i32
        %get3A_1999 = arith.index_cast %add3A_1998 : i32 to index
        %get3A_2000 = arith.constant 416 : index
        %get3A_2001 = tpu.vector_load %arg8[%get3A_1999, %get3A_2000] {strides = array<i32>} : memref<113x512xf32, #tpu.memory_space<vmem>>, vector<16xf32>,
        %get3A_2002 = arith.index_cast %scan3A_1573 : i32 to index
        %get3A_2003 = arith.constant 416 : index
        %get3A_2004 = tpu.vector_load %arg8[%get3A_2002, %get3A_2003] {strides = array<i32>} : memref<113x512xf32, #tpu.memory_space<vmem>>, vector<16xf32>,
        %sub3A_2005 = arith.subf %get3A_2001, %get3A_2004 : vector<16xf32>
        %mul3A_2006 = arith.mulf %sub3A_2005, %gather3A_1580 : vector<16xf32>
        %get3A_2007 = arith.constant 416 : index
        %get3A_2008 = tpu.vector_load %arg14[%get3A_2007] {strides = array<i32>} : memref<512xf32, #tpu.memory_space<vmem>>, vector<16xf32>,
        %add3A_2009 = arith.addf %mul3A_2006, %get3A_2008 : vector<16xf32>
        %swap3A_2010 = arith.index_cast %scan3A_1573 : i32 to index
        %swap3A_2011 = arith.constant 416 : index
        %swap3A_2012 = tpu.vector_load %arg9[%swap3A_2010, %swap3A_2011] {strides = array<i32>} : memref<112x512xf32, #tpu.memory_space<vmem>>, vector<16xf32>,
        tpu.vector_store %arg9[%swap3A_2010, %swap3A_2011], %add3A_2009 {strides = array<i32>} : memref<112x512xf32, #tpu.memory_space<vmem>>, vector<16xf32>,
        %add3A_2013 = arith.constant 1 : i32
        %add3A_2014 = arith.addi %scan3A_1573, %add3A_2013 : i32
        %get3A_2015 = arith.index_cast %add3A_2014 : i32 to index
        %get3A_2016 = arith.constant 432 : index
        %get3A_2017 = tpu.vector_load %arg8[%get3A_2015, %get3A_2016] {strides = array<i32>} : memref<113x512xf32, #tpu.memory_space<vmem>>, vector<16xf32>,
        %get3A_2018 = arith.index_cast %scan3A_1573 : i32 to index
        %get3A_2019 = arith.constant 432 : index
        %get3A_2020 = tpu.vector_load %arg8[%get3A_2018, %get3A_2019] {strides = array<i32>} : memref<113x512xf32, #tpu.memory_space<vmem>>, vector<16xf32>,
        %sub3A_2021 = arith.subf %get3A_2017, %get3A_2020 : vector<16xf32>
        %mul3A_2022 = arith.mulf %sub3A_2021, %gather3A_1580 : vector<16xf32>
        %get3A_2023 = arith.constant 432 : index
        %get3A_2024 = tpu.vector_load %arg14[%get3A_2023] {strides = array<i32>} : memref<512xf32, #tpu.memory_space<vmem>>, vector<16xf32>,
        %add3A_2025 = arith.addf %mul3A_2022, %get3A_2024 : vector<16xf32>
        %swap3A_2026 = arith.index_cast %scan3A_1573 : i32 to index
        %swap3A_2027 = arith.constant 432 : index
        %swap3A_2028 = tpu.vector_load %arg9[%swap3A_2026, %swap3A_2027] {strides = array<i32>} : memref<112x512xf32, #tpu.memory_space<vmem>>, vector<16xf32>,
        tpu.vector_store %arg9[%swap3A_2026, %swap3A_2027], %add3A_2025 {strides = array<i32>} : memref<112x512xf32, #tpu.memory_space<vmem>>, vector<16xf32>,
        %add3A_2029 = arith.constant 1 : i32
        %add3A_2030 = arith.addi %scan3A_1573, %add3A_2029 : i32
        %get3A_2031 = arith.index_cast %add3A_2030 : i32 to index
        %get3A_2032 = arith.constant 448 : index
        %get3A_2033 = tpu.vector_load %arg8[%get3A_2031, %get3A_2032] {strides = array<i32>} : memref<113x512xf32, #tpu.memory_space<vmem>>, vector<16xf32>,
        %get3A_2034 = arith.index_cast %scan3A_1573 : i32 to index
        %get3A_2035 = arith.constant 448 : index
        %get3A_2036 = tpu.vector_load %arg8[%get3A_2034, %get3A_2035] {strides = array<i32>} : memref<113x512xf32, #tpu.memory_space<vmem>>, vector<16xf32>,
        %sub3A_2037 = arith.subf %get3A_2033, %get3A_2036 : vector<16xf32>
        %mul3A_2038 = arith.mulf %sub3A_2037, %gather3A_1580 : vector<16xf32>
        %get3A_2039 = arith.constant 448 : index
        %get3A_2040 = tpu.vector_load %arg14[%get3A_2039] {strides = array<i32>} : memref<512xf32, #tpu.memory_space<vmem>>, vector<16xf32>,
        %add3A_2041 = arith.addf %mul3A_2038, %get3A_2040 : vector<16xf32>
        %swap3A_2042 = arith.index_cast %scan3A_1573 : i32 to index
        %swap3A_2043 = arith.constant 448 : index
        %swap3A_2044 = tpu.vector_load %arg9[%swap3A_2042, %swap3A_2043] {strides = array<i32>} : memref<112x512xf32, #tpu.memory_space<vmem>>, vector<16xf32>,
        tpu.vector_store %arg9[%swap3A_2042, %swap3A_2043], %add3A_2041 {strides = array<i32>} : memref<112x512xf32, #tpu.memory_space<vmem>>, vector<16xf32>,
        %add3A_2045 = arith.constant 1 : i32
        %add3A_2046 = arith.addi %scan3A_1573, %add3A_2045 : i32
        %get3A_2047 = arith.index_cast %add3A_2046 : i32 to index
        %get3A_2048 = arith.constant 464 : index
        %get3A_2049 = tpu.vector_load %arg8[%get3A_2047, %get3A_2048] {strides = array<i32>} : memref<113x512xf32, #tpu.memory_space<vmem>>, vector<16xf32>,
        %get3A_2050 = arith.index_cast %scan3A_1573 : i32 to index
        %get3A_2051 = arith.constant 464 : index
        %get3A_2052 = tpu.vector_load %arg8[%get3A_2050, %get3A_2051] {strides = array<i32>} : memref<113x512xf32, #tpu.memory_space<vmem>>, vector<16xf32>,
        %sub3A_2053 = arith.subf %get3A_2049, %get3A_2052 : vector<16xf32>
        %mul3A_2054 = arith.mulf %sub3A_2053, %gather3A_1580 : vector<16xf32>
        %get3A_2055 = arith.constant 464 : index
        %get3A_2056 = tpu.vector_load %arg14[%get3A_2055] {strides = array<i32>} : memref<512xf32, #tpu.memory_space<vmem>>, vector<16xf32>,
        %add3A_2057 = arith.addf %mul3A_2054, %get3A_2056 : vector<16xf32>
        %swap3A_2058 = arith.index_cast %scan3A_1573 : i32 to index
        %swap3A_2059 = arith.constant 464 : index
        %swap3A_2060 = tpu.vector_load %arg9[%swap3A_2058, %swap3A_2059] {strides = array<i32>} : memref<112x512xf32, #tpu.memory_space<vmem>>, vector<16xf32>,
        tpu.vector_store %arg9[%swap3A_2058, %swap3A_2059], %add3A_2057 {strides = array<i32>} : memref<112x512xf32, #tpu.memory_space<vmem>>, vector<16xf32>,
        %add3A_2061 = arith.constant 1 : i32
        %add3A_2062 = arith.addi %scan3A_1573, %add3A_2061 : i32
        %get3A_2063 = arith.index_cast %add3A_2062 : i32 to index
        %get3A_2064 = arith.constant 480 : index
        %get3A_2065 = tpu.vector_load %arg8[%get3A_2063, %get3A_2064] {strides = array<i32>} : memref<113x512xf32, #tpu.memory_space<vmem>>, vector<16xf32>,
        %get3A_2066 = arith.index_cast %scan3A_1573 : i32 to index
        %get3A_2067 = arith.constant 480 : index
        %get3A_2068 = tpu.vector_load %arg8[%get3A_2066, %get3A_2067] {strides = array<i32>} : memref<113x512xf32, #tpu.memory_space<vmem>>, vector<16xf32>,
        %sub3A_2069 = arith.subf %get3A_2065, %get3A_2068 : vector<16xf32>
        %mul3A_2070 = arith.mulf %sub3A_2069, %gather3A_1580 : vector<16xf32>
        %get3A_2071 = arith.constant 480 : index
        %get3A_2072 = tpu.vector_load %arg14[%get3A_2071] {strides = array<i32>} : memref<512xf32, #tpu.memory_space<vmem>>, vector<16xf32>,
        %add3A_2073 = arith.addf %mul3A_2070, %get3A_2072 : vector<16xf32>
        %swap3A_2074 = arith.index_cast %scan3A_1573 : i32 to index
        %swap3A_2075 = arith.constant 480 : index
        %swap3A_2076 = tpu.vector_load %arg9[%swap3A_2074, %swap3A_2075] {strides = array<i32>} : memref<112x512xf32, #tpu.memory_space<vmem>>, vector<16xf32>,
        tpu.vector_store %arg9[%swap3A_2074, %swap3A_2075], %add3A_2073 {strides = array<i32>} : memref<112x512xf32, #tpu.memory_space<vmem>>, vector<16xf32>,
        %add3A_2077 = arith.constant 1 : i32
        %add3A_2078 = arith.addi %scan3A_1573, %add3A_2077 : i32
        %get3A_2079 = arith.index_cast %add3A_2078 : i32 to index
        %get3A_2080 = arith.constant 496 : index
        %get3A_2081 = tpu.vector_load %arg8[%get3A_2079, %get3A_2080] {strides = array<i32>} : memref<113x512xf32, #tpu.memory_space<vmem>>, vector<16xf32>,
        %get3A_2082 = arith.index_cast %scan3A_1573 : i32 to index
        %get3A_2083 = arith.constant 496 : index
        %get3A_2084 = tpu.vector_load %arg8[%get3A_2082, %get3A_2083] {strides = array<i32>} : memref<113x512xf32, #tpu.memory_space<vmem>>, vector<16xf32>,
        %sub3A_2085 = arith.subf %get3A_2081, %get3A_2084 : vector<16xf32>
        %mul3A_2086 = arith.mulf %sub3A_2085, %gather3A_1580 : vector<16xf32>
        %get3A_2087 = arith.constant 496 : index
        %get3A_2088 = tpu.vector_load %arg14[%get3A_2087] {strides = array<i32>} : memref<512xf32, #tpu.memory_space<vmem>>, vector<16xf32>,
        %add3A_2089 = arith.addf %mul3A_2086, %get3A_2088 : vector<16xf32>
        %swap3A_2090 = arith.index_cast %scan3A_1573 : i32 to index
        %swap3A_2091 = arith.constant 496 : index
        %swap3A_2092 = tpu.vector_load %arg9[%swap3A_2090, %swap3A_2091] {strides = array<i32>} : memref<112x512xf32, #tpu.memory_space<vmem>>, vector<16xf32>,
        tpu.vector_store %arg9[%swap3A_2090, %swap3A_2091], %add3A_2089 {strides = array<i32>} : memref<112x512xf32, #tpu.memory_space<vmem>>, vector<16xf32>,
        %scan3A_2093 = arith.constant 0 : i32
        scf.yield %scan3A_2093 : i32
      }
      %scan3A_1557 = arith.constant 112 : i32
      %dma_start3A_1558 = arith.constant 0 : i32
      %dma_start3A_1559 = arith.constant 0 : i32
      %dma_start3A_1560 = tpu.memref_slice %arg10[%dma_start3A_1558, %dma_start3A_1559] : memref<1x112xi32, #tpu.memory_space<vmem>> -> memref<1x112xi32, #tpu.memory_space<vmem>>
      %dma_start3A_1561 = tpu.memref_squeeze %dma_start3A_1560 : memref<1x112xi32, #tpu.memory_space<vmem>> -> memref<112xi32, #tpu.memory_space<vmem>>
      %dma_start3A_1562 = arith.constant 0 : i32
      %dma_start3A_1563 = arith.constant 0 : i32
      %dma_start3A_1564 = tpu.memref_slice %arg5[%dma_start3A_1562, %dma_start3A_1563] : memref<32776x512xf32, #tpu.memory_space<hbm>> -> memref<32776x512xf32, #tpu.memory_space<hbm>>
      tpu.enqueue_indirect_dma source(%arg9 : memref<112x512xf32, #tpu.memory_space<vmem>>) target(%dma_start3A_1564 : memref<32776x512xf32, #tpu.memory_space<hbm>>) offsets(%dma_start3A_1561 : memref<112xi32, #tpu.memory_space<vmem>>) semaphore(%arg16 : memref<!tpu.dma_semaphore, #tpu.memory_space<semaphore_mem>>)
      %dma_wait3A_1565 = arith.constant 0 : i32
      %dma_wait3A_1566 = arith.constant 0 : i32
      %dma_wait3A_1567 = tpu.memref_slice %arg10[%dma_wait3A_1565, %dma_wait3A_1566] : memref<1x112xi32, #tpu.memory_space<vmem>> -> memref<1x112xi32, #tpu.memory_space<vmem>>
      %dma_wait3A_1568 = tpu.memref_squeeze %dma_wait3A_1567 : memref<1x112xi32, #tpu.memory_space<vmem>> -> memref<112xi32, #tpu.memory_space<vmem>>
      %dma_wait3A_1569 = arith.constant 0 : i32
      %dma_wait3A_1570 = arith.constant 0 : i32
      %dma_wait3A_1571 = tpu.memref_slice %arg5[%dma_wait3A_1569, %dma_wait3A_1570] : memref<32776x512xf32, #tpu.memory_space<hbm>> -> memref<32776x512xf32, #tpu.memory_space<hbm>>
      tpu.wait_indirect_dma semaphore(%arg16 : memref<!tpu.dma_semaphore, #tpu.memory_space<semaphore_mem>>) src(%arg9 : memref<112x512xf32, #tpu.memory_space<vmem>>) dst(%dma_wait3A_1571 : memref<32776x512xf32, #tpu.memory_space<hbm>>)
      %while3A_1572 = arith.constant 0 : i32
      scf.yield %while3A_1572 : i32
    }
    %while3A_1099 = arith.constant 1 : i32
    %while3A_1100 = scf.for %while3A_1181 = %while3A_1096 to %while3A_1092 step %while3A_1099 iter_args(%while3A_1182 = %while3A_1098) -> (i32)  : i32 {
      %mul3A_1183 = arith.constant 112 : i32
      %mul3A_1184 = arith.muli %while3A_1181, %mul3A_1183 : i32
      %dma_start3A = tpu.memref_slice %arg7[%mul3A_1184] : memref<1040xi32, #tpu.memory_space<vmem>> -> memref<113xi32, #tpu.memory_space<vmem>>
      %dma_start3A_1185 = arith.constant 0 : i32
      %dma_start3A_1186 = arith.constant 0 : i32
      %dma_start3A_1187 = tpu.memref_slice %arg2[%dma_start3A_1185, %dma_start3A_1186] : memref<32768x512xf32, #tpu.memory_space<hbm>> -> memref<32768x512xf32, #tpu.memory_space<hbm>>
      tpu.enqueue_indirect_dma source(%dma_start3A_1187 : memref<32768x512xf32, #tpu.memory_space<hbm>>) target(%arg8 : memref<113x512xf32, #tpu.memory_space<vmem>>) offsets(%dma_start3A : memref<113xi32, #tpu.memory_space<vmem>>) semaphore(%arg16 : memref<!tpu.dma_semaphore, #tpu.memory_space<semaphore_mem>>)
      %dma_wait3A = tpu.memref_slice %arg7[%mul3A_1184] : memref<1040xi32, #tpu.memory_space<vmem>> -> memref<113xi32, #tpu.memory_space<vmem>>
      %dma_wait3A_1188 = arith.constant 0 : i32
      %dma_wait3A_1189 = arith.constant 0 : i32
      %dma_wait3A_1190 = tpu.memref_slice %arg2[%dma_wait3A_1188, %dma_wait3A_1189] : memref<32768x512xf32, #tpu.memory_space<hbm>> -> memref<32768x512xf32, #tpu.memory_space<hbm>>
      tpu.wait_indirect_dma semaphore(%arg16 : memref<!tpu.dma_semaphore, #tpu.memory_space<semaphore_mem>>) src(%dma_wait3A_1190 : memref<32768x512xf32, #tpu.memory_space<hbm>>) dst(%arg8 : memref<113x512xf32, #tpu.memory_space<vmem>>)
      %eq3A_1191 = arith.constant 0 : i32
      %eq3A_1192 = arith.cmpi eq, %while3A_1181, %eq3A_1191 : i32
      %and3A_1193 = arith.andi %eq3A_1192, %lt3A_1061 : i1
      %convert_element_type3A = arith.extui %and3A_1193 : i1 to i32
      %cond3A = arith.constant 0 : i32
      %cond3A_1194 = arith.cmpi ne, %convert_element_type3A, %cond3A : i32
      scf.if %cond3A_1194 {
        %broadcast_in_dim3A_1573 = arith.constant 0.000000e+00 : f32
        %broadcast_in_dim3A_1574 = vector.broadcast %broadcast_in_dim3A_1573 : f32 to vector<16xf32>
        %swap3A_1575 = arith.constant 0 : i32
        %swap3A_1576 = arith.index_cast %swap3A_1575 : i32 to index
        %swap3A_1577 = arith.constant 0 : index
        %swap3A_1578 = tpu.vector_load %arg8[%swap3A_1576, %swap3A_1577] {strides = array<i32>} : memref<113x512xf32, #tpu.memory_space<vmem>>, vector<16xf32>,
        tpu.vector_store %arg8[%swap3A_1576, %swap3A_1577], %broadcast_in_dim3A_1574 {strides = array<i32>} : memref<113x512xf32, #tpu.memory_space<vmem>>, vector<16xf32>,
        %broadcast_in_dim3A_1579 = arith.constant 0.000000e+00 : f32
        %broadcast_in_dim3A_1580 = vector.broadcast %broadcast_in_dim3A_1579 : f32 to vector<16xf32>
        %swap3A_1581 = arith.constant 0 : i32
        %swap3A_1582 = arith.index_cast %swap3A_1581 : i32 to index
        %swap3A_1583 = arith.constant 16 : index
        %swap3A_1584 = tpu.vector_load %arg8[%swap3A_1582, %swap3A_1583] {strides = array<i32>} : memref<113x512xf32, #tpu.memory_space<vmem>>, vector<16xf32>,
        tpu.vector_store %arg8[%swap3A_1582, %swap3A_1583], %broadcast_in_dim3A_1580 {strides = array<i32>} : memref<113x512xf32, #tpu.memory_space<vmem>>, vector<16xf32>,
        %broadcast_in_dim3A_1585 = arith.constant 0.000000e+00 : f32
        %broadcast_in_dim3A_1586 = vector.broadcast %broadcast_in_dim3A_1585 : f32 to vector<16xf32>
        %swap3A_1587 = arith.constant 0 : i32
        %swap3A_1588 = arith.index_cast %swap3A_1587 : i32 to index
        %swap3A_1589 = arith.constant 32 : index
        %swap3A_1590 = tpu.vector_load %arg8[%swap3A_1588, %swap3A_1589] {strides = array<i32>} : memref<113x512xf32, #tpu.memory_space<vmem>>, vector<16xf32>,
        tpu.vector_store %arg8[%swap3A_1588, %swap3A_1589], %broadcast_in_dim3A_1586 {strides = array<i32>} : memref<113x512xf32, #tpu.memory_space<vmem>>, vector<16xf32>,
        %broadcast_in_dim3A_1591 = arith.constant 0.000000e+00 : f32
        %broadcast_in_dim3A_1592 = vector.broadcast %broadcast_in_dim3A_1591 : f32 to vector<16xf32>
        %swap3A_1593 = arith.constant 0 : i32
        %swap3A_1594 = arith.index_cast %swap3A_1593 : i32 to index
        %swap3A_1595 = arith.constant 48 : index
        %swap3A_1596 = tpu.vector_load %arg8[%swap3A_1594, %swap3A_1595] {strides = array<i32>} : memref<113x512xf32, #tpu.memory_space<vmem>>, vector<16xf32>,
        tpu.vector_store %arg8[%swap3A_1594, %swap3A_1595], %broadcast_in_dim3A_1592 {strides = array<i32>} : memref<113x512xf32, #tpu.memory_space<vmem>>, vector<16xf32>,
        %broadcast_in_dim3A_1597 = arith.constant 0.000000e+00 : f32
        %broadcast_in_dim3A_1598 = vector.broadcast %broadcast_in_dim3A_1597 : f32 to vector<16xf32>
        %swap3A_1599 = arith.constant 0 : i32
        %swap3A_1600 = arith.index_cast %swap3A_1599 : i32 to index
        %swap3A_1601 = arith.constant 64 : index
        %swap3A_1602 = tpu.vector_load %arg8[%swap3A_1600, %swap3A_1601] {strides = array<i32>} : memref<113x512xf32, #tpu.memory_space<vmem>>, vector<16xf32>,
        tpu.vector_store %arg8[%swap3A_1600, %swap3A_1601], %broadcast_in_dim3A_1598 {strides = array<i32>} : memref<113x512xf32, #tpu.memory_space<vmem>>, vector<16xf32>,
        %broadcast_in_dim3A_1603 = arith.constant 0.000000e+00 : f32
        %broadcast_in_dim3A_1604 = vector.broadcast %broadcast_in_dim3A_1603 : f32 to vector<16xf32>
        %swap3A_1605 = arith.constant 0 : i32
        %swap3A_1606 = arith.index_cast %swap3A_1605 : i32 to index
        %swap3A_1607 = arith.constant 80 : index
        %swap3A_1608 = tpu.vector_load %arg8[%swap3A_1606, %swap3A_1607] {strides = array<i32>} : memref<113x512xf32, #tpu.memory_space<vmem>>, vector<16xf32>,
        tpu.vector_store %arg8[%swap3A_1606, %swap3A_1607], %broadcast_in_dim3A_1604 {strides = array<i32>} : memref<113x512xf32, #tpu.memory_space<vmem>>, vector<16xf32>,
        %broadcast_in_dim3A_1609 = arith.constant 0.000000e+00 : f32
        %broadcast_in_dim3A_1610 = vector.broadcast %broadcast_in_dim3A_1609 : f32 to vector<16xf32>
        %swap3A_1611 = arith.constant 0 : i32
        %swap3A_1612 = arith.index_cast %swap3A_1611 : i32 to index
        %swap3A_1613 = arith.constant 96 : index
        %swap3A_1614 = tpu.vector_load %arg8[%swap3A_1612, %swap3A_1613] {strides = array<i32>} : memref<113x512xf32, #tpu.memory_space<vmem>>, vector<16xf32>,
        tpu.vector_store %arg8[%swap3A_1612, %swap3A_1613], %broadcast_in_dim3A_1610 {strides = array<i32>} : memref<113x512xf32, #tpu.memory_space<vmem>>, vector<16xf32>,
        %broadcast_in_dim3A_1615 = arith.constant 0.000000e+00 : f32
        %broadcast_in_dim3A_1616 = vector.broadcast %broadcast_in_dim3A_1615 : f32 to vector<16xf32>
        %swap3A_1617 = arith.constant 0 : i32
        %swap3A_1618 = arith.index_cast %swap3A_1617 : i32 to index
        %swap3A_1619 = arith.constant 112 : index
        %swap3A_1620 = tpu.vector_load %arg8[%swap3A_1618, %swap3A_1619] {strides = array<i32>} : memref<113x512xf32, #tpu.memory_space<vmem>>, vector<16xf32>,
        tpu.vector_store %arg8[%swap3A_1618, %swap3A_1619], %broadcast_in_dim3A_1616 {strides = array<i32>} : memref<113x512xf32, #tpu.memory_space<vmem>>, vector<16xf32>,
        %broadcast_in_dim3A_1621 = arith.constant 0.000000e+00 : f32
        %broadcast_in_dim3A_1622 = vector.broadcast %broadcast_in_dim3A_1621 : f32 to vector<16xf32>
        %swap3A_1623 = arith.constant 0 : i32
        %swap3A_1624 = arith.index_cast %swap3A_1623 : i32 to index
        %swap3A_1625 = arith.constant 128 : index
        %swap3A_1626 = tpu.vector_load %arg8[%swap3A_1624, %swap3A_1625] {strides = array<i32>} : memref<113x512xf32, #tpu.memory_space<vmem>>, vector<16xf32>,
        tpu.vector_store %arg8[%swap3A_1624, %swap3A_1625], %broadcast_in_dim3A_1622 {strides = array<i32>} : memref<113x512xf32, #tpu.memory_space<vmem>>, vector<16xf32>,
        %broadcast_in_dim3A_1627 = arith.constant 0.000000e+00 : f32
        %broadcast_in_dim3A_1628 = vector.broadcast %broadcast_in_dim3A_1627 : f32 to vector<16xf32>
        %swap3A_1629 = arith.constant 0 : i32
        %swap3A_1630 = arith.index_cast %swap3A_1629 : i32 to index
        %swap3A_1631 = arith.constant 144 : index
        %swap3A_1632 = tpu.vector_load %arg8[%swap3A_1630, %swap3A_1631] {strides = array<i32>} : memref<113x512xf32, #tpu.memory_space<vmem>>, vector<16xf32>,
        tpu.vector_store %arg8[%swap3A_1630, %swap3A_1631], %broadcast_in_dim3A_1628 {strides = array<i32>} : memref<113x512xf32, #tpu.memory_space<vmem>>, vector<16xf32>,
        %broadcast_in_dim3A_1633 = arith.constant 0.000000e+00 : f32
        %broadcast_in_dim3A_1634 = vector.broadcast %broadcast_in_dim3A_1633 : f32 to vector<16xf32>
        %swap3A_1635 = arith.constant 0 : i32
        %swap3A_1636 = arith.index_cast %swap3A_1635 : i32 to index
        %swap3A_1637 = arith.constant 160 : index
        %swap3A_1638 = tpu.vector_load %arg8[%swap3A_1636, %swap3A_1637] {strides = array<i32>} : memref<113x512xf32, #tpu.memory_space<vmem>>, vector<16xf32>,
        tpu.vector_store %arg8[%swap3A_1636, %swap3A_1637], %broadcast_in_dim3A_1634 {strides = array<i32>} : memref<113x512xf32, #tpu.memory_space<vmem>>, vector<16xf32>,
        %broadcast_in_dim3A_1639 = arith.constant 0.000000e+00 : f32
        %broadcast_in_dim3A_1640 = vector.broadcast %broadcast_in_dim3A_1639 : f32 to vector<16xf32>
        %swap3A_1641 = arith.constant 0 : i32
        %swap3A_1642 = arith.index_cast %swap3A_1641 : i32 to index
        %swap3A_1643 = arith.constant 176 : index
        %swap3A_1644 = tpu.vector_load %arg8[%swap3A_1642, %swap3A_1643] {strides = array<i32>} : memref<113x512xf32, #tpu.memory_space<vmem>>, vector<16xf32>,
        tpu.vector_store %arg8[%swap3A_1642, %swap3A_1643], %broadcast_in_dim3A_1640 {strides = array<i32>} : memref<113x512xf32, #tpu.memory_space<vmem>>, vector<16xf32>,
        %broadcast_in_dim3A_1645 = arith.constant 0.000000e+00 : f32
        %broadcast_in_dim3A_1646 = vector.broadcast %broadcast_in_dim3A_1645 : f32 to vector<16xf32>
        %swap3A_1647 = arith.constant 0 : i32
        %swap3A_1648 = arith.index_cast %swap3A_1647 : i32 to index
        %swap3A_1649 = arith.constant 192 : index
        %swap3A_1650 = tpu.vector_load %arg8[%swap3A_1648, %swap3A_1649] {strides = array<i32>} : memref<113x512xf32, #tpu.memory_space<vmem>>, vector<16xf32>,
        tpu.vector_store %arg8[%swap3A_1648, %swap3A_1649], %broadcast_in_dim3A_1646 {strides = array<i32>} : memref<113x512xf32, #tpu.memory_space<vmem>>, vector<16xf32>,
        %broadcast_in_dim3A_1651 = arith.constant 0.000000e+00 : f32
        %broadcast_in_dim3A_1652 = vector.broadcast %broadcast_in_dim3A_1651 : f32 to vector<16xf32>
        %swap3A_1653 = arith.constant 0 : i32
        %swap3A_1654 = arith.index_cast %swap3A_1653 : i32 to index
        %swap3A_1655 = arith.constant 208 : index
        %swap3A_1656 = tpu.vector_load %arg8[%swap3A_1654, %swap3A_1655] {strides = array<i32>} : memref<113x512xf32, #tpu.memory_space<vmem>>, vector<16xf32>,
        tpu.vector_store %arg8[%swap3A_1654, %swap3A_1655], %broadcast_in_dim3A_1652 {strides = array<i32>} : memref<113x512xf32, #tpu.memory_space<vmem>>, vector<16xf32>,
        %broadcast_in_dim3A_1657 = arith.constant 0.000000e+00 : f32
        %broadcast_in_dim3A_1658 = vector.broadcast %broadcast_in_dim3A_1657 : f32 to vector<16xf32>
        %swap3A_1659 = arith.constant 0 : i32
        %swap3A_1660 = arith.index_cast %swap3A_1659 : i32 to index
        %swap3A_1661 = arith.constant 224 : index
        %swap3A_1662 = tpu.vector_load %arg8[%swap3A_1660, %swap3A_1661] {strides = array<i32>} : memref<113x512xf32, #tpu.memory_space<vmem>>, vector<16xf32>,
        tpu.vector_store %arg8[%swap3A_1660, %swap3A_1661], %broadcast_in_dim3A_1658 {strides = array<i32>} : memref<113x512xf32, #tpu.memory_space<vmem>>, vector<16xf32>,
        %broadcast_in_dim3A_1663 = arith.constant 0.000000e+00 : f32
        %broadcast_in_dim3A_1664 = vector.broadcast %broadcast_in_dim3A_1663 : f32 to vector<16xf32>
        %swap3A_1665 = arith.constant 0 : i32
        %swap3A_1666 = arith.index_cast %swap3A_1665 : i32 to index
        %swap3A_1667 = arith.constant 240 : index
        %swap3A_1668 = tpu.vector_load %arg8[%swap3A_1666, %swap3A_1667] {strides = array<i32>} : memref<113x512xf32, #tpu.memory_space<vmem>>, vector<16xf32>,
        tpu.vector_store %arg8[%swap3A_1666, %swap3A_1667], %broadcast_in_dim3A_1664 {strides = array<i32>} : memref<113x512xf32, #tpu.memory_space<vmem>>, vector<16xf32>,
        %broadcast_in_dim3A_1669 = arith.constant 0.000000e+00 : f32
        %broadcast_in_dim3A_1670 = vector.broadcast %broadcast_in_dim3A_1669 : f32 to vector<16xf32>
        %swap3A_1671 = arith.constant 0 : i32
        %swap3A_1672 = arith.index_cast %swap3A_1671 : i32 to index
        %swap3A_1673 = arith.constant 256 : index
        %swap3A_1674 = tpu.vector_load %arg8[%swap3A_1672, %swap3A_1673] {strides = array<i32>} : memref<113x512xf32, #tpu.memory_space<vmem>>, vector<16xf32>,
        tpu.vector_store %arg8[%swap3A_1672, %swap3A_1673], %broadcast_in_dim3A_1670 {strides = array<i32>} : memref<113x512xf32, #tpu.memory_space<vmem>>, vector<16xf32>,
        %broadcast_in_dim3A_1675 = arith.constant 0.000000e+00 : f32
        %broadcast_in_dim3A_1676 = vector.broadcast %broadcast_in_dim3A_1675 : f32 to vector<16xf32>
        %swap3A_1677 = arith.constant 0 : i32
        %swap3A_1678 = arith.index_cast %swap3A_1677 : i32 to index
        %swap3A_1679 = arith.constant 272 : index
        %swap3A_1680 = tpu.vector_load %arg8[%swap3A_1678, %swap3A_1679] {strides = array<i32>} : memref<113x512xf32, #tpu.memory_space<vmem>>, vector<16xf32>,
        tpu.vector_store %arg8[%swap3A_1678, %swap3A_1679], %broadcast_in_dim3A_1676 {strides = array<i32>} : memref<113x512xf32, #tpu.memory_space<vmem>>, vector<16xf32>,
        %broadcast_in_dim3A_1681 = arith.constant 0.000000e+00 : f32
        %broadcast_in_dim3A_1682 = vector.broadcast %broadcast_in_dim3A_1681 : f32 to vector<16xf32>
        %swap3A_1683 = arith.constant 0 : i32
        %swap3A_1684 = arith.index_cast %swap3A_1683 : i32 to index
        %swap3A_1685 = arith.constant 288 : index
        %swap3A_1686 = tpu.vector_load %arg8[%swap3A_1684, %swap3A_1685] {strides = array<i32>} : memref<113x512xf32, #tpu.memory_space<vmem>>, vector<16xf32>,
        tpu.vector_store %arg8[%swap3A_1684, %swap3A_1685], %broadcast_in_dim3A_1682 {strides = array<i32>} : memref<113x512xf32, #tpu.memory_space<vmem>>, vector<16xf32>,
        %broadcast_in_dim3A_1687 = arith.constant 0.000000e+00 : f32
        %broadcast_in_dim3A_1688 = vector.broadcast %broadcast_in_dim3A_1687 : f32 to vector<16xf32>
        %swap3A_1689 = arith.constant 0 : i32
        %swap3A_1690 = arith.index_cast %swap3A_1689 : i32 to index
        %swap3A_1691 = arith.constant 304 : index
        %swap3A_1692 = tpu.vector_load %arg8[%swap3A_1690, %swap3A_1691] {strides = array<i32>} : memref<113x512xf32, #tpu.memory_space<vmem>>, vector<16xf32>,
        tpu.vector_store %arg8[%swap3A_1690, %swap3A_1691], %broadcast_in_dim3A_1688 {strides = array<i32>} : memref<113x512xf32, #tpu.memory_space<vmem>>, vector<16xf32>,
        %broadcast_in_dim3A_1693 = arith.constant 0.000000e+00 : f32
        %broadcast_in_dim3A_1694 = vector.broadcast %broadcast_in_dim3A_1693 : f32 to vector<16xf32>
        %swap3A_1695 = arith.constant 0 : i32
        %swap3A_1696 = arith.index_cast %swap3A_1695 : i32 to index
        %swap3A_1697 = arith.constant 320 : index
        %swap3A_1698 = tpu.vector_load %arg8[%swap3A_1696, %swap3A_1697] {strides = array<i32>} : memref<113x512xf32, #tpu.memory_space<vmem>>, vector<16xf32>,
        tpu.vector_store %arg8[%swap3A_1696, %swap3A_1697], %broadcast_in_dim3A_1694 {strides = array<i32>} : memref<113x512xf32, #tpu.memory_space<vmem>>, vector<16xf32>,
        %broadcast_in_dim3A_1699 = arith.constant 0.000000e+00 : f32
        %broadcast_in_dim3A_1700 = vector.broadcast %broadcast_in_dim3A_1699 : f32 to vector<16xf32>
        %swap3A_1701 = arith.constant 0 : i32
        %swap3A_1702 = arith.index_cast %swap3A_1701 : i32 to index
        %swap3A_1703 = arith.constant 336 : index
        %swap3A_1704 = tpu.vector_load %arg8[%swap3A_1702, %swap3A_1703] {strides = array<i32>} : memref<113x512xf32, #tpu.memory_space<vmem>>, vector<16xf32>,
        tpu.vector_store %arg8[%swap3A_1702, %swap3A_1703], %broadcast_in_dim3A_1700 {strides = array<i32>} : memref<113x512xf32, #tpu.memory_space<vmem>>, vector<16xf32>,
        %broadcast_in_dim3A_1705 = arith.constant 0.000000e+00 : f32
        %broadcast_in_dim3A_1706 = vector.broadcast %broadcast_in_dim3A_1705 : f32 to vector<16xf32>
        %swap3A_1707 = arith.constant 0 : i32
        %swap3A_1708 = arith.index_cast %swap3A_1707 : i32 to index
        %swap3A_1709 = arith.constant 352 : index
        %swap3A_1710 = tpu.vector_load %arg8[%swap3A_1708, %swap3A_1709] {strides = array<i32>} : memref<113x512xf32, #tpu.memory_space<vmem>>, vector<16xf32>,
        tpu.vector_store %arg8[%swap3A_1708, %swap3A_1709], %broadcast_in_dim3A_1706 {strides = array<i32>} : memref<113x512xf32, #tpu.memory_space<vmem>>, vector<16xf32>,
        %broadcast_in_dim3A_1711 = arith.constant 0.000000e+00 : f32
        %broadcast_in_dim3A_1712 = vector.broadcast %broadcast_in_dim3A_1711 : f32 to vector<16xf32>
        %swap3A_1713 = arith.constant 0 : i32
        %swap3A_1714 = arith.index_cast %swap3A_1713 : i32 to index
        %swap3A_1715 = arith.constant 368 : index
        %swap3A_1716 = tpu.vector_load %arg8[%swap3A_1714, %swap3A_1715] {strides = array<i32>} : memref<113x512xf32, #tpu.memory_space<vmem>>, vector<16xf32>,
        tpu.vector_store %arg8[%swap3A_1714, %swap3A_1715], %broadcast_in_dim3A_1712 {strides = array<i32>} : memref<113x512xf32, #tpu.memory_space<vmem>>, vector<16xf32>,
        %broadcast_in_dim3A_1717 = arith.constant 0.000000e+00 : f32
        %broadcast_in_dim3A_1718 = vector.broadcast %broadcast_in_dim3A_1717 : f32 to vector<16xf32>
        %swap3A_1719 = arith.constant 0 : i32
        %swap3A_1720 = arith.index_cast %swap3A_1719 : i32 to index
        %swap3A_1721 = arith.constant 384 : index
        %swap3A_1722 = tpu.vector_load %arg8[%swap3A_1720, %swap3A_1721] {strides = array<i32>} : memref<113x512xf32, #tpu.memory_space<vmem>>, vector<16xf32>,
        tpu.vector_store %arg8[%swap3A_1720, %swap3A_1721], %broadcast_in_dim3A_1718 {strides = array<i32>} : memref<113x512xf32, #tpu.memory_space<vmem>>, vector<16xf32>,
        %broadcast_in_dim3A_1723 = arith.constant 0.000000e+00 : f32
        %broadcast_in_dim3A_1724 = vector.broadcast %broadcast_in_dim3A_1723 : f32 to vector<16xf32>
        %swap3A_1725 = arith.constant 0 : i32
        %swap3A_1726 = arith.index_cast %swap3A_1725 : i32 to index
        %swap3A_1727 = arith.constant 400 : index
        %swap3A_1728 = tpu.vector_load %arg8[%swap3A_1726, %swap3A_1727] {strides = array<i32>} : memref<113x512xf32, #tpu.memory_space<vmem>>, vector<16xf32>,
        tpu.vector_store %arg8[%swap3A_1726, %swap3A_1727], %broadcast_in_dim3A_1724 {strides = array<i32>} : memref<113x512xf32, #tpu.memory_space<vmem>>, vector<16xf32>,
        %broadcast_in_dim3A_1729 = arith.constant 0.000000e+00 : f32
        %broadcast_in_dim3A_1730 = vector.broadcast %broadcast_in_dim3A_1729 : f32 to vector<16xf32>
        %swap3A_1731 = arith.constant 0 : i32
        %swap3A_1732 = arith.index_cast %swap3A_1731 : i32 to index
        %swap3A_1733 = arith.constant 416 : index
        %swap3A_1734 = tpu.vector_load %arg8[%swap3A_1732, %swap3A_1733] {strides = array<i32>} : memref<113x512xf32, #tpu.memory_space<vmem>>, vector<16xf32>,
        tpu.vector_store %arg8[%swap3A_1732, %swap3A_1733], %broadcast_in_dim3A_1730 {strides = array<i32>} : memref<113x512xf32, #tpu.memory_space<vmem>>, vector<16xf32>,
        %broadcast_in_dim3A_1735 = arith.constant 0.000000e+00 : f32
        %broadcast_in_dim3A_1736 = vector.broadcast %broadcast_in_dim3A_1735 : f32 to vector<16xf32>
        %swap3A_1737 = arith.constant 0 : i32
        %swap3A_1738 = arith.index_cast %swap3A_1737 : i32 to index
        %swap3A_1739 = arith.constant 432 : index
        %swap3A_1740 = tpu.vector_load %arg8[%swap3A_1738, %swap3A_1739] {strides = array<i32>} : memref<113x512xf32, #tpu.memory_space<vmem>>, vector<16xf32>,
        tpu.vector_store %arg8[%swap3A_1738, %swap3A_1739], %broadcast_in_dim3A_1736 {strides = array<i32>} : memref<113x512xf32, #tpu.memory_space<vmem>>, vector<16xf32>,
        %broadcast_in_dim3A_1741 = arith.constant 0.000000e+00 : f32
        %broadcast_in_dim3A_1742 = vector.broadcast %broadcast_in_dim3A_1741 : f32 to vector<16xf32>
        %swap3A_1743 = arith.constant 0 : i32
        %swap3A_1744 = arith.index_cast %swap3A_1743 : i32 to index
        %swap3A_1745 = arith.constant 448 : index
        %swap3A_1746 = tpu.vector_load %arg8[%swap3A_1744, %swap3A_1745] {strides = array<i32>} : memref<113x512xf32, #tpu.memory_space<vmem>>, vector<16xf32>,
        tpu.vector_store %arg8[%swap3A_1744, %swap3A_1745], %broadcast_in_dim3A_1742 {strides = array<i32>} : memref<113x512xf32, #tpu.memory_space<vmem>>, vector<16xf32>,
        %broadcast_in_dim3A_1747 = arith.constant 0.000000e+00 : f32
        %broadcast_in_dim3A_1748 = vector.broadcast %broadcast_in_dim3A_1747 : f32 to vector<16xf32>
        %swap3A_1749 = arith.constant 0 : i32
        %swap3A_1750 = arith.index_cast %swap3A_1749 : i32 to index
        %swap3A_1751 = arith.constant 464 : index
        %swap3A_1752 = tpu.vector_load %arg8[%swap3A_1750, %swap3A_1751] {strides = array<i32>} : memref<113x512xf32, #tpu.memory_space<vmem>>, vector<16xf32>,
        tpu.vector_store %arg8[%swap3A_1750, %swap3A_1751], %broadcast_in_dim3A_1748 {strides = array<i32>} : memref<113x512xf32, #tpu.memory_space<vmem>>, vector<16xf32>,
        %broadcast_in_dim3A_1753 = arith.constant 0.000000e+00 : f32
        %broadcast_in_dim3A_1754 = vector.broadcast %broadcast_in_dim3A_1753 : f32 to vector<16xf32>
        %swap3A_1755 = arith.constant 0 : i32
        %swap3A_1756 = arith.index_cast %swap3A_1755 : i32 to index
        %swap3A_1757 = arith.constant 480 : index
        %swap3A_1758 = tpu.vector_load %arg8[%swap3A_1756, %swap3A_1757] {strides = array<i32>} : memref<113x512xf32, #tpu.memory_space<vmem>>, vector<16xf32>,
        tpu.vector_store %arg8[%swap3A_1756, %swap3A_1757], %broadcast_in_dim3A_1754 {strides = array<i32>} : memref<113x512xf32, #tpu.memory_space<vmem>>, vector<16xf32>,
        %broadcast_in_dim3A_1759 = arith.constant 0.000000e+00 : f32
        %broadcast_in_dim3A_1760 = vector.broadcast %broadcast_in_dim3A_1759 : f32 to vector<16xf32>
        %swap3A_1761 = arith.constant 0 : i32
        %swap3A_1762 = arith.index_cast %swap3A_1761 : i32 to index
        %swap3A_1763 = arith.constant 496 : index
        %swap3A_1764 = tpu.vector_load %arg8[%swap3A_1762, %swap3A_1763] {strides = array<i32>} : memref<113x512xf32, #tpu.memory_space<vmem>>, vector<16xf32>,
        tpu.vector_store %arg8[%swap3A_1762, %swap3A_1763], %broadcast_in_dim3A_1760 {strides = array<i32>} : memref<113x512xf32, #tpu.memory_space<vmem>>, vector<16xf32>,
      } else {
      }
      %mul3A_1195 = arith.constant 112 : i32
      %mul3A_1196 = arith.muli %while3A_1181, %mul3A_1195 : i32
      %add3A_1197 = arith.constant 0 : i32
      %add3A_1198 = arith.addi %mul3A_1196, %add3A_1197 : i32
      %add3A_1199 = vector.broadcast %add3A_1198 : i32 to vector<16xi32>
      %add3A_1200 = arith.addi %iota3A, %add3A_1199 : vector<16xi32>
      %gather3A = tpu.vector_load_idx %arg7[%add3A_1200] : memref<1040xi32, #tpu.memory_space<vmem>>[vector<16xi32>], vector<16xi32>,
      %mul3A_1201 = arith.constant 112 : i32
      %mul3A_1202 = arith.muli %while3A_1181, %mul3A_1201 : i32
      %add3A_1203 = arith.constant 0 : i32
      %add3A_1204 = arith.addi %mul3A_1202, %add3A_1203 : i32
      %add3A_1205 = arith.constant 1 : i32
      %add3A_1206 = arith.addi %add3A_1204, %add3A_1205 : i32
      %add3A_1207 = vector.broadcast %add3A_1206 : i32 to vector<16xi32>
      %add3A_1208 = arith.addi %iota3A, %add3A_1207 : vector<16xi32>
      %gather3A_1209 = tpu.vector_load_idx %arg7[%add3A_1208] : memref<1040xi32, #tpu.memory_space<vmem>>[vector<16xi32>], vector<16xi32>,
      %sub3A_1210 = arith.subi %gather3A_1209, %gather3A : vector<16xi32>
      %convert_element_type3A_1211 = arith.sitofp %sub3A_1210 : vector<16xi32> to vector<16xf32>
      %div3A_1212 = arith.constant 1.000000e+00 : f32
      %div3A_1213 = vector.broadcast %div3A_1212 : f32 to vector<16xf32>
      %div3A_1214 = arith.divf %div3A_1213, %convert_element_type3A_1211 : vector<16xf32>
      %swap3A_1215 = arith.constant 0 : index
      %swap3A_1216 = tpu.vector_load %arg11[%swap3A_1215] {strides = array<i32>} : memref<112xf32, #tpu.memory_space<vmem>>, vector<16xf32>,
      tpu.vector_store %arg11[%swap3A_1215], %div3A_1214 {strides = array<i32>} : memref<112xf32, #tpu.memory_space<vmem>>, vector<16xf32>,
      %mul3A_1217 = arith.constant 112 : i32
      %mul3A_1218 = arith.muli %while3A_1181, %mul3A_1217 : i32
      %add3A_1219 = arith.constant 0 : i32
      %add3A_1220 = arith.addi %mul3A_1218, %add3A_1219 : i32
      %add3A_1221 = vector.broadcast %add3A_1220 : i32 to vector<16xi32>
      %add3A_1222 = arith.addi %iota3A, %add3A_1221 : vector<16xi32>
      %lt3A_1223 = vector.broadcast %sub3A_370 : i32 to vector<16xi32>
      %lt3A_1224 = arith.cmpi slt, %add3A_1222, %lt3A_1223 : vector<16xi32>
      %mul3A_1225 = arith.constant 4096 : i32
      %mul3A_1226 = arith.muli %add3A, %mul3A_1225 : i32
      %add3A_1227 = arith.addi %mul3A_1226, %add3A_1040 : i32
      %add3A_1228 = vector.broadcast %add3A_1227 : i32 to vector<16xi32>
      %add3A_1229 = arith.addi %add3A_1228, %add3A_1222 : vector<16xi32>
      %mul3A_1230 = arith.constant 2 : i32
      %mul3A_1231 = arith.muli %arg1, %mul3A_1230 : i32
      %add3A_1232 = vector.broadcast %mul3A_1231 : i32 to vector<16xi32>
      %add3A_1233 = arith.addi %add3A_1232, %iota3A : vector<16xi32>
      %and3A_1234 = arith.constant 7 : i32
      %and3A_1235 = vector.broadcast %and3A_1234 : i32 to vector<16xi32>
      %and3A_1236 = arith.andi %add3A_1233, %and3A_1235 : vector<16xi32>
      %add3A_1237 = arith.constant 32768 : i32
      %add3A_1238 = vector.broadcast %add3A_1237 : i32 to vector<16xi32>
      %add3A_1239 = arith.addi %add3A_1238, %and3A_1236 : vector<16xi32>
      %select_n3A_1240 = arith.select %lt3A_1224, %add3A_1229, %add3A_1239 : vector<16xi1>, vector<16xi32>
      %swap3A_1241 = arith.constant 0 : i32
      %swap3A_1242 = arith.index_cast %swap3A_1241 : i32 to index
      %swap3A_1243 = arith.constant 0 : index
      %swap3A_1244 = tpu.vector_load %arg10[%swap3A_1242, %swap3A_1243] {strides = array<i32>} : memref<1x112xi32, #tpu.memory_space<vmem>>, vector<16xi32>,
      tpu.vector_store %arg10[%swap3A_1242, %swap3A_1243], %select_n3A_1240 {strides = array<i32>} : memref<1x112xi32, #tpu.memory_space<vmem>>, vector<16xi32>,
      %mul3A_1245 = arith.constant 112 : i32
      %mul3A_1246 = arith.muli %while3A_1181, %mul3A_1245 : i32
      %add3A_1247 = arith.constant 16 : i32
      %add3A_1248 = arith.addi %mul3A_1246, %add3A_1247 : i32
      %add3A_1249 = vector.broadcast %add3A_1248 : i32 to vector<16xi32>
      %add3A_1250 = arith.addi %iota3A, %add3A_1249 : vector<16xi32>
      %gather3A_1251 = tpu.vector_load_idx %arg7[%add3A_1250] : memref<1040xi32, #tpu.memory_space<vmem>>[vector<16xi32>], vector<16xi32>,
      %mul3A_1252 = arith.constant 112 : i32
      %mul3A_1253 = arith.muli %while3A_1181, %mul3A_1252 : i32
      %add3A_1254 = arith.constant 16 : i32
      %add3A_1255 = arith.addi %mul3A_1253, %add3A_1254 : i32
      %add3A_1256 = arith.constant 1 : i32
      %add3A_1257 = arith.addi %add3A_1255, %add3A_1256 : i32
      %add3A_1258 = vector.broadcast %add3A_1257 : i32 to vector<16xi32>
      %add3A_1259 = arith.addi %iota3A, %add3A_1258 : vector<16xi32>
      %gather3A_1260 = tpu.vector_load_idx %arg7[%add3A_1259] : memref<1040xi32, #tpu.memory_space<vmem>>[vector<16xi32>], vector<16xi32>,
      %sub3A_1261 = arith.subi %gather3A_1260, %gather3A_1251 : vector<16xi32>
      %convert_element_type3A_1262 = arith.sitofp %sub3A_1261 : vector<16xi32> to vector<16xf32>
      %div3A_1263 = arith.constant 1.000000e+00 : f32
      %div3A_1264 = vector.broadcast %div3A_1263 : f32 to vector<16xf32>
      %div3A_1265 = arith.divf %div3A_1264, %convert_element_type3A_1262 : vector<16xf32>
      %swap3A_1266 = arith.constant 16 : index
      %swap3A_1267 = tpu.vector_load %arg11[%swap3A_1266] {strides = array<i32>} : memref<112xf32, #tpu.memory_space<vmem>>, vector<16xf32>,
      tpu.vector_store %arg11[%swap3A_1266], %div3A_1265 {strides = array<i32>} : memref<112xf32, #tpu.memory_space<vmem>>, vector<16xf32>,
      %mul3A_1268 = arith.constant 112 : i32
      %mul3A_1269 = arith.muli %while3A_1181, %mul3A_1268 : i32
      %add3A_1270 = arith.constant 16 : i32
      %add3A_1271 = arith.addi %mul3A_1269, %add3A_1270 : i32
      %add3A_1272 = vector.broadcast %add3A_1271 : i32 to vector<16xi32>
      %add3A_1273 = arith.addi %iota3A, %add3A_1272 : vector<16xi32>
      %lt3A_1274 = vector.broadcast %sub3A_370 : i32 to vector<16xi32>
      %lt3A_1275 = arith.cmpi slt, %add3A_1273, %lt3A_1274 : vector<16xi32>
      %mul3A_1276 = arith.constant 4096 : i32
      %mul3A_1277 = arith.muli %add3A, %mul3A_1276 : i32
      %add3A_1278 = arith.addi %mul3A_1277, %add3A_1040 : i32
      %add3A_1279 = vector.broadcast %add3A_1278 : i32 to vector<16xi32>
      %add3A_1280 = arith.addi %add3A_1279, %add3A_1273 : vector<16xi32>
      %mul3A_1281 = arith.constant 2 : i32
      %mul3A_1282 = arith.muli %arg1, %mul3A_1281 : i32
      %add3A_1283 = vector.broadcast %mul3A_1282 : i32 to vector<16xi32>
      %add3A_1284 = arith.addi %add3A_1283, %iota3A : vector<16xi32>
      %and3A_1285 = arith.constant 7 : i32
      %and3A_1286 = vector.broadcast %and3A_1285 : i32 to vector<16xi32>
      %and3A_1287 = arith.andi %add3A_1284, %and3A_1286 : vector<16xi32>
      %add3A_1288 = arith.constant 32768 : i32
      %add3A_1289 = vector.broadcast %add3A_1288 : i32 to vector<16xi32>
      %add3A_1290 = arith.addi %add3A_1289, %and3A_1287 : vector<16xi32>
      %select_n3A_1291 = arith.select %lt3A_1275, %add3A_1280, %add3A_1290 : vector<16xi1>, vector<16xi32>
      %swap3A_1292 = arith.constant 0 : i32
      %swap3A_1293 = arith.index_cast %swap3A_1292 : i32 to index
      %swap3A_1294 = arith.constant 16 : index
      %swap3A_1295 = tpu.vector_load %arg10[%swap3A_1293, %swap3A_1294] {strides = array<i32>} : memref<1x112xi32, #tpu.memory_space<vmem>>, vector<16xi32>,
      tpu.vector_store %arg10[%swap3A_1293, %swap3A_1294], %select_n3A_1291 {strides = array<i32>} : memref<1x112xi32, #tpu.memory_space<vmem>>, vector<16xi32>,
      %mul3A_1296 = arith.constant 112 : i32
      %mul3A_1297 = arith.muli %while3A_1181, %mul3A_1296 : i32
      %add3A_1298 = arith.constant 32 : i32
      %add3A_1299 = arith.addi %mul3A_1297, %add3A_1298 : i32
      %add3A_1300 = vector.broadcast %add3A_1299 : i32 to vector<16xi32>
      %add3A_1301 = arith.addi %iota3A, %add3A_1300 : vector<16xi32>
      %gather3A_1302 = tpu.vector_load_idx %arg7[%add3A_1301] : memref<1040xi32, #tpu.memory_space<vmem>>[vector<16xi32>], vector<16xi32>,
      %mul3A_1303 = arith.constant 112 : i32
      %mul3A_1304 = arith.muli %while3A_1181, %mul3A_1303 : i32
      %add3A_1305 = arith.constant 32 : i32
      %add3A_1306 = arith.addi %mul3A_1304, %add3A_1305 : i32
      %add3A_1307 = arith.constant 1 : i32
      %add3A_1308 = arith.addi %add3A_1306, %add3A_1307 : i32
      %add3A_1309 = vector.broadcast %add3A_1308 : i32 to vector<16xi32>
      %add3A_1310 = arith.addi %iota3A, %add3A_1309 : vector<16xi32>
      %gather3A_1311 = tpu.vector_load_idx %arg7[%add3A_1310] : memref<1040xi32, #tpu.memory_space<vmem>>[vector<16xi32>], vector<16xi32>,
      %sub3A_1312 = arith.subi %gather3A_1311, %gather3A_1302 : vector<16xi32>
      %convert_element_type3A_1313 = arith.sitofp %sub3A_1312 : vector<16xi32> to vector<16xf32>
      %div3A_1314 = arith.constant 1.000000e+00 : f32
      %div3A_1315 = vector.broadcast %div3A_1314 : f32 to vector<16xf32>
      %div3A_1316 = arith.divf %div3A_1315, %convert_element_type3A_1313 : vector<16xf32>
      %swap3A_1317 = arith.constant 32 : index
      %swap3A_1318 = tpu.vector_load %arg11[%swap3A_1317] {strides = array<i32>} : memref<112xf32, #tpu.memory_space<vmem>>, vector<16xf32>,
      tpu.vector_store %arg11[%swap3A_1317], %div3A_1316 {strides = array<i32>} : memref<112xf32, #tpu.memory_space<vmem>>, vector<16xf32>,
      %mul3A_1319 = arith.constant 112 : i32
      %mul3A_1320 = arith.muli %while3A_1181, %mul3A_1319 : i32
      %add3A_1321 = arith.constant 32 : i32
      %add3A_1322 = arith.addi %mul3A_1320, %add3A_1321 : i32
      %add3A_1323 = vector.broadcast %add3A_1322 : i32 to vector<16xi32>
      %add3A_1324 = arith.addi %iota3A, %add3A_1323 : vector<16xi32>
      %lt3A_1325 = vector.broadcast %sub3A_370 : i32 to vector<16xi32>
      %lt3A_1326 = arith.cmpi slt, %add3A_1324, %lt3A_1325 : vector<16xi32>
      %mul3A_1327 = arith.constant 4096 : i32
      %mul3A_1328 = arith.muli %add3A, %mul3A_1327 : i32
      %add3A_1329 = arith.addi %mul3A_1328, %add3A_1040 : i32
      %add3A_1330 = vector.broadcast %add3A_1329 : i32 to vector<16xi32>
      %add3A_1331 = arith.addi %add3A_1330, %add3A_1324 : vector<16xi32>
      %mul3A_1332 = arith.constant 2 : i32
      %mul3A_1333 = arith.muli %arg1, %mul3A_1332 : i32
      %add3A_1334 = vector.broadcast %mul3A_1333 : i32 to vector<16xi32>
      %add3A_1335 = arith.addi %add3A_1334, %iota3A : vector<16xi32>
      %and3A_1336 = arith.constant 7 : i32
      %and3A_1337 = vector.broadcast %and3A_1336 : i32 to vector<16xi32>
      %and3A_1338 = arith.andi %add3A_1335, %and3A_1337 : vector<16xi32>
      %add3A_1339 = arith.constant 32768 : i32
      %add3A_1340 = vector.broadcast %add3A_1339 : i32 to vector<16xi32>
      %add3A_1341 = arith.addi %add3A_1340, %and3A_1338 : vector<16xi32>
      %select_n3A_1342 = arith.select %lt3A_1326, %add3A_1331, %add3A_1341 : vector<16xi1>, vector<16xi32>
      %swap3A_1343 = arith.constant 0 : i32
      %swap3A_1344 = arith.index_cast %swap3A_1343 : i32 to index
      %swap3A_1345 = arith.constant 32 : index
      %swap3A_1346 = tpu.vector_load %arg10[%swap3A_1344, %swap3A_1345] {strides = array<i32>} : memref<1x112xi32, #tpu.memory_space<vmem>>, vector<16xi32>,
      tpu.vector_store %arg10[%swap3A_1344, %swap3A_1345], %select_n3A_1342 {strides = array<i32>} : memref<1x112xi32, #tpu.memory_space<vmem>>, vector<16xi32>,
      %mul3A_1347 = arith.constant 112 : i32
      %mul3A_1348 = arith.muli %while3A_1181, %mul3A_1347 : i32
      %add3A_1349 = arith.constant 48 : i32
      %add3A_1350 = arith.addi %mul3A_1348, %add3A_1349 : i32
      %add3A_1351 = vector.broadcast %add3A_1350 : i32 to vector<16xi32>
      %add3A_1352 = arith.addi %iota3A, %add3A_1351 : vector<16xi32>
      %gather3A_1353 = tpu.vector_load_idx %arg7[%add3A_1352] : memref<1040xi32, #tpu.memory_space<vmem>>[vector<16xi32>], vector<16xi32>,
      %mul3A_1354 = arith.constant 112 : i32
      %mul3A_1355 = arith.muli %while3A_1181, %mul3A_1354 : i32
      %add3A_1356 = arith.constant 48 : i32
      %add3A_1357 = arith.addi %mul3A_1355, %add3A_1356 : i32
      %add3A_1358 = arith.constant 1 : i32
      %add3A_1359 = arith.addi %add3A_1357, %add3A_1358 : i32
      %add3A_1360 = vector.broadcast %add3A_1359 : i32 to vector<16xi32>
      %add3A_1361 = arith.addi %iota3A, %add3A_1360 : vector<16xi32>
      %gather3A_1362 = tpu.vector_load_idx %arg7[%add3A_1361] : memref<1040xi32, #tpu.memory_space<vmem>>[vector<16xi32>], vector<16xi32>,
      %sub3A_1363 = arith.subi %gather3A_1362, %gather3A_1353 : vector<16xi32>
      %convert_element_type3A_1364 = arith.sitofp %sub3A_1363 : vector<16xi32> to vector<16xf32>
      %div3A_1365 = arith.constant 1.000000e+00 : f32
      %div3A_1366 = vector.broadcast %div3A_1365 : f32 to vector<16xf32>
      %div3A_1367 = arith.divf %div3A_1366, %convert_element_type3A_1364 : vector<16xf32>
      %swap3A_1368 = arith.constant 48 : index
      %swap3A_1369 = tpu.vector_load %arg11[%swap3A_1368] {strides = array<i32>} : memref<112xf32, #tpu.memory_space<vmem>>, vector<16xf32>,
      tpu.vector_store %arg11[%swap3A_1368], %div3A_1367 {strides = array<i32>} : memref<112xf32, #tpu.memory_space<vmem>>, vector<16xf32>,
      %mul3A_1370 = arith.constant 112 : i32
      %mul3A_1371 = arith.muli %while3A_1181, %mul3A_1370 : i32
      %add3A_1372 = arith.constant 48 : i32
      %add3A_1373 = arith.addi %mul3A_1371, %add3A_1372 : i32
      %add3A_1374 = vector.broadcast %add3A_1373 : i32 to vector<16xi32>
      %add3A_1375 = arith.addi %iota3A, %add3A_1374 : vector<16xi32>
      %lt3A_1376 = vector.broadcast %sub3A_370 : i32 to vector<16xi32>
      %lt3A_1377 = arith.cmpi slt, %add3A_1375, %lt3A_1376 : vector<16xi32>
      %mul3A_1378 = arith.constant 4096 : i32
      %mul3A_1379 = arith.muli %add3A, %mul3A_1378 : i32
      %add3A_1380 = arith.addi %mul3A_1379, %add3A_1040 : i32
      %add3A_1381 = vector.broadcast %add3A_1380 : i32 to vector<16xi32>
      %add3A_1382 = arith.addi %add3A_1381, %add3A_1375 : vector<16xi32>
      %mul3A_1383 = arith.constant 2 : i32
      %mul3A_1384 = arith.muli %arg1, %mul3A_1383 : i32
      %add3A_1385 = vector.broadcast %mul3A_1384 : i32 to vector<16xi32>
      %add3A_1386 = arith.addi %add3A_1385, %iota3A : vector<16xi32>
      %and3A_1387 = arith.constant 7 : i32
      %and3A_1388 = vector.broadcast %and3A_1387 : i32 to vector<16xi32>
      %and3A_1389 = arith.andi %add3A_1386, %and3A_1388 : vector<16xi32>
      %add3A_1390 = arith.constant 32768 : i32
      %add3A_1391 = vector.broadcast %add3A_1390 : i32 to vector<16xi32>
      %add3A_1392 = arith.addi %add3A_1391, %and3A_1389 : vector<16xi32>
      %select_n3A_1393 = arith.select %lt3A_1377, %add3A_1382, %add3A_1392 : vector<16xi1>, vector<16xi32>
      %swap3A_1394 = arith.constant 0 : i32
      %swap3A_1395 = arith.index_cast %swap3A_1394 : i32 to index
      %swap3A_1396 = arith.constant 48 : index
      %swap3A_1397 = tpu.vector_load %arg10[%swap3A_1395, %swap3A_1396] {strides = array<i32>} : memref<1x112xi32, #tpu.memory_space<vmem>>, vector<16xi32>,
      tpu.vector_store %arg10[%swap3A_1395, %swap3A_1396], %select_n3A_1393 {strides = array<i32>} : memref<1x112xi32, #tpu.memory_space<vmem>>, vector<16xi32>,
      %mul3A_1398 = arith.constant 112 : i32
      %mul3A_1399 = arith.muli %while3A_1181, %mul3A_1398 : i32
      %add3A_1400 = arith.constant 64 : i32
      %add3A_1401 = arith.addi %mul3A_1399, %add3A_1400 : i32
      %add3A_1402 = vector.broadcast %add3A_1401 : i32 to vector<16xi32>
      %add3A_1403 = arith.addi %iota3A, %add3A_1402 : vector<16xi32>
      %gather3A_1404 = tpu.vector_load_idx %arg7[%add3A_1403] : memref<1040xi32, #tpu.memory_space<vmem>>[vector<16xi32>], vector<16xi32>,
      %mul3A_1405 = arith.constant 112 : i32
      %mul3A_1406 = arith.muli %while3A_1181, %mul3A_1405 : i32
      %add3A_1407 = arith.constant 64 : i32
      %add3A_1408 = arith.addi %mul3A_1406, %add3A_1407 : i32
      %add3A_1409 = arith.constant 1 : i32
      %add3A_1410 = arith.addi %add3A_1408, %add3A_1409 : i32
      %add3A_1411 = vector.broadcast %add3A_1410 : i32 to vector<16xi32>
      %add3A_1412 = arith.addi %iota3A, %add3A_1411 : vector<16xi32>
      %gather3A_1413 = tpu.vector_load_idx %arg7[%add3A_1412] : memref<1040xi32, #tpu.memory_space<vmem>>[vector<16xi32>], vector<16xi32>,
      %sub3A_1414 = arith.subi %gather3A_1413, %gather3A_1404 : vector<16xi32>
      %convert_element_type3A_1415 = arith.sitofp %sub3A_1414 : vector<16xi32> to vector<16xf32>
      %div3A_1416 = arith.constant 1.000000e+00 : f32
      %div3A_1417 = vector.broadcast %div3A_1416 : f32 to vector<16xf32>
      %div3A_1418 = arith.divf %div3A_1417, %convert_element_type3A_1415 : vector<16xf32>
      %swap3A_1419 = arith.constant 64 : index
      %swap3A_1420 = tpu.vector_load %arg11[%swap3A_1419] {strides = array<i32>} : memref<112xf32, #tpu.memory_space<vmem>>, vector<16xf32>,
      tpu.vector_store %arg11[%swap3A_1419], %div3A_1418 {strides = array<i32>} : memref<112xf32, #tpu.memory_space<vmem>>, vector<16xf32>,
      %mul3A_1421 = arith.constant 112 : i32
      %mul3A_1422 = arith.muli %while3A_1181, %mul3A_1421 : i32
      %add3A_1423 = arith.constant 64 : i32
      %add3A_1424 = arith.addi %mul3A_1422, %add3A_1423 : i32
      %add3A_1425 = vector.broadcast %add3A_1424 : i32 to vector<16xi32>
      %add3A_1426 = arith.addi %iota3A, %add3A_1425 : vector<16xi32>
      %lt3A_1427 = vector.broadcast %sub3A_370 : i32 to vector<16xi32>
      %lt3A_1428 = arith.cmpi slt, %add3A_1426, %lt3A_1427 : vector<16xi32>
      %mul3A_1429 = arith.constant 4096 : i32
      %mul3A_1430 = arith.muli %add3A, %mul3A_1429 : i32
      %add3A_1431 = arith.addi %mul3A_1430, %add3A_1040 : i32
      %add3A_1432 = vector.broadcast %add3A_1431 : i32 to vector<16xi32>
      %add3A_1433 = arith.addi %add3A_1432, %add3A_1426 : vector<16xi32>
      %mul3A_1434 = arith.constant 2 : i32
      %mul3A_1435 = arith.muli %arg1, %mul3A_1434 : i32
      %add3A_1436 = vector.broadcast %mul3A_1435 : i32 to vector<16xi32>
      %add3A_1437 = arith.addi %add3A_1436, %iota3A : vector<16xi32>
      %and3A_1438 = arith.constant 7 : i32
      %and3A_1439 = vector.broadcast %and3A_1438 : i32 to vector<16xi32>
      %and3A_1440 = arith.andi %add3A_1437, %and3A_1439 : vector<16xi32>
      %add3A_1441 = arith.constant 32768 : i32
      %add3A_1442 = vector.broadcast %add3A_1441 : i32 to vector<16xi32>
      %add3A_1443 = arith.addi %add3A_1442, %and3A_1440 : vector<16xi32>
      %select_n3A_1444 = arith.select %lt3A_1428, %add3A_1433, %add3A_1443 : vector<16xi1>, vector<16xi32>
      %swap3A_1445 = arith.constant 0 : i32
      %swap3A_1446 = arith.index_cast %swap3A_1445 : i32 to index
      %swap3A_1447 = arith.constant 64 : index
      %swap3A_1448 = tpu.vector_load %arg10[%swap3A_1446, %swap3A_1447] {strides = array<i32>} : memref<1x112xi32, #tpu.memory_space<vmem>>, vector<16xi32>,
      tpu.vector_store %arg10[%swap3A_1446, %swap3A_1447], %select_n3A_1444 {strides = array<i32>} : memref<1x112xi32, #tpu.memory_space<vmem>>, vector<16xi32>,
      %mul3A_1449 = arith.constant 112 : i32
      %mul3A_1450 = arith.muli %while3A_1181, %mul3A_1449 : i32
      %add3A_1451 = arith.constant 80 : i32
      %add3A_1452 = arith.addi %mul3A_1450, %add3A_1451 : i32
      %add3A_1453 = vector.broadcast %add3A_1452 : i32 to vector<16xi32>
      %add3A_1454 = arith.addi %iota3A, %add3A_1453 : vector<16xi32>
      %gather3A_1455 = tpu.vector_load_idx %arg7[%add3A_1454] : memref<1040xi32, #tpu.memory_space<vmem>>[vector<16xi32>], vector<16xi32>,
      %mul3A_1456 = arith.constant 112 : i32
      %mul3A_1457 = arith.muli %while3A_1181, %mul3A_1456 : i32
      %add3A_1458 = arith.constant 80 : i32
      %add3A_1459 = arith.addi %mul3A_1457, %add3A_1458 : i32
      %add3A_1460 = arith.constant 1 : i32
      %add3A_1461 = arith.addi %add3A_1459, %add3A_1460 : i32
      %add3A_1462 = vector.broadcast %add3A_1461 : i32 to vector<16xi32>
      %add3A_1463 = arith.addi %iota3A, %add3A_1462 : vector<16xi32>
      %gather3A_1464 = tpu.vector_load_idx %arg7[%add3A_1463] : memref<1040xi32, #tpu.memory_space<vmem>>[vector<16xi32>], vector<16xi32>,
      %sub3A_1465 = arith.subi %gather3A_1464, %gather3A_1455 : vector<16xi32>
      %convert_element_type3A_1466 = arith.sitofp %sub3A_1465 : vector<16xi32> to vector<16xf32>
      %div3A_1467 = arith.constant 1.000000e+00 : f32
      %div3A_1468 = vector.broadcast %div3A_1467 : f32 to vector<16xf32>
      %div3A_1469 = arith.divf %div3A_1468, %convert_element_type3A_1466 : vector<16xf32>
      %swap3A_1470 = arith.constant 80 : index
      %swap3A_1471 = tpu.vector_load %arg11[%swap3A_1470] {strides = array<i32>} : memref<112xf32, #tpu.memory_space<vmem>>, vector<16xf32>,
      tpu.vector_store %arg11[%swap3A_1470], %div3A_1469 {strides = array<i32>} : memref<112xf32, #tpu.memory_space<vmem>>, vector<16xf32>,
      %mul3A_1472 = arith.constant 112 : i32
      %mul3A_1473 = arith.muli %while3A_1181, %mul3A_1472 : i32
      %add3A_1474 = arith.constant 80 : i32
      %add3A_1475 = arith.addi %mul3A_1473, %add3A_1474 : i32
      %add3A_1476 = vector.broadcast %add3A_1475 : i32 to vector<16xi32>
      %add3A_1477 = arith.addi %iota3A, %add3A_1476 : vector<16xi32>
      %lt3A_1478 = vector.broadcast %sub3A_370 : i32 to vector<16xi32>
      %lt3A_1479 = arith.cmpi slt, %add3A_1477, %lt3A_1478 : vector<16xi32>
      %mul3A_1480 = arith.constant 4096 : i32
      %mul3A_1481 = arith.muli %add3A, %mul3A_1480 : i32
      %add3A_1482 = arith.addi %mul3A_1481, %add3A_1040 : i32
      %add3A_1483 = vector.broadcast %add3A_1482 : i32 to vector<16xi32>
      %add3A_1484 = arith.addi %add3A_1483, %add3A_1477 : vector<16xi32>
      %mul3A_1485 = arith.constant 2 : i32
      %mul3A_1486 = arith.muli %arg1, %mul3A_1485 : i32
      %add3A_1487 = vector.broadcast %mul3A_1486 : i32 to vector<16xi32>
      %add3A_1488 = arith.addi %add3A_1487, %iota3A : vector<16xi32>
      %and3A_1489 = arith.constant 7 : i32
      %and3A_1490 = vector.broadcast %and3A_1489 : i32 to vector<16xi32>
      %and3A_1491 = arith.andi %add3A_1488, %and3A_1490 : vector<16xi32>
      %add3A_1492 = arith.constant 32768 : i32
      %add3A_1493 = vector.broadcast %add3A_1492 : i32 to vector<16xi32>
      %add3A_1494 = arith.addi %add3A_1493, %and3A_1491 : vector<16xi32>
      %select_n3A_1495 = arith.select %lt3A_1479, %add3A_1484, %add3A_1494 : vector<16xi1>, vector<16xi32>
      %swap3A_1496 = arith.constant 0 : i32
      %swap3A_1497 = arith.index_cast %swap3A_1496 : i32 to index
      %swap3A_1498 = arith.constant 80 : index
      %swap3A_1499 = tpu.vector_load %arg10[%swap3A_1497, %swap3A_1498] {strides = array<i32>} : memref<1x112xi32, #tpu.memory_space<vmem>>, vector<16xi32>,
      tpu.vector_store %arg10[%swap3A_1497, %swap3A_1498], %select_n3A_1495 {strides = array<i32>} : memref<1x112xi32, #tpu.memory_space<vmem>>, vector<16xi32>,
      %mul3A_1500 = arith.constant 112 : i32
      %mul3A_1501 = arith.muli %while3A_1181, %mul3A_1500 : i32
      %add3A_1502 = arith.constant 96 : i32
      %add3A_1503 = arith.addi %mul3A_1501, %add3A_1502 : i32
      %add3A_1504 = vector.broadcast %add3A_1503 : i32 to vector<16xi32>
      %add3A_1505 = arith.addi %iota3A, %add3A_1504 : vector<16xi32>
      %gather3A_1506 = tpu.vector_load_idx %arg7[%add3A_1505] : memref<1040xi32, #tpu.memory_space<vmem>>[vector<16xi32>], vector<16xi32>,
      %mul3A_1507 = arith.constant 112 : i32
      %mul3A_1508 = arith.muli %while3A_1181, %mul3A_1507 : i32
      %add3A_1509 = arith.constant 96 : i32
      %add3A_1510 = arith.addi %mul3A_1508, %add3A_1509 : i32
      %add3A_1511 = arith.constant 1 : i32
      %add3A_1512 = arith.addi %add3A_1510, %add3A_1511 : i32
      %add3A_1513 = vector.broadcast %add3A_1512 : i32 to vector<16xi32>
      %add3A_1514 = arith.addi %iota3A, %add3A_1513 : vector<16xi32>
      %gather3A_1515 = tpu.vector_load_idx %arg7[%add3A_1514] : memref<1040xi32, #tpu.memory_space<vmem>>[vector<16xi32>], vector<16xi32>,
      %sub3A_1516 = arith.subi %gather3A_1515, %gather3A_1506 : vector<16xi32>
      %convert_element_type3A_1517 = arith.sitofp %sub3A_1516 : vector<16xi32> to vector<16xf32>
      %div3A_1518 = arith.constant 1.000000e+00 : f32
      %div3A_1519 = vector.broadcast %div3A_1518 : f32 to vector<16xf32>
      %div3A_1520 = arith.divf %div3A_1519, %convert_element_type3A_1517 : vector<16xf32>
      %swap3A_1521 = arith.constant 96 : index
      %swap3A_1522 = tpu.vector_load %arg11[%swap3A_1521] {strides = array<i32>} : memref<112xf32, #tpu.memory_space<vmem>>, vector<16xf32>,
      tpu.vector_store %arg11[%swap3A_1521], %div3A_1520 {strides = array<i32>} : memref<112xf32, #tpu.memory_space<vmem>>, vector<16xf32>,
      %mul3A_1523 = arith.constant 112 : i32
      %mul3A_1524 = arith.muli %while3A_1181, %mul3A_1523 : i32
      %add3A_1525 = arith.constant 96 : i32
      %add3A_1526 = arith.addi %mul3A_1524, %add3A_1525 : i32
      %add3A_1527 = vector.broadcast %add3A_1526 : i32 to vector<16xi32>
      %add3A_1528 = arith.addi %iota3A, %add3A_1527 : vector<16xi32>
      %lt3A_1529 = vector.broadcast %sub3A_370 : i32 to vector<16xi32>
      %lt3A_1530 = arith.cmpi slt, %add3A_1528, %lt3A_1529 : vector<16xi32>
      %mul3A_1531 = arith.constant 4096 : i32
      %mul3A_1532 = arith.muli %add3A, %mul3A_1531 : i32
      %add3A_1533 = arith.addi %mul3A_1532, %add3A_1040 : i32
      %add3A_1534 = vector.broadcast %add3A_1533 : i32 to vector<16xi32>
      %add3A_1535 = arith.addi %add3A_1534, %add3A_1528 : vector<16xi32>
      %mul3A_1536 = arith.constant 2 : i32
      %mul3A_1537 = arith.muli %arg1, %mul3A_1536 : i32
      %add3A_1538 = vector.broadcast %mul3A_1537 : i32 to vector<16xi32>
      %add3A_1539 = arith.addi %add3A_1538, %iota3A : vector<16xi32>
      %and3A_1540 = arith.constant 7 : i32
      %and3A_1541 = vector.broadcast %and3A_1540 : i32 to vector<16xi32>
      %and3A_1542 = arith.andi %add3A_1539, %and3A_1541 : vector<16xi32>
      %add3A_1543 = arith.constant 32768 : i32
      %add3A_1544 = vector.broadcast %add3A_1543 : i32 to vector<16xi32>
      %add3A_1545 = arith.addi %add3A_1544, %and3A_1542 : vector<16xi32>
      %select_n3A_1546 = arith.select %lt3A_1530, %add3A_1535, %add3A_1545 : vector<16xi1>, vector<16xi32>
      %swap3A_1547 = arith.constant 0 : i32
      %swap3A_1548 = arith.index_cast %swap3A_1547 : i32 to index
      %swap3A_1549 = arith.constant 96 : index
      %swap3A_1550 = tpu.vector_load %arg10[%swap3A_1548, %swap3A_1549] {strides = array<i32>} : memref<1x112xi32, #tpu.memory_space<vmem>>, vector<16xi32>,
      tpu.vector_store %arg10[%swap3A_1548, %swap3A_1549], %select_n3A_1546 {strides = array<i32>} : memref<1x112xi32, #tpu.memory_space<vmem>>, vector<16xi32>,
      %scan3A_1551 = arith.constant 0 : i32
      %scan3A_1552 = arith.constant 0 : i32
      %scan3A_1553 = arith.constant 112 : i32
      %scan3A_1554 = arith.addi %scan3A_1552, %scan3A_1553 : i32
      %scan3A_1555 = arith.constant 1 : i32
      %scan3A_1556 = scf.for %scan3A_1573 = %scan3A_1552 to %scan3A_1554 step %scan3A_1555 iter_args(%scan3A_1574 = %scan3A_1551) -> (i32)  : i32 {
        %mul3A_1575 = arith.constant 0 : i32
        %mul3A_1576 = vector.broadcast %mul3A_1575 : i32 to vector<16xi32>
        %mul3A_1577 = arith.muli %iota3A, %mul3A_1576 : vector<16xi32>
        %add3A_1578 = vector.broadcast %scan3A_1573 : i32 to vector<16xi32>
        %add3A_1579 = arith.addi %mul3A_1577, %add3A_1578 : vector<16xi32>
        %gather3A_1580 = tpu.vector_load_idx %arg11[%add3A_1579] : memref<112xf32, #tpu.memory_space<vmem>>[vector<16xi32>], vector<16xf32>,
        %add3A_1581 = arith.constant 1 : i32
        %add3A_1582 = arith.addi %scan3A_1573, %add3A_1581 : i32
        %get3A_1583 = arith.index_cast %add3A_1582 : i32 to index
        %get3A_1584 = arith.constant 0 : index
        %get3A_1585 = tpu.vector_load %arg8[%get3A_1583, %get3A_1584] {strides = array<i32>} : memref<113x512xf32, #tpu.memory_space<vmem>>, vector<16xf32>,
        %get3A_1586 = arith.index_cast %scan3A_1573 : i32 to index
        %get3A_1587 = arith.constant 0 : index
        %get3A_1588 = tpu.vector_load %arg8[%get3A_1586, %get3A_1587] {strides = array<i32>} : memref<113x512xf32, #tpu.memory_space<vmem>>, vector<16xf32>,
        %sub3A_1589 = arith.subf %get3A_1585, %get3A_1588 : vector<16xf32>
        %mul3A_1590 = arith.mulf %sub3A_1589, %gather3A_1580 : vector<16xf32>
        %get3A_1591 = arith.constant 0 : index
        %get3A_1592 = tpu.vector_load %arg14[%get3A_1591] {strides = array<i32>} : memref<512xf32, #tpu.memory_space<vmem>>, vector<16xf32>,
        %add3A_1593 = arith.addf %mul3A_1590, %get3A_1592 : vector<16xf32>
        %swap3A_1594 = arith.index_cast %scan3A_1573 : i32 to index
        %swap3A_1595 = arith.constant 0 : index
        %swap3A_1596 = tpu.vector_load %arg9[%swap3A_1594, %swap3A_1595] {strides = array<i32>} : memref<112x512xf32, #tpu.memory_space<vmem>>, vector<16xf32>,
        tpu.vector_store %arg9[%swap3A_1594, %swap3A_1595], %add3A_1593 {strides = array<i32>} : memref<112x512xf32, #tpu.memory_space<vmem>>, vector<16xf32>,
        %add3A_1597 = arith.constant 1 : i32
        %add3A_1598 = arith.addi %scan3A_1573, %add3A_1597 : i32
        %get3A_1599 = arith.index_cast %add3A_1598 : i32 to index
        %get3A_1600 = arith.constant 16 : index
        %get3A_1601 = tpu.vector_load %arg8[%get3A_1599, %get3A_1600] {strides = array<i32>} : memref<113x512xf32, #tpu.memory_space<vmem>>, vector<16xf32>,
        %get3A_1602 = arith.index_cast %scan3A_1573 : i32 to index
        %get3A_1603 = arith.constant 16 : index
        %get3A_1604 = tpu.vector_load %arg8[%get3A_1602, %get3A_1603] {strides = array<i32>} : memref<113x512xf32, #tpu.memory_space<vmem>>, vector<16xf32>,
        %sub3A_1605 = arith.subf %get3A_1601, %get3A_1604 : vector<16xf32>
        %mul3A_1606 = arith.mulf %sub3A_1605, %gather3A_1580 : vector<16xf32>
        %get3A_1607 = arith.constant 16 : index
        %get3A_1608 = tpu.vector_load %arg14[%get3A_1607] {strides = array<i32>} : memref<512xf32, #tpu.memory_space<vmem>>, vector<16xf32>,
        %add3A_1609 = arith.addf %mul3A_1606, %get3A_1608 : vector<16xf32>
        %swap3A_1610 = arith.index_cast %scan3A_1573 : i32 to index
        %swap3A_1611 = arith.constant 16 : index
        %swap3A_1612 = tpu.vector_load %arg9[%swap3A_1610, %swap3A_1611] {strides = array<i32>} : memref<112x512xf32, #tpu.memory_space<vmem>>, vector<16xf32>,
        tpu.vector_store %arg9[%swap3A_1610, %swap3A_1611], %add3A_1609 {strides = array<i32>} : memref<112x512xf32, #tpu.memory_space<vmem>>, vector<16xf32>,
        %add3A_1613 = arith.constant 1 : i32
        %add3A_1614 = arith.addi %scan3A_1573, %add3A_1613 : i32
        %get3A_1615 = arith.index_cast %add3A_1614 : i32 to index
        %get3A_1616 = arith.constant 32 : index
        %get3A_1617 = tpu.vector_load %arg8[%get3A_1615, %get3A_1616] {strides = array<i32>} : memref<113x512xf32, #tpu.memory_space<vmem>>, vector<16xf32>,
        %get3A_1618 = arith.index_cast %scan3A_1573 : i32 to index
        %get3A_1619 = arith.constant 32 : index
        %get3A_1620 = tpu.vector_load %arg8[%get3A_1618, %get3A_1619] {strides = array<i32>} : memref<113x512xf32, #tpu.memory_space<vmem>>, vector<16xf32>,
        %sub3A_1621 = arith.subf %get3A_1617, %get3A_1620 : vector<16xf32>
        %mul3A_1622 = arith.mulf %sub3A_1621, %gather3A_1580 : vector<16xf32>
        %get3A_1623 = arith.constant 32 : index
        %get3A_1624 = tpu.vector_load %arg14[%get3A_1623] {strides = array<i32>} : memref<512xf32, #tpu.memory_space<vmem>>, vector<16xf32>,
        %add3A_1625 = arith.addf %mul3A_1622, %get3A_1624 : vector<16xf32>
        %swap3A_1626 = arith.index_cast %scan3A_1573 : i32 to index
        %swap3A_1627 = arith.constant 32 : index
        %swap3A_1628 = tpu.vector_load %arg9[%swap3A_1626, %swap3A_1627] {strides = array<i32>} : memref<112x512xf32, #tpu.memory_space<vmem>>, vector<16xf32>,
        tpu.vector_store %arg9[%swap3A_1626, %swap3A_1627], %add3A_1625 {strides = array<i32>} : memref<112x512xf32, #tpu.memory_space<vmem>>, vector<16xf32>,
        %add3A_1629 = arith.constant 1 : i32
        %add3A_1630 = arith.addi %scan3A_1573, %add3A_1629 : i32
        %get3A_1631 = arith.index_cast %add3A_1630 : i32 to index
        %get3A_1632 = arith.constant 48 : index
        %get3A_1633 = tpu.vector_load %arg8[%get3A_1631, %get3A_1632] {strides = array<i32>} : memref<113x512xf32, #tpu.memory_space<vmem>>, vector<16xf32>,
        %get3A_1634 = arith.index_cast %scan3A_1573 : i32 to index
        %get3A_1635 = arith.constant 48 : index
        %get3A_1636 = tpu.vector_load %arg8[%get3A_1634, %get3A_1635] {strides = array<i32>} : memref<113x512xf32, #tpu.memory_space<vmem>>, vector<16xf32>,
        %sub3A_1637 = arith.subf %get3A_1633, %get3A_1636 : vector<16xf32>
        %mul3A_1638 = arith.mulf %sub3A_1637, %gather3A_1580 : vector<16xf32>
        %get3A_1639 = arith.constant 48 : index
        %get3A_1640 = tpu.vector_load %arg14[%get3A_1639] {strides = array<i32>} : memref<512xf32, #tpu.memory_space<vmem>>, vector<16xf32>,
        %add3A_1641 = arith.addf %mul3A_1638, %get3A_1640 : vector<16xf32>
        %swap3A_1642 = arith.index_cast %scan3A_1573 : i32 to index
        %swap3A_1643 = arith.constant 48 : index
        %swap3A_1644 = tpu.vector_load %arg9[%swap3A_1642, %swap3A_1643] {strides = array<i32>} : memref<112x512xf32, #tpu.memory_space<vmem>>, vector<16xf32>,
        tpu.vector_store %arg9[%swap3A_1642, %swap3A_1643], %add3A_1641 {strides = array<i32>} : memref<112x512xf32, #tpu.memory_space<vmem>>, vector<16xf32>,
        %add3A_1645 = arith.constant 1 : i32
        %add3A_1646 = arith.addi %scan3A_1573, %add3A_1645 : i32
        %get3A_1647 = arith.index_cast %add3A_1646 : i32 to index
        %get3A_1648 = arith.constant 64 : index
        %get3A_1649 = tpu.vector_load %arg8[%get3A_1647, %get3A_1648] {strides = array<i32>} : memref<113x512xf32, #tpu.memory_space<vmem>>, vector<16xf32>,
        %get3A_1650 = arith.index_cast %scan3A_1573 : i32 to index
        %get3A_1651 = arith.constant 64 : index
        %get3A_1652 = tpu.vector_load %arg8[%get3A_1650, %get3A_1651] {strides = array<i32>} : memref<113x512xf32, #tpu.memory_space<vmem>>, vector<16xf32>,
        %sub3A_1653 = arith.subf %get3A_1649, %get3A_1652 : vector<16xf32>
        %mul3A_1654 = arith.mulf %sub3A_1653, %gather3A_1580 : vector<16xf32>
        %get3A_1655 = arith.constant 64 : index
        %get3A_1656 = tpu.vector_load %arg14[%get3A_1655] {strides = array<i32>} : memref<512xf32, #tpu.memory_space<vmem>>, vector<16xf32>,
        %add3A_1657 = arith.addf %mul3A_1654, %get3A_1656 : vector<16xf32>
        %swap3A_1658 = arith.index_cast %scan3A_1573 : i32 to index
        %swap3A_1659 = arith.constant 64 : index
        %swap3A_1660 = tpu.vector_load %arg9[%swap3A_1658, %swap3A_1659] {strides = array<i32>} : memref<112x512xf32, #tpu.memory_space<vmem>>, vector<16xf32>,
        tpu.vector_store %arg9[%swap3A_1658, %swap3A_1659], %add3A_1657 {strides = array<i32>} : memref<112x512xf32, #tpu.memory_space<vmem>>, vector<16xf32>,
        %add3A_1661 = arith.constant 1 : i32
        %add3A_1662 = arith.addi %scan3A_1573, %add3A_1661 : i32
        %get3A_1663 = arith.index_cast %add3A_1662 : i32 to index
        %get3A_1664 = arith.constant 80 : index
        %get3A_1665 = tpu.vector_load %arg8[%get3A_1663, %get3A_1664] {strides = array<i32>} : memref<113x512xf32, #tpu.memory_space<vmem>>, vector<16xf32>,
        %get3A_1666 = arith.index_cast %scan3A_1573 : i32 to index
        %get3A_1667 = arith.constant 80 : index
        %get3A_1668 = tpu.vector_load %arg8[%get3A_1666, %get3A_1667] {strides = array<i32>} : memref<113x512xf32, #tpu.memory_space<vmem>>, vector<16xf32>,
        %sub3A_1669 = arith.subf %get3A_1665, %get3A_1668 : vector<16xf32>
        %mul3A_1670 = arith.mulf %sub3A_1669, %gather3A_1580 : vector<16xf32>
        %get3A_1671 = arith.constant 80 : index
        %get3A_1672 = tpu.vector_load %arg14[%get3A_1671] {strides = array<i32>} : memref<512xf32, #tpu.memory_space<vmem>>, vector<16xf32>,
        %add3A_1673 = arith.addf %mul3A_1670, %get3A_1672 : vector<16xf32>
        %swap3A_1674 = arith.index_cast %scan3A_1573 : i32 to index
        %swap3A_1675 = arith.constant 80 : index
        %swap3A_1676 = tpu.vector_load %arg9[%swap3A_1674, %swap3A_1675] {strides = array<i32>} : memref<112x512xf32, #tpu.memory_space<vmem>>, vector<16xf32>,
        tpu.vector_store %arg9[%swap3A_1674, %swap3A_1675], %add3A_1673 {strides = array<i32>} : memref<112x512xf32, #tpu.memory_space<vmem>>, vector<16xf32>,
        %add3A_1677 = arith.constant 1 : i32
        %add3A_1678 = arith.addi %scan3A_1573, %add3A_1677 : i32
        %get3A_1679 = arith.index_cast %add3A_1678 : i32 to index
        %get3A_1680 = arith.constant 96 : index
        %get3A_1681 = tpu.vector_load %arg8[%get3A_1679, %get3A_1680] {strides = array<i32>} : memref<113x512xf32, #tpu.memory_space<vmem>>, vector<16xf32>,
        %get3A_1682 = arith.index_cast %scan3A_1573 : i32 to index
        %get3A_1683 = arith.constant 96 : index
        %get3A_1684 = tpu.vector_load %arg8[%get3A_1682, %get3A_1683] {strides = array<i32>} : memref<113x512xf32, #tpu.memory_space<vmem>>, vector<16xf32>,
        %sub3A_1685 = arith.subf %get3A_1681, %get3A_1684 : vector<16xf32>
        %mul3A_1686 = arith.mulf %sub3A_1685, %gather3A_1580 : vector<16xf32>
        %get3A_1687 = arith.constant 96 : index
        %get3A_1688 = tpu.vector_load %arg14[%get3A_1687] {strides = array<i32>} : memref<512xf32, #tpu.memory_space<vmem>>, vector<16xf32>,
        %add3A_1689 = arith.addf %mul3A_1686, %get3A_1688 : vector<16xf32>
        %swap3A_1690 = arith.index_cast %scan3A_1573 : i32 to index
        %swap3A_1691 = arith.constant 96 : index
        %swap3A_1692 = tpu.vector_load %arg9[%swap3A_1690, %swap3A_1691] {strides = array<i32>} : memref<112x512xf32, #tpu.memory_space<vmem>>, vector<16xf32>,
        tpu.vector_store %arg9[%swap3A_1690, %swap3A_1691], %add3A_1689 {strides = array<i32>} : memref<112x512xf32, #tpu.memory_space<vmem>>, vector<16xf32>,
        %add3A_1693 = arith.constant 1 : i32
        %add3A_1694 = arith.addi %scan3A_1573, %add3A_1693 : i32
        %get3A_1695 = arith.index_cast %add3A_1694 : i32 to index
        %get3A_1696 = arith.constant 112 : index
        %get3A_1697 = tpu.vector_load %arg8[%get3A_1695, %get3A_1696] {strides = array<i32>} : memref<113x512xf32, #tpu.memory_space<vmem>>, vector<16xf32>,
        %get3A_1698 = arith.index_cast %scan3A_1573 : i32 to index
        %get3A_1699 = arith.constant 112 : index
        %get3A_1700 = tpu.vector_load %arg8[%get3A_1698, %get3A_1699] {strides = array<i32>} : memref<113x512xf32, #tpu.memory_space<vmem>>, vector<16xf32>,
        %sub3A_1701 = arith.subf %get3A_1697, %get3A_1700 : vector<16xf32>
        %mul3A_1702 = arith.mulf %sub3A_1701, %gather3A_1580 : vector<16xf32>
        %get3A_1703 = arith.constant 112 : index
        %get3A_1704 = tpu.vector_load %arg14[%get3A_1703] {strides = array<i32>} : memref<512xf32, #tpu.memory_space<vmem>>, vector<16xf32>,
        %add3A_1705 = arith.addf %mul3A_1702, %get3A_1704 : vector<16xf32>
        %swap3A_1706 = arith.index_cast %scan3A_1573 : i32 to index
        %swap3A_1707 = arith.constant 112 : index
        %swap3A_1708 = tpu.vector_load %arg9[%swap3A_1706, %swap3A_1707] {strides = array<i32>} : memref<112x512xf32, #tpu.memory_space<vmem>>, vector<16xf32>,
        tpu.vector_store %arg9[%swap3A_1706, %swap3A_1707], %add3A_1705 {strides = array<i32>} : memref<112x512xf32, #tpu.memory_space<vmem>>, vector<16xf32>,
        %add3A_1709 = arith.constant 1 : i32
        %add3A_1710 = arith.addi %scan3A_1573, %add3A_1709 : i32
        %get3A_1711 = arith.index_cast %add3A_1710 : i32 to index
        %get3A_1712 = arith.constant 128 : index
        %get3A_1713 = tpu.vector_load %arg8[%get3A_1711, %get3A_1712] {strides = array<i32>} : memref<113x512xf32, #tpu.memory_space<vmem>>, vector<16xf32>,
        %get3A_1714 = arith.index_cast %scan3A_1573 : i32 to index
        %get3A_1715 = arith.constant 128 : index
        %get3A_1716 = tpu.vector_load %arg8[%get3A_1714, %get3A_1715] {strides = array<i32>} : memref<113x512xf32, #tpu.memory_space<vmem>>, vector<16xf32>,
        %sub3A_1717 = arith.subf %get3A_1713, %get3A_1716 : vector<16xf32>
        %mul3A_1718 = arith.mulf %sub3A_1717, %gather3A_1580 : vector<16xf32>
        %get3A_1719 = arith.constant 128 : index
        %get3A_1720 = tpu.vector_load %arg14[%get3A_1719] {strides = array<i32>} : memref<512xf32, #tpu.memory_space<vmem>>, vector<16xf32>,
        %add3A_1721 = arith.addf %mul3A_1718, %get3A_1720 : vector<16xf32>
        %swap3A_1722 = arith.index_cast %scan3A_1573 : i32 to index
        %swap3A_1723 = arith.constant 128 : index
        %swap3A_1724 = tpu.vector_load %arg9[%swap3A_1722, %swap3A_1723] {strides = array<i32>} : memref<112x512xf32, #tpu.memory_space<vmem>>, vector<16xf32>,
        tpu.vector_store %arg9[%swap3A_1722, %swap3A_1723], %add3A_1721 {strides = array<i32>} : memref<112x512xf32, #tpu.memory_space<vmem>>, vector<16xf32>,
        %add3A_1725 = arith.constant 1 : i32
        %add3A_1726 = arith.addi %scan3A_1573, %add3A_1725 : i32
        %get3A_1727 = arith.index_cast %add3A_1726 : i32 to index
        %get3A_1728 = arith.constant 144 : index
        %get3A_1729 = tpu.vector_load %arg8[%get3A_1727, %get3A_1728] {strides = array<i32>} : memref<113x512xf32, #tpu.memory_space<vmem>>, vector<16xf32>,
        %get3A_1730 = arith.index_cast %scan3A_1573 : i32 to index
        %get3A_1731 = arith.constant 144 : index
        %get3A_1732 = tpu.vector_load %arg8[%get3A_1730, %get3A_1731] {strides = array<i32>} : memref<113x512xf32, #tpu.memory_space<vmem>>, vector<16xf32>,
        %sub3A_1733 = arith.subf %get3A_1729, %get3A_1732 : vector<16xf32>
        %mul3A_1734 = arith.mulf %sub3A_1733, %gather3A_1580 : vector<16xf32>
        %get3A_1735 = arith.constant 144 : index
        %get3A_1736 = tpu.vector_load %arg14[%get3A_1735] {strides = array<i32>} : memref<512xf32, #tpu.memory_space<vmem>>, vector<16xf32>,
        %add3A_1737 = arith.addf %mul3A_1734, %get3A_1736 : vector<16xf32>
        %swap3A_1738 = arith.index_cast %scan3A_1573 : i32 to index
        %swap3A_1739 = arith.constant 144 : index
        %swap3A_1740 = tpu.vector_load %arg9[%swap3A_1738, %swap3A_1739] {strides = array<i32>} : memref<112x512xf32, #tpu.memory_space<vmem>>, vector<16xf32>,
        tpu.vector_store %arg9[%swap3A_1738, %swap3A_1739], %add3A_1737 {strides = array<i32>} : memref<112x512xf32, #tpu.memory_space<vmem>>, vector<16xf32>,
        %add3A_1741 = arith.constant 1 : i32
        %add3A_1742 = arith.addi %scan3A_1573, %add3A_1741 : i32
        %get3A_1743 = arith.index_cast %add3A_1742 : i32 to index
        %get3A_1744 = arith.constant 160 : index
        %get3A_1745 = tpu.vector_load %arg8[%get3A_1743, %get3A_1744] {strides = array<i32>} : memref<113x512xf32, #tpu.memory_space<vmem>>, vector<16xf32>,
        %get3A_1746 = arith.index_cast %scan3A_1573 : i32 to index
        %get3A_1747 = arith.constant 160 : index
        %get3A_1748 = tpu.vector_load %arg8[%get3A_1746, %get3A_1747] {strides = array<i32>} : memref<113x512xf32, #tpu.memory_space<vmem>>, vector<16xf32>,
        %sub3A_1749 = arith.subf %get3A_1745, %get3A_1748 : vector<16xf32>
        %mul3A_1750 = arith.mulf %sub3A_1749, %gather3A_1580 : vector<16xf32>
        %get3A_1751 = arith.constant 160 : index
        %get3A_1752 = tpu.vector_load %arg14[%get3A_1751] {strides = array<i32>} : memref<512xf32, #tpu.memory_space<vmem>>, vector<16xf32>,
        %add3A_1753 = arith.addf %mul3A_1750, %get3A_1752 : vector<16xf32>
        %swap3A_1754 = arith.index_cast %scan3A_1573 : i32 to index
        %swap3A_1755 = arith.constant 160 : index
        %swap3A_1756 = tpu.vector_load %arg9[%swap3A_1754, %swap3A_1755] {strides = array<i32>} : memref<112x512xf32, #tpu.memory_space<vmem>>, vector<16xf32>,
        tpu.vector_store %arg9[%swap3A_1754, %swap3A_1755], %add3A_1753 {strides = array<i32>} : memref<112x512xf32, #tpu.memory_space<vmem>>, vector<16xf32>,
        %add3A_1757 = arith.constant 1 : i32
        %add3A_1758 = arith.addi %scan3A_1573, %add3A_1757 : i32
        %get3A_1759 = arith.index_cast %add3A_1758 : i32 to index
        %get3A_1760 = arith.constant 176 : index
        %get3A_1761 = tpu.vector_load %arg8[%get3A_1759, %get3A_1760] {strides = array<i32>} : memref<113x512xf32, #tpu.memory_space<vmem>>, vector<16xf32>,
        %get3A_1762 = arith.index_cast %scan3A_1573 : i32 to index
        %get3A_1763 = arith.constant 176 : index
        %get3A_1764 = tpu.vector_load %arg8[%get3A_1762, %get3A_1763] {strides = array<i32>} : memref<113x512xf32, #tpu.memory_space<vmem>>, vector<16xf32>,
        %sub3A_1765 = arith.subf %get3A_1761, %get3A_1764 : vector<16xf32>
        %mul3A_1766 = arith.mulf %sub3A_1765, %gather3A_1580 : vector<16xf32>
        %get3A_1767 = arith.constant 176 : index
        %get3A_1768 = tpu.vector_load %arg14[%get3A_1767] {strides = array<i32>} : memref<512xf32, #tpu.memory_space<vmem>>, vector<16xf32>,
        %add3A_1769 = arith.addf %mul3A_1766, %get3A_1768 : vector<16xf32>
        %swap3A_1770 = arith.index_cast %scan3A_1573 : i32 to index
        %swap3A_1771 = arith.constant 176 : index
        %swap3A_1772 = tpu.vector_load %arg9[%swap3A_1770, %swap3A_1771] {strides = array<i32>} : memref<112x512xf32, #tpu.memory_space<vmem>>, vector<16xf32>,
        tpu.vector_store %arg9[%swap3A_1770, %swap3A_1771], %add3A_1769 {strides = array<i32>} : memref<112x512xf32, #tpu.memory_space<vmem>>, vector<16xf32>,
        %add3A_1773 = arith.constant 1 : i32
        %add3A_1774 = arith.addi %scan3A_1573, %add3A_1773 : i32
        %get3A_1775 = arith.index_cast %add3A_1774 : i32 to index
        %get3A_1776 = arith.constant 192 : index
        %get3A_1777 = tpu.vector_load %arg8[%get3A_1775, %get3A_1776] {strides = array<i32>} : memref<113x512xf32, #tpu.memory_space<vmem>>, vector<16xf32>,
        %get3A_1778 = arith.index_cast %scan3A_1573 : i32 to index
        %get3A_1779 = arith.constant 192 : index
        %get3A_1780 = tpu.vector_load %arg8[%get3A_1778, %get3A_1779] {strides = array<i32>} : memref<113x512xf32, #tpu.memory_space<vmem>>, vector<16xf32>,
        %sub3A_1781 = arith.subf %get3A_1777, %get3A_1780 : vector<16xf32>
        %mul3A_1782 = arith.mulf %sub3A_1781, %gather3A_1580 : vector<16xf32>
        %get3A_1783 = arith.constant 192 : index
        %get3A_1784 = tpu.vector_load %arg14[%get3A_1783] {strides = array<i32>} : memref<512xf32, #tpu.memory_space<vmem>>, vector<16xf32>,
        %add3A_1785 = arith.addf %mul3A_1782, %get3A_1784 : vector<16xf32>
        %swap3A_1786 = arith.index_cast %scan3A_1573 : i32 to index
        %swap3A_1787 = arith.constant 192 : index
        %swap3A_1788 = tpu.vector_load %arg9[%swap3A_1786, %swap3A_1787] {strides = array<i32>} : memref<112x512xf32, #tpu.memory_space<vmem>>, vector<16xf32>,
        tpu.vector_store %arg9[%swap3A_1786, %swap3A_1787], %add3A_1785 {strides = array<i32>} : memref<112x512xf32, #tpu.memory_space<vmem>>, vector<16xf32>,
        %add3A_1789 = arith.constant 1 : i32
        %add3A_1790 = arith.addi %scan3A_1573, %add3A_1789 : i32
        %get3A_1791 = arith.index_cast %add3A_1790 : i32 to index
        %get3A_1792 = arith.constant 208 : index
        %get3A_1793 = tpu.vector_load %arg8[%get3A_1791, %get3A_1792] {strides = array<i32>} : memref<113x512xf32, #tpu.memory_space<vmem>>, vector<16xf32>,
        %get3A_1794 = arith.index_cast %scan3A_1573 : i32 to index
        %get3A_1795 = arith.constant 208 : index
        %get3A_1796 = tpu.vector_load %arg8[%get3A_1794, %get3A_1795] {strides = array<i32>} : memref<113x512xf32, #tpu.memory_space<vmem>>, vector<16xf32>,
        %sub3A_1797 = arith.subf %get3A_1793, %get3A_1796 : vector<16xf32>
        %mul3A_1798 = arith.mulf %sub3A_1797, %gather3A_1580 : vector<16xf32>
        %get3A_1799 = arith.constant 208 : index
        %get3A_1800 = tpu.vector_load %arg14[%get3A_1799] {strides = array<i32>} : memref<512xf32, #tpu.memory_space<vmem>>, vector<16xf32>,
        %add3A_1801 = arith.addf %mul3A_1798, %get3A_1800 : vector<16xf32>
        %swap3A_1802 = arith.index_cast %scan3A_1573 : i32 to index
        %swap3A_1803 = arith.constant 208 : index
        %swap3A_1804 = tpu.vector_load %arg9[%swap3A_1802, %swap3A_1803] {strides = array<i32>} : memref<112x512xf32, #tpu.memory_space<vmem>>, vector<16xf32>,
        tpu.vector_store %arg9[%swap3A_1802, %swap3A_1803], %add3A_1801 {strides = array<i32>} : memref<112x512xf32, #tpu.memory_space<vmem>>, vector<16xf32>,
        %add3A_1805 = arith.constant 1 : i32
        %add3A_1806 = arith.addi %scan3A_1573, %add3A_1805 : i32
        %get3A_1807 = arith.index_cast %add3A_1806 : i32 to index
        %get3A_1808 = arith.constant 224 : index
        %get3A_1809 = tpu.vector_load %arg8[%get3A_1807, %get3A_1808] {strides = array<i32>} : memref<113x512xf32, #tpu.memory_space<vmem>>, vector<16xf32>,
        %get3A_1810 = arith.index_cast %scan3A_1573 : i32 to index
        %get3A_1811 = arith.constant 224 : index
        %get3A_1812 = tpu.vector_load %arg8[%get3A_1810, %get3A_1811] {strides = array<i32>} : memref<113x512xf32, #tpu.memory_space<vmem>>, vector<16xf32>,
        %sub3A_1813 = arith.subf %get3A_1809, %get3A_1812 : vector<16xf32>
        %mul3A_1814 = arith.mulf %sub3A_1813, %gather3A_1580 : vector<16xf32>
        %get3A_1815 = arith.constant 224 : index
        %get3A_1816 = tpu.vector_load %arg14[%get3A_1815] {strides = array<i32>} : memref<512xf32, #tpu.memory_space<vmem>>, vector<16xf32>,
        %add3A_1817 = arith.addf %mul3A_1814, %get3A_1816 : vector<16xf32>
        %swap3A_1818 = arith.index_cast %scan3A_1573 : i32 to index
        %swap3A_1819 = arith.constant 224 : index
        %swap3A_1820 = tpu.vector_load %arg9[%swap3A_1818, %swap3A_1819] {strides = array<i32>} : memref<112x512xf32, #tpu.memory_space<vmem>>, vector<16xf32>,
        tpu.vector_store %arg9[%swap3A_1818, %swap3A_1819], %add3A_1817 {strides = array<i32>} : memref<112x512xf32, #tpu.memory_space<vmem>>, vector<16xf32>,
        %add3A_1821 = arith.constant 1 : i32
        %add3A_1822 = arith.addi %scan3A_1573, %add3A_1821 : i32
        %get3A_1823 = arith.index_cast %add3A_1822 : i32 to index
        %get3A_1824 = arith.constant 240 : index
        %get3A_1825 = tpu.vector_load %arg8[%get3A_1823, %get3A_1824] {strides = array<i32>} : memref<113x512xf32, #tpu.memory_space<vmem>>, vector<16xf32>,
        %get3A_1826 = arith.index_cast %scan3A_1573 : i32 to index
        %get3A_1827 = arith.constant 240 : index
        %get3A_1828 = tpu.vector_load %arg8[%get3A_1826, %get3A_1827] {strides = array<i32>} : memref<113x512xf32, #tpu.memory_space<vmem>>, vector<16xf32>,
        %sub3A_1829 = arith.subf %get3A_1825, %get3A_1828 : vector<16xf32>
        %mul3A_1830 = arith.mulf %sub3A_1829, %gather3A_1580 : vector<16xf32>
        %get3A_1831 = arith.constant 240 : index
        %get3A_1832 = tpu.vector_load %arg14[%get3A_1831] {strides = array<i32>} : memref<512xf32, #tpu.memory_space<vmem>>, vector<16xf32>,
        %add3A_1833 = arith.addf %mul3A_1830, %get3A_1832 : vector<16xf32>
        %swap3A_1834 = arith.index_cast %scan3A_1573 : i32 to index
        %swap3A_1835 = arith.constant 240 : index
        %swap3A_1836 = tpu.vector_load %arg9[%swap3A_1834, %swap3A_1835] {strides = array<i32>} : memref<112x512xf32, #tpu.memory_space<vmem>>, vector<16xf32>,
        tpu.vector_store %arg9[%swap3A_1834, %swap3A_1835], %add3A_1833 {strides = array<i32>} : memref<112x512xf32, #tpu.memory_space<vmem>>, vector<16xf32>,
        %add3A_1837 = arith.constant 1 : i32
        %add3A_1838 = arith.addi %scan3A_1573, %add3A_1837 : i32
        %get3A_1839 = arith.index_cast %add3A_1838 : i32 to index
        %get3A_1840 = arith.constant 256 : index
        %get3A_1841 = tpu.vector_load %arg8[%get3A_1839, %get3A_1840] {strides = array<i32>} : memref<113x512xf32, #tpu.memory_space<vmem>>, vector<16xf32>,
        %get3A_1842 = arith.index_cast %scan3A_1573 : i32 to index
        %get3A_1843 = arith.constant 256 : index
        %get3A_1844 = tpu.vector_load %arg8[%get3A_1842, %get3A_1843] {strides = array<i32>} : memref<113x512xf32, #tpu.memory_space<vmem>>, vector<16xf32>,
        %sub3A_1845 = arith.subf %get3A_1841, %get3A_1844 : vector<16xf32>
        %mul3A_1846 = arith.mulf %sub3A_1845, %gather3A_1580 : vector<16xf32>
        %get3A_1847 = arith.constant 256 : index
        %get3A_1848 = tpu.vector_load %arg14[%get3A_1847] {strides = array<i32>} : memref<512xf32, #tpu.memory_space<vmem>>, vector<16xf32>,
        %add3A_1849 = arith.addf %mul3A_1846, %get3A_1848 : vector<16xf32>
        %swap3A_1850 = arith.index_cast %scan3A_1573 : i32 to index
        %swap3A_1851 = arith.constant 256 : index
        %swap3A_1852 = tpu.vector_load %arg9[%swap3A_1850, %swap3A_1851] {strides = array<i32>} : memref<112x512xf32, #tpu.memory_space<vmem>>, vector<16xf32>,
        tpu.vector_store %arg9[%swap3A_1850, %swap3A_1851], %add3A_1849 {strides = array<i32>} : memref<112x512xf32, #tpu.memory_space<vmem>>, vector<16xf32>,
        %add3A_1853 = arith.constant 1 : i32
        %add3A_1854 = arith.addi %scan3A_1573, %add3A_1853 : i32
        %get3A_1855 = arith.index_cast %add3A_1854 : i32 to index
        %get3A_1856 = arith.constant 272 : index
        %get3A_1857 = tpu.vector_load %arg8[%get3A_1855, %get3A_1856] {strides = array<i32>} : memref<113x512xf32, #tpu.memory_space<vmem>>, vector<16xf32>,
        %get3A_1858 = arith.index_cast %scan3A_1573 : i32 to index
        %get3A_1859 = arith.constant 272 : index
        %get3A_1860 = tpu.vector_load %arg8[%get3A_1858, %get3A_1859] {strides = array<i32>} : memref<113x512xf32, #tpu.memory_space<vmem>>, vector<16xf32>,
        %sub3A_1861 = arith.subf %get3A_1857, %get3A_1860 : vector<16xf32>
        %mul3A_1862 = arith.mulf %sub3A_1861, %gather3A_1580 : vector<16xf32>
        %get3A_1863 = arith.constant 272 : index
        %get3A_1864 = tpu.vector_load %arg14[%get3A_1863] {strides = array<i32>} : memref<512xf32, #tpu.memory_space<vmem>>, vector<16xf32>,
        %add3A_1865 = arith.addf %mul3A_1862, %get3A_1864 : vector<16xf32>
        %swap3A_1866 = arith.index_cast %scan3A_1573 : i32 to index
        %swap3A_1867 = arith.constant 272 : index
        %swap3A_1868 = tpu.vector_load %arg9[%swap3A_1866, %swap3A_1867] {strides = array<i32>} : memref<112x512xf32, #tpu.memory_space<vmem>>, vector<16xf32>,
        tpu.vector_store %arg9[%swap3A_1866, %swap3A_1867], %add3A_1865 {strides = array<i32>} : memref<112x512xf32, #tpu.memory_space<vmem>>, vector<16xf32>,
        %add3A_1869 = arith.constant 1 : i32
        %add3A_1870 = arith.addi %scan3A_1573, %add3A_1869 : i32
        %get3A_1871 = arith.index_cast %add3A_1870 : i32 to index
        %get3A_1872 = arith.constant 288 : index
        %get3A_1873 = tpu.vector_load %arg8[%get3A_1871, %get3A_1872] {strides = array<i32>} : memref<113x512xf32, #tpu.memory_space<vmem>>, vector<16xf32>,
        %get3A_1874 = arith.index_cast %scan3A_1573 : i32 to index
        %get3A_1875 = arith.constant 288 : index
        %get3A_1876 = tpu.vector_load %arg8[%get3A_1874, %get3A_1875] {strides = array<i32>} : memref<113x512xf32, #tpu.memory_space<vmem>>, vector<16xf32>,
        %sub3A_1877 = arith.subf %get3A_1873, %get3A_1876 : vector<16xf32>
        %mul3A_1878 = arith.mulf %sub3A_1877, %gather3A_1580 : vector<16xf32>
        %get3A_1879 = arith.constant 288 : index
        %get3A_1880 = tpu.vector_load %arg14[%get3A_1879] {strides = array<i32>} : memref<512xf32, #tpu.memory_space<vmem>>, vector<16xf32>,
        %add3A_1881 = arith.addf %mul3A_1878, %get3A_1880 : vector<16xf32>
        %swap3A_1882 = arith.index_cast %scan3A_1573 : i32 to index
        %swap3A_1883 = arith.constant 288 : index
        %swap3A_1884 = tpu.vector_load %arg9[%swap3A_1882, %swap3A_1883] {strides = array<i32>} : memref<112x512xf32, #tpu.memory_space<vmem>>, vector<16xf32>,
        tpu.vector_store %arg9[%swap3A_1882, %swap3A_1883], %add3A_1881 {strides = array<i32>} : memref<112x512xf32, #tpu.memory_space<vmem>>, vector<16xf32>,
        %add3A_1885 = arith.constant 1 : i32
        %add3A_1886 = arith.addi %scan3A_1573, %add3A_1885 : i32
        %get3A_1887 = arith.index_cast %add3A_1886 : i32 to index
        %get3A_1888 = arith.constant 304 : index
        %get3A_1889 = tpu.vector_load %arg8[%get3A_1887, %get3A_1888] {strides = array<i32>} : memref<113x512xf32, #tpu.memory_space<vmem>>, vector<16xf32>,
        %get3A_1890 = arith.index_cast %scan3A_1573 : i32 to index
        %get3A_1891 = arith.constant 304 : index
        %get3A_1892 = tpu.vector_load %arg8[%get3A_1890, %get3A_1891] {strides = array<i32>} : memref<113x512xf32, #tpu.memory_space<vmem>>, vector<16xf32>,
        %sub3A_1893 = arith.subf %get3A_1889, %get3A_1892 : vector<16xf32>
        %mul3A_1894 = arith.mulf %sub3A_1893, %gather3A_1580 : vector<16xf32>
        %get3A_1895 = arith.constant 304 : index
        %get3A_1896 = tpu.vector_load %arg14[%get3A_1895] {strides = array<i32>} : memref<512xf32, #tpu.memory_space<vmem>>, vector<16xf32>,
        %add3A_1897 = arith.addf %mul3A_1894, %get3A_1896 : vector<16xf32>
        %swap3A_1898 = arith.index_cast %scan3A_1573 : i32 to index
        %swap3A_1899 = arith.constant 304 : index
        %swap3A_1900 = tpu.vector_load %arg9[%swap3A_1898, %swap3A_1899] {strides = array<i32>} : memref<112x512xf32, #tpu.memory_space<vmem>>, vector<16xf32>,
        tpu.vector_store %arg9[%swap3A_1898, %swap3A_1899], %add3A_1897 {strides = array<i32>} : memref<112x512xf32, #tpu.memory_space<vmem>>, vector<16xf32>,
        %add3A_1901 = arith.constant 1 : i32
        %add3A_1902 = arith.addi %scan3A_1573, %add3A_1901 : i32
        %get3A_1903 = arith.index_cast %add3A_1902 : i32 to index
        %get3A_1904 = arith.constant 320 : index
        %get3A_1905 = tpu.vector_load %arg8[%get3A_1903, %get3A_1904] {strides = array<i32>} : memref<113x512xf32, #tpu.memory_space<vmem>>, vector<16xf32>,
        %get3A_1906 = arith.index_cast %scan3A_1573 : i32 to index
        %get3A_1907 = arith.constant 320 : index
        %get3A_1908 = tpu.vector_load %arg8[%get3A_1906, %get3A_1907] {strides = array<i32>} : memref<113x512xf32, #tpu.memory_space<vmem>>, vector<16xf32>,
        %sub3A_1909 = arith.subf %get3A_1905, %get3A_1908 : vector<16xf32>
        %mul3A_1910 = arith.mulf %sub3A_1909, %gather3A_1580 : vector<16xf32>
        %get3A_1911 = arith.constant 320 : index
        %get3A_1912 = tpu.vector_load %arg14[%get3A_1911] {strides = array<i32>} : memref<512xf32, #tpu.memory_space<vmem>>, vector<16xf32>,
        %add3A_1913 = arith.addf %mul3A_1910, %get3A_1912 : vector<16xf32>
        %swap3A_1914 = arith.index_cast %scan3A_1573 : i32 to index
        %swap3A_1915 = arith.constant 320 : index
        %swap3A_1916 = tpu.vector_load %arg9[%swap3A_1914, %swap3A_1915] {strides = array<i32>} : memref<112x512xf32, #tpu.memory_space<vmem>>, vector<16xf32>,
        tpu.vector_store %arg9[%swap3A_1914, %swap3A_1915], %add3A_1913 {strides = array<i32>} : memref<112x512xf32, #tpu.memory_space<vmem>>, vector<16xf32>,
        %add3A_1917 = arith.constant 1 : i32
        %add3A_1918 = arith.addi %scan3A_1573, %add3A_1917 : i32
        %get3A_1919 = arith.index_cast %add3A_1918 : i32 to index
        %get3A_1920 = arith.constant 336 : index
        %get3A_1921 = tpu.vector_load %arg8[%get3A_1919, %get3A_1920] {strides = array<i32>} : memref<113x512xf32, #tpu.memory_space<vmem>>, vector<16xf32>,
        %get3A_1922 = arith.index_cast %scan3A_1573 : i32 to index
        %get3A_1923 = arith.constant 336 : index
        %get3A_1924 = tpu.vector_load %arg8[%get3A_1922, %get3A_1923] {strides = array<i32>} : memref<113x512xf32, #tpu.memory_space<vmem>>, vector<16xf32>,
        %sub3A_1925 = arith.subf %get3A_1921, %get3A_1924 : vector<16xf32>
        %mul3A_1926 = arith.mulf %sub3A_1925, %gather3A_1580 : vector<16xf32>
        %get3A_1927 = arith.constant 336 : index
        %get3A_1928 = tpu.vector_load %arg14[%get3A_1927] {strides = array<i32>} : memref<512xf32, #tpu.memory_space<vmem>>, vector<16xf32>,
        %add3A_1929 = arith.addf %mul3A_1926, %get3A_1928 : vector<16xf32>
        %swap3A_1930 = arith.index_cast %scan3A_1573 : i32 to index
        %swap3A_1931 = arith.constant 336 : index
        %swap3A_1932 = tpu.vector_load %arg9[%swap3A_1930, %swap3A_1931] {strides = array<i32>} : memref<112x512xf32, #tpu.memory_space<vmem>>, vector<16xf32>,
        tpu.vector_store %arg9[%swap3A_1930, %swap3A_1931], %add3A_1929 {strides = array<i32>} : memref<112x512xf32, #tpu.memory_space<vmem>>, vector<16xf32>,
        %add3A_1933 = arith.constant 1 : i32
        %add3A_1934 = arith.addi %scan3A_1573, %add3A_1933 : i32
        %get3A_1935 = arith.index_cast %add3A_1934 : i32 to index
        %get3A_1936 = arith.constant 352 : index
        %get3A_1937 = tpu.vector_load %arg8[%get3A_1935, %get3A_1936] {strides = array<i32>} : memref<113x512xf32, #tpu.memory_space<vmem>>, vector<16xf32>,
        %get3A_1938 = arith.index_cast %scan3A_1573 : i32 to index
        %get3A_1939 = arith.constant 352 : index
        %get3A_1940 = tpu.vector_load %arg8[%get3A_1938, %get3A_1939] {strides = array<i32>} : memref<113x512xf32, #tpu.memory_space<vmem>>, vector<16xf32>,
        %sub3A_1941 = arith.subf %get3A_1937, %get3A_1940 : vector<16xf32>
        %mul3A_1942 = arith.mulf %sub3A_1941, %gather3A_1580 : vector<16xf32>
        %get3A_1943 = arith.constant 352 : index
        %get3A_1944 = tpu.vector_load %arg14[%get3A_1943] {strides = array<i32>} : memref<512xf32, #tpu.memory_space<vmem>>, vector<16xf32>,
        %add3A_1945 = arith.addf %mul3A_1942, %get3A_1944 : vector<16xf32>
        %swap3A_1946 = arith.index_cast %scan3A_1573 : i32 to index
        %swap3A_1947 = arith.constant 352 : index
        %swap3A_1948 = tpu.vector_load %arg9[%swap3A_1946, %swap3A_1947] {strides = array<i32>} : memref<112x512xf32, #tpu.memory_space<vmem>>, vector<16xf32>,
        tpu.vector_store %arg9[%swap3A_1946, %swap3A_1947], %add3A_1945 {strides = array<i32>} : memref<112x512xf32, #tpu.memory_space<vmem>>, vector<16xf32>,
        %add3A_1949 = arith.constant 1 : i32
        %add3A_1950 = arith.addi %scan3A_1573, %add3A_1949 : i32
        %get3A_1951 = arith.index_cast %add3A_1950 : i32 to index
        %get3A_1952 = arith.constant 368 : index
        %get3A_1953 = tpu.vector_load %arg8[%get3A_1951, %get3A_1952] {strides = array<i32>} : memref<113x512xf32, #tpu.memory_space<vmem>>, vector<16xf32>,
        %get3A_1954 = arith.index_cast %scan3A_1573 : i32 to index
        %get3A_1955 = arith.constant 368 : index
        %get3A_1956 = tpu.vector_load %arg8[%get3A_1954, %get3A_1955] {strides = array<i32>} : memref<113x512xf32, #tpu.memory_space<vmem>>, vector<16xf32>,
        %sub3A_1957 = arith.subf %get3A_1953, %get3A_1956 : vector<16xf32>
        %mul3A_1958 = arith.mulf %sub3A_1957, %gather3A_1580 : vector<16xf32>
        %get3A_1959 = arith.constant 368 : index
        %get3A_1960 = tpu.vector_load %arg14[%get3A_1959] {strides = array<i32>} : memref<512xf32, #tpu.memory_space<vmem>>, vector<16xf32>,
        %add3A_1961 = arith.addf %mul3A_1958, %get3A_1960 : vector<16xf32>
        %swap3A_1962 = arith.index_cast %scan3A_1573 : i32 to index
        %swap3A_1963 = arith.constant 368 : index
        %swap3A_1964 = tpu.vector_load %arg9[%swap3A_1962, %swap3A_1963] {strides = array<i32>} : memref<112x512xf32, #tpu.memory_space<vmem>>, vector<16xf32>,
        tpu.vector_store %arg9[%swap3A_1962, %swap3A_1963], %add3A_1961 {strides = array<i32>} : memref<112x512xf32, #tpu.memory_space<vmem>>, vector<16xf32>,
        %add3A_1965 = arith.constant 1 : i32
        %add3A_1966 = arith.addi %scan3A_1573, %add3A_1965 : i32
        %get3A_1967 = arith.index_cast %add3A_1966 : i32 to index
        %get3A_1968 = arith.constant 384 : index
        %get3A_1969 = tpu.vector_load %arg8[%get3A_1967, %get3A_1968] {strides = array<i32>} : memref<113x512xf32, #tpu.memory_space<vmem>>, vector<16xf32>,
        %get3A_1970 = arith.index_cast %scan3A_1573 : i32 to index
        %get3A_1971 = arith.constant 384 : index
        %get3A_1972 = tpu.vector_load %arg8[%get3A_1970, %get3A_1971] {strides = array<i32>} : memref<113x512xf32, #tpu.memory_space<vmem>>, vector<16xf32>,
        %sub3A_1973 = arith.subf %get3A_1969, %get3A_1972 : vector<16xf32>
        %mul3A_1974 = arith.mulf %sub3A_1973, %gather3A_1580 : vector<16xf32>
        %get3A_1975 = arith.constant 384 : index
        %get3A_1976 = tpu.vector_load %arg14[%get3A_1975] {strides = array<i32>} : memref<512xf32, #tpu.memory_space<vmem>>, vector<16xf32>,
        %add3A_1977 = arith.addf %mul3A_1974, %get3A_1976 : vector<16xf32>
        %swap3A_1978 = arith.index_cast %scan3A_1573 : i32 to index
        %swap3A_1979 = arith.constant 384 : index
        %swap3A_1980 = tpu.vector_load %arg9[%swap3A_1978, %swap3A_1979] {strides = array<i32>} : memref<112x512xf32, #tpu.memory_space<vmem>>, vector<16xf32>,
        tpu.vector_store %arg9[%swap3A_1978, %swap3A_1979], %add3A_1977 {strides = array<i32>} : memref<112x512xf32, #tpu.memory_space<vmem>>, vector<16xf32>,
        %add3A_1981 = arith.constant 1 : i32
        %add3A_1982 = arith.addi %scan3A_1573, %add3A_1981 : i32
        %get3A_1983 = arith.index_cast %add3A_1982 : i32 to index
        %get3A_1984 = arith.constant 400 : index
        %get3A_1985 = tpu.vector_load %arg8[%get3A_1983, %get3A_1984] {strides = array<i32>} : memref<113x512xf32, #tpu.memory_space<vmem>>, vector<16xf32>,
        %get3A_1986 = arith.index_cast %scan3A_1573 : i32 to index
        %get3A_1987 = arith.constant 400 : index
        %get3A_1988 = tpu.vector_load %arg8[%get3A_1986, %get3A_1987] {strides = array<i32>} : memref<113x512xf32, #tpu.memory_space<vmem>>, vector<16xf32>,
        %sub3A_1989 = arith.subf %get3A_1985, %get3A_1988 : vector<16xf32>
        %mul3A_1990 = arith.mulf %sub3A_1989, %gather3A_1580 : vector<16xf32>
        %get3A_1991 = arith.constant 400 : index
        %get3A_1992 = tpu.vector_load %arg14[%get3A_1991] {strides = array<i32>} : memref<512xf32, #tpu.memory_space<vmem>>, vector<16xf32>,
        %add3A_1993 = arith.addf %mul3A_1990, %get3A_1992 : vector<16xf32>
        %swap3A_1994 = arith.index_cast %scan3A_1573 : i32 to index
        %swap3A_1995 = arith.constant 400 : index
        %swap3A_1996 = tpu.vector_load %arg9[%swap3A_1994, %swap3A_1995] {strides = array<i32>} : memref<112x512xf32, #tpu.memory_space<vmem>>, vector<16xf32>,
        tpu.vector_store %arg9[%swap3A_1994, %swap3A_1995], %add3A_1993 {strides = array<i32>} : memref<112x512xf32, #tpu.memory_space<vmem>>, vector<16xf32>,
        %add3A_1997 = arith.constant 1 : i32
        %add3A_1998 = arith.addi %scan3A_1573, %add3A_1997 : i32
        %get3A_1999 = arith.index_cast %add3A_1998 : i32 to index
        %get3A_2000 = arith.constant 416 : index
        %get3A_2001 = tpu.vector_load %arg8[%get3A_1999, %get3A_2000] {strides = array<i32>} : memref<113x512xf32, #tpu.memory_space<vmem>>, vector<16xf32>,
        %get3A_2002 = arith.index_cast %scan3A_1573 : i32 to index
        %get3A_2003 = arith.constant 416 : index
        %get3A_2004 = tpu.vector_load %arg8[%get3A_2002, %get3A_2003] {strides = array<i32>} : memref<113x512xf32, #tpu.memory_space<vmem>>, vector<16xf32>,
        %sub3A_2005 = arith.subf %get3A_2001, %get3A_2004 : vector<16xf32>
        %mul3A_2006 = arith.mulf %sub3A_2005, %gather3A_1580 : vector<16xf32>
        %get3A_2007 = arith.constant 416 : index
        %get3A_2008 = tpu.vector_load %arg14[%get3A_2007] {strides = array<i32>} : memref<512xf32, #tpu.memory_space<vmem>>, vector<16xf32>,
        %add3A_2009 = arith.addf %mul3A_2006, %get3A_2008 : vector<16xf32>
        %swap3A_2010 = arith.index_cast %scan3A_1573 : i32 to index
        %swap3A_2011 = arith.constant 416 : index
        %swap3A_2012 = tpu.vector_load %arg9[%swap3A_2010, %swap3A_2011] {strides = array<i32>} : memref<112x512xf32, #tpu.memory_space<vmem>>, vector<16xf32>,
        tpu.vector_store %arg9[%swap3A_2010, %swap3A_2011], %add3A_2009 {strides = array<i32>} : memref<112x512xf32, #tpu.memory_space<vmem>>, vector<16xf32>,
        %add3A_2013 = arith.constant 1 : i32
        %add3A_2014 = arith.addi %scan3A_1573, %add3A_2013 : i32
        %get3A_2015 = arith.index_cast %add3A_2014 : i32 to index
        %get3A_2016 = arith.constant 432 : index
        %get3A_2017 = tpu.vector_load %arg8[%get3A_2015, %get3A_2016] {strides = array<i32>} : memref<113x512xf32, #tpu.memory_space<vmem>>, vector<16xf32>,
        %get3A_2018 = arith.index_cast %scan3A_1573 : i32 to index
        %get3A_2019 = arith.constant 432 : index
        %get3A_2020 = tpu.vector_load %arg8[%get3A_2018, %get3A_2019] {strides = array<i32>} : memref<113x512xf32, #tpu.memory_space<vmem>>, vector<16xf32>,
        %sub3A_2021 = arith.subf %get3A_2017, %get3A_2020 : vector<16xf32>
        %mul3A_2022 = arith.mulf %sub3A_2021, %gather3A_1580 : vector<16xf32>
        %get3A_2023 = arith.constant 432 : index
        %get3A_2024 = tpu.vector_load %arg14[%get3A_2023] {strides = array<i32>} : memref<512xf32, #tpu.memory_space<vmem>>, vector<16xf32>,
        %add3A_2025 = arith.addf %mul3A_2022, %get3A_2024 : vector<16xf32>
        %swap3A_2026 = arith.index_cast %scan3A_1573 : i32 to index
        %swap3A_2027 = arith.constant 432 : index
        %swap3A_2028 = tpu.vector_load %arg9[%swap3A_2026, %swap3A_2027] {strides = array<i32>} : memref<112x512xf32, #tpu.memory_space<vmem>>, vector<16xf32>,
        tpu.vector_store %arg9[%swap3A_2026, %swap3A_2027], %add3A_2025 {strides = array<i32>} : memref<112x512xf32, #tpu.memory_space<vmem>>, vector<16xf32>,
        %add3A_2029 = arith.constant 1 : i32
        %add3A_2030 = arith.addi %scan3A_1573, %add3A_2029 : i32
        %get3A_2031 = arith.index_cast %add3A_2030 : i32 to index
        %get3A_2032 = arith.constant 448 : index
        %get3A_2033 = tpu.vector_load %arg8[%get3A_2031, %get3A_2032] {strides = array<i32>} : memref<113x512xf32, #tpu.memory_space<vmem>>, vector<16xf32>,
        %get3A_2034 = arith.index_cast %scan3A_1573 : i32 to index
        %get3A_2035 = arith.constant 448 : index
        %get3A_2036 = tpu.vector_load %arg8[%get3A_2034, %get3A_2035] {strides = array<i32>} : memref<113x512xf32, #tpu.memory_space<vmem>>, vector<16xf32>,
        %sub3A_2037 = arith.subf %get3A_2033, %get3A_2036 : vector<16xf32>
        %mul3A_2038 = arith.mulf %sub3A_2037, %gather3A_1580 : vector<16xf32>
        %get3A_2039 = arith.constant 448 : index
        %get3A_2040 = tpu.vector_load %arg14[%get3A_2039] {strides = array<i32>} : memref<512xf32, #tpu.memory_space<vmem>>, vector<16xf32>,
        %add3A_2041 = arith.addf %mul3A_2038, %get3A_2040 : vector<16xf32>
        %swap3A_2042 = arith.index_cast %scan3A_1573 : i32 to index
        %swap3A_2043 = arith.constant 448 : index
        %swap3A_2044 = tpu.vector_load %arg9[%swap3A_2042, %swap3A_2043] {strides = array<i32>} : memref<112x512xf32, #tpu.memory_space<vmem>>, vector<16xf32>,
        tpu.vector_store %arg9[%swap3A_2042, %swap3A_2043], %add3A_2041 {strides = array<i32>} : memref<112x512xf32, #tpu.memory_space<vmem>>, vector<16xf32>,
        %add3A_2045 = arith.constant 1 : i32
        %add3A_2046 = arith.addi %scan3A_1573, %add3A_2045 : i32
        %get3A_2047 = arith.index_cast %add3A_2046 : i32 to index
        %get3A_2048 = arith.constant 464 : index
        %get3A_2049 = tpu.vector_load %arg8[%get3A_2047, %get3A_2048] {strides = array<i32>} : memref<113x512xf32, #tpu.memory_space<vmem>>, vector<16xf32>,
        %get3A_2050 = arith.index_cast %scan3A_1573 : i32 to index
        %get3A_2051 = arith.constant 464 : index
        %get3A_2052 = tpu.vector_load %arg8[%get3A_2050, %get3A_2051] {strides = array<i32>} : memref<113x512xf32, #tpu.memory_space<vmem>>, vector<16xf32>,
        %sub3A_2053 = arith.subf %get3A_2049, %get3A_2052 : vector<16xf32>
        %mul3A_2054 = arith.mulf %sub3A_2053, %gather3A_1580 : vector<16xf32>
        %get3A_2055 = arith.constant 464 : index
        %get3A_2056 = tpu.vector_load %arg14[%get3A_2055] {strides = array<i32>} : memref<512xf32, #tpu.memory_space<vmem>>, vector<16xf32>,
        %add3A_2057 = arith.addf %mul3A_2054, %get3A_2056 : vector<16xf32>
        %swap3A_2058 = arith.index_cast %scan3A_1573 : i32 to index
        %swap3A_2059 = arith.constant 464 : index
        %swap3A_2060 = tpu.vector_load %arg9[%swap3A_2058, %swap3A_2059] {strides = array<i32>} : memref<112x512xf32, #tpu.memory_space<vmem>>, vector<16xf32>,
        tpu.vector_store %arg9[%swap3A_2058, %swap3A_2059], %add3A_2057 {strides = array<i32>} : memref<112x512xf32, #tpu.memory_space<vmem>>, vector<16xf32>,
        %add3A_2061 = arith.constant 1 : i32
        %add3A_2062 = arith.addi %scan3A_1573, %add3A_2061 : i32
        %get3A_2063 = arith.index_cast %add3A_2062 : i32 to index
        %get3A_2064 = arith.constant 480 : index
        %get3A_2065 = tpu.vector_load %arg8[%get3A_2063, %get3A_2064] {strides = array<i32>} : memref<113x512xf32, #tpu.memory_space<vmem>>, vector<16xf32>,
        %get3A_2066 = arith.index_cast %scan3A_1573 : i32 to index
        %get3A_2067 = arith.constant 480 : index
        %get3A_2068 = tpu.vector_load %arg8[%get3A_2066, %get3A_2067] {strides = array<i32>} : memref<113x512xf32, #tpu.memory_space<vmem>>, vector<16xf32>,
        %sub3A_2069 = arith.subf %get3A_2065, %get3A_2068 : vector<16xf32>
        %mul3A_2070 = arith.mulf %sub3A_2069, %gather3A_1580 : vector<16xf32>
        %get3A_2071 = arith.constant 480 : index
        %get3A_2072 = tpu.vector_load %arg14[%get3A_2071] {strides = array<i32>} : memref<512xf32, #tpu.memory_space<vmem>>, vector<16xf32>,
        %add3A_2073 = arith.addf %mul3A_2070, %get3A_2072 : vector<16xf32>
        %swap3A_2074 = arith.index_cast %scan3A_1573 : i32 to index
        %swap3A_2075 = arith.constant 480 : index
        %swap3A_2076 = tpu.vector_load %arg9[%swap3A_2074, %swap3A_2075] {strides = array<i32>} : memref<112x512xf32, #tpu.memory_space<vmem>>, vector<16xf32>,
        tpu.vector_store %arg9[%swap3A_2074, %swap3A_2075], %add3A_2073 {strides = array<i32>} : memref<112x512xf32, #tpu.memory_space<vmem>>, vector<16xf32>,
        %add3A_2077 = arith.constant 1 : i32
        %add3A_2078 = arith.addi %scan3A_1573, %add3A_2077 : i32
        %get3A_2079 = arith.index_cast %add3A_2078 : i32 to index
        %get3A_2080 = arith.constant 496 : index
        %get3A_2081 = tpu.vector_load %arg8[%get3A_2079, %get3A_2080] {strides = array<i32>} : memref<113x512xf32, #tpu.memory_space<vmem>>, vector<16xf32>,
        %get3A_2082 = arith.index_cast %scan3A_1573 : i32 to index
        %get3A_2083 = arith.constant 496 : index
        %get3A_2084 = tpu.vector_load %arg8[%get3A_2082, %get3A_2083] {strides = array<i32>} : memref<113x512xf32, #tpu.memory_space<vmem>>, vector<16xf32>,
        %sub3A_2085 = arith.subf %get3A_2081, %get3A_2084 : vector<16xf32>
        %mul3A_2086 = arith.mulf %sub3A_2085, %gather3A_1580 : vector<16xf32>
        %get3A_2087 = arith.constant 496 : index
        %get3A_2088 = tpu.vector_load %arg14[%get3A_2087] {strides = array<i32>} : memref<512xf32, #tpu.memory_space<vmem>>, vector<16xf32>,
        %add3A_2089 = arith.addf %mul3A_2086, %get3A_2088 : vector<16xf32>
        %swap3A_2090 = arith.index_cast %scan3A_1573 : i32 to index
        %swap3A_2091 = arith.constant 496 : index
        %swap3A_2092 = tpu.vector_load %arg9[%swap3A_2090, %swap3A_2091] {strides = array<i32>} : memref<112x512xf32, #tpu.memory_space<vmem>>, vector<16xf32>,
        tpu.vector_store %arg9[%swap3A_2090, %swap3A_2091], %add3A_2089 {strides = array<i32>} : memref<112x512xf32, #tpu.memory_space<vmem>>, vector<16xf32>,
        %scan3A_2093 = arith.constant 0 : i32
        scf.yield %scan3A_2093 : i32
      }
      %scan3A_1557 = arith.constant 112 : i32
      %dma_start3A_1558 = arith.constant 0 : i32
      %dma_start3A_1559 = arith.constant 0 : i32
      %dma_start3A_1560 = tpu.memref_slice %arg10[%dma_start3A_1558, %dma_start3A_1559] : memref<1x112xi32, #tpu.memory_space<vmem>> -> memref<1x112xi32, #tpu.memory_space<vmem>>
      %dma_start3A_1561 = tpu.memref_squeeze %dma_start3A_1560 : memref<1x112xi32, #tpu.memory_space<vmem>> -> memref<112xi32, #tpu.memory_space<vmem>>
      %dma_start3A_1562 = arith.constant 0 : i32
      %dma_start3A_1563 = arith.constant 0 : i32
      %dma_start3A_1564 = tpu.memref_slice %arg5[%dma_start3A_1562, %dma_start3A_1563] : memref<32776x512xf32, #tpu.memory_space<hbm>> -> memref<32776x512xf32, #tpu.memory_space<hbm>>
      tpu.enqueue_indirect_dma source(%arg9 : memref<112x512xf32, #tpu.memory_space<vmem>>) target(%dma_start3A_1564 : memref<32776x512xf32, #tpu.memory_space<hbm>>) offsets(%dma_start3A_1561 : memref<112xi32, #tpu.memory_space<vmem>>) semaphore(%arg16 : memref<!tpu.dma_semaphore, #tpu.memory_space<semaphore_mem>>)
      %dma_wait3A_1565 = arith.constant 0 : i32
      %dma_wait3A_1566 = arith.constant 0 : i32
      %dma_wait3A_1567 = tpu.memref_slice %arg10[%dma_wait3A_1565, %dma_wait3A_1566] : memref<1x112xi32, #tpu.memory_space<vmem>> -> memref<1x112xi32, #tpu.memory_space<vmem>>
      %dma_wait3A_1568 = tpu.memref_squeeze %dma_wait3A_1567 : memref<1x112xi32, #tpu.memory_space<vmem>> -> memref<112xi32, #tpu.memory_space<vmem>>
      %dma_wait3A_1569 = arith.constant 0 : i32
      %dma_wait3A_1570 = arith.constant 0 : i32
      %dma_wait3A_1571 = tpu.memref_slice %arg5[%dma_wait3A_1569, %dma_wait3A_1570] : memref<32776x512xf32, #tpu.memory_space<hbm>> -> memref<32776x512xf32, #tpu.memory_space<hbm>>
      tpu.wait_indirect_dma semaphore(%arg16 : memref<!tpu.dma_semaphore, #tpu.memory_space<semaphore_mem>>) src(%arg9 : memref<112x512xf32, #tpu.memory_space<vmem>>) dst(%dma_wait3A_1571 : memref<32776x512xf32, #tpu.memory_space<hbm>>)
      %while3A_1572 = arith.constant 0 : i32
      scf.yield %while3A_1572 : i32
    }
    %scan3A_1101 = arith.constant 0 : i32
    %scan3A_1102 = arith.constant 0 : i32
    %scan3A_1103 = arith.constant 112 : i32
    %scan3A_1104 = arith.addi %scan3A_1102, %scan3A_1103 : i32
    %scan3A_1105 = arith.constant 1 : i32
    %scan3A_1106 = scf.for %scan3A_1181 = %scan3A_1102 to %scan3A_1104 step %scan3A_1105 iter_args(%scan3A_1182 = %scan3A_1101) -> (i32)  : i32 {
      %get3A_1183 = arith.constant 0 : index
      %get3A_1184 = tpu.vector_load %arg14[%get3A_1183] {strides = array<i32>} : memref<512xf32, #tpu.memory_space<vmem>>, vector<16xf32>,
      %swap3A_1185 = arith.index_cast %scan3A_1181 : i32 to index
      %swap3A_1186 = arith.constant 0 : index
      %swap3A_1187 = tpu.vector_load %arg9[%swap3A_1185, %swap3A_1186] {strides = array<i32>} : memref<112x512xf32, #tpu.memory_space<vmem>>, vector<16xf32>,
      tpu.vector_store %arg9[%swap3A_1185, %swap3A_1186], %get3A_1184 {strides = array<i32>} : memref<112x512xf32, #tpu.memory_space<vmem>>, vector<16xf32>,
      %get3A_1188 = arith.constant 16 : index
      %get3A_1189 = tpu.vector_load %arg14[%get3A_1188] {strides = array<i32>} : memref<512xf32, #tpu.memory_space<vmem>>, vector<16xf32>,
      %swap3A_1190 = arith.index_cast %scan3A_1181 : i32 to index
      %swap3A_1191 = arith.constant 16 : index
      %swap3A_1192 = tpu.vector_load %arg9[%swap3A_1190, %swap3A_1191] {strides = array<i32>} : memref<112x512xf32, #tpu.memory_space<vmem>>, vector<16xf32>,
      tpu.vector_store %arg9[%swap3A_1190, %swap3A_1191], %get3A_1189 {strides = array<i32>} : memref<112x512xf32, #tpu.memory_space<vmem>>, vector<16xf32>,
      %get3A_1193 = arith.constant 32 : index
      %get3A_1194 = tpu.vector_load %arg14[%get3A_1193] {strides = array<i32>} : memref<512xf32, #tpu.memory_space<vmem>>, vector<16xf32>,
      %swap3A_1195 = arith.index_cast %scan3A_1181 : i32 to index
      %swap3A_1196 = arith.constant 32 : index
      %swap3A_1197 = tpu.vector_load %arg9[%swap3A_1195, %swap3A_1196] {strides = array<i32>} : memref<112x512xf32, #tpu.memory_space<vmem>>, vector<16xf32>,
      tpu.vector_store %arg9[%swap3A_1195, %swap3A_1196], %get3A_1194 {strides = array<i32>} : memref<112x512xf32, #tpu.memory_space<vmem>>, vector<16xf32>,
      %get3A_1198 = arith.constant 48 : index
      %get3A_1199 = tpu.vector_load %arg14[%get3A_1198] {strides = array<i32>} : memref<512xf32, #tpu.memory_space<vmem>>, vector<16xf32>,
      %swap3A_1200 = arith.index_cast %scan3A_1181 : i32 to index
      %swap3A_1201 = arith.constant 48 : index
      %swap3A_1202 = tpu.vector_load %arg9[%swap3A_1200, %swap3A_1201] {strides = array<i32>} : memref<112x512xf32, #tpu.memory_space<vmem>>, vector<16xf32>,
      tpu.vector_store %arg9[%swap3A_1200, %swap3A_1201], %get3A_1199 {strides = array<i32>} : memref<112x512xf32, #tpu.memory_space<vmem>>, vector<16xf32>,
      %get3A_1203 = arith.constant 64 : index
      %get3A_1204 = tpu.vector_load %arg14[%get3A_1203] {strides = array<i32>} : memref<512xf32, #tpu.memory_space<vmem>>, vector<16xf32>,
      %swap3A_1205 = arith.index_cast %scan3A_1181 : i32 to index
      %swap3A_1206 = arith.constant 64 : index
      %swap3A_1207 = tpu.vector_load %arg9[%swap3A_1205, %swap3A_1206] {strides = array<i32>} : memref<112x512xf32, #tpu.memory_space<vmem>>, vector<16xf32>,
      tpu.vector_store %arg9[%swap3A_1205, %swap3A_1206], %get3A_1204 {strides = array<i32>} : memref<112x512xf32, #tpu.memory_space<vmem>>, vector<16xf32>,
      %get3A_1208 = arith.constant 80 : index
      %get3A_1209 = tpu.vector_load %arg14[%get3A_1208] {strides = array<i32>} : memref<512xf32, #tpu.memory_space<vmem>>, vector<16xf32>,
      %swap3A_1210 = arith.index_cast %scan3A_1181 : i32 to index
      %swap3A_1211 = arith.constant 80 : index
      %swap3A_1212 = tpu.vector_load %arg9[%swap3A_1210, %swap3A_1211] {strides = array<i32>} : memref<112x512xf32, #tpu.memory_space<vmem>>, vector<16xf32>,
      tpu.vector_store %arg9[%swap3A_1210, %swap3A_1211], %get3A_1209 {strides = array<i32>} : memref<112x512xf32, #tpu.memory_space<vmem>>, vector<16xf32>,
      %get3A_1213 = arith.constant 96 : index
      %get3A_1214 = tpu.vector_load %arg14[%get3A_1213] {strides = array<i32>} : memref<512xf32, #tpu.memory_space<vmem>>, vector<16xf32>,
      %swap3A_1215 = arith.index_cast %scan3A_1181 : i32 to index
      %swap3A_1216 = arith.constant 96 : index
      %swap3A_1217 = tpu.vector_load %arg9[%swap3A_1215, %swap3A_1216] {strides = array<i32>} : memref<112x512xf32, #tpu.memory_space<vmem>>, vector<16xf32>,
      tpu.vector_store %arg9[%swap3A_1215, %swap3A_1216], %get3A_1214 {strides = array<i32>} : memref<112x512xf32, #tpu.memory_space<vmem>>, vector<16xf32>,
      %get3A_1218 = arith.constant 112 : index
      %get3A_1219 = tpu.vector_load %arg14[%get3A_1218] {strides = array<i32>} : memref<512xf32, #tpu.memory_space<vmem>>, vector<16xf32>,
      %swap3A_1220 = arith.index_cast %scan3A_1181 : i32 to index
      %swap3A_1221 = arith.constant 112 : index
      %swap3A_1222 = tpu.vector_load %arg9[%swap3A_1220, %swap3A_1221] {strides = array<i32>} : memref<112x512xf32, #tpu.memory_space<vmem>>, vector<16xf32>,
      tpu.vector_store %arg9[%swap3A_1220, %swap3A_1221], %get3A_1219 {strides = array<i32>} : memref<112x512xf32, #tpu.memory_space<vmem>>, vector<16xf32>,
      %get3A_1223 = arith.constant 128 : index
      %get3A_1224 = tpu.vector_load %arg14[%get3A_1223] {strides = array<i32>} : memref<512xf32, #tpu.memory_space<vmem>>, vector<16xf32>,
      %swap3A_1225 = arith.index_cast %scan3A_1181 : i32 to index
      %swap3A_1226 = arith.constant 128 : index
      %swap3A_1227 = tpu.vector_load %arg9[%swap3A_1225, %swap3A_1226] {strides = array<i32>} : memref<112x512xf32, #tpu.memory_space<vmem>>, vector<16xf32>,
      tpu.vector_store %arg9[%swap3A_1225, %swap3A_1226], %get3A_1224 {strides = array<i32>} : memref<112x512xf32, #tpu.memory_space<vmem>>, vector<16xf32>,
      %get3A_1228 = arith.constant 144 : index
      %get3A_1229 = tpu.vector_load %arg14[%get3A_1228] {strides = array<i32>} : memref<512xf32, #tpu.memory_space<vmem>>, vector<16xf32>,
      %swap3A_1230 = arith.index_cast %scan3A_1181 : i32 to index
      %swap3A_1231 = arith.constant 144 : index
      %swap3A_1232 = tpu.vector_load %arg9[%swap3A_1230, %swap3A_1231] {strides = array<i32>} : memref<112x512xf32, #tpu.memory_space<vmem>>, vector<16xf32>,
      tpu.vector_store %arg9[%swap3A_1230, %swap3A_1231], %get3A_1229 {strides = array<i32>} : memref<112x512xf32, #tpu.memory_space<vmem>>, vector<16xf32>,
      %get3A_1233 = arith.constant 160 : index
      %get3A_1234 = tpu.vector_load %arg14[%get3A_1233] {strides = array<i32>} : memref<512xf32, #tpu.memory_space<vmem>>, vector<16xf32>,
      %swap3A_1235 = arith.index_cast %scan3A_1181 : i32 to index
      %swap3A_1236 = arith.constant 160 : index
      %swap3A_1237 = tpu.vector_load %arg9[%swap3A_1235, %swap3A_1236] {strides = array<i32>} : memref<112x512xf32, #tpu.memory_space<vmem>>, vector<16xf32>,
      tpu.vector_store %arg9[%swap3A_1235, %swap3A_1236], %get3A_1234 {strides = array<i32>} : memref<112x512xf32, #tpu.memory_space<vmem>>, vector<16xf32>,
      %get3A_1238 = arith.constant 176 : index
      %get3A_1239 = tpu.vector_load %arg14[%get3A_1238] {strides = array<i32>} : memref<512xf32, #tpu.memory_space<vmem>>, vector<16xf32>,
      %swap3A_1240 = arith.index_cast %scan3A_1181 : i32 to index
      %swap3A_1241 = arith.constant 176 : index
      %swap3A_1242 = tpu.vector_load %arg9[%swap3A_1240, %swap3A_1241] {strides = array<i32>} : memref<112x512xf32, #tpu.memory_space<vmem>>, vector<16xf32>,
      tpu.vector_store %arg9[%swap3A_1240, %swap3A_1241], %get3A_1239 {strides = array<i32>} : memref<112x512xf32, #tpu.memory_space<vmem>>, vector<16xf32>,
      %get3A_1243 = arith.constant 192 : index
      %get3A_1244 = tpu.vector_load %arg14[%get3A_1243] {strides = array<i32>} : memref<512xf32, #tpu.memory_space<vmem>>, vector<16xf32>,
      %swap3A_1245 = arith.index_cast %scan3A_1181 : i32 to index
      %swap3A_1246 = arith.constant 192 : index
      %swap3A_1247 = tpu.vector_load %arg9[%swap3A_1245, %swap3A_1246] {strides = array<i32>} : memref<112x512xf32, #tpu.memory_space<vmem>>, vector<16xf32>,
      tpu.vector_store %arg9[%swap3A_1245, %swap3A_1246], %get3A_1244 {strides = array<i32>} : memref<112x512xf32, #tpu.memory_space<vmem>>, vector<16xf32>,
      %get3A_1248 = arith.constant 208 : index
      %get3A_1249 = tpu.vector_load %arg14[%get3A_1248] {strides = array<i32>} : memref<512xf32, #tpu.memory_space<vmem>>, vector<16xf32>,
      %swap3A_1250 = arith.index_cast %scan3A_1181 : i32 to index
      %swap3A_1251 = arith.constant 208 : index
      %swap3A_1252 = tpu.vector_load %arg9[%swap3A_1250, %swap3A_1251] {strides = array<i32>} : memref<112x512xf32, #tpu.memory_space<vmem>>, vector<16xf32>,
      tpu.vector_store %arg9[%swap3A_1250, %swap3A_1251], %get3A_1249 {strides = array<i32>} : memref<112x512xf32, #tpu.memory_space<vmem>>, vector<16xf32>,
      %get3A_1253 = arith.constant 224 : index
      %get3A_1254 = tpu.vector_load %arg14[%get3A_1253] {strides = array<i32>} : memref<512xf32, #tpu.memory_space<vmem>>, vector<16xf32>,
      %swap3A_1255 = arith.index_cast %scan3A_1181 : i32 to index
      %swap3A_1256 = arith.constant 224 : index
      %swap3A_1257 = tpu.vector_load %arg9[%swap3A_1255, %swap3A_1256] {strides = array<i32>} : memref<112x512xf32, #tpu.memory_space<vmem>>, vector<16xf32>,
      tpu.vector_store %arg9[%swap3A_1255, %swap3A_1256], %get3A_1254 {strides = array<i32>} : memref<112x512xf32, #tpu.memory_space<vmem>>, vector<16xf32>,
      %get3A_1258 = arith.constant 240 : index
      %get3A_1259 = tpu.vector_load %arg14[%get3A_1258] {strides = array<i32>} : memref<512xf32, #tpu.memory_space<vmem>>, vector<16xf32>,
      %swap3A_1260 = arith.index_cast %scan3A_1181 : i32 to index
      %swap3A_1261 = arith.constant 240 : index
      %swap3A_1262 = tpu.vector_load %arg9[%swap3A_1260, %swap3A_1261] {strides = array<i32>} : memref<112x512xf32, #tpu.memory_space<vmem>>, vector<16xf32>,
      tpu.vector_store %arg9[%swap3A_1260, %swap3A_1261], %get3A_1259 {strides = array<i32>} : memref<112x512xf32, #tpu.memory_space<vmem>>, vector<16xf32>,
      %get3A_1263 = arith.constant 256 : index
      %get3A_1264 = tpu.vector_load %arg14[%get3A_1263] {strides = array<i32>} : memref<512xf32, #tpu.memory_space<vmem>>, vector<16xf32>,
      %swap3A_1265 = arith.index_cast %scan3A_1181 : i32 to index
      %swap3A_1266 = arith.constant 256 : index
      %swap3A_1267 = tpu.vector_load %arg9[%swap3A_1265, %swap3A_1266] {strides = array<i32>} : memref<112x512xf32, #tpu.memory_space<vmem>>, vector<16xf32>,
      tpu.vector_store %arg9[%swap3A_1265, %swap3A_1266], %get3A_1264 {strides = array<i32>} : memref<112x512xf32, #tpu.memory_space<vmem>>, vector<16xf32>,
      %get3A_1268 = arith.constant 272 : index
      %get3A_1269 = tpu.vector_load %arg14[%get3A_1268] {strides = array<i32>} : memref<512xf32, #tpu.memory_space<vmem>>, vector<16xf32>,
      %swap3A_1270 = arith.index_cast %scan3A_1181 : i32 to index
      %swap3A_1271 = arith.constant 272 : index
      %swap3A_1272 = tpu.vector_load %arg9[%swap3A_1270, %swap3A_1271] {strides = array<i32>} : memref<112x512xf32, #tpu.memory_space<vmem>>, vector<16xf32>,
      tpu.vector_store %arg9[%swap3A_1270, %swap3A_1271], %get3A_1269 {strides = array<i32>} : memref<112x512xf32, #tpu.memory_space<vmem>>, vector<16xf32>,
      %get3A_1273 = arith.constant 288 : index
      %get3A_1274 = tpu.vector_load %arg14[%get3A_1273] {strides = array<i32>} : memref<512xf32, #tpu.memory_space<vmem>>, vector<16xf32>,
      %swap3A_1275 = arith.index_cast %scan3A_1181 : i32 to index
      %swap3A_1276 = arith.constant 288 : index
      %swap3A_1277 = tpu.vector_load %arg9[%swap3A_1275, %swap3A_1276] {strides = array<i32>} : memref<112x512xf32, #tpu.memory_space<vmem>>, vector<16xf32>,
      tpu.vector_store %arg9[%swap3A_1275, %swap3A_1276], %get3A_1274 {strides = array<i32>} : memref<112x512xf32, #tpu.memory_space<vmem>>, vector<16xf32>,
      %get3A_1278 = arith.constant 304 : index
      %get3A_1279 = tpu.vector_load %arg14[%get3A_1278] {strides = array<i32>} : memref<512xf32, #tpu.memory_space<vmem>>, vector<16xf32>,
      %swap3A_1280 = arith.index_cast %scan3A_1181 : i32 to index
      %swap3A_1281 = arith.constant 304 : index
      %swap3A_1282 = tpu.vector_load %arg9[%swap3A_1280, %swap3A_1281] {strides = array<i32>} : memref<112x512xf32, #tpu.memory_space<vmem>>, vector<16xf32>,
      tpu.vector_store %arg9[%swap3A_1280, %swap3A_1281], %get3A_1279 {strides = array<i32>} : memref<112x512xf32, #tpu.memory_space<vmem>>, vector<16xf32>,
      %get3A_1283 = arith.constant 320 : index
      %get3A_1284 = tpu.vector_load %arg14[%get3A_1283] {strides = array<i32>} : memref<512xf32, #tpu.memory_space<vmem>>, vector<16xf32>,
      %swap3A_1285 = arith.index_cast %scan3A_1181 : i32 to index
      %swap3A_1286 = arith.constant 320 : index
      %swap3A_1287 = tpu.vector_load %arg9[%swap3A_1285, %swap3A_1286] {strides = array<i32>} : memref<112x512xf32, #tpu.memory_space<vmem>>, vector<16xf32>,
      tpu.vector_store %arg9[%swap3A_1285, %swap3A_1286], %get3A_1284 {strides = array<i32>} : memref<112x512xf32, #tpu.memory_space<vmem>>, vector<16xf32>,
      %get3A_1288 = arith.constant 336 : index
      %get3A_1289 = tpu.vector_load %arg14[%get3A_1288] {strides = array<i32>} : memref<512xf32, #tpu.memory_space<vmem>>, vector<16xf32>,
      %swap3A_1290 = arith.index_cast %scan3A_1181 : i32 to index
      %swap3A_1291 = arith.constant 336 : index
      %swap3A_1292 = tpu.vector_load %arg9[%swap3A_1290, %swap3A_1291] {strides = array<i32>} : memref<112x512xf32, #tpu.memory_space<vmem>>, vector<16xf32>,
      tpu.vector_store %arg9[%swap3A_1290, %swap3A_1291], %get3A_1289 {strides = array<i32>} : memref<112x512xf32, #tpu.memory_space<vmem>>, vector<16xf32>,
      %get3A_1293 = arith.constant 352 : index
      %get3A_1294 = tpu.vector_load %arg14[%get3A_1293] {strides = array<i32>} : memref<512xf32, #tpu.memory_space<vmem>>, vector<16xf32>,
      %swap3A_1295 = arith.index_cast %scan3A_1181 : i32 to index
      %swap3A_1296 = arith.constant 352 : index
      %swap3A_1297 = tpu.vector_load %arg9[%swap3A_1295, %swap3A_1296] {strides = array<i32>} : memref<112x512xf32, #tpu.memory_space<vmem>>, vector<16xf32>,
      tpu.vector_store %arg9[%swap3A_1295, %swap3A_1296], %get3A_1294 {strides = array<i32>} : memref<112x512xf32, #tpu.memory_space<vmem>>, vector<16xf32>,
      %get3A_1298 = arith.constant 368 : index
      %get3A_1299 = tpu.vector_load %arg14[%get3A_1298] {strides = array<i32>} : memref<512xf32, #tpu.memory_space<vmem>>, vector<16xf32>,
      %swap3A_1300 = arith.index_cast %scan3A_1181 : i32 to index
      %swap3A_1301 = arith.constant 368 : index
      %swap3A_1302 = tpu.vector_load %arg9[%swap3A_1300, %swap3A_1301] {strides = array<i32>} : memref<112x512xf32, #tpu.memory_space<vmem>>, vector<16xf32>,
      tpu.vector_store %arg9[%swap3A_1300, %swap3A_1301], %get3A_1299 {strides = array<i32>} : memref<112x512xf32, #tpu.memory_space<vmem>>, vector<16xf32>,
      %get3A_1303 = arith.constant 384 : index
      %get3A_1304 = tpu.vector_load %arg14[%get3A_1303] {strides = array<i32>} : memref<512xf32, #tpu.memory_space<vmem>>, vector<16xf32>,
      %swap3A_1305 = arith.index_cast %scan3A_1181 : i32 to index
      %swap3A_1306 = arith.constant 384 : index
      %swap3A_1307 = tpu.vector_load %arg9[%swap3A_1305, %swap3A_1306] {strides = array<i32>} : memref<112x512xf32, #tpu.memory_space<vmem>>, vector<16xf32>,
      tpu.vector_store %arg9[%swap3A_1305, %swap3A_1306], %get3A_1304 {strides = array<i32>} : memref<112x512xf32, #tpu.memory_space<vmem>>, vector<16xf32>,
      %get3A_1308 = arith.constant 400 : index
      %get3A_1309 = tpu.vector_load %arg14[%get3A_1308] {strides = array<i32>} : memref<512xf32, #tpu.memory_space<vmem>>, vector<16xf32>,
      %swap3A_1310 = arith.index_cast %scan3A_1181 : i32 to index
      %swap3A_1311 = arith.constant 400 : index
      %swap3A_1312 = tpu.vector_load %arg9[%swap3A_1310, %swap3A_1311] {strides = array<i32>} : memref<112x512xf32, #tpu.memory_space<vmem>>, vector<16xf32>,
      tpu.vector_store %arg9[%swap3A_1310, %swap3A_1311], %get3A_1309 {strides = array<i32>} : memref<112x512xf32, #tpu.memory_space<vmem>>, vector<16xf32>,
      %get3A_1313 = arith.constant 416 : index
      %get3A_1314 = tpu.vector_load %arg14[%get3A_1313] {strides = array<i32>} : memref<512xf32, #tpu.memory_space<vmem>>, vector<16xf32>,
      %swap3A_1315 = arith.index_cast %scan3A_1181 : i32 to index
      %swap3A_1316 = arith.constant 416 : index
      %swap3A_1317 = tpu.vector_load %arg9[%swap3A_1315, %swap3A_1316] {strides = array<i32>} : memref<112x512xf32, #tpu.memory_space<vmem>>, vector<16xf32>,
      tpu.vector_store %arg9[%swap3A_1315, %swap3A_1316], %get3A_1314 {strides = array<i32>} : memref<112x512xf32, #tpu.memory_space<vmem>>, vector<16xf32>,
      %get3A_1318 = arith.constant 432 : index
      %get3A_1319 = tpu.vector_load %arg14[%get3A_1318] {strides = array<i32>} : memref<512xf32, #tpu.memory_space<vmem>>, vector<16xf32>,
      %swap3A_1320 = arith.index_cast %scan3A_1181 : i32 to index
      %swap3A_1321 = arith.constant 432 : index
      %swap3A_1322 = tpu.vector_load %arg9[%swap3A_1320, %swap3A_1321] {strides = array<i32>} : memref<112x512xf32, #tpu.memory_space<vmem>>, vector<16xf32>,
      tpu.vector_store %arg9[%swap3A_1320, %swap3A_1321], %get3A_1319 {strides = array<i32>} : memref<112x512xf32, #tpu.memory_space<vmem>>, vector<16xf32>,
      %get3A_1323 = arith.constant 448 : index
      %get3A_1324 = tpu.vector_load %arg14[%get3A_1323] {strides = array<i32>} : memref<512xf32, #tpu.memory_space<vmem>>, vector<16xf32>,
      %swap3A_1325 = arith.index_cast %scan3A_1181 : i32 to index
      %swap3A_1326 = arith.constant 448 : index
      %swap3A_1327 = tpu.vector_load %arg9[%swap3A_1325, %swap3A_1326] {strides = array<i32>} : memref<112x512xf32, #tpu.memory_space<vmem>>, vector<16xf32>,
      tpu.vector_store %arg9[%swap3A_1325, %swap3A_1326], %get3A_1324 {strides = array<i32>} : memref<112x512xf32, #tpu.memory_space<vmem>>, vector<16xf32>,
      %get3A_1328 = arith.constant 464 : index
      %get3A_1329 = tpu.vector_load %arg14[%get3A_1328] {strides = array<i32>} : memref<512xf32, #tpu.memory_space<vmem>>, vector<16xf32>,
      %swap3A_1330 = arith.index_cast %scan3A_1181 : i32 to index
      %swap3A_1331 = arith.constant 464 : index
      %swap3A_1332 = tpu.vector_load %arg9[%swap3A_1330, %swap3A_1331] {strides = array<i32>} : memref<112x512xf32, #tpu.memory_space<vmem>>, vector<16xf32>,
      tpu.vector_store %arg9[%swap3A_1330, %swap3A_1331], %get3A_1329 {strides = array<i32>} : memref<112x512xf32, #tpu.memory_space<vmem>>, vector<16xf32>,
      %get3A_1333 = arith.constant 480 : index
      %get3A_1334 = tpu.vector_load %arg14[%get3A_1333] {strides = array<i32>} : memref<512xf32, #tpu.memory_space<vmem>>, vector<16xf32>,
      %swap3A_1335 = arith.index_cast %scan3A_1181 : i32 to index
      %swap3A_1336 = arith.constant 480 : index
      %swap3A_1337 = tpu.vector_load %arg9[%swap3A_1335, %swap3A_1336] {strides = array<i32>} : memref<112x512xf32, #tpu.memory_space<vmem>>, vector<16xf32>,
      tpu.vector_store %arg9[%swap3A_1335, %swap3A_1336], %get3A_1334 {strides = array<i32>} : memref<112x512xf32, #tpu.memory_space<vmem>>, vector<16xf32>,
      %get3A_1338 = arith.constant 496 : index
      %get3A_1339 = tpu.vector_load %arg14[%get3A_1338] {strides = array<i32>} : memref<512xf32, #tpu.memory_space<vmem>>, vector<16xf32>,
      %swap3A_1340 = arith.index_cast %scan3A_1181 : i32 to index
      %swap3A_1341 = arith.constant 496 : index
      %swap3A_1342 = tpu.vector_load %arg9[%swap3A_1340, %swap3A_1341] {strides = array<i32>} : memref<112x512xf32, #tpu.memory_space<vmem>>, vector<16xf32>,
      tpu.vector_store %arg9[%swap3A_1340, %swap3A_1341], %get3A_1339 {strides = array<i32>} : memref<112x512xf32, #tpu.memory_space<vmem>>, vector<16xf32>,
      %scan3A_1343 = arith.constant 0 : i32
      scf.yield %scan3A_1343 : i32
    }
    %scan3A_1107 = arith.constant 112 : i32
    %sub3A_1108 = arith.constant 4096 : i32
    %sub3A_1109 = arith.subi %sub3A_1108, %add3A_1046 : i32
    %sub3A_1110 = arith.subi %sub3A_1109, %select_n3A_30 : i32
    %add3A_1111 = arith.constant 4 : i32
    %add3A_1112 = arith.addi %sub3A_1110, %add3A_1111 : i32
    %sub3A_1113 = arith.constant 1 : i32
    %sub3A_1114 = arith.subi %add3A_1112, %sub3A_1113 : i32
    %jit3A_1115 = arith.constant 4 : i32
    %div3A_1116 = arith.divsi %sub3A_1114, %jit3A_1115 : i32
    %sign3A_1117 = arith.constant 0 : i32
    %sign3A_1118 = arith.cmpi sgt, %sub3A_1114, %sign3A_1117 : i32
    %sign3A_1119 = arith.extui %sign3A_1118 : i1 to i32
    %sign3A_1120 = arith.constant 0 : i32
    %sign3A_1121 = arith.cmpi slt, %sub3A_1114, %sign3A_1120 : i32
    %sign3A_1122 = arith.extui %sign3A_1121 : i1 to i32
    %sign3A_1123 = arith.subi %sign3A_1119, %sign3A_1122 : i32
    %sign3A_1124 = arith.constant 0 : i32
    %sign3A_1125 = arith.cmpi sgt, %jit3A_1115, %sign3A_1124 : i32
    %sign3A_1126 = arith.extui %sign3A_1125 : i1 to i32
    %sign3A_1127 = arith.constant 0 : i32
    %sign3A_1128 = arith.cmpi slt, %jit3A_1115, %sign3A_1127 : i32
    %sign3A_1129 = arith.extui %sign3A_1128 : i1 to i32
    %sign3A_1130 = arith.subi %sign3A_1126, %sign3A_1129 : i32
    %ne3A_1131 = arith.cmpi ne, %sign3A_1123, %sign3A_1130 : i32
    %rem3A_1132 = arith.remsi %sub3A_1114, %jit3A_1115 : i32
    %ne3A_1133 = arith.constant 0 : i32
    %ne3A_1134 = arith.cmpi ne, %rem3A_1132, %ne3A_1133 : i32
    %and3A_1135 = arith.andi %ne3A_1131, %ne3A_1134 : i1
    %sub3A_1136 = arith.constant 1 : i32
    %sub3A_1137 = arith.subi %div3A_1116, %sub3A_1136 : i32
    %select_n3A_1138 = arith.select %and3A_1135, %sub3A_1137, %div3A_1116 : i32
    %max3A_1139 = arith.constant 0 : i32
    %max3A_1140 = arith.maxsi %max3A_1139, %select_n3A_1138 : i32
    %add3A_1141 = arith.constant 112 : i32
    %add3A_1142 = arith.addi %max3A_1140, %add3A_1141 : i32
    %sub3A_1143 = arith.constant 1 : i32
    %sub3A_1144 = arith.subi %add3A_1142, %sub3A_1143 : i32
    %jit3A_1145 = arith.constant 112 : i32
    %div3A_1146 = arith.divsi %sub3A_1144, %jit3A_1145 : i32
    %sign3A_1147 = arith.constant 0 : i32
    %sign3A_1148 = arith.cmpi sgt, %sub3A_1144, %sign3A_1147 : i32
    %sign3A_1149 = arith.extui %sign3A_1148 : i1 to i32
    %sign3A_1150 = arith.constant 0 : i32
    %sign3A_1151 = arith.cmpi slt, %sub3A_1144, %sign3A_1150 : i32
    %sign3A_1152 = arith.extui %sign3A_1151 : i1 to i32
    %sign3A_1153 = arith.subi %sign3A_1149, %sign3A_1152 : i32
    %sign3A_1154 = arith.constant 0 : i32
    %sign3A_1155 = arith.cmpi sgt, %jit3A_1145, %sign3A_1154 : i32
    %sign3A_1156 = arith.extui %sign3A_1155 : i1 to i32
    %sign3A_1157 = arith.constant 0 : i32
    %sign3A_1158 = arith.cmpi slt, %jit3A_1145, %sign3A_1157 : i32
    %sign3A_1159 = arith.extui %sign3A_1158 : i1 to i32
    %sign3A_1160 = arith.subi %sign3A_1156, %sign3A_1159 : i32
    %ne3A_1161 = arith.cmpi ne, %sign3A_1153, %sign3A_1160 : i32
    %rem3A_1162 = arith.remsi %sub3A_1144, %jit3A_1145 : i32
    %ne3A_1163 = arith.constant 0 : i32
    %ne3A_1164 = arith.cmpi ne, %rem3A_1162, %ne3A_1163 : i32
    %and3A_1165 = arith.andi %ne3A_1161, %ne3A_1164 : i1
    %sub3A_1166 = arith.constant 1 : i32
    %sub3A_1167 = arith.subi %div3A_1146, %sub3A_1166 : i32
    %select_n3A_1168 = arith.select %and3A_1165, %sub3A_1167, %div3A_1146 : i32
    %while3A_1169 = arith.constant 0 : i32
    %while3A_1170 = arith.constant 0 : i32
    %while3A_1171 = arith.subi %select_n3A_1168, %while3A_1169 : i32
    %while3A_1172 = arith.addi %while3A_1169, %while3A_1171 : i32
    %while3A_1173 = arith.constant 1 : i32
    %while3A_1174 = arith.divsi %while3A_1171, %while3A_1173 : i32
    %while3A_1175 = arith.muli %while3A_1174, %while3A_1173 : i32
    %while3A_1176 = arith.addi %while3A_1169, %while3A_1175 : i32
    %while3A_1177 = arith.constant 1 : i32
    %while3A_1178 = scf.for %while3A_1181 = %while3A_1169 to %while3A_1176 step %while3A_1177 iter_args(%while3A_1182 = %while3A_1170) -> (i32)  : i32 {
      %mul3A_1183 = arith.constant 112 : i32
      %mul3A_1184 = arith.muli %while3A_1181, %mul3A_1183 : i32
      %add3A_1185 = arith.constant 0 : i32
      %add3A_1186 = arith.addi %mul3A_1184, %add3A_1185 : i32
      %add3A_1187 = vector.broadcast %add3A_1186 : i32 to vector<16xi32>
      %add3A_1188 = arith.addi %iota3A, %add3A_1187 : vector<16xi32>
      %lt3A_1189 = vector.broadcast %max3A_1140 : i32 to vector<16xi32>
      %lt3A_1190 = arith.cmpi slt, %add3A_1188, %lt3A_1189 : vector<16xi32>
      %mul3A_1191 = arith.constant 4096 : i32
      %mul3A_1192 = arith.muli %add3A, %mul3A_1191 : i32
      %add3A_1193 = arith.addi %mul3A_1192, %add3A_1046 : i32
      %add3A_1194 = arith.addi %add3A_1193, %select_n3A_30 : i32
      %mul3A_1195 = arith.constant 4 : i32
      %mul3A_1196 = vector.broadcast %mul3A_1195 : i32 to vector<16xi32>
      %mul3A_1197 = arith.muli %mul3A_1196, %add3A_1188 : vector<16xi32>
      %add3A_1198 = vector.broadcast %add3A_1194 : i32 to vector<16xi32>
      %add3A_1199 = arith.addi %add3A_1198, %mul3A_1197 : vector<16xi32>
      %mul3A_1200 = arith.constant 2 : i32
      %mul3A_1201 = arith.muli %arg1, %mul3A_1200 : i32
      %add3A_1202 = vector.broadcast %mul3A_1201 : i32 to vector<16xi32>
      %add3A_1203 = arith.addi %add3A_1202, %iota3A : vector<16xi32>
      %and3A_1204 = arith.constant 7 : i32
      %and3A_1205 = vector.broadcast %and3A_1204 : i32 to vector<16xi32>
      %and3A_1206 = arith.andi %add3A_1203, %and3A_1205 : vector<16xi32>
      %add3A_1207 = arith.constant 32768 : i32
      %add3A_1208 = vector.broadcast %add3A_1207 : i32 to vector<16xi32>
      %add3A_1209 = arith.addi %add3A_1208, %and3A_1206 : vector<16xi32>
      %select_n3A_1210 = arith.select %lt3A_1190, %add3A_1199, %add3A_1209 : vector<16xi1>, vector<16xi32>
      %swap3A_1211 = arith.constant 0 : i32
      %swap3A_1212 = arith.index_cast %swap3A_1211 : i32 to index
      %swap3A_1213 = arith.constant 0 : index
      %swap3A_1214 = tpu.vector_load %arg10[%swap3A_1212, %swap3A_1213] {strides = array<i32>} : memref<1x112xi32, #tpu.memory_space<vmem>>, vector<16xi32>,
      tpu.vector_store %arg10[%swap3A_1212, %swap3A_1213], %select_n3A_1210 {strides = array<i32>} : memref<1x112xi32, #tpu.memory_space<vmem>>, vector<16xi32>,
      %mul3A_1215 = arith.constant 112 : i32
      %mul3A_1216 = arith.muli %while3A_1181, %mul3A_1215 : i32
      %add3A_1217 = arith.constant 16 : i32
      %add3A_1218 = arith.addi %mul3A_1216, %add3A_1217 : i32
      %add3A_1219 = vector.broadcast %add3A_1218 : i32 to vector<16xi32>
      %add3A_1220 = arith.addi %iota3A, %add3A_1219 : vector<16xi32>
      %lt3A_1221 = vector.broadcast %max3A_1140 : i32 to vector<16xi32>
      %lt3A_1222 = arith.cmpi slt, %add3A_1220, %lt3A_1221 : vector<16xi32>
      %mul3A_1223 = arith.constant 4096 : i32
      %mul3A_1224 = arith.muli %add3A, %mul3A_1223 : i32
      %add3A_1225 = arith.addi %mul3A_1224, %add3A_1046 : i32
      %add3A_1226 = arith.addi %add3A_1225, %select_n3A_30 : i32
      %mul3A_1227 = arith.constant 4 : i32
      %mul3A_1228 = vector.broadcast %mul3A_1227 : i32 to vector<16xi32>
      %mul3A_1229 = arith.muli %mul3A_1228, %add3A_1220 : vector<16xi32>
      %add3A_1230 = vector.broadcast %add3A_1226 : i32 to vector<16xi32>
      %add3A_1231 = arith.addi %add3A_1230, %mul3A_1229 : vector<16xi32>
      %mul3A_1232 = arith.constant 2 : i32
      %mul3A_1233 = arith.muli %arg1, %mul3A_1232 : i32
      %add3A_1234 = vector.broadcast %mul3A_1233 : i32 to vector<16xi32>
      %add3A_1235 = arith.addi %add3A_1234, %iota3A : vector<16xi32>
      %and3A_1236 = arith.constant 7 : i32
      %and3A_1237 = vector.broadcast %and3A_1236 : i32 to vector<16xi32>
      %and3A_1238 = arith.andi %add3A_1235, %and3A_1237 : vector<16xi32>
      %add3A_1239 = arith.constant 32768 : i32
      %add3A_1240 = vector.broadcast %add3A_1239 : i32 to vector<16xi32>
      %add3A_1241 = arith.addi %add3A_1240, %and3A_1238 : vector<16xi32>
      %select_n3A_1242 = arith.select %lt3A_1222, %add3A_1231, %add3A_1241 : vector<16xi1>, vector<16xi32>
      %swap3A_1243 = arith.constant 0 : i32
      %swap3A_1244 = arith.index_cast %swap3A_1243 : i32 to index
      %swap3A_1245 = arith.constant 16 : index
      %swap3A_1246 = tpu.vector_load %arg10[%swap3A_1244, %swap3A_1245] {strides = array<i32>} : memref<1x112xi32, #tpu.memory_space<vmem>>, vector<16xi32>,
      tpu.vector_store %arg10[%swap3A_1244, %swap3A_1245], %select_n3A_1242 {strides = array<i32>} : memref<1x112xi32, #tpu.memory_space<vmem>>, vector<16xi32>,
      %mul3A_1247 = arith.constant 112 : i32
      %mul3A_1248 = arith.muli %while3A_1181, %mul3A_1247 : i32
      %add3A_1249 = arith.constant 32 : i32
      %add3A_1250 = arith.addi %mul3A_1248, %add3A_1249 : i32
      %add3A_1251 = vector.broadcast %add3A_1250 : i32 to vector<16xi32>
      %add3A_1252 = arith.addi %iota3A, %add3A_1251 : vector<16xi32>
      %lt3A_1253 = vector.broadcast %max3A_1140 : i32 to vector<16xi32>
      %lt3A_1254 = arith.cmpi slt, %add3A_1252, %lt3A_1253 : vector<16xi32>
      %mul3A_1255 = arith.constant 4096 : i32
      %mul3A_1256 = arith.muli %add3A, %mul3A_1255 : i32
      %add3A_1257 = arith.addi %mul3A_1256, %add3A_1046 : i32
      %add3A_1258 = arith.addi %add3A_1257, %select_n3A_30 : i32
      %mul3A_1259 = arith.constant 4 : i32
      %mul3A_1260 = vector.broadcast %mul3A_1259 : i32 to vector<16xi32>
      %mul3A_1261 = arith.muli %mul3A_1260, %add3A_1252 : vector<16xi32>
      %add3A_1262 = vector.broadcast %add3A_1258 : i32 to vector<16xi32>
      %add3A_1263 = arith.addi %add3A_1262, %mul3A_1261 : vector<16xi32>
      %mul3A_1264 = arith.constant 2 : i32
      %mul3A_1265 = arith.muli %arg1, %mul3A_1264 : i32
      %add3A_1266 = vector.broadcast %mul3A_1265 : i32 to vector<16xi32>
      %add3A_1267 = arith.addi %add3A_1266, %iota3A : vector<16xi32>
      %and3A_1268 = arith.constant 7 : i32
      %and3A_1269 = vector.broadcast %and3A_1268 : i32 to vector<16xi32>
      %and3A_1270 = arith.andi %add3A_1267, %and3A_1269 : vector<16xi32>
      %add3A_1271 = arith.constant 32768 : i32
      %add3A_1272 = vector.broadcast %add3A_1271 : i32 to vector<16xi32>
      %add3A_1273 = arith.addi %add3A_1272, %and3A_1270 : vector<16xi32>
      %select_n3A_1274 = arith.select %lt3A_1254, %add3A_1263, %add3A_1273 : vector<16xi1>, vector<16xi32>
      %swap3A_1275 = arith.constant 0 : i32
      %swap3A_1276 = arith.index_cast %swap3A_1275 : i32 to index
      %swap3A_1277 = arith.constant 32 : index
      %swap3A_1278 = tpu.vector_load %arg10[%swap3A_1276, %swap3A_1277] {strides = array<i32>} : memref<1x112xi32, #tpu.memory_space<vmem>>, vector<16xi32>,
      tpu.vector_store %arg10[%swap3A_1276, %swap3A_1277], %select_n3A_1274 {strides = array<i32>} : memref<1x112xi32, #tpu.memory_space<vmem>>, vector<16xi32>,
      %mul3A_1279 = arith.constant 112 : i32
      %mul3A_1280 = arith.muli %while3A_1181, %mul3A_1279 : i32
      %add3A_1281 = arith.constant 48 : i32
      %add3A_1282 = arith.addi %mul3A_1280, %add3A_1281 : i32
      %add3A_1283 = vector.broadcast %add3A_1282 : i32 to vector<16xi32>
      %add3A_1284 = arith.addi %iota3A, %add3A_1283 : vector<16xi32>
      %lt3A_1285 = vector.broadcast %max3A_1140 : i32 to vector<16xi32>
      %lt3A_1286 = arith.cmpi slt, %add3A_1284, %lt3A_1285 : vector<16xi32>
      %mul3A_1287 = arith.constant 4096 : i32
      %mul3A_1288 = arith.muli %add3A, %mul3A_1287 : i32
      %add3A_1289 = arith.addi %mul3A_1288, %add3A_1046 : i32
      %add3A_1290 = arith.addi %add3A_1289, %select_n3A_30 : i32
      %mul3A_1291 = arith.constant 4 : i32
      %mul3A_1292 = vector.broadcast %mul3A_1291 : i32 to vector<16xi32>
      %mul3A_1293 = arith.muli %mul3A_1292, %add3A_1284 : vector<16xi32>
      %add3A_1294 = vector.broadcast %add3A_1290 : i32 to vector<16xi32>
      %add3A_1295 = arith.addi %add3A_1294, %mul3A_1293 : vector<16xi32>
      %mul3A_1296 = arith.constant 2 : i32
      %mul3A_1297 = arith.muli %arg1, %mul3A_1296 : i32
      %add3A_1298 = vector.broadcast %mul3A_1297 : i32 to vector<16xi32>
      %add3A_1299 = arith.addi %add3A_1298, %iota3A : vector<16xi32>
      %and3A_1300 = arith.constant 7 : i32
      %and3A_1301 = vector.broadcast %and3A_1300 : i32 to vector<16xi32>
      %and3A_1302 = arith.andi %add3A_1299, %and3A_1301 : vector<16xi32>
      %add3A_1303 = arith.constant 32768 : i32
      %add3A_1304 = vector.broadcast %add3A_1303 : i32 to vector<16xi32>
      %add3A_1305 = arith.addi %add3A_1304, %and3A_1302 : vector<16xi32>
      %select_n3A_1306 = arith.select %lt3A_1286, %add3A_1295, %add3A_1305 : vector<16xi1>, vector<16xi32>
      %swap3A_1307 = arith.constant 0 : i32
      %swap3A_1308 = arith.index_cast %swap3A_1307 : i32 to index
      %swap3A_1309 = arith.constant 48 : index
      %swap3A_1310 = tpu.vector_load %arg10[%swap3A_1308, %swap3A_1309] {strides = array<i32>} : memref<1x112xi32, #tpu.memory_space<vmem>>, vector<16xi32>,
      tpu.vector_store %arg10[%swap3A_1308, %swap3A_1309], %select_n3A_1306 {strides = array<i32>} : memref<1x112xi32, #tpu.memory_space<vmem>>, vector<16xi32>,
      %mul3A_1311 = arith.constant 112 : i32
      %mul3A_1312 = arith.muli %while3A_1181, %mul3A_1311 : i32
      %add3A_1313 = arith.constant 64 : i32
      %add3A_1314 = arith.addi %mul3A_1312, %add3A_1313 : i32
      %add3A_1315 = vector.broadcast %add3A_1314 : i32 to vector<16xi32>
      %add3A_1316 = arith.addi %iota3A, %add3A_1315 : vector<16xi32>
      %lt3A_1317 = vector.broadcast %max3A_1140 : i32 to vector<16xi32>
      %lt3A_1318 = arith.cmpi slt, %add3A_1316, %lt3A_1317 : vector<16xi32>
      %mul3A_1319 = arith.constant 4096 : i32
      %mul3A_1320 = arith.muli %add3A, %mul3A_1319 : i32
      %add3A_1321 = arith.addi %mul3A_1320, %add3A_1046 : i32
      %add3A_1322 = arith.addi %add3A_1321, %select_n3A_30 : i32
      %mul3A_1323 = arith.constant 4 : i32
      %mul3A_1324 = vector.broadcast %mul3A_1323 : i32 to vector<16xi32>
      %mul3A_1325 = arith.muli %mul3A_1324, %add3A_1316 : vector<16xi32>
      %add3A_1326 = vector.broadcast %add3A_1322 : i32 to vector<16xi32>
      %add3A_1327 = arith.addi %add3A_1326, %mul3A_1325 : vector<16xi32>
      %mul3A_1328 = arith.constant 2 : i32
      %mul3A_1329 = arith.muli %arg1, %mul3A_1328 : i32
      %add3A_1330 = vector.broadcast %mul3A_1329 : i32 to vector<16xi32>
      %add3A_1331 = arith.addi %add3A_1330, %iota3A : vector<16xi32>
      %and3A_1332 = arith.constant 7 : i32
      %and3A_1333 = vector.broadcast %and3A_1332 : i32 to vector<16xi32>
      %and3A_1334 = arith.andi %add3A_1331, %and3A_1333 : vector<16xi32>
      %add3A_1335 = arith.constant 32768 : i32
      %add3A_1336 = vector.broadcast %add3A_1335 : i32 to vector<16xi32>
      %add3A_1337 = arith.addi %add3A_1336, %and3A_1334 : vector<16xi32>
      %select_n3A_1338 = arith.select %lt3A_1318, %add3A_1327, %add3A_1337 : vector<16xi1>, vector<16xi32>
      %swap3A_1339 = arith.constant 0 : i32
      %swap3A_1340 = arith.index_cast %swap3A_1339 : i32 to index
      %swap3A_1341 = arith.constant 64 : index
      %swap3A_1342 = tpu.vector_load %arg10[%swap3A_1340, %swap3A_1341] {strides = array<i32>} : memref<1x112xi32, #tpu.memory_space<vmem>>, vector<16xi32>,
      tpu.vector_store %arg10[%swap3A_1340, %swap3A_1341], %select_n3A_1338 {strides = array<i32>} : memref<1x112xi32, #tpu.memory_space<vmem>>, vector<16xi32>,
      %mul3A_1343 = arith.constant 112 : i32
      %mul3A_1344 = arith.muli %while3A_1181, %mul3A_1343 : i32
      %add3A_1345 = arith.constant 80 : i32
      %add3A_1346 = arith.addi %mul3A_1344, %add3A_1345 : i32
      %add3A_1347 = vector.broadcast %add3A_1346 : i32 to vector<16xi32>
      %add3A_1348 = arith.addi %iota3A, %add3A_1347 : vector<16xi32>
      %lt3A_1349 = vector.broadcast %max3A_1140 : i32 to vector<16xi32>
      %lt3A_1350 = arith.cmpi slt, %add3A_1348, %lt3A_1349 : vector<16xi32>
      %mul3A_1351 = arith.constant 4096 : i32
      %mul3A_1352 = arith.muli %add3A, %mul3A_1351 : i32
      %add3A_1353 = arith.addi %mul3A_1352, %add3A_1046 : i32
      %add3A_1354 = arith.addi %add3A_1353, %select_n3A_30 : i32
      %mul3A_1355 = arith.constant 4 : i32
      %mul3A_1356 = vector.broadcast %mul3A_1355 : i32 to vector<16xi32>
      %mul3A_1357 = arith.muli %mul3A_1356, %add3A_1348 : vector<16xi32>
      %add3A_1358 = vector.broadcast %add3A_1354 : i32 to vector<16xi32>
      %add3A_1359 = arith.addi %add3A_1358, %mul3A_1357 : vector<16xi32>
      %mul3A_1360 = arith.constant 2 : i32
      %mul3A_1361 = arith.muli %arg1, %mul3A_1360 : i32
      %add3A_1362 = vector.broadcast %mul3A_1361 : i32 to vector<16xi32>
      %add3A_1363 = arith.addi %add3A_1362, %iota3A : vector<16xi32>
      %and3A_1364 = arith.constant 7 : i32
      %and3A_1365 = vector.broadcast %and3A_1364 : i32 to vector<16xi32>
      %and3A_1366 = arith.andi %add3A_1363, %and3A_1365 : vector<16xi32>
      %add3A_1367 = arith.constant 32768 : i32
      %add3A_1368 = vector.broadcast %add3A_1367 : i32 to vector<16xi32>
      %add3A_1369 = arith.addi %add3A_1368, %and3A_1366 : vector<16xi32>
      %select_n3A_1370 = arith.select %lt3A_1350, %add3A_1359, %add3A_1369 : vector<16xi1>, vector<16xi32>
      %swap3A_1371 = arith.constant 0 : i32
      %swap3A_1372 = arith.index_cast %swap3A_1371 : i32 to index
      %swap3A_1373 = arith.constant 80 : index
      %swap3A_1374 = tpu.vector_load %arg10[%swap3A_1372, %swap3A_1373] {strides = array<i32>} : memref<1x112xi32, #tpu.memory_space<vmem>>, vector<16xi32>,
      tpu.vector_store %arg10[%swap3A_1372, %swap3A_1373], %select_n3A_1370 {strides = array<i32>} : memref<1x112xi32, #tpu.memory_space<vmem>>, vector<16xi32>,
      %mul3A_1375 = arith.constant 112 : i32
      %mul3A_1376 = arith.muli %while3A_1181, %mul3A_1375 : i32
      %add3A_1377 = arith.constant 96 : i32
      %add3A_1378 = arith.addi %mul3A_1376, %add3A_1377 : i32
      %add3A_1379 = vector.broadcast %add3A_1378 : i32 to vector<16xi32>
      %add3A_1380 = arith.addi %iota3A, %add3A_1379 : vector<16xi32>
      %lt3A_1381 = vector.broadcast %max3A_1140 : i32 to vector<16xi32>
      %lt3A_1382 = arith.cmpi slt, %add3A_1380, %lt3A_1381 : vector<16xi32>
      %mul3A_1383 = arith.constant 4096 : i32
      %mul3A_1384 = arith.muli %add3A, %mul3A_1383 : i32
      %add3A_1385 = arith.addi %mul3A_1384, %add3A_1046 : i32
      %add3A_1386 = arith.addi %add3A_1385, %select_n3A_30 : i32
      %mul3A_1387 = arith.constant 4 : i32
      %mul3A_1388 = vector.broadcast %mul3A_1387 : i32 to vector<16xi32>
      %mul3A_1389 = arith.muli %mul3A_1388, %add3A_1380 : vector<16xi32>
      %add3A_1390 = vector.broadcast %add3A_1386 : i32 to vector<16xi32>
      %add3A_1391 = arith.addi %add3A_1390, %mul3A_1389 : vector<16xi32>
      %mul3A_1392 = arith.constant 2 : i32
      %mul3A_1393 = arith.muli %arg1, %mul3A_1392 : i32
      %add3A_1394 = vector.broadcast %mul3A_1393 : i32 to vector<16xi32>
      %add3A_1395 = arith.addi %add3A_1394, %iota3A : vector<16xi32>
      %and3A_1396 = arith.constant 7 : i32
      %and3A_1397 = vector.broadcast %and3A_1396 : i32 to vector<16xi32>
      %and3A_1398 = arith.andi %add3A_1395, %and3A_1397 : vector<16xi32>
      %add3A_1399 = arith.constant 32768 : i32
      %add3A_1400 = vector.broadcast %add3A_1399 : i32 to vector<16xi32>
      %add3A_1401 = arith.addi %add3A_1400, %and3A_1398 : vector<16xi32>
      %select_n3A_1402 = arith.select %lt3A_1382, %add3A_1391, %add3A_1401 : vector<16xi1>, vector<16xi32>
      %swap3A_1403 = arith.constant 0 : i32
      %swap3A_1404 = arith.index_cast %swap3A_1403 : i32 to index
      %swap3A_1405 = arith.constant 96 : index
      %swap3A_1406 = tpu.vector_load %arg10[%swap3A_1404, %swap3A_1405] {strides = array<i32>} : memref<1x112xi32, #tpu.memory_space<vmem>>, vector<16xi32>,
      tpu.vector_store %arg10[%swap3A_1404, %swap3A_1405], %select_n3A_1402 {strides = array<i32>} : memref<1x112xi32, #tpu.memory_space<vmem>>, vector<16xi32>,
      %dma_start3A = arith.constant 0 : i32
      %dma_start3A_1407 = arith.constant 0 : i32
      %dma_start3A_1408 = tpu.memref_slice %arg10[%dma_start3A, %dma_start3A_1407] : memref<1x112xi32, #tpu.memory_space<vmem>> -> memref<1x112xi32, #tpu.memory_space<vmem>>
      %dma_start3A_1409 = tpu.memref_squeeze %dma_start3A_1408 : memref<1x112xi32, #tpu.memory_space<vmem>> -> memref<112xi32, #tpu.memory_space<vmem>>
      %dma_start3A_1410 = arith.constant 0 : i32
      %dma_start3A_1411 = arith.constant 0 : i32
      %dma_start3A_1412 = tpu.memref_slice %arg5[%dma_start3A_1410, %dma_start3A_1411] : memref<32776x512xf32, #tpu.memory_space<hbm>> -> memref<32776x512xf32, #tpu.memory_space<hbm>>
      tpu.enqueue_indirect_dma source(%arg9 : memref<112x512xf32, #tpu.memory_space<vmem>>) target(%dma_start3A_1412 : memref<32776x512xf32, #tpu.memory_space<hbm>>) offsets(%dma_start3A_1409 : memref<112xi32, #tpu.memory_space<vmem>>) semaphore(%arg16 : memref<!tpu.dma_semaphore, #tpu.memory_space<semaphore_mem>>)
      %dma_wait3A = arith.constant 0 : i32
      %dma_wait3A_1413 = arith.constant 0 : i32
      %dma_wait3A_1414 = tpu.memref_slice %arg10[%dma_wait3A, %dma_wait3A_1413] : memref<1x112xi32, #tpu.memory_space<vmem>> -> memref<1x112xi32, #tpu.memory_space<vmem>>
      %dma_wait3A_1415 = tpu.memref_squeeze %dma_wait3A_1414 : memref<1x112xi32, #tpu.memory_space<vmem>> -> memref<112xi32, #tpu.memory_space<vmem>>
      %dma_wait3A_1416 = arith.constant 0 : i32
      %dma_wait3A_1417 = arith.constant 0 : i32
      %dma_wait3A_1418 = tpu.memref_slice %arg5[%dma_wait3A_1416, %dma_wait3A_1417] : memref<32776x512xf32, #tpu.memory_space<hbm>> -> memref<32776x512xf32, #tpu.memory_space<hbm>>
      tpu.wait_indirect_dma semaphore(%arg16 : memref<!tpu.dma_semaphore, #tpu.memory_space<semaphore_mem>>) src(%arg9 : memref<112x512xf32, #tpu.memory_space<vmem>>) dst(%dma_wait3A_1418 : memref<32776x512xf32, #tpu.memory_space<hbm>>)
      %while3A_1419 = arith.constant 0 : i32
      scf.yield %while3A_1419 : i32
    }
    %while3A_1179 = arith.constant 1 : i32
    %while3A_1180 = scf.for %while3A_1181 = %while3A_1176 to %while3A_1172 step %while3A_1179 iter_args(%while3A_1182 = %while3A_1178) -> (i32)  : i32 {
      %mul3A_1183 = arith.constant 112 : i32
      %mul3A_1184 = arith.muli %while3A_1181, %mul3A_1183 : i32
      %add3A_1185 = arith.constant 0 : i32
      %add3A_1186 = arith.addi %mul3A_1184, %add3A_1185 : i32
      %add3A_1187 = vector.broadcast %add3A_1186 : i32 to vector<16xi32>
      %add3A_1188 = arith.addi %iota3A, %add3A_1187 : vector<16xi32>
      %lt3A_1189 = vector.broadcast %max3A_1140 : i32 to vector<16xi32>
      %lt3A_1190 = arith.cmpi slt, %add3A_1188, %lt3A_1189 : vector<16xi32>
      %mul3A_1191 = arith.constant 4096 : i32
      %mul3A_1192 = arith.muli %add3A, %mul3A_1191 : i32
      %add3A_1193 = arith.addi %mul3A_1192, %add3A_1046 : i32
      %add3A_1194 = arith.addi %add3A_1193, %select_n3A_30 : i32
      %mul3A_1195 = arith.constant 4 : i32
      %mul3A_1196 = vector.broadcast %mul3A_1195 : i32 to vector<16xi32>
      %mul3A_1197 = arith.muli %mul3A_1196, %add3A_1188 : vector<16xi32>
      %add3A_1198 = vector.broadcast %add3A_1194 : i32 to vector<16xi32>
      %add3A_1199 = arith.addi %add3A_1198, %mul3A_1197 : vector<16xi32>
      %mul3A_1200 = arith.constant 2 : i32
      %mul3A_1201 = arith.muli %arg1, %mul3A_1200 : i32
      %add3A_1202 = vector.broadcast %mul3A_1201 : i32 to vector<16xi32>
      %add3A_1203 = arith.addi %add3A_1202, %iota3A : vector<16xi32>
      %and3A_1204 = arith.constant 7 : i32
      %and3A_1205 = vector.broadcast %and3A_1204 : i32 to vector<16xi32>
      %and3A_1206 = arith.andi %add3A_1203, %and3A_1205 : vector<16xi32>
      %add3A_1207 = arith.constant 32768 : i32
      %add3A_1208 = vector.broadcast %add3A_1207 : i32 to vector<16xi32>
      %add3A_1209 = arith.addi %add3A_1208, %and3A_1206 : vector<16xi32>
      %select_n3A_1210 = arith.select %lt3A_1190, %add3A_1199, %add3A_1209 : vector<16xi1>, vector<16xi32>
      %swap3A_1211 = arith.constant 0 : i32
      %swap3A_1212 = arith.index_cast %swap3A_1211 : i32 to index
      %swap3A_1213 = arith.constant 0 : index
      %swap3A_1214 = tpu.vector_load %arg10[%swap3A_1212, %swap3A_1213] {strides = array<i32>} : memref<1x112xi32, #tpu.memory_space<vmem>>, vector<16xi32>,
      tpu.vector_store %arg10[%swap3A_1212, %swap3A_1213], %select_n3A_1210 {strides = array<i32>} : memref<1x112xi32, #tpu.memory_space<vmem>>, vector<16xi32>,
      %mul3A_1215 = arith.constant 112 : i32
      %mul3A_1216 = arith.muli %while3A_1181, %mul3A_1215 : i32
      %add3A_1217 = arith.constant 16 : i32
      %add3A_1218 = arith.addi %mul3A_1216, %add3A_1217 : i32
      %add3A_1219 = vector.broadcast %add3A_1218 : i32 to vector<16xi32>
      %add3A_1220 = arith.addi %iota3A, %add3A_1219 : vector<16xi32>
      %lt3A_1221 = vector.broadcast %max3A_1140 : i32 to vector<16xi32>
      %lt3A_1222 = arith.cmpi slt, %add3A_1220, %lt3A_1221 : vector<16xi32>
      %mul3A_1223 = arith.constant 4096 : i32
      %mul3A_1224 = arith.muli %add3A, %mul3A_1223 : i32
      %add3A_1225 = arith.addi %mul3A_1224, %add3A_1046 : i32
      %add3A_1226 = arith.addi %add3A_1225, %select_n3A_30 : i32
      %mul3A_1227 = arith.constant 4 : i32
      %mul3A_1228 = vector.broadcast %mul3A_1227 : i32 to vector<16xi32>
      %mul3A_1229 = arith.muli %mul3A_1228, %add3A_1220 : vector<16xi32>
      %add3A_1230 = vector.broadcast %add3A_1226 : i32 to vector<16xi32>
      %add3A_1231 = arith.addi %add3A_1230, %mul3A_1229 : vector<16xi32>
      %mul3A_1232 = arith.constant 2 : i32
      %mul3A_1233 = arith.muli %arg1, %mul3A_1232 : i32
      %add3A_1234 = vector.broadcast %mul3A_1233 : i32 to vector<16xi32>
      %add3A_1235 = arith.addi %add3A_1234, %iota3A : vector<16xi32>
      %and3A_1236 = arith.constant 7 : i32
      %and3A_1237 = vector.broadcast %and3A_1236 : i32 to vector<16xi32>
      %and3A_1238 = arith.andi %add3A_1235, %and3A_1237 : vector<16xi32>
      %add3A_1239 = arith.constant 32768 : i32
      %add3A_1240 = vector.broadcast %add3A_1239 : i32 to vector<16xi32>
      %add3A_1241 = arith.addi %add3A_1240, %and3A_1238 : vector<16xi32>
      %select_n3A_1242 = arith.select %lt3A_1222, %add3A_1231, %add3A_1241 : vector<16xi1>, vector<16xi32>
      %swap3A_1243 = arith.constant 0 : i32
      %swap3A_1244 = arith.index_cast %swap3A_1243 : i32 to index
      %swap3A_1245 = arith.constant 16 : index
      %swap3A_1246 = tpu.vector_load %arg10[%swap3A_1244, %swap3A_1245] {strides = array<i32>} : memref<1x112xi32, #tpu.memory_space<vmem>>, vector<16xi32>,
      tpu.vector_store %arg10[%swap3A_1244, %swap3A_1245], %select_n3A_1242 {strides = array<i32>} : memref<1x112xi32, #tpu.memory_space<vmem>>, vector<16xi32>,
      %mul3A_1247 = arith.constant 112 : i32
      %mul3A_1248 = arith.muli %while3A_1181, %mul3A_1247 : i32
      %add3A_1249 = arith.constant 32 : i32
      %add3A_1250 = arith.addi %mul3A_1248, %add3A_1249 : i32
      %add3A_1251 = vector.broadcast %add3A_1250 : i32 to vector<16xi32>
      %add3A_1252 = arith.addi %iota3A, %add3A_1251 : vector<16xi32>
      %lt3A_1253 = vector.broadcast %max3A_1140 : i32 to vector<16xi32>
      %lt3A_1254 = arith.cmpi slt, %add3A_1252, %lt3A_1253 : vector<16xi32>
      %mul3A_1255 = arith.constant 4096 : i32
      %mul3A_1256 = arith.muli %add3A, %mul3A_1255 : i32
      %add3A_1257 = arith.addi %mul3A_1256, %add3A_1046 : i32
      %add3A_1258 = arith.addi %add3A_1257, %select_n3A_30 : i32
      %mul3A_1259 = arith.constant 4 : i32
      %mul3A_1260 = vector.broadcast %mul3A_1259 : i32 to vector<16xi32>
      %mul3A_1261 = arith.muli %mul3A_1260, %add3A_1252 : vector<16xi32>
      %add3A_1262 = vector.broadcast %add3A_1258 : i32 to vector<16xi32>
      %add3A_1263 = arith.addi %add3A_1262, %mul3A_1261 : vector<16xi32>
      %mul3A_1264 = arith.constant 2 : i32
      %mul3A_1265 = arith.muli %arg1, %mul3A_1264 : i32
      %add3A_1266 = vector.broadcast %mul3A_1265 : i32 to vector<16xi32>
      %add3A_1267 = arith.addi %add3A_1266, %iota3A : vector<16xi32>
      %and3A_1268 = arith.constant 7 : i32
      %and3A_1269 = vector.broadcast %and3A_1268 : i32 to vector<16xi32>
      %and3A_1270 = arith.andi %add3A_1267, %and3A_1269 : vector<16xi32>
      %add3A_1271 = arith.constant 32768 : i32
      %add3A_1272 = vector.broadcast %add3A_1271 : i32 to vector<16xi32>
      %add3A_1273 = arith.addi %add3A_1272, %and3A_1270 : vector<16xi32>
      %select_n3A_1274 = arith.select %lt3A_1254, %add3A_1263, %add3A_1273 : vector<16xi1>, vector<16xi32>
      %swap3A_1275 = arith.constant 0 : i32
      %swap3A_1276 = arith.index_cast %swap3A_1275 : i32 to index
      %swap3A_1277 = arith.constant 32 : index
      %swap3A_1278 = tpu.vector_load %arg10[%swap3A_1276, %swap3A_1277] {strides = array<i32>} : memref<1x112xi32, #tpu.memory_space<vmem>>, vector<16xi32>,
      tpu.vector_store %arg10[%swap3A_1276, %swap3A_1277], %select_n3A_1274 {strides = array<i32>} : memref<1x112xi32, #tpu.memory_space<vmem>>, vector<16xi32>,
      %mul3A_1279 = arith.constant 112 : i32
      %mul3A_1280 = arith.muli %while3A_1181, %mul3A_1279 : i32
      %add3A_1281 = arith.constant 48 : i32
      %add3A_1282 = arith.addi %mul3A_1280, %add3A_1281 : i32
      %add3A_1283 = vector.broadcast %add3A_1282 : i32 to vector<16xi32>
      %add3A_1284 = arith.addi %iota3A, %add3A_1283 : vector<16xi32>
      %lt3A_1285 = vector.broadcast %max3A_1140 : i32 to vector<16xi32>
      %lt3A_1286 = arith.cmpi slt, %add3A_1284, %lt3A_1285 : vector<16xi32>
      %mul3A_1287 = arith.constant 4096 : i32
      %mul3A_1288 = arith.muli %add3A, %mul3A_1287 : i32
      %add3A_1289 = arith.addi %mul3A_1288, %add3A_1046 : i32
      %add3A_1290 = arith.addi %add3A_1289, %select_n3A_30 : i32
      %mul3A_1291 = arith.constant 4 : i32
      %mul3A_1292 = vector.broadcast %mul3A_1291 : i32 to vector<16xi32>
      %mul3A_1293 = arith.muli %mul3A_1292, %add3A_1284 : vector<16xi32>
      %add3A_1294 = vector.broadcast %add3A_1290 : i32 to vector<16xi32>
      %add3A_1295 = arith.addi %add3A_1294, %mul3A_1293 : vector<16xi32>
      %mul3A_1296 = arith.constant 2 : i32
      %mul3A_1297 = arith.muli %arg1, %mul3A_1296 : i32
      %add3A_1298 = vector.broadcast %mul3A_1297 : i32 to vector<16xi32>
      %add3A_1299 = arith.addi %add3A_1298, %iota3A : vector<16xi32>
      %and3A_1300 = arith.constant 7 : i32
      %and3A_1301 = vector.broadcast %and3A_1300 : i32 to vector<16xi32>
      %and3A_1302 = arith.andi %add3A_1299, %and3A_1301 : vector<16xi32>
      %add3A_1303 = arith.constant 32768 : i32
      %add3A_1304 = vector.broadcast %add3A_1303 : i32 to vector<16xi32>
      %add3A_1305 = arith.addi %add3A_1304, %and3A_1302 : vector<16xi32>
      %select_n3A_1306 = arith.select %lt3A_1286, %add3A_1295, %add3A_1305 : vector<16xi1>, vector<16xi32>
      %swap3A_1307 = arith.constant 0 : i32
      %swap3A_1308 = arith.index_cast %swap3A_1307 : i32 to index
      %swap3A_1309 = arith.constant 48 : index
      %swap3A_1310 = tpu.vector_load %arg10[%swap3A_1308, %swap3A_1309] {strides = array<i32>} : memref<1x112xi32, #tpu.memory_space<vmem>>, vector<16xi32>,
      tpu.vector_store %arg10[%swap3A_1308, %swap3A_1309], %select_n3A_1306 {strides = array<i32>} : memref<1x112xi32, #tpu.memory_space<vmem>>, vector<16xi32>,
      %mul3A_1311 = arith.constant 112 : i32
      %mul3A_1312 = arith.muli %while3A_1181, %mul3A_1311 : i32
      %add3A_1313 = arith.constant 64 : i32
      %add3A_1314 = arith.addi %mul3A_1312, %add3A_1313 : i32
      %add3A_1315 = vector.broadcast %add3A_1314 : i32 to vector<16xi32>
      %add3A_1316 = arith.addi %iota3A, %add3A_1315 : vector<16xi32>
      %lt3A_1317 = vector.broadcast %max3A_1140 : i32 to vector<16xi32>
      %lt3A_1318 = arith.cmpi slt, %add3A_1316, %lt3A_1317 : vector<16xi32>
      %mul3A_1319 = arith.constant 4096 : i32
      %mul3A_1320 = arith.muli %add3A, %mul3A_1319 : i32
      %add3A_1321 = arith.addi %mul3A_1320, %add3A_1046 : i32
      %add3A_1322 = arith.addi %add3A_1321, %select_n3A_30 : i32
      %mul3A_1323 = arith.constant 4 : i32
      %mul3A_1324 = vector.broadcast %mul3A_1323 : i32 to vector<16xi32>
      %mul3A_1325 = arith.muli %mul3A_1324, %add3A_1316 : vector<16xi32>
      %add3A_1326 = vector.broadcast %add3A_1322 : i32 to vector<16xi32>
      %add3A_1327 = arith.addi %add3A_1326, %mul3A_1325 : vector<16xi32>
      %mul3A_1328 = arith.constant 2 : i32
      %mul3A_1329 = arith.muli %arg1, %mul3A_1328 : i32
      %add3A_1330 = vector.broadcast %mul3A_1329 : i32 to vector<16xi32>
      %add3A_1331 = arith.addi %add3A_1330, %iota3A : vector<16xi32>
      %and3A_1332 = arith.constant 7 : i32
      %and3A_1333 = vector.broadcast %and3A_1332 : i32 to vector<16xi32>
      %and3A_1334 = arith.andi %add3A_1331, %and3A_1333 : vector<16xi32>
      %add3A_1335 = arith.constant 32768 : i32
      %add3A_1336 = vector.broadcast %add3A_1335 : i32 to vector<16xi32>
      %add3A_1337 = arith.addi %add3A_1336, %and3A_1334 : vector<16xi32>
      %select_n3A_1338 = arith.select %lt3A_1318, %add3A_1327, %add3A_1337 : vector<16xi1>, vector<16xi32>
      %swap3A_1339 = arith.constant 0 : i32
      %swap3A_1340 = arith.index_cast %swap3A_1339 : i32 to index
      %swap3A_1341 = arith.constant 64 : index
      %swap3A_1342 = tpu.vector_load %arg10[%swap3A_1340, %swap3A_1341] {strides = array<i32>} : memref<1x112xi32, #tpu.memory_space<vmem>>, vector<16xi32>,
      tpu.vector_store %arg10[%swap3A_1340, %swap3A_1341], %select_n3A_1338 {strides = array<i32>} : memref<1x112xi32, #tpu.memory_space<vmem>>, vector<16xi32>,
      %mul3A_1343 = arith.constant 112 : i32
      %mul3A_1344 = arith.muli %while3A_1181, %mul3A_1343 : i32
      %add3A_1345 = arith.constant 80 : i32
      %add3A_1346 = arith.addi %mul3A_1344, %add3A_1345 : i32
      %add3A_1347 = vector.broadcast %add3A_1346 : i32 to vector<16xi32>
      %add3A_1348 = arith.addi %iota3A, %add3A_1347 : vector<16xi32>
      %lt3A_1349 = vector.broadcast %max3A_1140 : i32 to vector<16xi32>
      %lt3A_1350 = arith.cmpi slt, %add3A_1348, %lt3A_1349 : vector<16xi32>
      %mul3A_1351 = arith.constant 4096 : i32
      %mul3A_1352 = arith.muli %add3A, %mul3A_1351 : i32
      %add3A_1353 = arith.addi %mul3A_1352, %add3A_1046 : i32
      %add3A_1354 = arith.addi %add3A_1353, %select_n3A_30 : i32
      %mul3A_1355 = arith.constant 4 : i32
      %mul3A_1356 = vector.broadcast %mul3A_1355 : i32 to vector<16xi32>
      %mul3A_1357 = arith.muli %mul3A_1356, %add3A_1348 : vector<16xi32>
      %add3A_1358 = vector.broadcast %add3A_1354 : i32 to vector<16xi32>
      %add3A_1359 = arith.addi %add3A_1358, %mul3A_1357 : vector<16xi32>
      %mul3A_1360 = arith.constant 2 : i32
      %mul3A_1361 = arith.muli %arg1, %mul3A_1360 : i32
      %add3A_1362 = vector.broadcast %mul3A_1361 : i32 to vector<16xi32>
      %add3A_1363 = arith.addi %add3A_1362, %iota3A : vector<16xi32>
      %and3A_1364 = arith.constant 7 : i32
      %and3A_1365 = vector.broadcast %and3A_1364 : i32 to vector<16xi32>
      %and3A_1366 = arith.andi %add3A_1363, %and3A_1365 : vector<16xi32>
      %add3A_1367 = arith.constant 32768 : i32
      %add3A_1368 = vector.broadcast %add3A_1367 : i32 to vector<16xi32>
      %add3A_1369 = arith.addi %add3A_1368, %and3A_1366 : vector<16xi32>
      %select_n3A_1370 = arith.select %lt3A_1350, %add3A_1359, %add3A_1369 : vector<16xi1>, vector<16xi32>
      %swap3A_1371 = arith.constant 0 : i32
      %swap3A_1372 = arith.index_cast %swap3A_1371 : i32 to index
      %swap3A_1373 = arith.constant 80 : index
      %swap3A_1374 = tpu.vector_load %arg10[%swap3A_1372, %swap3A_1373] {strides = array<i32>} : memref<1x112xi32, #tpu.memory_space<vmem>>, vector<16xi32>,
      tpu.vector_store %arg10[%swap3A_1372, %swap3A_1373], %select_n3A_1370 {strides = array<i32>} : memref<1x112xi32, #tpu.memory_space<vmem>>, vector<16xi32>,
      %mul3A_1375 = arith.constant 112 : i32
      %mul3A_1376 = arith.muli %while3A_1181, %mul3A_1375 : i32
      %add3A_1377 = arith.constant 96 : i32
      %add3A_1378 = arith.addi %mul3A_1376, %add3A_1377 : i32
      %add3A_1379 = vector.broadcast %add3A_1378 : i32 to vector<16xi32>
      %add3A_1380 = arith.addi %iota3A, %add3A_1379 : vector<16xi32>
      %lt3A_1381 = vector.broadcast %max3A_1140 : i32 to vector<16xi32>
      %lt3A_1382 = arith.cmpi slt, %add3A_1380, %lt3A_1381 : vector<16xi32>
      %mul3A_1383 = arith.constant 4096 : i32
      %mul3A_1384 = arith.muli %add3A, %mul3A_1383 : i32
      %add3A_1385 = arith.addi %mul3A_1384, %add3A_1046 : i32
      %add3A_1386 = arith.addi %add3A_1385, %select_n3A_30 : i32
      %mul3A_1387 = arith.constant 4 : i32
      %mul3A_1388 = vector.broadcast %mul3A_1387 : i32 to vector<16xi32>
      %mul3A_1389 = arith.muli %mul3A_1388, %add3A_1380 : vector<16xi32>
      %add3A_1390 = vector.broadcast %add3A_1386 : i32 to vector<16xi32>
      %add3A_1391 = arith.addi %add3A_1390, %mul3A_1389 : vector<16xi32>
      %mul3A_1392 = arith.constant 2 : i32
      %mul3A_1393 = arith.muli %arg1, %mul3A_1392 : i32
      %add3A_1394 = vector.broadcast %mul3A_1393 : i32 to vector<16xi32>
      %add3A_1395 = arith.addi %add3A_1394, %iota3A : vector<16xi32>
      %and3A_1396 = arith.constant 7 : i32
      %and3A_1397 = vector.broadcast %and3A_1396 : i32 to vector<16xi32>
      %and3A_1398 = arith.andi %add3A_1395, %and3A_1397 : vector<16xi32>
      %add3A_1399 = arith.constant 32768 : i32
      %add3A_1400 = vector.broadcast %add3A_1399 : i32 to vector<16xi32>
      %add3A_1401 = arith.addi %add3A_1400, %and3A_1398 : vector<16xi32>
      %select_n3A_1402 = arith.select %lt3A_1382, %add3A_1391, %add3A_1401 : vector<16xi1>, vector<16xi32>
      %swap3A_1403 = arith.constant 0 : i32
      %swap3A_1404 = arith.index_cast %swap3A_1403 : i32 to index
      %swap3A_1405 = arith.constant 96 : index
      %swap3A_1406 = tpu.vector_load %arg10[%swap3A_1404, %swap3A_1405] {strides = array<i32>} : memref<1x112xi32, #tpu.memory_space<vmem>>, vector<16xi32>,
      tpu.vector_store %arg10[%swap3A_1404, %swap3A_1405], %select_n3A_1402 {strides = array<i32>} : memref<1x112xi32, #tpu.memory_space<vmem>>, vector<16xi32>,
      %dma_start3A = arith.constant 0 : i32
      %dma_start3A_1407 = arith.constant 0 : i32
      %dma_start3A_1408 = tpu.memref_slice %arg10[%dma_start3A, %dma_start3A_1407] : memref<1x112xi32, #tpu.memory_space<vmem>> -> memref<1x112xi32, #tpu.memory_space<vmem>>
      %dma_start3A_1409 = tpu.memref_squeeze %dma_start3A_1408 : memref<1x112xi32, #tpu.memory_space<vmem>> -> memref<112xi32, #tpu.memory_space<vmem>>
      %dma_start3A_1410 = arith.constant 0 : i32
      %dma_start3A_1411 = arith.constant 0 : i32
      %dma_start3A_1412 = tpu.memref_slice %arg5[%dma_start3A_1410, %dma_start3A_1411] : memref<32776x512xf32, #tpu.memory_space<hbm>> -> memref<32776x512xf32, #tpu.memory_space<hbm>>
      tpu.enqueue_indirect_dma source(%arg9 : memref<112x512xf32, #tpu.memory_space<vmem>>) target(%dma_start3A_1412 : memref<32776x512xf32, #tpu.memory_space<hbm>>) offsets(%dma_start3A_1409 : memref<112xi32, #tpu.memory_space<vmem>>) semaphore(%arg16 : memref<!tpu.dma_semaphore, #tpu.memory_space<semaphore_mem>>)
      %dma_wait3A = arith.constant 0 : i32
      %dma_wait3A_1413 = arith.constant 0 : i32
      %dma_wait3A_1414 = tpu.memref_slice %arg10[%dma_wait3A, %dma_wait3A_1413] : memref<1x112xi32, #tpu.memory_space<vmem>> -> memref<1x112xi32, #tpu.memory_space<vmem>>
      %dma_wait3A_1415 = tpu.memref_squeeze %dma_wait3A_1414 : memref<1x112xi32, #tpu.memory_space<vmem>> -> memref<112xi32, #tpu.memory_space<vmem>>
      %dma_wait3A_1416 = arith.constant 0 : i32
      %dma_wait3A_1417 = arith.constant 0 : i32
      %dma_wait3A_1418 = tpu.memref_slice %arg5[%dma_wait3A_1416, %dma_wait3A_1417] : memref<32776x512xf32, #tpu.memory_space<hbm>> -> memref<32776x512xf32, #tpu.memory_space<hbm>>
      tpu.wait_indirect_dma semaphore(%arg16 : memref<!tpu.dma_semaphore, #tpu.memory_space<semaphore_mem>>) src(%arg9 : memref<112x512xf32, #tpu.memory_space<vmem>>) dst(%dma_wait3A_1418 : memref<32776x512xf32, #tpu.memory_space<hbm>>)
      %while3A_1419 = arith.constant 0 : i32
      scf.yield %while3A_1419 : i32
    }
    return
  }
}

module attributes {stable_mosaic.version = 14 : i64} {
  func.func @_stage1_body(%arg0: i32, %arg1: i32, %arg2: memref<1xf32, #tpu.memory_space<smem>>, %arg3: memref<1x512x512xf32, #tpu.memory_space<vmem>>, %arg4: memref<1024x1xf32, #tpu.memory_space<vmem>>, %arg5: memref<512x512xf32, #tpu.memory_space<vmem>>, %arg6: memref<1x512x512xf32, #tpu.memory_space<vmem>>, %arg7: memref<1x512x1xi32, #tpu.memory_space<vmem>>, %arg8: memref<1x512xf32, #tpu.memory_space<vmem>>, %arg9: memref<1x1xf32, #tpu.memory_space<vmem>>) attributes {dimension_semantics = [#tpu.dimension_semantics<arbitrary>, #tpu.dimension_semantics<arbitrary>], iteration_bounds = array<i64: 8, 8>, scalar_prefetch = 0 : i64, scratch_operands = 2 : i64, tpu.core_type = #tpu.core_type<tc>, window_params = [{transform_indices = @transform_0, window_bounds = array<i64: 1>}, {transform_indices = @transform_1, window_bounds = array<i64: 1, 512, 512>}, {pipeline_mode = #tpu.pipeline_mode<synchronous>, transform_indices = @transform_2, window_bounds = array<i64: 1024, 1>}, {pipeline_mode = #tpu.pipeline_mode<synchronous>, transform_indices = @transform_3, window_bounds = array<i64: 512, 512>}, {transform_indices = @transform_4, window_bounds = array<i64: 1, 512, 512>}, {transform_indices = @transform_5, window_bounds = array<i64: 1, 512, 1>}]} {
    %get3A = arith.constant 0 : index
    %get3A_0 = arith.constant 0 : index
    %get3A_1 = arith.constant 0 : index
    %get3A_2 = vector.load %arg3[%get3A, %get3A_0, %get3A_1] : memref<1x512x512xf32, #tpu.memory_space<vmem>>, vector<1x512x512xf32>
    %get3A_3 = vector.shape_cast %get3A_2 : vector<1x512x512xf32> to vector<512x512xf32>
    %get3A_4 = arith.constant 0 : index
    %get3A_5 = arith.constant 0 : index
    %get3A_6 = vector.load %arg4[%get3A_4, %get3A_5] : memref<1024x1xf32, #tpu.memory_space<vmem>>, vector<512x1xf32>
    %dot_general3A = arith.constant dense<0.000000e+00> : vector<512x1xf32>
    %dot_general3A_7 = tpu.matmul %get3A_3, %get3A_6, %dot_general3A {dimension_numbers = #tpu.dot_dimension_numbers<[1], [0], [0], [1], [0, 0, 1, 1], [], []>, transpose_lhs_hint = false} : vector<512x512xf32>, vector<512x1xf32>, vector<512x1xf32> -> vector<512x1xf32>
    %get3A_8 = arith.constant 512 : index
    %get3A_9 = arith.constant 0 : index
    %get3A_10 = vector.load %arg4[%get3A_8, %get3A_9] : memref<1024x1xf32, #tpu.memory_space<vmem>>, vector<512x1xf32>
    %dot_general3A_11 = arith.constant dense<0.000000e+00> : vector<512x1xf32>
    %dot_general3A_12 = tpu.matmul %get3A_3, %get3A_10, %dot_general3A_11 {dimension_numbers = #tpu.dot_dimension_numbers<[1], [0], [0], [1], [0, 0, 1, 1], [], []>, transpose_lhs_hint = false} : vector<512x512xf32>, vector<512x1xf32>, vector<512x1xf32> -> vector<512x1xf32>
    %get3A_13 = arith.constant 0 : index
    %get3A_14 = arith.constant 0 : index
    %get3A_15 = vector.load %arg5[%get3A_13, %get3A_14] : memref<512x512xf32, #tpu.memory_space<vmem>>, vector<512x512xf32>
    %dot_general3A_16 = arith.constant dense<0.000000e+00> : vector<512x512xf32>
    %dot_general3A_17 = tpu.matmul %get3A_3, %get3A_15, %dot_general3A_16 {dimension_numbers = #tpu.dot_dimension_numbers<[1], [0], [0], [1], [0, 0, 1, 1], [], []>, transpose_lhs_hint = false} : vector<512x512xf32>, vector<512x512xf32>, vector<512x512xf32> -> vector<512x512xf32>
    %eq3A = arith.constant 0 : i32
    %eq3A_18 = arith.cmpi eq, %arg1, %eq3A : i32
    %convert_element_type3A = arith.extui %eq3A_18 : i1 to i32
    %cond3A = arith.constant 0 : i32
    %cond3A_19 = arith.cmpi ne, %convert_element_type3A, %cond3A : i32
    scf.if %cond3A_19 {
      %broadcast_in_dim3A_102 = arith.constant 0.000000e+00 : f32
      %broadcast_in_dim3A_103 = vector.broadcast %broadcast_in_dim3A_102 : f32 to vector<1x512xf32>
      %swap3A_104 = arith.constant 0 : index
      %swap3A_105 = arith.constant 0 : index
      %swap3A_106 = vector.load %arg8[%swap3A_104, %swap3A_105] : memref<1x512xf32, #tpu.memory_space<vmem>>, vector<1x512xf32>
      tpu.vector_store %arg8[%swap3A_104, %swap3A_105], %broadcast_in_dim3A_103 {strides = array<i32>} : memref<1x512xf32, #tpu.memory_space<vmem>>, vector<1x512xf32>,
      %broadcast_in_dim3A_107 = arith.constant 0.000000e+00 : f32
      %broadcast_in_dim3A_108 = vector.broadcast %broadcast_in_dim3A_107 : f32 to vector<1x1xf32>
      %swap3A_109 = arith.constant 0 : index
      %swap3A_110 = arith.constant 0 : index
      %swap3A_111 = vector.load %arg9[%swap3A_109, %swap3A_110] : memref<1x1xf32, #tpu.memory_space<vmem>>, vector<1x1xf32>
      tpu.vector_store %arg9[%swap3A_109, %swap3A_110], %broadcast_in_dim3A_108 {strides = array<i32>} : memref<1x1xf32, #tpu.memory_space<vmem>>, vector<1x1xf32>,
    } else {
    }
    %broadcast_in_dim3A = arith.constant 0.000000e+00 : f32
    %broadcast_in_dim3A_20 = vector.broadcast %broadcast_in_dim3A : f32 to vector<1x512xf32>
    %slice3A = vector.extract_strided_slice %dot_general3A_17 {offsets = [0, 0], sizes = [511, 512], strides = [1, 1]} : vector<512x512xf32> to vector<511x512xf32>
    %concatenate3A = tpu.concatenate %broadcast_in_dim3A_20, %slice3A in 0 : vector<1x512xf32>, vector<511x512xf32> -> vector<512x512xf32>
    %add3A = arith.addf %dot_general3A_17, %concatenate3A : vector<512x512xf32>
    %broadcast_in_dim3A_21 = arith.constant 0.000000e+00 : f32
    %broadcast_in_dim3A_22 = vector.broadcast %broadcast_in_dim3A_21 : f32 to vector<2x512xf32>
    %slice3A_23 = vector.extract_strided_slice %add3A {offsets = [0, 0], sizes = [510, 512], strides = [1, 1]} : vector<512x512xf32> to vector<510x512xf32>
    %concatenate3A_24 = tpu.concatenate %broadcast_in_dim3A_22, %slice3A_23 in 0 : vector<2x512xf32>, vector<510x512xf32> -> vector<512x512xf32>
    %add3A_25 = arith.addf %add3A, %concatenate3A_24 : vector<512x512xf32>
    %broadcast_in_dim3A_26 = arith.constant 0.000000e+00 : f32
    %broadcast_in_dim3A_27 = vector.broadcast %broadcast_in_dim3A_26 : f32 to vector<4x512xf32>
    %slice3A_28 = vector.extract_strided_slice %add3A_25 {offsets = [0, 0], sizes = [508, 512], strides = [1, 1]} : vector<512x512xf32> to vector<508x512xf32>
    %concatenate3A_29 = tpu.concatenate %broadcast_in_dim3A_27, %slice3A_28 in 0 : vector<4x512xf32>, vector<508x512xf32> -> vector<512x512xf32>
    %add3A_30 = arith.addf %add3A_25, %concatenate3A_29 : vector<512x512xf32>
    %broadcast_in_dim3A_31 = arith.constant 0.000000e+00 : f32
    %broadcast_in_dim3A_32 = vector.broadcast %broadcast_in_dim3A_31 : f32 to vector<8x512xf32>
    %slice3A_33 = vector.extract_strided_slice %add3A_30 {offsets = [0, 0], sizes = [504, 512], strides = [1, 1]} : vector<512x512xf32> to vector<504x512xf32>
    %concatenate3A_34 = tpu.concatenate %broadcast_in_dim3A_32, %slice3A_33 in 0 : vector<8x512xf32>, vector<504x512xf32> -> vector<512x512xf32>
    %add3A_35 = arith.addf %add3A_30, %concatenate3A_34 : vector<512x512xf32>
    %broadcast_in_dim3A_36 = arith.constant 0.000000e+00 : f32
    %broadcast_in_dim3A_37 = vector.broadcast %broadcast_in_dim3A_36 : f32 to vector<16x512xf32>
    %slice3A_38 = vector.extract_strided_slice %add3A_35 {offsets = [0, 0], sizes = [496, 512], strides = [1, 1]} : vector<512x512xf32> to vector<496x512xf32>
    %concatenate3A_39 = tpu.concatenate %broadcast_in_dim3A_37, %slice3A_38 in 0 : vector<16x512xf32>, vector<496x512xf32> -> vector<512x512xf32>
    %add3A_40 = arith.addf %add3A_35, %concatenate3A_39 : vector<512x512xf32>
    %broadcast_in_dim3A_41 = arith.constant 0.000000e+00 : f32
    %broadcast_in_dim3A_42 = vector.broadcast %broadcast_in_dim3A_41 : f32 to vector<32x512xf32>
    %slice3A_43 = vector.extract_strided_slice %add3A_40 {offsets = [0, 0], sizes = [480, 512], strides = [1, 1]} : vector<512x512xf32> to vector<480x512xf32>
    %concatenate3A_44 = tpu.concatenate %broadcast_in_dim3A_42, %slice3A_43 in 0 : vector<32x512xf32>, vector<480x512xf32> -> vector<512x512xf32>
    %add3A_45 = arith.addf %add3A_40, %concatenate3A_44 : vector<512x512xf32>
    %broadcast_in_dim3A_46 = arith.constant 0.000000e+00 : f32
    %broadcast_in_dim3A_47 = vector.broadcast %broadcast_in_dim3A_46 : f32 to vector<64x512xf32>
    %slice3A_48 = vector.extract_strided_slice %add3A_45 {offsets = [0, 0], sizes = [448, 512], strides = [1, 1]} : vector<512x512xf32> to vector<448x512xf32>
    %concatenate3A_49 = tpu.concatenate %broadcast_in_dim3A_47, %slice3A_48 in 0 : vector<64x512xf32>, vector<448x512xf32> -> vector<512x512xf32>
    %add3A_50 = arith.addf %add3A_45, %concatenate3A_49 : vector<512x512xf32>
    %broadcast_in_dim3A_51 = arith.constant 0.000000e+00 : f32
    %broadcast_in_dim3A_52 = vector.broadcast %broadcast_in_dim3A_51 : f32 to vector<128x512xf32>
    %slice3A_53 = vector.extract_strided_slice %add3A_50 {offsets = [0, 0], sizes = [384, 512], strides = [1, 1]} : vector<512x512xf32> to vector<384x512xf32>
    %concatenate3A_54 = tpu.concatenate %broadcast_in_dim3A_52, %slice3A_53 in 0 : vector<128x512xf32>, vector<384x512xf32> -> vector<512x512xf32>
    %add3A_55 = arith.addf %add3A_50, %concatenate3A_54 : vector<512x512xf32>
    %broadcast_in_dim3A_56 = arith.constant 0.000000e+00 : f32
    %broadcast_in_dim3A_57 = vector.broadcast %broadcast_in_dim3A_56 : f32 to vector<256x512xf32>
    %slice3A_58 = vector.extract_strided_slice %add3A_55 {offsets = [0, 0], sizes = [256, 512], strides = [1, 1]} : vector<512x512xf32> to vector<256x512xf32>
    %concatenate3A_59 = tpu.concatenate %broadcast_in_dim3A_57, %slice3A_58 in 0 : vector<256x512xf32>, vector<256x512xf32> -> vector<512x512xf32>
    %add3A_60 = arith.addf %add3A_55, %concatenate3A_59 : vector<512x512xf32>
    %get3A_61 = arith.constant 0 : index
    %get3A_62 = arith.constant 0 : index
    %get3A_63 = vector.load %arg8[%get3A_61, %get3A_62] : memref<1x512xf32, #tpu.memory_space<vmem>>, vector<1x512xf32>
    %add3A_64 = vector.broadcast %get3A_63 : vector<1x512xf32> to vector<512x512xf32>
    %add3A_65 = arith.addf %add3A_60, %add3A_64 : vector<512x512xf32>
    %swap3A = arith.constant 0 : index
    %swap3A_66 = arith.constant 0 : index
    %swap3A_67 = arith.constant 0 : index
    %swap3A_68 = vector.load %arg6[%swap3A, %swap3A_66, %swap3A_67] : memref<1x512x512xf32, #tpu.memory_space<vmem>>, vector<1x512x512xf32>
    %swap3A_69 = vector.shape_cast %swap3A_68 : vector<1x512x512xf32> to vector<512x512xf32>
    %swap3A_70 = vector.shape_cast %add3A_65 : vector<512x512xf32> to vector<1x512x512xf32>
    tpu.vector_store %arg6[%swap3A, %swap3A_66, %swap3A_67], %swap3A_70 {strides = array<i32>} : memref<1x512x512xf32, #tpu.memory_space<vmem>>, vector<1x512x512xf32>,
    %slice3A_71 = vector.extract_strided_slice %add3A_65 {offsets = [511, 0], sizes = [1, 512], strides = [1, 1]} : vector<512x512xf32> to vector<1x512xf32>
    %swap3A_72 = arith.constant 0 : index
    %swap3A_73 = arith.constant 0 : index
    %swap3A_74 = vector.load %arg8[%swap3A_72, %swap3A_73] : memref<1x512xf32, #tpu.memory_space<vmem>>, vector<1x512xf32>
    tpu.vector_store %arg8[%swap3A_72, %swap3A_73], %slice3A_71 {strides = array<i32>} : memref<1x512xf32, #tpu.memory_space<vmem>>, vector<1x512xf32>,
    %get3A_75 = arith.constant 0 : index
    %get3A_76 = arith.constant 0 : index
    %get3A_77 = vector.load %arg9[%get3A_75, %get3A_76] : memref<1x1xf32, #tpu.memory_space<vmem>>, vector<1x1xf32>
    %slice3A_78 = vector.extract_strided_slice %dot_general3A_7 {offsets = [0, 0], sizes = [511, 1], strides = [1, 1]} : vector<512x1xf32> to vector<511x1xf32>
    %concatenate3A_79 = tpu.concatenate %get3A_77, %slice3A_78 in 0 : vector<1x1xf32>, vector<511x1xf32> -> vector<512x1xf32>
    %add3A_80 = arith.addf %concatenate3A_79, %dot_general3A_12 : vector<512x1xf32>
    %get3A_81 = arith.constant 0 : index
    %get3A_82 = memref.load %arg2[%get3A_81] : memref<1xf32, #tpu.memory_space<smem>>
    %le3A = vector.broadcast %get3A_82 : f32 to vector<512x1xf32>
    %le3A_83 = arith.cmpf ole, %add3A_80, %le3A : vector<512x1xf32>
    %convert_element_type3A_84 = arith.extui %le3A_83 : vector<512x1xi1> to vector<512x1xi32>
    %iota3A = tpu.iota {dimensions = array<i32: 0>} : vector<512x1xi32>
    %eq3A_85 = arith.constant 0 : i32
    %eq3A_86 = arith.cmpi eq, %arg1, %eq3A_85 : i32
    %eq3A_87 = arith.constant 0 : i32
    %eq3A_88 = vector.broadcast %eq3A_87 : i32 to vector<512x1xi32>
    %eq3A_89 = arith.cmpi eq, %iota3A, %eq3A_88 : vector<512x1xi32>
    %and3A = vector.broadcast %eq3A_86 : i1 to vector<512x1xi1>
    %and3A_90 = arith.andi %and3A, %eq3A_89 : vector<512x1xi1>
    %jit3A = arith.constant 1 : i32
    %broadcast_in_dim3A_91 = vector.broadcast %jit3A : i32 to vector<512x1xi32>
    %select_n3A = arith.select %and3A_90, %broadcast_in_dim3A_91, %convert_element_type3A_84 : vector<512x1xi1>, vector<512x1xi32>
    %swap3A_92 = arith.constant 0 : index
    %swap3A_93 = arith.constant 0 : index
    %swap3A_94 = arith.constant 0 : index
    %swap3A_95 = vector.load %arg7[%swap3A_92, %swap3A_93, %swap3A_94] : memref<1x512x1xi32, #tpu.memory_space<vmem>>, vector<1x512x1xi32>
    %swap3A_96 = vector.shape_cast %swap3A_95 : vector<1x512x1xi32> to vector<512x1xi32>
    %swap3A_97 = vector.shape_cast %select_n3A : vector<512x1xi32> to vector<1x512x1xi32>
    tpu.vector_store %arg7[%swap3A_92, %swap3A_93, %swap3A_94], %swap3A_97 {strides = array<i32>} : memref<1x512x1xi32, #tpu.memory_space<vmem>>, vector<1x512x1xi32>,
    %slice3A_98 = vector.extract_strided_slice %dot_general3A_7 {offsets = [511, 0], sizes = [1, 1], strides = [1, 1]} : vector<512x1xf32> to vector<1x1xf32>
    %swap3A_99 = arith.constant 0 : index
    %swap3A_100 = arith.constant 0 : index
    %swap3A_101 = vector.load %arg9[%swap3A_99, %swap3A_100] : memref<1x1xf32, #tpu.memory_space<vmem>>, vector<1x1xf32>
    tpu.vector_store %arg9[%swap3A_99, %swap3A_100], %slice3A_98 {strides = array<i32>} : memref<1x1xf32, #tpu.memory_space<vmem>>, vector<1x1xf32>,
    return
  }
  func.func @transform_0(%arg0: i32, %arg1: i32) -> i32 {
    %c0_i32 = arith.constant 0 : i32
    %c0_i32_0 = arith.constant 0 : i32
    return %c0_i32 : i32
  }
  func.func @transform_1(%arg0: i32, %arg1: i32) -> (i32, i32, i32) {
    %c0_i32 = arith.constant 0 : i32
    %c0_i32_0 = arith.constant 0 : i32
    return %arg0, %arg1, %c0_i32 : i32, i32, i32
  }
  func.func @transform_2(%arg0: i32, %arg1: i32) -> (i32, i32) {
    %c0_i32 = arith.constant 0 : i32
    %c0_i32_0 = arith.constant 0 : i32
    %c0_i32_1 = arith.constant 0 : i32
    return %c0_i32, %c0_i32_0 : i32, i32
  }
  func.func @transform_3(%arg0: i32, %arg1: i32) -> (i32, i32) {
    %c0_i32 = arith.constant 0 : i32
    %c0_i32_0 = arith.constant 0 : i32
    %c0_i32_1 = arith.constant 0 : i32
    return %c0_i32, %c0_i32_0 : i32, i32
  }
  func.func @transform_4(%arg0: i32, %arg1: i32) -> (i32, i32, i32) {
    %c0_i32 = arith.constant 0 : i32
    %c0_i32_0 = arith.constant 0 : i32
    return %arg0, %arg1, %c0_i32 : i32, i32, i32
  }
  func.func @transform_5(%arg0: i32, %arg1: i32) -> (i32, i32, i32) {
    %c0_i32 = arith.constant 0 : i32
    %c0_i32_0 = arith.constant 0 : i32
    return %arg0, %arg1, %c0_i32 : i32, i32, i32
  }
}

</mosaic_0001>

<sc_bundles>
// kernel: kernel.4.cloned.1.call-start
scs
__scs_entry_jumppad:
0x0: {  	(pc) =	sbr.rel $0x88, $3  }
0x1: {  	(tag) =	ssettag $0x0;
	lr =	simm.s32 $0x1  }
0x2: {  	[smem:$0x3F9C] =	sst lr;
	_ =	strace $0xD0000000  }
0x3: {  	_ = 	snop  }
0x4: {  	_ = 	snop  }
0x5: {  	_ = 	snop  }
0x6: {  	_ = 	snop  }
0x7: {  	_ = 	snop  }
__scs_overlays_trampoline_lowered:
0x8: {  	[smem:$0x3FAB] =	sst s0  }
0x9: {  	[smem:$0x3FAC] =	sst s1  }
0xa: {  	[smem:$0x3FAD] =	sst s2  }
0xb: {  	[smem:$0x3FAE] =	sst s3  }
0xc: {  	[smem:$0x3FAF] =	sst s4  }
0xd: {  	[smem:$0x3FB0] =	sst s5  }
0xe: {  	[smem:$0x3FB1] =	sst s6  }
0xf: {  	[smem:$0x3FB2] =	sst s7  }
0x10: {  	[smem:$0x3FB3] =	sst s8  }
0x11: {  	[smem:$0x3FB4] =	sst s9;
	s0 =	simm.s32 @!p0 $0x0  }
0x12: {  	s1 =	sld [smem:$0x3F9A];
	s0 =	simm.s32 @p0 $0x1  }
0x13: {  	[smem:$0x3FB5] =	sst s0;
	s0 =	simm.s32 @!p1 $0x0  }
0x14: {  	s2 =	sld [smem:$0x3F99];
	s0 =	simm.s32 @p1 $0x1  }
0x15: {  	[smem:$0x3FB6] =	sst s0;
	s0 =	simm.s32 @!p2 $0x0  }
0x16: {  	s3 =	sld [smem:$0x3FDB];
	s0 =	simm.s32 @p2 $0x1  }
0x17: {  	s4 =	simm.s32 $0x1BF5;
	[smem:$0x3FB8] =	sst s0  }
0x18: {  	s0 =	sld [smem:$0x3F9B];
	_ =	swait.ge [sflag:s4], $0x0  }
0x19: {  	s7 =	sld [smem:$0x3F9C]  }
0x1a: {  	s8 =	sadd.s32 $0xFFFFE003, lr  }
0x1b: {  	s9 =	sadd.s32 $0xFFFFFEF7, lr;
	s5 =	simm.s32 $0xFFFFFFFF;
	p2 =	slt.u32 s8, $0xFFFFF086  }
0x1c: {  	p1 =	slt.u32 s9, $0xF7A;
	s5 =	simm.s32 @!p2 $0x0  }
0x1d: {  	s5 =	simm.s32 @p1 $0x1;
	p0 =	seq.s32 s7, s2  }
0x1e: {  	s7 =	smul.u32 @!p0 $0xF7A, s2;
	p2 =	seq.s32 @!p0 s5, $0x0  }
0x1f: {  	s9 =	smul.u32 $0xF7A, s1;
	s8 =	simm.s32 @!p0 $0x1BF5;
	p2 =	por !p2, p0  }
0x20: {  	[sflag:s8] =	ssyncset.s32 @!p0 $0xFFFFF086;
	s6 =	sadd.s32 @!p0 s3, s7;
	s7 =	simm.s32 @!p0 $0x108  }
0x21: {  	s3 =	sadd.s32 s3, s9;
	s6 =	sadd.s32 @!p0 $0x88, s6;
	s7 =	simm.s32 @p2 $0x1082  }
0x22: {  	[simem:s7], [sflag:s8] =	dma.local @!p0 [hbm:s6], $0xF7A  }
0x23: {  	s9 =	sor.u32 $0xD0000000, s2;
	s6 =	simm.s32 $0x108;
	_ =	swait.ge @!p0 [sflag:s8], $0x0  }
0x24: {  	s3 =	sadd.s32 $0x88, s3;
	s6 =	simm.s32 @!p1 $0x1082;
	[sflag:s4] =	ssyncset.s32 $0xFFFFF086  }
0x25: {  	[simem:s6], [sflag:s4] =	dma.local [hbm:s3], $0xF7A  }
0x26: {  	[smem:$0x3F9C] =	sst s1;
	(tag) =	ssettag s2;
	_ =	strace s9  }
0x27: {  	s1 =	sld [smem:$0x3FAC]  }
0x28: {  	s2 =	sld [smem:$0x3FAD]  }
0x29: {  	s4 =	sld [smem:$0x3FAF]  }
0x2a: {  	p0 =	seq.s32 s5, $0x0;
	s5 =	sld [smem:$0x3FB0]  }
0x2b: {  	s6 =	sld [smem:$0x3FB1]  }
0x2c: {  	s7 =	sld [smem:$0x3FB2]  }
0x2d: {  	s3 =	simm.s32 $0x108;
	s8 =	sld [smem:$0x3FB3]  }
0x2e: {  	s3 =	simm.s32 @!p0 $0x1082;
	s9 =	sld [smem:$0x3FB4]  }
0x2f: {  	lr =	sadd.s32 s0, s3;
	s0 =	sld [smem:$0x3FAB]  }
0x30: {  	s3 =	sld [smem:$0x3FAE]  }
0x31: {  	[smem:$0x3FB7] =	sst s10  }
0x32: {  	s10 =	sld [smem:$0x3FB5];
	_ =	sdelay $0x3  }
0x33: {  	p0 =	seq.s32 s10, $0x1;
	s10 =	sld [smem:$0x3FB7];
	_ =	sdelay $0x3  }
0x34: {  	[smem:$0x3FB7] =	sst s10  }
0x35: {  	s10 =	sld [smem:$0x3FB6];
	_ =	sdelay $0x3  }
0x36: {  	p1 =	seq.s32 s10, $0x1;
	s10 =	sld [smem:$0x3FB7];
	_ =	sdelay $0x3  }
0x37: {  	[smem:$0x3FB7] =	sst s10  }
0x38: {  	s10 =	sld [smem:$0x3FB8]  }
0x39: {  	_ = 	snop;
	(pc) =	sbr.ind lr, $3  }
0x3a: {  	_ = 	snop  }
0x3b: {  	_ = 	snop  }
0x3c: {  	p2 =	seq.s32 s10, $0x1;
	s10 =	sld [smem:$0x3FB7]  }
0x3d: {  	_ =	shalt  }
0x3e: {  	_ =	shalt  }
0x3f: {  	_ =	shalt  }
0x40: {  	_ =	shalt  }
0x41: {  	_ =	shalt  }
0x42: {  	_ =	shalt  }
0x43: {  	_ =	shalt  }
0x44: {  	_ =	shalt  }
0x45: {  	_ =	shalt  }
0x46: {  	_ =	shalt  }
0x47: {  	_ =	shalt  }
0x48: {  	_ =	shalt  }
0x49: {  	_ =	shalt  }
0x4a: {  	_ =	shalt  }
0x4b: {  	_ =	shalt  }
0x4c: {  	_ =	shalt  }
0x4d: {  	_ =	shalt  }
0x4e: {  	_ =	shalt  }
0x4f: {  	_ =	shalt  }
0x50: {  	_ =	shalt  }
0x51: {  	_ =	shalt  }
0x52: {  	_ =	shalt  }
0x53: {  	_ =	shalt  }
0x54: {  	_ =	shalt  }
0x55: {  	_ =	shalt  }
0x56: {  	_ =	shalt  }
0x57: {  	_ =	shalt  }
0x58: {  	_ =	shalt  }
0x59: {  	_ =	shalt  }
0x5a: {  	_ =	shalt  }
0x5b: {  	_ =	shalt  }
0x5c: {  	_ =	shalt  }
0x5d: {  	_ =	shalt  }
0x5e: {  	_ =	shalt  }
0x5f: {  	_ =	shalt  }
0x60: {  	_ =	shalt  }
0x61: {  	_ =	shalt  }
0x62: {  	_ =	shalt  }
0x63: {  	_ =	shalt  }
0x64: {  	_ =	shalt  }
0x65: {  	_ =	shalt  }
0x66: {  	_ =	shalt  }
0x67: {  	_ =	shalt  }
0x68: {  	_ =	shalt  }
0x69: {  	_ =	shalt  }
0x6a: {  	_ =	shalt  }
0x6b: {  	_ =	shalt  }
0x6c: {  	_ =	shalt  }
0x6d: {  	_ =	shalt  }
0x6e: {  	_ =	shalt  }
0x6f: {  	_ =	shalt  }
0x70: {  	_ =	shalt  }
0x71: {  	_ =	shalt  }
0x72: {  	_ =	shalt  }
0x73: {  	_ =	shalt  }
0x74: {  	_ =	shalt  }
0x75: {  	_ =	shalt  }
0x76: {  	_ =	shalt  }
0x77: {  	_ =	shalt  }
0x78: {  	_ =	shalt  }
0x79: {  	_ =	shalt  }
0x7a: {  	_ =	shalt  }
0x7b: {  	_ =	shalt  }
0x7c: {  	_ =	shalt  }
0x7d: {  	_ =	shalt  }
0x7e: {  	_ =	shalt  }
0x7f: {  	_ =	shalt  }
0x80: {  	_ =	shalt  }
0x81: {  	_ =	shalt  }
0x82: {  	_ =	shalt  }
0x83: {  	_ =	shalt  }
0x84: {  	_ =	shalt  }
0x85: {  	_ =	shalt  }
0x86: {  	_ =	shalt  }
0x87: {  	_ =	shalt  }
.Lfunc_end0:
.L_simem_size_0:
called_computation_lowered:
.L_overlay_start_0:
0x88: {  	s2 =	sld [smem:$0x3FD9]  }
0x89: {  	s3 =	sld [smem:$0x3FFE];
	_ =	sdelay $0x1  }
0x8a: {  	s1 =	srdreg.scid  }
0x8b: {  	s0 =	sand.u32 $0x1, s1  }
0x8c: {  	s17 =	sshll.u32 s0, $0xA;
	s2 =	sadd.s32 s3, s2  }
0x8d: {  	s2 =	sadd.s32 s2, s17  }
0x8e: {  	[smem:$0x3FC3] =	sst s2  }
0x8f: {  	_ = 	snop  }
0x90: {  	s2 =	sld [smem:$0x3FC5]  }
0x91: {  	s18 =	sld [smem:$0x3FD0];
	(tm) =	ssettm $0x1  }
0x92: {  	s4 =	sld [smem:$0x3FFB];
	_ =	sdelay $0x3  }
0x93: {  	_ =	strace s4  }
0x94: {  	s4 =	sld [smem:$0x3FFC];
	_ =	sdelay $0x3  }
0x95: {  	_ =	strace s4  }
0x96: {  	s4 =	sld [smem:$0x3FFD];
	_ =	sdelay $0x3  }
0x97: {  	_ =	strace s4  }
0x98: {  	_ =	strace $0x8FFFFFFF  }
0x99: {  	s19 =	sld [smem:$0x3FDB];
	_ =	sdelay $0x1  }
0x9a: {  	s5 =	simm.s32 $_scs_section_size  }
0x9b: {  	s6 =	simm.s32 $_size__tile_overlayer_lowered;
	s7 =	simm.s32 $_tile_overlayer_lowered  }
0x9c: {  	s22 =	simm.s32 $0x1BFF;
	s21 =	sshll.u32 s7, $0x1;
	s4 =	sadd.s32 s5, s19  }
0x9d: {  	s8 =	simm.s32 $0x0;
	s20 =	sshll.u32 s6, $0x1;
	s6 =	sadd.s32 s21, s4  }
0x9e: {  	[timem:s8], [sflag:s22] =	dma.local [hbm:s6], s20  }
0x9f: {  	_ =	swait.ge [sflag:s22], s20  }
0xa0: {  	s5 =	ssub.s32 $0x0, s20;
	[sflag:s22] =	ssyncset.done $0x0  }
0xa1: {  	[sflag:s22] =	ssyncadd.s32 s5;
	_ =	sdelay $0x1  }
0xa2: {  	s23 =	simm.s32 $0x1B8B  }
0xa3: {  	_ =	swait.ge [sflag:s23], $0x1  }
0xa4: {  	[sflag:s23] =	ssyncset.done $0x0  }
0xa5: {  	s25 =	simm.s32 $0x1B8E;
	s24 =	sld [smem:$0x3FFE];
	[sflag:s23] =	ssyncadd.s32 $0xFFFFFFFF  }
0xa6: {  	s26 =	simm.s32 $execute0_lowered;
	[smem:$0x3FD2] =	sst s25  }
0xa7: {  	s6 =	sshll.u32 s26, $0x1;
	_ =	strace $0x80000046;
	[dreg:$0x1] =	wrdreg $0xFFFFFFFF  }
0xa8: {  	s28 =	simm.s32 $_size_execute0_lowered;
	s4 =	sadd.s32 s4, s6;
	[dreg:$0x0] =	wrdreg $0x0  }
0xa9: {  	s6 =	sshll.u32 s28, $0x1;
	[dreg:$0x2] =	wrdreg s4  }
0xaa: {  	[dreg:$0x3] =	wrdreg s6  }
0xab: {  	[dreg:$0x4] =	wrdreg $0xC0  }
0xac: {  	_ =	task [dreg:s8], $0x5FFFF  }
0xad: {  	[dreg:$0x1] =	wrdreg $0xFFFFFFFF  }
0xae: {  	[dreg:$0x0] =	wrdreg $0x60  }
0xaf: {  	[dreg:$0x2] =	wrdreg s18  }
0xb0: {  	[dreg:$0x3] =	wrdreg s24  }
0xb1: {  	[dreg:$0x4] =	wrdreg s2  }
0xb2: {  	[dreg:$0x5] =	wrdreg $0x1E4800  }
0xb3: {  	[dreg:$0x6] =	wrdreg $0x9  }
0xb4: {  	_ =	task.clear_ibuf [dreg:s8], $0x7FFFF;
	_ =	strace $0x90000046  }
0xb5: {  	s29 =	simm.s32 $0x9;
	_ =	strace $0x80000048  }
0xb6: {  	_ =	swait.ge [sflag:s29], $0x1  }
0xb7: {  	[sflag:s29] =	ssyncadd.s32 $0xFFFFFFFF  }
0xb8: {  	_ =	strace $0x90000048  }
0xb9: {  	_ =	sfence  }
0xba: {  	s30 =	sld [smem:$0x0];
	_ =	sdelay $0x2  }
0xbb: {  	s31 =	sshll.u32 s1, $0xD;
	s1 =	sshrl.u32 s1, $0x2  }
0xbc: {  	s3 =	sand.u32 $0x4000, s31;
	s1 =	sadd.s32 s1, s30  }
0xbd: {  	s0 =	sor.u32 s3, s0;
	s1 =	sshll.u32 s1, $0x11  }
0xbe: {  	s0 =	sor.u32 s1, s0  }
0xbf: {  	s0 =	sadd.s32 $0x8F2B, s0  }
0xc0: {  	[sflag:s0] =	ssyncadd.remote.s32 $0x1  }
0xc1: {  	_ =	sfence.sel $0xFFFF  }
0xc2: {  	[dreg:$0x0] =	wrdreg $0xFFFFFFFF;
	(pc) =	sbr.abs _section_cstart, $3  }
0xc3: {  	[dreg:$0x1] =	wrdreg $0xFFFFFFFF  }
0xc4: {  	_ =	task.clear_ibuf [dreg:s8], $0x2FFFF;
	_ =	strace $0x9FFFFFFF  }
0xc5: {  	(tm) =	ssettm $0x7FFFFFFF  }
tec
execute0_lowered:
.L_overlay_start_1:
0x0: {  	(tag) =	ssettag $0x1  }
0x1: {  	s0 =	rddreg [dreg:$0x0]  }
0x2: {  	s1 =	rddreg [dreg:$0x1]  }
0x3: {  	s7 =	rddreg [dreg:$0x3];
	s2 =	srdreg.scid  }
0x4: {  	s11 =	stileid.u32;
	s6 =	simm.s32 $0x0;
	s18 =	simm.s32 $0x2  }
0x5: {  	s19 =	simm.s32 $0x480;
	s29 =	simm.s32 $0x12900;
	s30 =	simm.s32 $0x13100  }
0x6: {  	s31 =	simm.s32 $0x13900;
	s17 =	simm.s32 $0x15100;
	s20 =	simm.s32 $0x15900  }
0x7: {  	s2 =	sand.u32 $0x1, s2;
	s3 =	sshrl.u32 s11, $0x2;
	s12 =	sand.u32 $0x3, s11  }
0x8: {  	[smem:$0x7FF] =	sst s6;
	s10 =	sadd.s32 $0x1600, s1;
	p0 =	sne.s32 s11, $0x0  }
0x9: {  	s23 =	sshll.u32 s11, $0x7;
	p5 =	sgt.u32 s11, $0x1;
	p1 =	sgt.u32 s11, $0x2  }
0xa: {  	p2 =	sgt.u32 s11, $0x3;
	s4 =	sshll.u32 s2, $0xE;
	s5 =	sshll.u32 s3, $0xC  }
0xb: {  	s25 =	sshll.u32 s11, $0x1;
	s8 =	sshll.u32 s12, $0xA;
	s15 =	sor.u32 s4, s5  }
0xc: {  	s13 =	sadd.s32 $0x100, s0;
	s14 =	sadd.s32 $0x1700, s1;
	s9 =	sor.u32 s8, s15  }
0xd: {  	s2 =	ssub.s32 $0x2, s2;
	_ =	strace $0x80000047;
	s21 =	sshrl.u32 s9, $0x3  }
0xe: {  	v0 =	vlaneseq.u32;
	p3 =	seq.s32 s3, $0x0;
	s24 =	sadd.s32 s23, s7;
	s4 =	sadd.s32 s21, s1  }
0xf: {  	v1 =	vadd.s32 s25, v0;
	[dreg:$0x5] =	wrdreg s12;
	s25 =	simm.s32 $0xF900;
	s4 =	sadd.s32 $0x400, s4  }
0x10: {  	s7 =	simm.s32 $0x17100;
	[dreg:$0x7] =	wrdreg s4;
	s4 =	simm.s32 @!p0 $0x0  }
0x11: {  	s22 =	sshrl.u32 s2, $0x1;
	s4 =	simm.s32 @p0 $0x1;
	p0 =	por !p0, !p3  }
0x12: {  	[dreg:$0x8] =	wrdreg s24;
	p1 =	por !p1, !p3;
	p0 =	por !p0, !p0  }
0x13: {  	p6 =	por !p2, !p3;
	[smem:$0x7EF] =	sst s4;
	s4 =	simm.s32 @!p0 $0x0  }
0x14: {  	p2 =	sgt.u32 s11, $0x5;
	s4 =	simm.s32 @p0 $0x1;
	p0 =	por !p5, !p3  }
0x15: {  	s5 =	simm.s32 $0x0;
	[dreg:$0x6] =	wrdreg s15;
	p0 =	por !p0, !p0  }
0x16: {  	s2 =	ssub.s32 s2, s22;
	[smem:$0x7F0] =	sst s4;
	s4 =	simm.s32 @!p0 $0x0  }
0x17: {  	s26 =	sor.u32 s12, s15;
	s4 =	simm.s32 @p0 $0x1;
	p0 =	por !p1, !p1  }
0x18: {  	s22 =	simm.s32 $0x1;
	[smem:$0x7F1] =	sst s4;
	s4 =	simm.s32 @!p0 $0x0  }
0x19: {  	s15 =	simm.s32 $0x16900;
	[dreg:$0x9] =	wrdreg s26;
	s4 =	simm.s32 @p0 $0x1  }
0x1a: {  	s28 =	smax.u32 s2, $0x1;
	[smem:$0x7F2] =	sst s4;
	s4 =	simm.s32 @!p3 $0x0  }
0x1b: {  	vm0 =	vcmask $0x300;
	vm1 =	vcmask $0x704;
	vm2 =	vmmov $0x1;
	p1 =	sgt.u32 s11, $0x4;
	p0 =	por !p6, !p6;
	s4 =	simm.s32 @p3 $0x1  }
0x1c: {  	vm3 =	vcmask $0x308;
	vm4 =	vcmask $0x2320;
	v3 =	vimm.s32 $0x0;
	p6 =	seq.s32 s3, $0x1;
	[smem:$0x7F3] =	sst s4;
	s4 =	simm.s32 @!p0 $0x0  }
0x1d: {  	v2 =	vor.u32 $0x10, v0;
	v15 =	vor.u32 $0xE0, v0;
	v16 =	vor.u32 $0xF0, v0;
	s26 =	simm.s32 $0x10100;
	s4 =	simm.s32 @p0 $0x1;
	p0 =	por !p1, !p6  }
0x1e: {  	v17 =	vor.u32 $0x100, v0;
	v18 =	vor.u32 $0x110, v0;
	v19 =	vor.u32 $0x120, v0;
	s2 =	simm.s32 $0x14100;
	[dreg:$0xa] =	wrdreg s28;
	p0 =	por !p0, !p0  }
0x1f: {  	v20 =	vor.u32 $0x130, v0;
	v21 =	vor.u32 $0x140, v0;
	v22 =	vor.u32 $0x150, v0;
	p4 =	por !p2, !p6;
	[smem:$0x7F4] =	sst s4;
	s4 =	simm.s32 @!p0 $0x0  }
0x20: {  	v23 =	vor.u32 $0x160, v0;
	v24 =	vor.u32 $0x170, v0;
	v25 =	vor.u32 $0x180, v0;
	p3 =	sgt.u32 s11, $0x6;
	s4 =	simm.s32 @p0 $0x1;
	p0 =	por !p4, !p4  }
0x21: {  	v26 =	vor.u32 $0x190, v0;
	v27 =	vor.u32 $0x1A0, v0;
	v28 =	vor.u32 $0x1B0, v0;
	p5 =	por !p3, !p6;
	[smem:$0x7F5] =	sst s4;
	s4 =	simm.s32 @!p0 $0x0  }
0x22: {  	v29 =	vor.u32 $0x1C0, v0;
	v30 =	vor.u32 $0x1D0, v0;
	v31 =	vor.u32 $0x1E0, v0;
	p2 =	sgt.u32 s11, $0x8;
	s4 =	simm.s32 @p0 $0x1;
	p0 =	por !p5, !p5  }
0x23: {  	v32 =	vor.u32 $0x1F0, v0;
	v33 =	vor.u32 $0x200, v0;
	v34 =	vor.u32 $0x210, v0;
	p1 =	sgt.u32 s11, $0x7;
	[smem:$0x7F6] =	sst s4;
	s4 =	simm.s32 @!p0 $0x0  }
0x24: {  	v35 =	vor.u32 $0x220, v0;
	v36 =	vor.u32 $0x230, v0;
	v37 =	vor.u32 $0x240, v0;
	p3 =	seq.s32 s3, $0x2;
	s4 =	simm.s32 @p0 $0x1;
	p0 =	por !p1, !p6  }
0x25: {  	v38 =	vor.u32 $0x250, v0;
	v39 =	vor.u32 $0x260, v0;
	v40 =	vor.u32 $0x270, v0;
	s1 =	simm.s32 $0x1D980;
	p4 =	por !p2, !p3;
	p0 =	por !p0, !p0  }
0x26: {  	v41 =	vor.u32 $0x280, v0;
	v42 =	vor.u32 $0x290, v0;
	[tilespmem:$0x1FF30] =	vst v2;
	v2 =	vor.u32 $0x20, v0;
	p2 =	sgt.u32 s11, $0xA;
	[smem:$0x7F7] =	sst s4;
	s4 =	simm.s32 @!p0 $0x0  }
0x27: {  	v43 =	vor.u32 $0x2A0, v0;
	v44 =	vor.u32 $0x2B0, v0;
	[tilespmem:$0x1FF40] =	vst v2;
	v2 =	vor.u32 $0x30, v0;
	p5 =	sgt.u32 s11, $0x9;
	s4 =	simm.s32 @p0 $0x1;
	p0 =	por !p4, !p4  }
0x28: {  	v45 =	vor.u32 $0x2C0, v0;
	v46 =	vor.u32 $0x2D0, v0;
	[tilespmem:$0x1FF50] =	vst v2;
	v2 =	vor.u32 $0x40, v0;
	p1 =	por !p5, !p3;
	[smem:$0x7F8] =	sst s4;
	s4 =	simm.s32 @!p0 $0x0  }
0x29: {  	v47 =	vor.u32 $0x2E0, v0;
	v48 =	vor.u32 $0x2F0, v0;
	[tilespmem:$0x1FF60] =	vst v2;
	v2 =	vor.u32 $0x50, v0;
	p5 =	sgt.u32 s11, $0xB;
	s4 =	simm.s32 @p0 $0x1;
	p0 =	por !p1, !p1  }
0x2a: {  	v49 =	vor.u32 $0x300, v0;
	v50 =	vor.u32 $0x310, v0;
	[tilespmem:$0x1FF70] =	vst v2;
	v2 =	vor.u32 $0x60, v0;
	p4 =	por !p2, !p3;
	[smem:$0x7F9] =	sst s4;
	s4 =	simm.s32 @!p0 $0x0  }
0x2b: {  	v51 =	vor.u32 $0x320, v0;
	v52 =	vor.u32 $0x330, v0;
	[tilespmem:$0x1FF80] =	vst v2;
	v2 =	vor.u32 $0x70, v0;
	p2 =	seq.s32 s3, $0x3;
	s4 =	simm.s32 @p0 $0x1;
	p0 =	por !p4, !p4  }
0x2c: {  	v53 =	vor.u32 $0x340, v0;
	v54 =	vor.u32 $0x350, v0;
	[tilespmem:$0x1FF90] =	vst v2;
	v2 =	vor.u32 $0x80, v0;
	p1 =	por !p5, !p3;
	[smem:$0x7FA] =	sst s4;
	s4 =	simm.s32 @!p0 $0x0  }
0x2d: {  	v55 =	vor.u32 $0x360, v0;
	v56 =	vor.u32 $0x370, v0;
	[tilespmem:$0x1FFA0] =	vst v2;
	v2 =	vor.u32 $0x90, v0;
	p4 =	sgt.u32 s11, $0xC;
	s4 =	simm.s32 @p0 $0x1;
	p0 =	por !p1, !p1  }
.Ltmp0:
0x2e: {  	v57 =	vor.u32 $0x380, v0;
	v58 =	vor.u32 $0x390, v0;
	[tilespmem:$0x1FFB0] =	vst v2;
	v2 =	vor.u32 $0xA0, v0;
	p4 =	por !p4, !p2;
	s3 =	simm.s32 @!p0 $0x0;
	(pc) =	sbr.rel .LBB2_1-.Ltmp0, $4  }
0x2f: {  	v59 =	vor.u32 $0x3A0, v0;
	v60 =	vor.u32 $0x3B0, v0;
	s21 =	simm.s32 $0x16100;
	[tilespmem:$0x1FFC0] =	vst v2;
	v2 =	vor.u32 $0xB0, v0;
	s3 =	simm.s32 @p0 $0x1;
	p0 =	por !p4, !p4  }
0x30: {  	v61 =	vor.u32 $0x3C0, v0;
	v62 =	vor.u32 $0x3D0, v0;
	[tilespmem:$0x1FFD0] =	vst v2;
	v2 =	vor.u32 $0xC0, v0;
	p5 =	sgt.u32 s11, $0xD;
	[smem:$0x7FC] =	sst s3;
	s3 =	simm.s32 @!p0 $0x0  }
0x31: {  	v63 =	vor.u32 $0x3E0, v0;
	v1 =	vand.u32 $0x7, v1;
	[tilespmem:$0x1FFE0] =	vst v2;
	v2 =	vor.u32 $0xD0, v0;
	p5 =	por !p5, !p2;
	[smem:$0x7FB] =	sst s4;
	s3 =	simm.s32 @p0 $0x1  }
0x32: {  	vm4 =	vmor vm0, vm4;
	v1 =	vor.u32 $0x8000, v1;
	[tilespmem:$0x1FFF0] =	vst v2;
	v2 =	vor.u32 $0x3F0, v0;
	p0 =	por !p5, !p5;
	[smem:$0x7FD] =	sst s3;
	s3 =	simm.s32 $0x14900  }
.LBB2_13:
0x33: {  	s5 =	rddreg [dreg:$0xb]  }
0x34: {  	s4 =	rddreg [dreg:$0xa];
	s5 =	sadd.s32 $0x1, s5  }
0x35: {  	p1 =	sne.s32 s5, s4  }
.Ltmp1:
0x36: {  	_ = 	snop;
	(pc) =	sbr.rel @!p1 .LBB2_14-.Ltmp1, $4  }
0x37: {  	s29 =	simm.s32 $0x12900;
	s30 =	simm.s32 $0x13100;
	s31 =	simm.s32 $0x13900  }
0x38: {  	s2 =	simm.s32 $0x14100;
	s3 =	simm.s32 $0x14900;
	s17 =	simm.s32 $0x15100  }
0x39: {  	s20 =	simm.s32 $0x15900;
	s21 =	simm.s32 $0x16100;
	s15 =	simm.s32 $0x16900  }
0x3a: {  	s7 =	simm.s32 $0x17100;
	s22 =	simm.s32 $0x1;
	s18 =	simm.s32 $0x2  }
.LBB2_1:
0x3b: {  	[dreg:$0xb] =	wrdreg s5  }
0x3c: {  	s4 =	rddreg [dreg:$0x2];
	s12 =	simm.s32 $0x1E280  }
0x3d: {  	[tilespmem:s12], [sflag:$0x2] =	stream.linear.gather [hbm4b:s4+s6], $0x200, $0x38;
	[tilespmem:$0x1E490] =	vst v63  }
0x3e: {  	_ =	swait.ge [sflag:s18], $0x200  }
0x3f: {  	[sflag:s18] =	ssyncset.done $0x0  }
0x40: {  	s16 =	rddreg [dreg:$0x7];
	[sflag:s18] =	ssyncadd.s32 $0xFFFFFE00  }
0x41: {  	[tilespmem:s6], [sflag:$0x2] =	stream.linear.gather [hbm4b:s16+s6], $0x410, $0x38;
	[tilespmem:$0x1E490] =	vst v63  }
0x42: {  	_ =	swait.ge [sflag:s18], $0x410  }
0x43: {  	v4 =	vld [tilespmem:$0x1FF30];
	_ =	sdelay $0x2  }
0x44: {  	[sflag:s18] =	ssyncset.done $0x0  }
0x45: {  	[sflag:s18] =	ssyncadd.s32 $0xFFFFFBF0  }
0x46: {  	[tilespmem:$0x490] =	vst v4;
	v4 =	vld [tilespmem:$0x1FF40]  }
0x47: {  	[tilespmem:$0x480] =	vst v0  }
0x48: {  	[tilespmem:$0x560] =	vst v15  }
0x49: {  	[tilespmem:$0x570] =	vst v16  }
0x4a: {  	[tilespmem:$0x580] =	vst v17  }
0x4b: {  	[tilespmem:$0x4A0] =	vst v4;
	v4 =	vld [tilespmem:$0x1FF50]  }
0x4c: {  	[tilespmem:$0x590] =	vst v18  }
0x4d: {  	[tilespmem:$0x5A0] =	vst v19  }
0x4e: {  	[tilespmem:$0x5B0] =	vst v20  }
0x4f: {  	[tilespmem:$0x5C0] =	vst v21  }
0x50: {  	[tilespmem:$0x4B0] =	vst v4;
	v4 =	vld [tilespmem:$0x1FF60]  }
0x51: {  	[tilespmem:$0x5D0] =	vst v22  }
0x52: {  	[tilespmem:$0x5E0] =	vst v23  }
0x53: {  	[tilespmem:$0x5F0] =	vst v24  }
0x54: {  	[tilespmem:$0x600] =	vst v25  }
0x55: {  	[tilespmem:$0x4C0] =	vst v4;
	v4 =	vld [tilespmem:$0x1FF70]  }
0x56: {  	[tilespmem:$0x610] =	vst v26  }
0x57: {  	[tilespmem:$0x620] =	vst v27  }
0x58: {  	[tilespmem:$0x630] =	vst v28  }
0x59: {  	[tilespmem:$0x640] =	vst v29  }
0x5a: {  	[tilespmem:$0x4D0] =	vst v4;
	v4 =	vld [tilespmem:$0x1FF80]  }
0x5b: {  	[tilespmem:$0x650] =	vst v30  }
0x5c: {  	[tilespmem:$0x660] =	vst v31  }
0x5d: {  	[tilespmem:$0x670] =	vst v32  }
0x5e: {  	[tilespmem:$0x680] =	vst v33  }
0x5f: {  	[tilespmem:$0x4E0] =	vst v4;
	v4 =	vld [tilespmem:$0x1FF90]  }
0x60: {  	[tilespmem:$0x690] =	vst v34  }
0x61: {  	[tilespmem:$0x6A0] =	vst v35  }
0x62: {  	[tilespmem:$0x6B0] =	vst v36  }
0x63: {  	[tilespmem:$0x6C0] =	vst v37  }
0x64: {  	[tilespmem:$0x4F0] =	vst v4;
	v4 =	vld [tilespmem:$0x1FFA0]  }
0x65: {  	[tilespmem:$0x6D0] =	vst v38  }
0x66: {  	[tilespmem:$0x6E0] =	vst v39  }
0x67: {  	[tilespmem:$0x6F0] =	vst v40  }
0x68: {  	[tilespmem:$0x700] =	vst v41  }
0x69: {  	[tilespmem:$0x500] =	vst v4;
	v4 =	vld [tilespmem:$0x1FFB0]  }
0x6a: {  	[tilespmem:$0x710] =	vst v42  }
0x6b: {  	[tilespmem:$0x720] =	vst v43  }
0x6c: {  	[tilespmem:$0x730] =	vst v44  }
0x6d: {  	[tilespmem:$0x740] =	vst v45  }
0x6e: {  	[tilespmem:$0x510] =	vst v4;
	v4 =	vld [tilespmem:$0x1FFC0]  }
0x6f: {  	[tilespmem:$0x750] =	vst v46  }
0x70: {  	[tilespmem:$0x760] =	vst v47  }
0x71: {  	[tilespmem:$0x770] =	vst v48  }
0x72: {  	[tilespmem:$0x780] =	vst v49  }
0x73: {  	[tilespmem:$0x520] =	vst v4;
	v4 =	vld [tilespmem:$0x1FFD0]  }
0x74: {  	[tilespmem:$0x790] =	vst v50  }
0x75: {  	[tilespmem:$0x7A0] =	vst v51  }
0x76: {  	[tilespmem:$0x7B0] =	vst v52  }
0x77: {  	[tilespmem:$0x7C0] =	vst v53  }
0x78: {  	[tilespmem:$0x530] =	vst v4;
	v4 =	vld [tilespmem:$0x1FFE0]  }
0x79: {  	[tilespmem:$0x7D0] =	vst v54  }
0x7a: {  	[tilespmem:$0x7E0] =	vst v55  }
0x7b: {  	[tilespmem:$0x7F0] =	vst v56  }
0x7c: {  	[tilespmem:$0x800] =	vst v57  }
0x7d: {  	[tilespmem:$0x540] =	vst v4;
	v4 =	vld [tilespmem:$0x1FFF0]  }
0x7e: {  	[tilespmem:$0x810] =	vst v58  }
0x7f: {  	[tilespmem:$0x820] =	vst v59  }
0x80: {  	[tilespmem:$0x830] =	vst v60  }
0x81: {  	s23 =	simm.s32 $0x1;
	[tilespmem:$0x840] =	vst v61  }
0x82: {  	[tilespmem:$0x550] =	vst v4;
	v4 =	vadd.s32 s23, v0  }
0x83: {  	[tilespmem:$0x850] =	vst v62  }
0x84: {  	[tilespmem:$0x860] =	vst v63  }
0x85: {  	v5 =	vor.u32 $0x400, v0;
	[tilespmem:$0x870] =	vst v2  }
0x86: {  	[tilespmem:$0x880] =	vst v5  }
0x87: {  	v5 =	vld.idx.msk [tilespmem:v4+s6+$0x0], $0xffff;
	_ =	sdelay $0x1  }
0x88: {  	v4 =	vmul.u32 $0xFFFFFFFF, v0  }
0x89: {  	s24 =	sadd.s32 $0x0, s8  }
0x8a: {  	v6 =	vmov s24;
	v4 =	vadd.s32 $0xFFF, v4  }
0x8b: {  	s28 =	sadd.s32 $0x0, s9;
	vm6 =	veq.s32 v6, v4;
	vm5 =	vne.s32 v5, $0x0  }
0x8c: {  	v5 =	vor.u32 s28, v0;
	vm5 =	vmor vm6, vm5  }
0x8d: {  	v6 =	vxor.u32 $0x80000000, v5;
	v7 =	vsel vm5, $0x1, v3  }
0x8e: {  	v6 =	vnsel vm5, $0x7FFFFFFF, v6;
	(xrf0) =	vadd.scan.msk.s32 $0xffff, v7  }
0x8f: {  	(xrf0) =	vmax.scan.msk.u32 $0xffff, v6;
	_ =	sdelay $0x1  }
0x90: {  	s5 =	simm.s32 $0x10  }
0x91: {  	s11 =	simm.s32 $0x20;
	s12 =	simm.s32 $0xFFFFFFFF;
	s4 =	simm.s32 $0x1  }
.LBB2_2:
0x92: {  	s16 =	smov.u32 s12  }
0x93: {  	p1 =	sne.s32 s11, $0x3F0;
	v6, _, _ =	vpop (xrf0)  }
0x94: {  	s12 =	sadd.s32 $0x1, s5;
	v7 =	vadd.s32 s4, v6;
	(v2sf) =	vpush v6, $0xF;
	v6, _, _ =	vpop (xrf0)  }
0x95: {  	v8 =	vadd.s32 s12, v0;
	(v2sf) =	vpush v6, $0xF;
	_ =	sdelay $0x3  }
0x96: {  	[tilespmem:v7+s19+$0x0] =	vst.idx.msk vm5, v5  }
0x97: {  	v5 =	vld.idx.msk [tilespmem:v8+s6+$0x0], $0xffff;
	_ =	sdelay $0x3  }
0x98: {  	s12 =	sadd.s32 s5, s8  }
0x99: {  	v6 =	vmov s12;
	s12 =	sadd.s32 s5, s9;
	s5 =	smov.u32 s11  }
0x9a: {  	vm6 =	veq.s32 v6, v4;
	vm5 =	vne.s32 v5, $0x0;
	v5 =	vor.u32 s12, v0  }
0x9b: {  	vm5 =	vmor vm6, vm5;
	v6 =	vxor.u32 $0x80000000, v5  }
0x9c: {  	v7 =	vsel vm5, $0x1, v3;
	v6 =	vnsel vm5, $0x7FFFFFFF, v6  }
0x9d: {  	(xrf0) =	vadd.scan.msk.s32 $0xffff, v7;
	s12 =	spop (v2sf)  }
.Ltmp2:
0x9e: {  	(xrf0) =	vmax.scan.msk.u32 $0xffff, v6;
	s4 =	sadd.s32 s4, s12;
	s12 =	spop (v2sf);
	(pc) =	sbr.rel @p1 .LBB2_2-.Ltmp2, $4  }
0x9f: {  	s12 =	sxor.u32 $0x80000000, s12  }
0xa0: {  	p4 =	sgt.s32 s16, s12  }
0xa1: {  	s12 =	smov.u32 @p4 s16  }
0xa2: {  	s11 =	sadd.s32 $0x10, s11  }
0xa3: {  	v6, _, _ =	vpop (xrf0)  }
0xa4: {  	s11 =	sadd.s32 $0x1, s5;
	v7 =	vadd.s32 s4, v6  }
0xa5: {  	v8 =	vadd.s32 s11, v0;
	_ =	sdelay $0x3  }
0xa6: {  	[tilespmem:v7+s19+$0x0] =	vst.idx.msk vm5, v5  }
0xa7: {  	v5 =	vld.idx.msk [tilespmem:v8+s6+$0x0], $0xffff;
	_ =	sdelay $0x2  }
0xa8: {  	s16 =	sadd.s32 s5, s8  }
0xa9: {  	v7 =	vmov s16  }
0xaa: {  	s23 =	sadd.s32 s5, s9;
	vm6 =	veq.s32 v7, v4;
	vm5 =	vne.s32 v5, $0x0  }
0xab: {  	v5 =	vor.u32 s23, v0;
	vm5 =	vmor vm6, vm5  }
0xac: {  	v4 =	vxor.u32 $0x80000000, v5;
	v7 =	vsel vm5, $0x1, v3  }
0xad: {  	v4 =	vnsel vm5, $0x7FFFFFFF, v4;
	(xrf0) =	vadd.scan.msk.s32 $0xffff, v7  }
0xae: {  	(xrf0) =	vmax.scan.msk.u32 $0xffff, v4;
	_ =	sdelay $0x3  }
0xaf: {  	(v2sf) =	vpush v6, $0xF;
	v4, _, _ =	vpop (xrf0)  }
0xb0: {  	(v2sf) =	vpush v4, $0xF;
	v4, _, _ =	vpop (xrf0)  }
0xb1: {  	(v2sf) =	vpush v4, $0xF;
	v6, _, _ =	vpop (xrf0)  }
0xb2: {  	(v2sf) =	vpush v6, $0xF;
	_ =	sdelay $0xb  }
0xb3: {  	s24 =	spop (v2sf)  }
0xb4: {  	s11 =	sadd.s32 s4, s24;
	s16 =	spop (v2sf)  }
0xb5: {  	v6 =	vadd.s32 s11, v4;
	s5 =	sxor.u32 $0x80000000, s16;
	s23 =	spop (v2sf)  }
0xb6: {  	p1 =	sgt.s32 s12, s5;
	s4 =	sadd.s32 s11, s23;
	s24 =	spop (v2sf)  }
0xb7: {  	s5 =	smov.u32 @p1 s12;
	s11 =	sxor.u32 $0x80000000, s24;
	s16 =	sadd.s32 $0xFFFFFFFF, s4  }
0xb8: {  	p1 =	sgt.s32 s5, s11;
	v4 =	vmov s16  }
0xb9: {  	s11 =	smov.u32 @p1 s5;
	v7 =	vnsel vm0, $0x0, v4  }
0xba: {  	[tilespmem:v6+s19+$0x0] =	vst.idx.msk vm5, v5;
	v5 =	vsel vm1, s11, v7  }
0xbb: {  	s23 =	rddreg [dreg:$0x8];
	s24 =	simm.s32 $0x1DA00;
	[tilespmem:$0x1DA00] =	vst v5  }
0xbc: {  	[spmem:s23] =	stream.linear.scatter [tilespmem:s24], [sflag:$0x2], $0x80, $0x38;
	[tilespmem:$0x1E490] =	vst v63  }
0xbd: {  	_ =	swait.ge [sflag:s18], $0x80  }
0xbe: {  	[sflag:s18] =	ssyncset.done $0x0  }
0xbf: {  	[sflag:s18] =	ssyncadd.s32 $0xFFFFFF80  }
0xc0: {  	[bflag:$0x0] =	sbarrier.arrive $0xFFFF  }
0xc1: {  	s16 =	simm.s32 $0x1DA80;
	s12 =	rddreg [dreg:$0x3]  }
0xc2: {  	[tilespmem:s16], [sflag:$0x2] =	stream.linear.gather [spmem:s12], $0x800, $0x38;
	[tilespmem:$0x1E490] =	vst v63  }
0xc3: {  	_ =	swait.ge [sflag:s18], $0x800  }
0xc4: {  	[sflag:s18] =	ssyncset.done $0x0  }
0xc5: {  	[sflag:s18] =	ssyncadd.s32 $0xFFFFF800  }
0xc6: {  	v5 =	vld [tilespmem:$0x1DA80];
	_ =	sdelay $0x1  }
0xc7: {  	v6 =	vld [tilespmem:$0x1DB00];
	_ =	sdelay $0x1  }
0xc8: {  	v7 =	vld [tilespmem:$0x1DB80]  }
0xc9: {  	v8 =	vnsel vm2, $0x0, v5  }
0xca: {  	v5 =	vsel vm3, $0x0, v5;
	(xrf0) =	vadd.scan.msk.s32 $0xffff, v8;
	v8 =	vld [tilespmem:$0x1DC00]  }
0xcb: {  	(xrf0) =	vadd.scan.msk.s32 $0xffff, v5;
	v5 =	vnsel vm2, $0x0, v6  }
0xcc: {  	(xrf0) =	vadd.scan.msk.s32 $0xffff, v5;
	v5 =	vsel vm3, $0x0, v6;
	v6 =	vld [tilespmem:$0x1DC80]  }
0xcd: {  	(xrf0) =	vadd.scan.msk.s32 $0xffff, v5;
	v5 =	vnsel vm2, $0x0, v7  }
0xce: {  	(xrf0) =	vadd.scan.msk.s32 $0xffff, v5;
	v5 =	vsel vm3, $0x0, v7;
	v7 =	vld [tilespmem:$0x1DD00]  }
0xcf: {  	(xrf0) =	vadd.scan.msk.s32 $0xffff, v5;
	v5 =	vnsel vm2, $0x0, v8  }
0xd0: {  	v9, _, _ =	vpop (xrf0);
	(xrf0) =	vadd.scan.msk.s32 $0xffff, v5;
	v5 =	vsel vm3, $0x0, v8;
	v8 =	vld [tilespmem:$0x1DD80]  }
0xd1: {  	(v2sf) =	vpush v9, $0xF;
	v9, _, _ =	vpop (xrf0);
	(xrf0) =	vadd.scan.msk.s32 $0xffff, v5;
	v5 =	vnsel vm2, $0x0, v6  }
0xd2: {  	(v2sf) =	vpush v9, $0xF;
	v9, _, _ =	vpop (xrf0);
	(xrf0) =	vadd.scan.msk.s32 $0xffff, v5;
	v5 =	vsel vm3, $0x0, v6;
	v6 =	vld [tilespmem:$0x1DE00]  }
0xd3: {  	(v2sf) =	vpush v9, $0xF;
	v9, _, _ =	vpop (xrf0);
	(xrf0) =	vadd.scan.msk.s32 $0xffff, v5;
	v5 =	vnsel vm2, $0x0, v7  }
0xd4: {  	(v2sf) =	vpush v9, $0xF;
	v9, _, _ =	vpop (xrf0);
	(xrf0) =	vadd.scan.msk.s32 $0xffff, v5;
	v5 =	vsel vm3, $0x0, v7  }
0xd5: {  	(v2sf) =	vpush v9, $0xF;
	v7, _, _ =	vpop (xrf0);
	(xrf0) =	vadd.scan.msk.s32 $0xffff, v5;
	v5 =	vnsel vm2, $0x0, v8  }
0xd6: {  	(v2sf) =	vpush v7, $0xF;
	v7, _, _ =	vpop (xrf0);
	(xrf0) =	vadd.scan.msk.s32 $0xffff, v5;
	v5 =	vsel vm3, $0x0, v8  }
0xd7: {  	(v2sf) =	vpush v7, $0xF;
	v7, _, _ =	vpop (xrf0);
	(xrf0) =	vadd.scan.msk.s32 $0xffff, v5;
	v5 =	vnsel vm2, $0x0, v6;
	_ =	sdelay $0x1  }
0xd8: {  	(v2sf) =	vpush v7, $0xF;
	v7, _, _ =	vpop (xrf0)  }
0xd9: {  	(xrf0) =	vadd.scan.msk.s32 $0xffff, v5;
	(v2sf) =	vpush v7, $0xF;
	v5, _, _ =	vpop (xrf0)  }
0xda: {  	(v2sf) =	vpush v5, $0xF;
	v5, _, _ =	vpop (xrf0)  }
0xdb: {  	(v2sf) =	vpush v5, $0xF;
	v5, _, _ =	vpop (xrf0)  }
0xdc: {  	(v2sf) =	vpush v5, $0xF;
	v5, _, _ =	vpop (xrf0)  }
0xdd: {  	v9 =	vld [tilespmem:$0x1DE80];
	(v2sf) =	vpush v5, $0xF;
	_ =	sdelay $0x2  }
0xde: {  	s23 =	spop (v2sf)  }
0xdf: {  	v6 =	vsel vm3, $0x0, v6;
	s24 =	spop (v2sf)  }
0xe0: {  	v8 =	vld [tilespmem:$0x1DF00];
	(xrf0) =	vadd.scan.msk.s32 $0xffff, v6;
	v6 =	vnsel vm2, $0x0, v9;
	s16 =	spop (v2sf)  }
0xe1: {  	(xrf0) =	vadd.scan.msk.s32 $0xffff, v6;
	v5, _, _ =	vpop (xrf0);
	s11 =	spop (v2sf)  }
0xe2: {  	(v2sf) =	vpush v5, $0xF;
	v5, _, _ =	vpop (xrf0);
	[dreg:$0xc] =	wrdreg s23;
	s18 =	spop (v2sf)  }
0xe3: {  	(v2sf) =	vpush v5, $0xF;
	s23 =	sshra.s32 s24, $0x1F;
	[dreg:$0xd] =	wrdreg s16;
	s12 =	spop (v2sf)  }
0xe4: {  	v6 =	vsel vm3, $0x0, v9;
	s5 =	sor.u32 s23, s24;
	s23 =	sld [smem:$0x7F0];
	s16 =	spop (v2sf)  }
0xe5: {  	(xrf0) =	vadd.scan.msk.s32 $0xffff, v6;
	v6 =	vnsel vm2, $0x0, v8;
	[dreg:$0xf] =	wrdreg s16;
	s16 =	spop (v2sf)  }
0xe6: {  	(xrf0) =	vadd.scan.msk.s32 $0xffff, v6;
	v5, _, _ =	vpop (xrf0);
	s24 =	spop (v2sf)  }
0xe7: {  	(v2sf) =	vpush v5, $0xF;
	v5, _, _ =	vpop (xrf0);
	[dreg:$0xe] =	wrdreg s18;
	s18 =	spop (v2sf)  }
0xe8: {  	v7 =	vld [tilespmem:$0x1DF80];
	(v2sf) =	vpush v5, $0xF;
	p1 =	seq.s32 s23, $0x1;
	s23 =	spop (v2sf)  }
0xe9: {  	[dreg:$0x11] =	wrdreg s23;
	s23 =	spop (v2sf)  }
0xea: {  	[dreg:$0x10] =	wrdreg s24;
	s24 =	spop (v2sf)  }
0xeb: {  	v5, _, _ =	vpop (xrf0);
	[dreg:$0x12] =	wrdreg s24  }
0xec: {  	v8 =	vsel vm3, $0x0, v8;
	(v2sf) =	vpush v5, $0xF;
	v5, _, _ =	vpop (xrf0);
	s24 =	sld [smem:$0x7F1]  }
0xed: {  	v6 =	vld [tilespmem:$0x1E000];
	(xrf0) =	vadd.scan.msk.s32 $0xffff, v8;
	v8 =	vnsel vm2, $0x0, v7;
	(v2sf) =	vpush v5, $0xF;
	s5 =	simm.s32 @!p1 $0xFFFFFFFF  }
0xee: {  	(xrf0) =	vadd.scan.msk.s32 $0xffff, v8;
	p1 =	sgt.s32 s5, s11  }
0xef: {  	s11 =	smov.u32 @p1 s5;
	p1 =	seq.s32 s24, $0x1;
	s24 =	sld [smem:$0x7F2]  }
0xf0: {  	v9 =	vld [tilespmem:$0x1E080]  }
0xf1: {  	v7 =	vsel vm3, $0x0, v7;
	s5 =	smov.u32 @p1 s11;
	s11 =	spop (v2sf)  }
0xf2: {  	(xrf0) =	vadd.scan.msk.s32 $0xffff, v7;
	v7 =	vnsel vm2, $0x0, v6;
	p1 =	seq.s32 s24, $0x1;
	s24 =	spop (v2sf)  }
0xf3: {  	(xrf0) =	vadd.scan.msk.s32 $0xffff, v7;
	v5, _, _ =	vpop (xrf0);
	[dreg:$0x13] =	wrdreg s24  }
0xf4: {  	v6 =	vsel vm3, $0x0, v6;
	(v2sf) =	vpush v5, $0xF;
	v5, _, _ =	vpop (xrf0);
	s12 =	simm.s32 @!p1 $0xFFFFFFFF;
	s24 =	sld [smem:$0x7F4]  }
0xf5: {  	(xrf0) =	vadd.scan.msk.s32 $0xffff, v6;
	v6 =	vnsel vm2, $0x0, v9;
	(v2sf) =	vpush v5, $0xF;
	p1 =	sgt.s32 s5, s12  }
0xf6: {  	s12 =	smov.u32 @p1 s5;
	s5 =	spop (v2sf)  }
0xf7: {  	p1 =	seq.s32 s24, $0x1;
	s24 =	spop (v2sf)  }
0xf8: {  	(xrf0) =	vadd.scan.msk.s32 $0xffff, v6;
	v6, _, _ =	vpop (xrf0);
	[dreg:$0x14] =	wrdreg s24  }
0xf9: {  	(v2sf) =	vpush v6, $0xF;
	v5, _, _ =	vpop (xrf0);
	s16 =	simm.s32 @!p1 $0xFFFFFFFF;
	s24 =	sld [smem:$0x7F5]  }
0xfa: {  	(v2sf) =	vpush v5, $0xF;
	p1 =	sgt.s32 s12, s16  }
0xfb: {  	s16 =	smov.u32 @p1 s12;
	s12 =	spop (v2sf)  }
0xfc: {  	p1 =	seq.s32 s24, $0x1;
	s24 =	spop (v2sf)  }
0xfd: {  	[dreg:$0x15] =	wrdreg s24  }
0xfe: {  	s24 =	sld [smem:$0x7F6]  }
0xff: {  	s18 =	simm.s32 @!p1 $0xFFFFFFFF  }
0x100: {  	p1 =	sgt.s32 s16, s18  }
0x101: {  	v5, _, _ =	vpop (xrf0);
	s18 =	smov.u32 @p1 s16;
	p1 =	seq.s32 s24, $0x1;
	s24 =	sld [smem:$0x7F7]  }
0x102: {  	(v2sf) =	vpush v5, $0xF;
	v5, _, _ =	vpop (xrf0);
	s23 =	simm.s32 @!p1 $0xFFFFFFFF  }
0x103: {  	(v2sf) =	vpush v5, $0xF;
	s16 =	spop (v2sf);
	p1 =	sgt.s32 s18, s23  }
0x104: {  	s23 =	smov.u32 @p1 s18;
	p1 =	seq.s32 s24, $0x1;
	s24 =	spop (v2sf)  }
0x105: {  	v7 =	vld [tilespmem:$0x1E100];
	[dreg:$0x16] =	wrdreg s24  }
0x106: {  	s24 =	sld [smem:$0x7F8]  }
0x107: {  	s11 =	simm.s32 @!p1 $0xFFFFFFFF  }
0x108: {  	v6 =	vsel vm3, $0x0, v9;
	s18 =	spop (v2sf);
	p1 =	sgt.s32 s23, s11  }
0x109: {  	v8 =	vld [tilespmem:$0x1E180];
	(xrf0) =	vadd.scan.msk.s32 $0xffff, v6;
	s11 =	smov.u32 @p1 s23;
	p1 =	seq.s32 s24, $0x1;
	s24 =	spop (v2sf)  }
0x10a: {  	v6 =	vnsel vm2, $0x0, v7;
	[dreg:$0x17] =	wrdreg s24  }
0x10b: {  	(xrf0) =	vadd.scan.msk.s32 $0xffff, v6;
	s24 =	sld [smem:$0x7F9]  }
0x10c: {  	s5 =	simm.s32 @!p1 $0xFFFFFFFF  }
0x10d: {  	v5 =	vsel vm3, $0x0, v7;
	p1 =	sgt.s32 s11, s5  }
0x10e: {  	(xrf0) =	vadd.scan.msk.s32 $0xffff, v5;
	v5 =	vnsel vm2, $0x0, v8;
	s5 =	smov.u32 @p1 s11;
	s11 =	sld [smem:$0x7FA];
	p1 =	seq.s32 s24, $0x1  }
0x10f: {  	v6, _, _ =	vpop (xrf0);
	s12 =	simm.s32 @!p1 $0xFFFFFFFF  }
0x110: {  	(xrf0) =	vadd.scan.msk.s32 $0xffff, v5;
	(v2sf) =	vpush v6, $0xF;
	v6 =	vsel vm3, $0x0, v8;
	p1 =	sgt.s32 s5, s12  }
0x111: {  	v5, _, _ =	vpop (xrf0);
	(xrf0) =	vadd.scan.msk.s32 $0xffff, v6;
	s23 =	spop (v2sf);
	s12 =	smov.u32 @p1 s5;
	p1 =	seq.s32 s11, $0x1  }
0x112: {  	s24 =	spop (v2sf);
	s5 =	sadd.s32 $0x6E, s4;
	s16 =	simm.s32 @!p1 $0xFFFFFFFF  }
0x113: {  	[dreg:$0x18] =	wrdreg s24;
	s24 =	sshra.s32 s5, $0x1F;
	p1 =	sgt.s32 s12, s16  }
0x114: {  	s16 =	smov.u32 @p1 s12;
	s12 =	smul.u32 $0x92492493, s24;
	s24 =	sld [smem:$0x7FB]  }
0x115: {  	(v2sf) =	vpush v5, $0xF;
	v5 =	vld [tilespmem:$0x1E200];
	v6, _, _ =	vpop (xrf0)  }
0x116: {  	(v2sf) =	vpush v6, $0xF;
	v6, _, _ =	vpop (xrf0)  }
0x117: {  	(v2sf) =	vpush v6, $0xF;
	v6, _, _ =	vpop (xrf0);
	p1 =	seq.s32 s24, $0x1  }
0x118: {  	(v2sf) =	vpush v6, $0xF;
	s18 =	simm.s32 @!p1 $0xFFFFFFFF  }
0x119: {  	p1 =	sgt.s32 s16, s18  }
0x11a: {  	v5 =	vnsel vm2, $0x0, v5;
	s18 =	smov.u32 @p1 s16;
	s16 =	sld [smem:$0x7FC]  }
0x11b: {  	(xrf0) =	vadd.scan.msk.s32 $0xffff, v5  }
0x11c: {  	s11 =	smulhi.u32 $0x92492493, s5  }
0x11d: {  	s4 =	ssub.s32 $0xFFFFFF92, s4;
	p1 =	seq.s32 s16, $0x1  }
0x11e: {  	s11 =	sadd.s32 s4, s11;
	s23 =	simm.s32 @!p1 $0xFFFFFFFF  }
0x11f: {  	s11 =	sadd.s32 s12, s11;
	p1 =	sgt.s32 s18, s23  }
0x120: {  	s11 =	sadd.s32 s5, s11;
	s23 =	smov.u32 @p1 s18;
	s18 =	sld [smem:$0x7FD]  }
0x121: {  	v5, _, _ =	vpop (xrf0);
	s12 =	sshrl.u32 s11, $0x1F;
	s11 =	sshra.s32 s11, $0x6  }
0x122: {  	s24 =	spop (v2sf);
	(v2sf) =	vpush v5, $0xF;
	s11 =	sadd.s32 s12, s11  }
0x123: {  	s12 =	smul.u32 $0xFFFFFF90, s11;
	p1 =	seq.s32 s18, $0x1  }
0x124: {  	s28 =	spop (v2sf);
	s24 =	simm.s32 @!p1 $0xFFFFFFFF  }
0x125: {  	p4 =	sne.s32 s12, s4;
	s16 =	spop (v2sf);
	p1 =	sgt.s32 s23, s24  }
0x126: {  	s16 =	simm.s32 @!p0 $0xFFFFFFFF;
	s18 =	spop (v2sf);
	s24 =	smov.u32 @p1 s23  }
0x127: {  	s4 =	spop (v2sf);
	s23 =	stileid.u32;
	p5 =	sgt.s32 s24, s16  }
0x128: {  	p1 =	seq.s32 s23, $0xF;
	s16 =	smov.u32 @p5 s24;
	p5 =	slt.s32 s5, $0x1  }
0x129: {  	s4 =	simm.s32 @!p1 $0xFFFFFFFF;
	p4 =	por !p5, !p4  }
0x12a: {  	s5 =	simm.s32 $0x1;
	p5 =	sgt.s32 s16, s4;
	p4 =	por !p4, !p4  }
0x12b: {  	s4 =	smov.u32 @p5 s16;
	s5 =	simm.s32 @!p4 $0x0  }
0x12c: {  	p4 =	sgt.s32 s4, $0x0;
	s12 =	smov.u32 s4;
	s11 =	ssub.s32 s11, s5  }
0x12d: {  	s12 =	simm.s32 @!p4 $0x0;
	p4 =	slt.s32 s11, $0x1  }
.Ltmp3:
0x12e: {  	_ = 	snop;
	(pc) =	sbr.rel @p4 .LBB2_8-.Ltmp3, $4  }
0x12f: {  	_ = 	snop  }
0x130: {  	[dreg:$0x19] =	wrdreg s28  }
0x131: {  	[dreg:$0x1a] =	wrdreg s18;
	s24 =	spop (v2sf);
	v5 =	vmov s12  }
0x132: {  	s28 =	simm.s32 $0x12100;
	[dreg:$0x1b] =	wrdreg s24;
	[tilespmem:v3+s19+$0x0] =	vst.idx.msk $0x1, v5  }
0x133: {  	s5 =	rddreg [dreg:$0xd]  }
0x134: {  	s12 =	rddreg [dreg:$0xe]  }
0x135: {  	s16 =	sld [smem:$0x7F1]  }
0x136: {  	s24 =	sld [smem:$0x7F2]  }
0x137: {  	s25 =	sld [smem:$0x7F4]  }
0x138: {  	s26 =	sld [smem:$0x7F5]  }
0x139: {  	s18 =	sld [smem:$0x7F6]  }
0x13a: {  	s23 =	sld [smem:$0x7F7]  }
0x13b: {  	p4 =	seq.s32 s16, $0x1;
	s16 =	rddreg [dreg:$0xf]  }
0x13c: {  	s5 =	simm.s32 @!p4 $0x0;
	p4 =	seq.s32 s24, $0x1;
	s24 =	sld [smem:$0x7F8]  }
0x13d: {  	s12 =	simm.s32 @!p4 $0x0;
	p4 =	seq.s32 s25, $0x1;
	s25 =	sld [smem:$0x7F9]  }
0x13e: {  	s5 =	sadd.s32 s12, s5;
	s12 =	rddreg [dreg:$0x10]  }
0x13f: {  	s16 =	simm.s32 @!p4 $0x0;
	p4 =	seq.s32 s26, $0x1;
	s26 =	sld [smem:$0x7FA]  }
0x140: {  	s5 =	sadd.s32 s16, s5;
	s16 =	rddreg [dreg:$0x11]  }
0x141: {  	s12 =	simm.s32 @!p4 $0x0;
	p4 =	seq.s32 s18, $0x1;
	s18 =	sld [smem:$0x7FB]  }
0x142: {  	s5 =	sadd.s32 s12, s5;
	s12 =	rddreg [dreg:$0x12]  }
0x143: {  	s16 =	simm.s32 @!p4 $0x0;
	p4 =	seq.s32 s23, $0x1;
	s23 =	sld [smem:$0x7FC]  }
0x144: {  	s5 =	sadd.s32 s16, s5;
	s12 =	simm.s32 @!p4 $0x0;
	s16 =	rddreg [dreg:$0x13]  }
0x145: {  	p4 =	seq.s32 s24, $0x1;
	s24 =	sld [smem:$0x7FD];
	s5 =	sadd.s32 s12, s5  }
0x146: {  	s16 =	simm.s32 @!p4 $0x0;
	s12 =	rddreg [dreg:$0x14];
	p4 =	seq.s32 s25, $0x1  }
0x147: {  	s25 =	sld [smem:$0x7F0];
	s5 =	sadd.s32 s16, s5;
	s12 =	simm.s32 @!p4 $0x0  }
0x148: {  	s16 =	rddreg [dreg:$0x15];
	p4 =	seq.s32 s26, $0x1;
	s5 =	sadd.s32 s12, s5  }
0x149: {  	s16 =	simm.s32 @!p4 $0x0;
	s12 =	rddreg [dreg:$0x16];
	p4 =	seq.s32 s18, $0x1  }
0x14a: {  	s18 =	rddreg [dreg:$0xc];
	s5 =	sadd.s32 s16, s5;
	s12 =	simm.s32 @!p4 $0x0  }
0x14b: {  	s16 =	rddreg [dreg:$0x17];
	p4 =	seq.s32 s23, $0x1;
	s5 =	sadd.s32 s12, s5  }
0x14c: {  	s16 =	simm.s32 @!p4 $0x0;
	s12 =	rddreg [dreg:$0x18];
	p4 =	seq.s32 s24, $0x1  }
0x14d: {  	s5 =	sadd.s32 s16, s5;
	s12 =	simm.s32 @!p4 $0x0;
	s16 =	rddreg [dreg:$0x19]  }
0x14e: {  	s5 =	sadd.s32 s12, s5;
	s12 =	rddreg [dreg:$0x1a]  }
0x14f: {  	s16 =	simm.s32 @!p0 $0x0;
	s12 =	simm.s32 @!p1 $0x0;
	p1 =	seq.s32 s25, $0x1  }
0x150: {  	s26 =	rddreg [dreg:$0x6];
	s5 =	sadd.s32 s16, s5;
	s18 =	simm.s32 @!p1 $0x0  }
0x151: {  	s5 =	sadd.s32 s12, s5;
	s12 =	sadd.s32 s26, s18  }
0x152: {  	s5 =	sadd.s32 s5, s12  }
0x153: {  	s12 =	simm.s32 $0x0;
	v5 =	vmov s5  }
.LBB2_5:
0x154: {  	s5 =	smul.u32 $0x70, s12;
	_ =	sdelay $0x1  }
0x155: {  	v6 =	vld [tilespmem:s5+$0x480];
	_ =	sdelay $0x4  }
0x156: {  	v7 =	vshll.u32 v6, $0x2  }
0x157: {  	v6 =	vand.u32 $0x7, v6;
	v7 =	vand.u32 $0xFFFFFFE0, v7  }
0x158: {  	v9 =	vor.u32 v6, v7;
	v6 =	vand.u32 $0x7, v0;
	v7 =	vshrl.u32 v0, $0x3  }
0x159: {  	v8 =	vperm.xlane v9, v6;
	v7 =	vmul.u32 $0x8, v7;
	_ =	sdelay $0x1  }
0x15a: {  	v10 =	vadd.s32 v7, v8  }
0x15b: {  	v8 =	vor.u32 $0x8, v0  }
0x15c: {  	v9 =	vperm.xlane v9, v8;
	_ =	sdelay $0x1  }
0x15d: {  	vm5 =	vmmov $0xffff;
	s16 =	simm.s32 $0x900;
	v9 =	vadd.s32 v7, v9  }
0x15e: {  	[tilespmem:s16], [sflag:$0x1] =	stream.indirect_vreg.gather [hbm4b:s0+s6], $0x80, v10, vm5, $0xb8;
	[tilespmem:$0x1E490] =	vst v63  }
0x15f: {  	s26 =	simm.s32 $0x1100  }
0x160: {  	[tilespmem:s26], [sflag:$0x1] =	stream.indirect_vreg.gather [hbm4b:s13+s6], $0x80, v10, vm5, $0xb8;
	[tilespmem:$0x1E490] =	vst v63  }
0x161: {  	s18 =	simm.s32 $0x1900  }
0x162: {  	[tilespmem:s18], [sflag:$0x1] =	stream.indirect_vreg.gather [hbm4b:s0+s6], $0x80, v9, vm5, $0xb8;
	[tilespmem:$0x1E490] =	vst v63  }
0x163: {  	s23 =	simm.s32 $0x2100  }
0x164: {  	[tilespmem:s23], [sflag:$0x1] =	stream.indirect_vreg.gather [hbm4b:s13+s6], $0x80, v9, vm5, $0xb8;
	[tilespmem:$0x1E490] =	vst v63  }
0x165: {  	v9 =	vld [tilespmem:s5+$0x490];
	_ =	sdelay $0x4  }
0x166: {  	v10 =	vshll.u32 v9, $0x2  }
0x167: {  	v9 =	vand.u32 $0x7, v9;
	v10 =	vand.u32 $0xFFFFFFE0, v10  }
0x168: {  	v9 =	vor.u32 v9, v10  }
0x169: {  	v10 =	vperm.xlane v9, v6;
	_ =	sdelay $0x1  }
0x16a: {  	v10 =	vadd.s32 v7, v10;
	_ =	sdelay $0x1  }
0x16b: {  	v9 =	vperm.xlane v9, v8;
	_ =	sdelay $0x1  }
0x16c: {  	s24 =	simm.s32 $0x2900;
	v9 =	vadd.s32 v7, v9  }
0x16d: {  	[tilespmem:s24], [sflag:$0x1] =	stream.indirect_vreg.gather [hbm4b:s0+s6], $0x80, v10, vm5, $0xb8;
	[tilespmem:$0x1E490] =	vst v63  }
0x16e: {  	s25 =	simm.s32 $0x3100  }
0x16f: {  	[tilespmem:s25], [sflag:$0x1] =	stream.indirect_vreg.gather [hbm4b:s13+s6], $0x80, v10, vm5, $0xb8;
	[tilespmem:$0x1E490] =	vst v63  }
0x170: {  	s26 =	simm.s32 $0x3900  }
0x171: {  	[tilespmem:s26], [sflag:$0x1] =	stream.indirect_vreg.gather [hbm4b:s0+s6], $0x80, v9, vm5, $0xb8;
	[tilespmem:$0x1E490] =	vst v63  }
0x172: {  	s18 =	simm.s32 $0x4100  }
0x173: {  	[tilespmem:s18], [sflag:$0x1] =	stream.indirect_vreg.gather [hbm4b:s13+s6], $0x80, v9, vm5, $0xb8;
	[tilespmem:$0x1E490] =	vst v63  }
0x174: {  	v9 =	vld [tilespmem:s5+$0x4A0];
	_ =	sdelay $0x4  }
0x175: {  	v10 =	vshll.u32 v9, $0x2  }
0x176: {  	v9 =	vand.u32 $0x7, v9;
	v10 =	vand.u32 $0xFFFFFFE0, v10  }
0x177: {  	v9 =	vor.u32 v9, v10  }
0x178: {  	v10 =	vperm.xlane v9, v6;
	_ =	sdelay $0x1  }
0x179: {  	v10 =	vadd.s32 v7, v10;
	_ =	sdelay $0x1  }
0x17a: {  	v9 =	vperm.xlane v9, v8;
	_ =	sdelay $0x1  }
0x17b: {  	s23 =	simm.s32 $0x4900;
	v9 =	vadd.s32 v7, v9  }
0x17c: {  	[tilespmem:s23], [sflag:$0x1] =	stream.indirect_vreg.gather [hbm4b:s0+s6], $0x80, v10, vm5, $0xb8;
	[tilespmem:$0x1E490] =	vst v63  }
0x17d: {  	s24 =	simm.s32 $0x5100  }
0x17e: {  	[tilespmem:s24], [sflag:$0x1] =	stream.indirect_vreg.gather [hbm4b:s13+s6], $0x80, v10, vm5, $0xb8;
	[tilespmem:$0x1E490] =	vst v63  }
0x17f: {  	s25 =	simm.s32 $0x5900  }
0x180: {  	[tilespmem:s25], [sflag:$0x1] =	stream.indirect_vreg.gather [hbm4b:s0+s6], $0x80, v9, vm5, $0xb8;
	[tilespmem:$0x1E490] =	vst v63  }
0x181: {  	s26 =	simm.s32 $0x6100  }
0x182: {  	[tilespmem:s26], [sflag:$0x1] =	stream.indirect_vreg.gather [hbm4b:s13+s6], $0x80, v9, vm5, $0xb8;
	[tilespmem:$0x1E490] =	vst v63  }
0x183: {  	v9 =	vld [tilespmem:s5+$0x4B0];
	_ =	sdelay $0x4  }
0x184: {  	v10 =	vshll.u32 v9, $0x2  }
0x185: {  	v9 =	vand.u32 $0x7, v9;
	v10 =	vand.u32 $0xFFFFFFE0, v10  }
0x186: {  	v9 =	vor.u32 v9, v10  }
0x187: {  	v10 =	vperm.xlane v9, v6;
	_ =	sdelay $0x1  }
0x188: {  	v10 =	vadd.s32 v7, v10;
	_ =	sdelay $0x1  }
0x189: {  	v9 =	vperm.xlane v9, v8;
	_ =	sdelay $0x1  }
0x18a: {  	s18 =	simm.s32 $0x6900;
	v9 =	vadd.s32 v7, v9  }
0x18b: {  	[tilespmem:s18], [sflag:$0x1] =	stream.indirect_vreg.gather [hbm4b:s0+s6], $0x80, v10, vm5, $0xb8;
	[tilespmem:$0x1E490] =	vst v63  }
0x18c: {  	s23 =	simm.s32 $0x7100  }
0x18d: {  	[tilespmem:s23], [sflag:$0x1] =	stream.indirect_vreg.gather [hbm4b:s13+s6], $0x80, v10, vm5, $0xb8;
	[tilespmem:$0x1E490] =	vst v63  }
0x18e: {  	s24 =	simm.s32 $0x7900  }
0x18f: {  	[tilespmem:s24], [sflag:$0x1] =	stream.indirect_vreg.gather [hbm4b:s0+s6], $0x80, v9, vm5, $0xb8;
	[tilespmem:$0x1E490] =	vst v63  }
0x190: {  	s25 =	simm.s32 $0x8100  }
0x191: {  	[tilespmem:s25], [sflag:$0x1] =	stream.indirect_vreg.gather [hbm4b:s13+s6], $0x80, v9, vm5, $0xb8;
	[tilespmem:$0x1E490] =	vst v63  }
0x192: {  	v9 =	vld [tilespmem:s5+$0x4C0];
	_ =	sdelay $0x4  }
0x193: {  	v10 =	vshll.u32 v9, $0x2  }
0x194: {  	v9 =	vand.u32 $0x7, v9;
	v10 =	vand.u32 $0xFFFFFFE0, v10  }
0x195: {  	v9 =	vor.u32 v9, v10  }
0x196: {  	v10 =	vperm.xlane v9, v6;
	_ =	sdelay $0x1  }
0x197: {  	v10 =	vadd.s32 v7, v10;
	_ =	sdelay $0x1  }
0x198: {  	v9 =	vperm.xlane v9, v8;
	_ =	sdelay $0x1  }
0x199: {  	s26 =	simm.s32 $0x8900;
	v9 =	vadd.s32 v7, v9  }
0x19a: {  	[tilespmem:s26], [sflag:$0x1] =	stream.indirect_vreg.gather [hbm4b:s0+s6], $0x80, v10, vm5, $0xb8;
	[tilespmem:$0x1E490] =	vst v63  }
0x19b: {  	s18 =	simm.s32 $0x9100  }
0x19c: {  	[tilespmem:s18], [sflag:$0x1] =	stream.indirect_vreg.gather [hbm4b:s13+s6], $0x80, v10, vm5, $0xb8;
	[tilespmem:$0x1E490] =	vst v63  }
0x19d: {  	s23 =	simm.s32 $0x9900  }
0x19e: {  	[tilespmem:s23], [sflag:$0x1] =	stream.indirect_vreg.gather [hbm4b:s0+s6], $0x80, v9, vm5, $0xb8;
	[tilespmem:$0x1E490] =	vst v63  }
0x19f: {  	s24 =	simm.s32 $0xA100  }
0x1a0: {  	[tilespmem:s24], [sflag:$0x1] =	stream.indirect_vreg.gather [hbm4b:s13+s6], $0x80, v9, vm5, $0xb8;
	[tilespmem:$0x1E490] =	vst v63  }
0x1a1: {  	v9 =	vld [tilespmem:s5+$0x4D0];
	_ =	sdelay $0x4  }
0x1a2: {  	v10 =	vshll.u32 v9, $0x2  }
0x1a3: {  	v9 =	vand.u32 $0x7, v9;
	v10 =	vand.u32 $0xFFFFFFE0, v10  }
0x1a4: {  	v9 =	vor.u32 v9, v10  }
0x1a5: {  	v10 =	vperm.xlane v9, v6;
	_ =	sdelay $0x1  }
0x1a6: {  	v10 =	vadd.s32 v7, v10;
	_ =	sdelay $0x1  }
0x1a7: {  	v9 =	vperm.xlane v9, v8;
	_ =	sdelay $0x1  }
0x1a8: {  	s25 =	simm.s32 $0xA900;
	v9 =	vadd.s32 v7, v9  }
0x1a9: {  	[tilespmem:s25], [sflag:$0x1] =	stream.indirect_vreg.gather [hbm4b:s0+s6], $0x80, v10, vm5, $0xb8;
	[tilespmem:$0x1E490] =	vst v63  }
0x1aa: {  	s26 =	simm.s32 $0xB100  }
0x1ab: {  	[tilespmem:s26], [sflag:$0x1] =	stream.indirect_vreg.gather [hbm4b:s13+s6], $0x80, v10, vm5, $0xb8;
	[tilespmem:$0x1E490] =	vst v63  }
0x1ac: {  	s18 =	simm.s32 $0xB900  }
0x1ad: {  	[tilespmem:s18], [sflag:$0x1] =	stream.indirect_vreg.gather [hbm4b:s0+s6], $0x80, v9, vm5, $0xb8;
	[tilespmem:$0x1E490] =	vst v63  }
0x1ae: {  	s23 =	simm.s32 $0xC100  }
0x1af: {  	[tilespmem:s23], [sflag:$0x1] =	stream.indirect_vreg.gather [hbm4b:s13+s6], $0x80, v9, vm5, $0xb8;
	[tilespmem:$0x1E490] =	vst v63  }
0x1b0: {  	v9 =	vld [tilespmem:s5+$0x4E0];
	_ =	sdelay $0x4  }
0x1b1: {  	v10 =	vshll.u32 v9, $0x2  }
0x1b2: {  	v9 =	vand.u32 $0x7, v9;
	v10 =	vand.u32 $0xFFFFFFE0, v10  }
0x1b3: {  	v9 =	vor.u32 v9, v10  }
0x1b4: {  	v10 =	vperm.xlane v9, v6;
	_ =	sdelay $0x1  }
0x1b5: {  	v10 =	vadd.s32 v7, v10;
	_ =	sdelay $0x1  }
0x1b6: {  	v9 =	vperm.xlane v9, v8;
	_ =	sdelay $0x1  }
0x1b7: {  	s24 =	simm.s32 $0xC900;
	v9 =	vadd.s32 v7, v9  }
0x1b8: {  	[tilespmem:s24], [sflag:$0x1] =	stream.indirect_vreg.gather [hbm4b:s0+s6], $0x80, v10, vm5, $0xb8;
	[tilespmem:$0x1E490] =	vst v63  }
0x1b9: {  	s25 =	simm.s32 $0xD100  }
0x1ba: {  	[tilespmem:s25], [sflag:$0x1] =	stream.indirect_vreg.gather [hbm4b:s13+s6], $0x80, v10, vm5, $0xb8;
	[tilespmem:$0x1E490] =	vst v63  }
0x1bb: {  	s26 =	simm.s32 $0xD900  }
0x1bc: {  	[tilespmem:s26], [sflag:$0x1] =	stream.indirect_vreg.gather [hbm4b:s0+s6], $0x80, v9, vm5, $0xb8;
	[tilespmem:$0x1E490] =	vst v63  }
0x1bd: {  	s18 =	simm.s32 $0xE100  }
0x1be: {  	[tilespmem:s18], [sflag:$0x1] =	stream.indirect_vreg.gather [hbm4b:s13+s6], $0x80, v9, vm5, $0xb8;
	[tilespmem:$0x1E490] =	vst v63  }
0x1bf: {  	v9 =	vld.msk [tilespmem:s5+$0x4F0], $0x1;
	_ =	sdelay $0x4  }
0x1c0: {  	v10 =	vshll.u32 v9, $0x2  }
0x1c1: {  	v9 =	vand.u32 $0x7, v9;
	v10 =	vand.u32 $0xFFFFFFE0, v10  }
0x1c2: {  	v9 =	vor.u32 v9, v10  }
0x1c3: {  	v9 =	vperm.xlane v9, v6;
	_ =	sdelay $0x1  }
0x1c4: {  	v9 =	vadd.s32 v7, v9;
	_ =	sdelay $0x3  }
0x1c5: {  	s23 =	simm.s32 $0xE900  }
0x1c6: {  	[tilespmem:s23], [sflag:$0x1] =	stream.indirect_vreg.gather [hbm4b:s0+s6], $0x80, v9, vm4, $0xb8;
	[tilespmem:$0x1E490] =	vst v63  }
0x1c7: {  	p1 =	sgt.s32 s4, $0xFFFFFFFF;
	s24 =	simm.s32 $0xF100  }
0x1c8: {  	[tilespmem:s24], [sflag:$0x1] =	stream.indirect_vreg.gather [hbm4b:s13+s6], $0x80, v9, vm4, $0xb8;
	[tilespmem:$0x1E490] =	vst v63  }
0x1c9: {  	p4 =	sne.s32 @!p1 s12, $0x0;
	_ =	swait.ge [sflag:s22], $0xE200  }
0x1ca: {  	p1 =	por p4, p1;
	[sflag:s22] =	ssyncset.done $0x0  }
0x1cb: {  	v9 =	vimm.f32 @!p1 $0.0e+00;
	[sflag:s22] =	ssyncadd.s32 $0xFFFF1E00  }
0x1cc: {  	[tilespmem:$0x900] =	vst @!p1 v9  }
0x1cd: {  	[tilespmem:$0x910] =	vst @!p1 v9  }
0x1ce: {  	[tilespmem:$0x920] =	vst @!p1 v9  }
0x1cf: {  	[tilespmem:$0x930] =	vst @!p1 v9  }
0x1d0: {  	[tilespmem:$0x940] =	vst @!p1 v9  }
0x1d1: {  	[tilespmem:$0x950] =	vst @!p1 v9  }
0x1d2: {  	[tilespmem:$0x960] =	vst @!p1 v9  }
0x1d3: {  	[tilespmem:$0x970] =	vst @!p1 v9  }
0x1d4: {  	[tilespmem:$0xD00] =	vst @!p1 v9  }
0x1d5: {  	[tilespmem:$0xD10] =	vst @!p1 v9  }
0x1d6: {  	[tilespmem:$0xD20] =	vst @!p1 v9  }
0x1d7: {  	[tilespmem:$0xD30] =	vst @!p1 v9  }
0x1d8: {  	[tilespmem:$0xD40] =	vst @!p1 v9  }
0x1d9: {  	[tilespmem:$0xD50] =	vst @!p1 v9  }
0x1da: {  	[tilespmem:$0xD60] =	vst @!p1 v9  }
0x1db: {  	[tilespmem:$0xD70] =	vst @!p1 v9  }
0x1dc: {  	[tilespmem:$0x1100] =	vst @!p1 v9  }
0x1dd: {  	[tilespmem:$0x1110] =	vst @!p1 v9  }
0x1de: {  	[tilespmem:$0x1120] =	vst @!p1 v9  }
0x1df: {  	[tilespmem:$0x1130] =	vst @!p1 v9  }
0x1e0: {  	[tilespmem:$0x1140] =	vst @!p1 v9  }
0x1e1: {  	[tilespmem:$0x1150] =	vst @!p1 v9  }
0x1e2: {  	[tilespmem:$0x1160] =	vst @!p1 v9  }
0x1e3: {  	[tilespmem:$0x1170] =	vst @!p1 v9  }
0x1e4: {  	[tilespmem:$0x1500] =	vst @!p1 v9  }
0x1e5: {  	[tilespmem:$0x1510] =	vst @!p1 v9  }
0x1e6: {  	[tilespmem:$0x1520] =	vst @!p1 v9  }
0x1e7: {  	s25 =	sor.u32 $0x1, s5;
	v10 =	vor.u32 s5, v0;
	[tilespmem:$0x1530] =	vst @!p1 v9  }
0x1e8: {  	v11 =	vadd.s32 s25, v0;
	[tilespmem:$0x1540] =	vst @!p1 v9  }
0x1e9: {  	[tilespmem:$0x1550] =	vst @!p1 v9  }
0x1ea: {  	[tilespmem:$0x1560] =	vst @!p1 v9  }
0x1eb: {  	[tilespmem:$0x1570] =	vst @!p1 v9  }
0x1ec: {  	v9 =	vld.idx.msk [tilespmem:v10+s19+$0x0], $0xffff  }
0x1ed: {  	v11 =	vld.idx.msk [tilespmem:v11+s19+$0x0], $0xffff;
	_ =	sdelay $0x4  }
0x1ee: {  	v9 =	vsub.s32 v11, v9  }
0x1ef: {  	v9 =	vcvt.s32.f32 v9;
	_ =	sdelay $0x1  }
0x1f0: {  	(erf) = vrcp.f32 v9;
	_ =	sdelay $0x4  }
0x1f1: {  	s26 =	sadd.s32 $0x10, s5  }
0x1f2: {  	s18 =	sadd.s32 $0x11, s5;
	v9 =	vor.u32 s26, v0  }
0x1f3: {  	vm6 =	vlt.s32 v10, v4;
	v10 =	vadd.s32 v5, v10;
	v11 =	vadd.s32 s18, v0  }
0x1f4: {  	v10 =	vsel vm6, v10, v1  }
0x1f5: {  	[tilespmem:$0x1D900] =	vst v10;
	v12 =	vpop (erf)  }
0x1f6: {  	[tilespmem:$0x1D980] =	vst v12  }
0x1f7: {  	v10 =	vld.idx.msk [tilespmem:v9+s19+$0x0], $0xffff  }
0x1f8: {  	v11 =	vld.idx.msk [tilespmem:v11+s19+$0x0], $0xffff;
	_ =	sdelay $0x4  }
0x1f9: {  	v10 =	vsub.s32 v11, v10  }
0x1fa: {  	v10 =	vcvt.s32.f32 v10;
	_ =	sdelay $0x1  }
0x1fb: {  	(erf) = vrcp.f32 v10;
	_ =	sdelay $0x4  }
0x1fc: {  	s23 =	sadd.s32 $0x20, s5  }
0x1fd: {  	s24 =	sadd.s32 $0x21, s5;
	v10 =	vor.u32 s23, v0  }
0x1fe: {  	vm6 =	vlt.s32 v9, v4;
	v9 =	vadd.s32 v5, v9;
	v11 =	vadd.s32 s24, v0  }
0x1ff: {  	v9 =	vsel vm6, v9, v1  }
0x200: {  	[tilespmem:$0x1D910] =	vst v9;
	v12 =	vpop (erf)  }
0x201: {  	[tilespmem:$0x1D990] =	vst v12  }
0x202: {  	v9 =	vld.idx.msk [tilespmem:v10+s19+$0x0], $0xffff  }
0x203: {  	v11 =	vld.idx.msk [tilespmem:v11+s19+$0x0], $0xffff;
	_ =	sdelay $0x4  }
0x204: {  	v9 =	vsub.s32 v11, v9  }
0x205: {  	v9 =	vcvt.s32.f32 v9;
	_ =	sdelay $0x1  }
0x206: {  	(erf) = vrcp.f32 v9;
	_ =	sdelay $0x4  }
0x207: {  	s25 =	sadd.s32 $0x30, s5  }
0x208: {  	s26 =	sadd.s32 $0x31, s5;
	v9 =	vor.u32 s25, v0  }
0x209: {  	vm6 =	vlt.s32 v10, v4;
	v10 =	vadd.s32 v5, v10;
	v11 =	vadd.s32 s26, v0  }
0x20a: {  	v10 =	vsel vm6, v10, v1  }
0x20b: {  	[tilespmem:$0x1D920] =	vst v10;
	v12 =	vpop (erf)  }
0x20c: {  	[tilespmem:$0x1D9A0] =	vst v12  }
0x20d: {  	v10 =	vld.idx.msk [tilespmem:v9+s19+$0x0], $0xffff  }
0x20e: {  	v11 =	vld.idx.msk [tilespmem:v11+s19+$0x0], $0xffff;
	_ =	sdelay $0x4  }
0x20f: {  	v10 =	vsub.s32 v11, v10  }
0x210: {  	v10 =	vcvt.s32.f32 v10;
	_ =	sdelay $0x1  }
0x211: {  	(erf) = vrcp.f32 v10;
	_ =	sdelay $0x4  }
0x212: {  	s18 =	sadd.s32 $0x40, s5  }
0x213: {  	s23 =	sadd.s32 $0x41, s5;
	v10 =	vor.u32 s18, v0  }
0x214: {  	vm6 =	vlt.s32 v9, v4;
	v9 =	vadd.s32 v5, v9;
	v11 =	vadd.s32 s23, v0  }
0x215: {  	v9 =	vsel vm6, v9, v1  }
0x216: {  	[tilespmem:$0x1D930] =	vst v9;
	v12 =	vpop (erf)  }
0x217: {  	[tilespmem:$0x1D9B0] =	vst v12  }
0x218: {  	v9 =	vld.idx.msk [tilespmem:v10+s19+$0x0], $0xffff  }
0x219: {  	v11 =	vld.idx.msk [tilespmem:v11+s19+$0x0], $0xffff;
	_ =	sdelay $0x4  }
0x21a: {  	v9 =	vsub.s32 v11, v9  }
0x21b: {  	v9 =	vcvt.s32.f32 v9;
	_ =	sdelay $0x1  }
0x21c: {  	(erf) = vrcp.f32 v9;
	_ =	sdelay $0x4  }
0x21d: {  	s24 =	sadd.s32 $0x50, s5  }
0x21e: {  	s25 =	sadd.s32 $0x51, s5;
	v9 =	vor.u32 s24, v0  }
0x21f: {  	vm6 =	vlt.s32 v10, v4;
	v10 =	vadd.s32 v5, v10;
	v11 =	vadd.s32 s25, v0  }
0x220: {  	v10 =	vsel vm6, v10, v1  }
0x221: {  	[tilespmem:$0x1D940] =	vst v10;
	v12 =	vpop (erf)  }
0x222: {  	[tilespmem:$0x1D9C0] =	vst v12  }
0x223: {  	v10 =	vld.idx.msk [tilespmem:v9+s19+$0x0], $0xffff  }
0x224: {  	v11 =	vld.idx.msk [tilespmem:v11+s19+$0x0], $0xffff;
	_ =	sdelay $0x4  }
0x225: {  	v10 =	vsub.s32 v11, v10  }
0x226: {  	v10 =	vcvt.s32.f32 v10;
	_ =	sdelay $0x1  }
0x227: {  	(erf) = vrcp.f32 v10;
	_ =	sdelay $0x4  }
0x228: {  	s26 =	sadd.s32 $0x60, s5  }
0x229: {  	s5 =	sadd.s32 $0x61, s5;
	v10 =	vor.u32 s26, v0  }
0x22a: {  	vm6 =	vlt.s32 v9, v4;
	v9 =	vadd.s32 v5, v9;
	v11 =	vadd.s32 s5, v0  }
0x22b: {  	v9 =	vsel vm6, v9, v1  }
0x22c: {  	[tilespmem:$0x1D950] =	vst v9;
	v12 =	vpop (erf)  }
0x22d: {  	[tilespmem:$0x1D9D0] =	vst v12  }
0x22e: {  	v9 =	vld.idx.msk [tilespmem:v10+s19+$0x0], $0xffff  }
0x22f: {  	v11 =	vld.idx.msk [tilespmem:v11+s19+$0x0], $0xffff;
	_ =	sdelay $0x4  }
0x230: {  	v9 =	vsub.s32 v11, v9  }
0x231: {  	v9 =	vcvt.s32.f32 v9;
	_ =	sdelay $0x1  }
0x232: {  	(erf) = vrcp.f32 v9;
	_ =	sdelay $0x8  }
0x233: {  	vm6 =	vlt.s32 v10, v4;
	v10 =	vadd.s32 v5, v10;
	v9 =	vpop (erf)  }
0x234: {  	[tilespmem:$0x1D9E0] =	vst v9;
	v9 =	vsel vm6, v10, v1  }
0x235: {  	s16 =	simm.s32 $0x0;
	s24 =	simm.s32 $0x0;
	s5 =	simm.s32 $0x0;
	[tilespmem:$0x1D960] =	vst v9  }
.LBB2_6:
0x236: {  	s18 =	sadd.s32 $0x200, s24;
	s23 =	sadd.s32 $0x80, s5  }
0x237: {  	v9 =	vmov s16;
	s25 =	sand.u32 $0x1F000, s18;
	s26 =	sand.u32 $0x380, s23  }
0x238: {  	s24 =	sand.u32 $0xF000, s24;
	s25 =	sor.u32 s26, s25;
	s26 =	sand.u32 $0x380, s5  }
0x239: {  	v10 =	vld [tilespmem:s25+$0x900];
	s24 =	sor.u32 s26, s24  }
0x23a: {  	v11 =	vld [tilespmem:s24+$0x900];
	_ =	sdelay $0x1  }
0x23b: {  	v9 =	vld.idx.msk [tilespmem:v9+s1+$0x0], $0xffff;
	_ =	sdelay $0x1  }
0x23c: {  	v12 =	vld [tilespmem:$0x1E280]  }
0x23d: {  	v10 =	vsub.f32 v10, v11;
	_ =	sdelay $0x1  }
0x23e: {  	v10 =	vmul.f32 v10, v9;
	_ =	sdelay $0x1  }
0x23f: {  	v10 =	vadd.f32 v10, v12;
	_ =	sdelay $0x1  }
0x240: {  	v11 =	vld [tilespmem:s24+$0x910];
	[tilespmem:s24+$0xF900] =	vst v10  }
0x241: {  	v10 =	vld [tilespmem:s25+$0x910];
	_ =	sdelay $0x3  }
0x242: {  	v12 =	vld [tilespmem:$0x1E290]  }
0x243: {  	v10 =	vsub.f32 v10, v11;
	_ =	sdelay $0x1  }
0x244: {  	v10 =	vmul.f32 v10, v9;
	_ =	sdelay $0x1  }
0x245: {  	v10 =	vadd.f32 v10, v12;
	_ =	sdelay $0x1  }
0x246: {  	v11 =	vld [tilespmem:s24+$0x920];
	[tilespmem:s24+$0xF910] =	vst v10  }
0x247: {  	v10 =	vld [tilespmem:s25+$0x920];
	_ =	sdelay $0x3  }
0x248: {  	v12 =	vld [tilespmem:$0x1E2A0]  }
0x249: {  	v10 =	vsub.f32 v10, v11;
	_ =	sdelay $0x1  }
0x24a: {  	v10 =	vmul.f32 v10, v9;
	_ =	sdelay $0x1  }
0x24b: {  	v10 =	vadd.f32 v10, v12;
	_ =	sdelay $0x1  }
0x24c: {  	v11 =	vld [tilespmem:s24+$0x930];
	[tilespmem:s24+$0xF920] =	vst v10  }
0x24d: {  	v10 =	vld [tilespmem:s25+$0x930];
	_ =	sdelay $0x3  }
0x24e: {  	v12 =	vld [tilespmem:$0x1E2B0]  }
0x24f: {  	v10 =	vsub.f32 v10, v11;
	_ =	sdelay $0x1  }
0x250: {  	v10 =	vmul.f32 v10, v9;
	_ =	sdelay $0x1  }
0x251: {  	v10 =	vadd.f32 v10, v12;
	_ =	sdelay $0x1  }
0x252: {  	v11 =	vld [tilespmem:s24+$0x940];
	[tilespmem:s24+$0xF930] =	vst v10  }
0x253: {  	v10 =	vld [tilespmem:s25+$0x940];
	_ =	sdelay $0x3  }
0x254: {  	v12 =	vld [tilespmem:$0x1E2C0]  }
0x255: {  	v10 =	vsub.f32 v10, v11;
	_ =	sdelay $0x1  }
0x256: {  	v10 =	vmul.f32 v10, v9;
	_ =	sdelay $0x1  }
0x257: {  	v10 =	vadd.f32 v10, v12;
	_ =	sdelay $0x1  }
0x258: {  	v11 =	vld [tilespmem:s24+$0x950];
	[tilespmem:s24+$0xF940] =	vst v10  }
0x259: {  	v10 =	vld [tilespmem:s25+$0x950];
	_ =	sdelay $0x3  }
0x25a: {  	v12 =	vld [tilespmem:$0x1E2D0]  }
0x25b: {  	v10 =	vsub.f32 v10, v11;
	_ =	sdelay $0x1  }
0x25c: {  	v10 =	vmul.f32 v10, v9;
	_ =	sdelay $0x1  }
0x25d: {  	v10 =	vadd.f32 v10, v12;
	_ =	sdelay $0x1  }
0x25e: {  	v11 =	vld [tilespmem:s24+$0x960];
	[tilespmem:s24+$0xF950] =	vst v10  }
0x25f: {  	v10 =	vld [tilespmem:s25+$0x960];
	_ =	sdelay $0x3  }
0x260: {  	v12 =	vld [tilespmem:$0x1E2E0]  }
0x261: {  	v10 =	vsub.f32 v10, v11;
	_ =	sdelay $0x1  }
0x262: {  	v10 =	vmul.f32 v10, v9;
	_ =	sdelay $0x1  }
0x263: {  	v10 =	vadd.f32 v10, v12;
	_ =	sdelay $0x1  }
0x264: {  	v11 =	vld [tilespmem:s24+$0x970];
	[tilespmem:s24+$0xF960] =	vst v10  }
0x265: {  	v10 =	vld [tilespmem:s25+$0x970];
	_ =	sdelay $0x3  }
0x266: {  	v12 =	vld [tilespmem:$0x1E2F0]  }
0x267: {  	v10 =	vsub.f32 v10, v11;
	_ =	sdelay $0x1  }
0x268: {  	v10 =	vmul.f32 v10, v9;
	_ =	sdelay $0x1  }
0x269: {  	v10 =	vadd.f32 v10, v12;
	_ =	sdelay $0x1  }
0x26a: {  	v11 =	vld [tilespmem:s24+$0xD00];
	[tilespmem:s24+$0xF970] =	vst v10  }
0x26b: {  	v10 =	vld [tilespmem:s25+$0xD00];
	_ =	sdelay $0x3  }
0x26c: {  	v12 =	vld [tilespmem:$0x1E300]  }
0x26d: {  	v10 =	vsub.f32 v10, v11;
	_ =	sdelay $0x1  }
0x26e: {  	v10 =	vmul.f32 v10, v9;
	_ =	sdelay $0x1  }
0x26f: {  	v10 =	vadd.f32 v10, v12;
	_ =	sdelay $0x1  }
0x270: {  	v11 =	vld [tilespmem:s24+$0xD10];
	[tilespmem:s24+$0xFD00] =	vst v10  }
0x271: {  	v10 =	vld [tilespmem:s25+$0xD10];
	_ =	sdelay $0x3  }
0x272: {  	v12 =	vld [tilespmem:$0x1E310]  }
0x273: {  	v10 =	vsub.f32 v10, v11;
	_ =	sdelay $0x1  }
0x274: {  	v10 =	vmul.f32 v10, v9;
	_ =	sdelay $0x1  }
0x275: {  	v10 =	vadd.f32 v10, v12;
	_ =	sdelay $0x1  }
0x276: {  	v11 =	vld [tilespmem:s24+$0xD20];
	[tilespmem:s24+$0xFD10] =	vst v10  }
0x277: {  	v10 =	vld [tilespmem:s25+$0xD20];
	_ =	sdelay $0x3  }
0x278: {  	v12 =	vld [tilespmem:$0x1E320]  }
0x279: {  	v10 =	vsub.f32 v10, v11;
	_ =	sdelay $0x1  }
0x27a: {  	v10 =	vmul.f32 v10, v9;
	_ =	sdelay $0x1  }
0x27b: {  	v10 =	vadd.f32 v10, v12;
	_ =	sdelay $0x1  }
0x27c: {  	v11 =	vld [tilespmem:s24+$0xD30];
	[tilespmem:s24+$0xFD20] =	vst v10  }
0x27d: {  	v10 =	vld [tilespmem:s25+$0xD30];
	_ =	sdelay $0x3  }
0x27e: {  	v12 =	vld [tilespmem:$0x1E330]  }
0x27f: {  	v10 =	vsub.f32 v10, v11;
	_ =	sdelay $0x1  }
0x280: {  	v10 =	vmul.f32 v10, v9;
	_ =	sdelay $0x1  }
0x281: {  	v10 =	vadd.f32 v10, v12;
	_ =	sdelay $0x1  }
0x282: {  	v11 =	vld [tilespmem:s24+$0xD40];
	[tilespmem:s24+$0xFD30] =	vst v10  }
0x283: {  	v10 =	vld [tilespmem:s25+$0xD40];
	_ =	sdelay $0x3  }
0x284: {  	v12 =	vld [tilespmem:$0x1E340]  }
0x285: {  	v10 =	vsub.f32 v10, v11;
	_ =	sdelay $0x1  }
0x286: {  	v10 =	vmul.f32 v10, v9;
	_ =	sdelay $0x1  }
0x287: {  	v10 =	vadd.f32 v10, v12;
	_ =	sdelay $0x1  }
0x288: {  	v11 =	vld [tilespmem:s24+$0xD50];
	[tilespmem:s24+$0xFD40] =	vst v10  }
0x289: {  	v10 =	vld [tilespmem:s25+$0xD50];
	_ =	sdelay $0x3  }
0x28a: {  	v12 =	vld [tilespmem:$0x1E350]  }
0x28b: {  	v10 =	vsub.f32 v10, v11;
	_ =	sdelay $0x1  }
0x28c: {  	v10 =	vmul.f32 v10, v9;
	_ =	sdelay $0x1  }
0x28d: {  	v10 =	vadd.f32 v10, v12;
	_ =	sdelay $0x1  }
0x28e: {  	v11 =	vld [tilespmem:s24+$0xD60];
	[tilespmem:s24+$0xFD50] =	vst v10  }
0x28f: {  	v10 =	vld [tilespmem:s25+$0xD60];
	_ =	sdelay $0x3  }
0x290: {  	v12 =	vld [tilespmem:$0x1E360]  }
0x291: {  	v10 =	vsub.f32 v10, v11;
	_ =	sdelay $0x1  }
0x292: {  	v10 =	vmul.f32 v10, v9;
	_ =	sdelay $0x1  }
0x293: {  	v10 =	vadd.f32 v10, v12;
	_ =	sdelay $0x1  }
0x294: {  	v11 =	vld [tilespmem:s24+$0xD70];
	[tilespmem:s24+$0xFD60] =	vst v10  }
0x295: {  	v10 =	vld [tilespmem:s25+$0xD70];
	_ =	sdelay $0x3  }
0x296: {  	v12 =	vld [tilespmem:$0x1E370]  }
0x297: {  	v10 =	vsub.f32 v10, v11;
	_ =	sdelay $0x1  }
0x298: {  	v10 =	vmul.f32 v10, v9;
	_ =	sdelay $0x1  }
0x299: {  	v10 =	vadd.f32 v10, v12;
	_ =	sdelay $0x1  }
0x29a: {  	v11 =	vld [tilespmem:s24+$0x1100];
	[tilespmem:s24+$0xFD70] =	vst v10  }
0x29b: {  	v10 =	vld [tilespmem:s25+$0x1100];
	_ =	sdelay $0x3  }
0x29c: {  	v12 =	vld [tilespmem:$0x1E380]  }
0x29d: {  	v10 =	vsub.f32 v10, v11;
	_ =	sdelay $0x1  }
0x29e: {  	v10 =	vmul.f32 v10, v9;
	_ =	sdelay $0x1  }
0x29f: {  	v10 =	vadd.f32 v10, v12;
	_ =	sdelay $0x1  }
0x2a0: {  	v11 =	vld [tilespmem:s24+$0x1110];
	[tilespmem:s24+$0x10100] =	vst v10  }
0x2a1: {  	v10 =	vld [tilespmem:s25+$0x1110];
	_ =	sdelay $0x3  }
0x2a2: {  	v12 =	vld [tilespmem:$0x1E390]  }
0x2a3: {  	v10 =	vsub.f32 v10, v11;
	_ =	sdelay $0x1  }
0x2a4: {  	v10 =	vmul.f32 v10, v9;
	_ =	sdelay $0x1  }
0x2a5: {  	v10 =	vadd.f32 v10, v12;
	_ =	sdelay $0x1  }
0x2a6: {  	v11 =	vld [tilespmem:s24+$0x1120];
	[tilespmem:s24+$0x10110] =	vst v10  }
0x2a7: {  	v10 =	vld [tilespmem:s25+$0x1120];
	_ =	sdelay $0x3  }
0x2a8: {  	v12 =	vld [tilespmem:$0x1E3A0]  }
0x2a9: {  	v10 =	vsub.f32 v10, v11;
	_ =	sdelay $0x1  }
0x2aa: {  	v10 =	vmul.f32 v10, v9;
	_ =	sdelay $0x1  }
0x2ab: {  	v10 =	vadd.f32 v10, v12;
	_ =	sdelay $0x1  }
0x2ac: {  	v11 =	vld [tilespmem:s24+$0x1130];
	[tilespmem:s24+$0x10120] =	vst v10  }
0x2ad: {  	v10 =	vld [tilespmem:s25+$0x1130];
	_ =	sdelay $0x3  }
0x2ae: {  	v12 =	vld [tilespmem:$0x1E3B0]  }
0x2af: {  	v10 =	vsub.f32 v10, v11;
	_ =	sdelay $0x1  }
0x2b0: {  	v10 =	vmul.f32 v10, v9;
	_ =	sdelay $0x1  }
0x2b1: {  	v10 =	vadd.f32 v10, v12;
	_ =	sdelay $0x1  }
0x2b2: {  	v11 =	vld [tilespmem:s24+$0x1140];
	[tilespmem:s24+$0x10130] =	vst v10  }
0x2b3: {  	v10 =	vld [tilespmem:s25+$0x1140];
	_ =	sdelay $0x3  }
0x2b4: {  	v12 =	vld [tilespmem:$0x1E3C0]  }
0x2b5: {  	v10 =	vsub.f32 v10, v11;
	_ =	sdelay $0x1  }
0x2b6: {  	v10 =	vmul.f32 v10, v9;
	_ =	sdelay $0x1  }
0x2b7: {  	v10 =	vadd.f32 v10, v12;
	_ =	sdelay $0x1  }
0x2b8: {  	v11 =	vld [tilespmem:s24+$0x1150];
	[tilespmem:s24+$0x10140] =	vst v10  }
0x2b9: {  	v10 =	vld [tilespmem:s25+$0x1150];
	_ =	sdelay $0x3  }
0x2ba: {  	v12 =	vld [tilespmem:$0x1E3D0]  }
0x2bb: {  	v10 =	vsub.f32 v10, v11;
	_ =	sdelay $0x1  }
0x2bc: {  	v10 =	vmul.f32 v10, v9;
	_ =	sdelay $0x1  }
0x2bd: {  	v10 =	vadd.f32 v10, v12;
	_ =	sdelay $0x1  }
0x2be: {  	v11 =	vld [tilespmem:s24+$0x1160];
	[tilespmem:s24+$0x10150] =	vst v10  }
0x2bf: {  	v10 =	vld [tilespmem:s25+$0x1160];
	_ =	sdelay $0x3  }
0x2c0: {  	v12 =	vld [tilespmem:$0x1E3E0]  }
0x2c1: {  	v10 =	vsub.f32 v10, v11;
	_ =	sdelay $0x1  }
0x2c2: {  	v10 =	vmul.f32 v10, v9;
	_ =	sdelay $0x1  }
0x2c3: {  	v10 =	vadd.f32 v10, v12;
	_ =	sdelay $0x1  }
0x2c4: {  	v11 =	vld [tilespmem:s24+$0x1170];
	[tilespmem:s24+$0x10160] =	vst v10  }
0x2c5: {  	v10 =	vld [tilespmem:s25+$0x1170];
	_ =	sdelay $0x3  }
0x2c6: {  	v12 =	vld [tilespmem:$0x1E3F0]  }
0x2c7: {  	v10 =	vsub.f32 v10, v11;
	_ =	sdelay $0x1  }
0x2c8: {  	v10 =	vmul.f32 v10, v9;
	_ =	sdelay $0x1  }
0x2c9: {  	v10 =	vadd.f32 v10, v12;
	_ =	sdelay $0x1  }
0x2ca: {  	v11 =	vld [tilespmem:s24+$0x1500];
	[tilespmem:s24+$0x10170] =	vst v10  }
0x2cb: {  	v10 =	vld [tilespmem:s25+$0x1500];
	_ =	sdelay $0x3  }
0x2cc: {  	v12 =	vld [tilespmem:$0x1E400]  }
0x2cd: {  	v10 =	vsub.f32 v10, v11;
	_ =	sdelay $0x1  }
0x2ce: {  	v10 =	vmul.f32 v10, v9;
	_ =	sdelay $0x1  }
0x2cf: {  	v10 =	vadd.f32 v10, v12;
	_ =	sdelay $0x1  }
0x2d0: {  	v11 =	vld [tilespmem:s24+$0x1510];
	[tilespmem:s24+$0x10500] =	vst v10  }
0x2d1: {  	v10 =	vld [tilespmem:s25+$0x1510];
	_ =	sdelay $0x3  }
0x2d2: {  	v12 =	vld [tilespmem:$0x1E410]  }
0x2d3: {  	v10 =	vsub.f32 v10, v11;
	_ =	sdelay $0x1  }
0x2d4: {  	v10 =	vmul.f32 v10, v9;
	_ =	sdelay $0x1  }
0x2d5: {  	v10 =	vadd.f32 v10, v12;
	_ =	sdelay $0x1  }
0x2d6: {  	v11 =	vld [tilespmem:s24+$0x1520];
	[tilespmem:s24+$0x10510] =	vst v10  }
0x2d7: {  	v10 =	vld [tilespmem:s25+$0x1520];
	_ =	sdelay $0x3  }
0x2d8: {  	v12 =	vld [tilespmem:$0x1E420]  }
0x2d9: {  	v10 =	vsub.f32 v10, v11;
	_ =	sdelay $0x1  }
0x2da: {  	v10 =	vmul.f32 v10, v9;
	_ =	sdelay $0x1  }
0x2db: {  	v10 =	vadd.f32 v10, v12;
	_ =	sdelay $0x1  }
0x2dc: {  	v11 =	vld [tilespmem:s24+$0x1530];
	[tilespmem:s24+$0x10520] =	vst v10  }
0x2dd: {  	v10 =	vld [tilespmem:s25+$0x1530];
	_ =	sdelay $0x3  }
0x2de: {  	v12 =	vld [tilespmem:$0x1E430]  }
0x2df: {  	v10 =	vsub.f32 v10, v11;
	_ =	sdelay $0x1  }
0x2e0: {  	v10 =	vmul.f32 v10, v9;
	_ =	sdelay $0x1  }
0x2e1: {  	v10 =	vadd.f32 v10, v12;
	_ =	sdelay $0x1  }
0x2e2: {  	v11 =	vld [tilespmem:s24+$0x1540];
	[tilespmem:s24+$0x10530] =	vst v10  }
0x2e3: {  	v10 =	vld [tilespmem:s25+$0x1540];
	_ =	sdelay $0x3  }
0x2e4: {  	v12 =	vld [tilespmem:$0x1E440]  }
0x2e5: {  	v10 =	vsub.f32 v10, v11;
	_ =	sdelay $0x1  }
0x2e6: {  	v10 =	vmul.f32 v10, v9;
	_ =	sdelay $0x1  }
0x2e7: {  	v10 =	vadd.f32 v10, v12;
	_ =	sdelay $0x1  }
0x2e8: {  	v11 =	vld [tilespmem:s24+$0x1550];
	[tilespmem:s24+$0x10540] =	vst v10  }
0x2e9: {  	v10 =	vld [tilespmem:s25+$0x1550];
	_ =	sdelay $0x3  }
0x2ea: {  	v12 =	vld [tilespmem:$0x1E450]  }
0x2eb: {  	v10 =	vsub.f32 v10, v11;
	_ =	sdelay $0x1  }
0x2ec: {  	v10 =	vmul.f32 v10, v9;
	_ =	sdelay $0x1  }
0x2ed: {  	v10 =	vadd.f32 v10, v12;
	_ =	sdelay $0x1  }
0x2ee: {  	v11 =	vld [tilespmem:s24+$0x1560];
	[tilespmem:s24+$0x10550] =	vst v10  }
0x2ef: {  	v10 =	vld [tilespmem:s25+$0x1560];
	_ =	sdelay $0x3  }
0x2f0: {  	v12 =	vld [tilespmem:$0x1E460]  }
0x2f1: {  	v10 =	vsub.f32 v10, v11;
	_ =	sdelay $0x1  }
0x2f2: {  	v10 =	vmul.f32 v10, v9;
	_ =	sdelay $0x1  }
0x2f3: {  	v10 =	vadd.f32 v10, v12;
	_ =	sdelay $0x1  }
0x2f4: {  	v11 =	vld [tilespmem:s24+$0x1570];
	[tilespmem:s24+$0x10560] =	vst v10  }
0x2f5: {  	v10 =	vld [tilespmem:s25+$0x1570];
	_ =	sdelay $0x3  }
0x2f6: {  	v12 =	vld [tilespmem:$0x1E470]  }
0x2f7: {  	v10 =	vsub.f32 v10, v11  }
0x2f8: {  	p1 =	sne.s32 s5, $0x3780  }
.Ltmp4:
0x2f9: {  	v9 =	vmul.f32 v10, v9;
	(pc) =	sbr.rel @p1 .LBB2_6-.Ltmp4, $3  }
0x2fa: {  	_ = 	snop  }
0x2fb: {  	v9 =	vadd.f32 v9, v12;
	_ =	sdelay $0x1  }
0x2fc: {  	s16 =	sadd.s32 $0x1, s16;
	s5 =	smov.u32 s23;
	[tilespmem:s24+$0x10570] =	vst v9;
	s24 =	smov.u32 s18  }
0x2fd: {  	v9 =	vld [tilespmem:$0x1D900];
	_ =	sdelay $0x4  }
0x2fe: {  	v10 =	vshll.u32 v9, $0x2  }
0x2ff: {  	v9 =	vand.u32 $0x7, v9;
	v10 =	vand.u32 $0xFFFFFFE0, v10  }
0x300: {  	v9 =	vor.u32 v9, v10  }
0x301: {  	v10 =	vperm.xlane v9, v6;
	_ =	sdelay $0x1  }
0x302: {  	v10 =	vadd.s32 v7, v10;
	_ =	sdelay $0x1  }
0x303: {  	v9 =	vperm.xlane v9, v8;
	_ =	sdelay $0x1  }
0x304: {  	s25 =	simm.s32 $0xF900;
	v9 =	vadd.s32 v7, v9  }
0x305: {  	[hbm4b:s10+s6] =	stream.indirect_vreg.scatter [tilespmem:s25], [sflag:$0x1], $0x80, v10, vm5, $0xb8;
	[tilespmem:$0x1E490] =	vst v63  }
0x306: {  	s26 =	simm.s32 $0x10100  }
0x307: {  	[hbm4b:s14+s6] =	stream.indirect_vreg.scatter [tilespmem:s26], [sflag:$0x1], $0x80, v10, vm5, $0xb8;
	[tilespmem:$0x1E490] =	vst v63  }
0x308: {  	s5 =	simm.s32 $0x10900  }
0x309: {  	[hbm4b:s10+s6] =	stream.indirect_vreg.scatter [tilespmem:s5], [sflag:$0x1], $0x80, v9, vm5, $0xb8;
	[tilespmem:$0x1E490] =	vst v63  }
0x30a: {  	s23 =	simm.s32 $0x11100  }
0x30b: {  	[hbm4b:s14+s6] =	stream.indirect_vreg.scatter [tilespmem:s23], [sflag:$0x1], $0x80, v9, vm5, $0xb8;
	[tilespmem:$0x1E490] =	vst v63  }
0x30c: {  	v9 =	vld [tilespmem:$0x1D910];
	_ =	sdelay $0x4  }
0x30d: {  	v10 =	vshll.u32 v9, $0x2  }
0x30e: {  	v9 =	vand.u32 $0x7, v9;
	v10 =	vand.u32 $0xFFFFFFE0, v10  }
0x30f: {  	v9 =	vor.u32 v9, v10  }
0x310: {  	v10 =	vperm.xlane v9, v6;
	_ =	sdelay $0x1  }
0x311: {  	v10 =	vadd.s32 v7, v10;
	_ =	sdelay $0x1  }
0x312: {  	v9 =	vperm.xlane v9, v8;
	_ =	sdelay $0x1  }
0x313: {  	s24 =	simm.s32 $0x11900;
	v9 =	vadd.s32 v7, v9  }
0x314: {  	[hbm4b:s10+s6] =	stream.indirect_vreg.scatter [tilespmem:s24], [sflag:$0x1], $0x80, v10, vm5, $0xb8;
	[tilespmem:$0x1E490] =	vst v63  }
0x315: {  	_ = 	snop  }
0x316: {  	[hbm4b:s14+s6] =	stream.indirect_vreg.scatter [tilespmem:s28], [sflag:$0x1], $0x80, v10, vm5, $0xb8;
	[tilespmem:$0x1E490] =	vst v63  }
0x317: {  	_ = 	snop  }
0x318: {  	[hbm4b:s10+s6] =	stream.indirect_vreg.scatter [tilespmem:s29], [sflag:$0x1], $0x80, v9, vm5, $0xb8;
	[tilespmem:$0x1E490] =	vst v63  }
0x319: {  	_ = 	snop  }
0x31a: {  	[hbm4b:s14+s6] =	stream.indirect_vreg.scatter [tilespmem:s30], [sflag:$0x1], $0x80, v9, vm5, $0xb8;
	[tilespmem:$0x1E490] =	vst v63  }
0x31b: {  	v9 =	vld [tilespmem:$0x1D920];
	_ =	sdelay $0x4  }
0x31c: {  	v10 =	vshll.u32 v9, $0x2  }
0x31d: {  	v9 =	vand.u32 $0x7, v9;
	v10 =	vand.u32 $0xFFFFFFE0, v10  }
0x31e: {  	v9 =	vor.u32 v9, v10  }
0x31f: {  	v10 =	vperm.xlane v9, v6;
	_ =	sdelay $0x1  }
0x320: {  	v10 =	vadd.s32 v7, v10;
	_ =	sdelay $0x1  }
0x321: {  	v9 =	vperm.xlane v9, v8;
	_ =	sdelay $0x1  }
0x322: {  	v9 =	vadd.s32 v7, v9  }
0x323: {  	[hbm4b:s10+s6] =	stream.indirect_vreg.scatter [tilespmem:s31], [sflag:$0x1], $0x80, v10, vm5, $0xb8;
	[tilespmem:$0x1E490] =	vst v63  }
0x324: {  	_ = 	snop  }
0x325: {  	[hbm4b:s14+s6] =	stream.indirect_vreg.scatter [tilespmem:s2], [sflag:$0x1], $0x80, v10, vm5, $0xb8;
	[tilespmem:$0x1E490] =	vst v63  }
0x326: {  	_ = 	snop  }
0x327: {  	[hbm4b:s10+s6] =	stream.indirect_vreg.scatter [tilespmem:s3], [sflag:$0x1], $0x80, v9, vm5, $0xb8;
	[tilespmem:$0x1E490] =	vst v63  }
0x328: {  	_ = 	snop  }
0x329: {  	[hbm4b:s14+s6] =	stream.indirect_vreg.scatter [tilespmem:s17], [sflag:$0x1], $0x80, v9, vm5, $0xb8;
	[tilespmem:$0x1E490] =	vst v63  }
0x32a: {  	v9 =	vld [tilespmem:$0x1D930];
	_ =	sdelay $0x4  }
0x32b: {  	v10 =	vshll.u32 v9, $0x2  }
0x32c: {  	v9 =	vand.u32 $0x7, v9;
	v10 =	vand.u32 $0xFFFFFFE0, v10  }
0x32d: {  	v9 =	vor.u32 v9, v10  }
0x32e: {  	v10 =	vperm.xlane v9, v6;
	_ =	sdelay $0x1  }
0x32f: {  	v10 =	vadd.s32 v7, v10;
	_ =	sdelay $0x1  }
0x330: {  	v9 =	vperm.xlane v9, v8;
	_ =	sdelay $0x1  }
0x331: {  	v9 =	vadd.s32 v7, v9  }
0x332: {  	[hbm4b:s10+s6] =	stream.indirect_vreg.scatter [tilespmem:s20], [sflag:$0x1], $0x80, v10, vm5, $0xb8;
	[tilespmem:$0x1E490] =	vst v63  }
0x333: {  	_ = 	snop  }
0x334: {  	[hbm4b:s14+s6] =	stream.indirect_vreg.scatter [tilespmem:s21], [sflag:$0x1], $0x80, v10, vm5, $0xb8;
	[tilespmem:$0x1E490] =	vst v63  }
0x335: {  	_ = 	snop  }
0x336: {  	[hbm4b:s10+s6] =	stream.indirect_vreg.scatter [tilespmem:s15], [sflag:$0x1], $0x80, v9, vm5, $0xb8;
	[tilespmem:$0x1E490] =	vst v63  }
0x337: {  	_ = 	snop  }
0x338: {  	[hbm4b:s14+s6] =	stream.indirect_vreg.scatter [tilespmem:s7], [sflag:$0x1], $0x80, v9, vm5, $0xb8;
	[tilespmem:$0x1E490] =	vst v63  }
0x339: {  	v9 =	vld [tilespmem:$0x1D940];
	_ =	sdelay $0x4  }
0x33a: {  	v10 =	vshll.u32 v9, $0x2  }
0x33b: {  	v9 =	vand.u32 $0x7, v9;
	v10 =	vand.u32 $0xFFFFFFE0, v10  }
0x33c: {  	v9 =	vor.u32 v9, v10  }
0x33d: {  	v10 =	vperm.xlane v9, v6;
	_ =	sdelay $0x1  }
0x33e: {  	v10 =	vadd.s32 v7, v10;
	_ =	sdelay $0x1  }
0x33f: {  	v9 =	vperm.xlane v9, v8;
	_ =	sdelay $0x1  }
0x340: {  	s16 =	simm.s32 $0x17900;
	v9 =	vadd.s32 v7, v9  }
0x341: {  	[hbm4b:s10+s6] =	stream.indirect_vreg.scatter [tilespmem:s16], [sflag:$0x1], $0x80, v10, vm5, $0xb8;
	[tilespmem:$0x1E490] =	vst v63  }
0x342: {  	s18 =	simm.s32 $0x18100  }
0x343: {  	[hbm4b:s14+s6] =	stream.indirect_vreg.scatter [tilespmem:s18], [sflag:$0x1], $0x80, v10, vm5, $0xb8;
	[tilespmem:$0x1E490] =	vst v63  }
0x344: {  	s23 =	simm.s32 $0x18900  }
0x345: {  	[hbm4b:s10+s6] =	stream.indirect_vreg.scatter [tilespmem:s23], [sflag:$0x1], $0x80, v9, vm5, $0xb8;
	[tilespmem:$0x1E490] =	vst v63  }
0x346: {  	s24 =	simm.s32 $0x19100  }
0x347: {  	[hbm4b:s14+s6] =	stream.indirect_vreg.scatter [tilespmem:s24], [sflag:$0x1], $0x80, v9, vm5, $0xb8;
	[tilespmem:$0x1E490] =	vst v63  }
0x348: {  	v9 =	vld [tilespmem:$0x1D950];
	_ =	sdelay $0x4  }
0x349: {  	v10 =	vshll.u32 v9, $0x2  }
0x34a: {  	v9 =	vand.u32 $0x7, v9;
	v10 =	vand.u32 $0xFFFFFFE0, v10  }
0x34b: {  	v9 =	vor.u32 v9, v10  }
0x34c: {  	v10 =	vperm.xlane v9, v6;
	_ =	sdelay $0x1  }
0x34d: {  	v10 =	vadd.s32 v7, v10;
	_ =	sdelay $0x1  }
0x34e: {  	v9 =	vperm.xlane v9, v8;
	_ =	sdelay $0x1  }
0x34f: {  	s16 =	simm.s32 $0x19900;
	v9 =	vadd.s32 v7, v9  }
0x350: {  	[hbm4b:s10+s6] =	stream.indirect_vreg.scatter [tilespmem:s16], [sflag:$0x1], $0x80, v10, vm5, $0xb8;
	[tilespmem:$0x1E490] =	vst v63  }
0x351: {  	s18 =	simm.s32 $0x1A100  }
0x352: {  	[hbm4b:s14+s6] =	stream.indirect_vreg.scatter [tilespmem:s18], [sflag:$0x1], $0x80, v10, vm5, $0xb8;
	[tilespmem:$0x1E490] =	vst v63  }
0x353: {  	s23 =	simm.s32 $0x1A900  }
0x354: {  	[hbm4b:s10+s6] =	stream.indirect_vreg.scatter [tilespmem:s23], [sflag:$0x1], $0x80, v9, vm5, $0xb8;
	[tilespmem:$0x1E490] =	vst v63  }
0x355: {  	s24 =	simm.s32 $0x1B100  }
0x356: {  	[hbm4b:s14+s6] =	stream.indirect_vreg.scatter [tilespmem:s24], [sflag:$0x1], $0x80, v9, vm5, $0xb8;
	[tilespmem:$0x1E490] =	vst v63  }
0x357: {  	v9 =	vld [tilespmem:$0x1D960];
	_ =	sdelay $0x4  }
0x358: {  	v10 =	vshll.u32 v9, $0x2  }
0x359: {  	v9 =	vand.u32 $0x7, v9;
	v10 =	vand.u32 $0xFFFFFFE0, v10  }
0x35a: {  	v9 =	vor.u32 v9, v10  }
0x35b: {  	v6 =	vperm.xlane v9, v6;
	_ =	sdelay $0x1  }
0x35c: {  	v6 =	vadd.s32 v7, v6;
	_ =	sdelay $0x1  }
0x35d: {  	v8 =	vperm.xlane v9, v8;
	_ =	sdelay $0x1  }
0x35e: {  	s16 =	simm.s32 $0x1B900;
	v7 =	vadd.s32 v7, v8  }
0x35f: {  	[hbm4b:s10+s6] =	stream.indirect_vreg.scatter [tilespmem:s16], [sflag:$0x1], $0x80, v6, vm5, $0xb8;
	[tilespmem:$0x1E490] =	vst v63  }
0x360: {  	s12 =	sadd.s32 $0x1, s12;
	s18 =	simm.s32 $0x1C100  }
0x361: {  	[hbm4b:s14+s6] =	stream.indirect_vreg.scatter [tilespmem:s18], [sflag:$0x1], $0x80, v6, vm5, $0xb8;
	[tilespmem:$0x1E490] =	vst v63  }
0x362: {  	p1 =	sne.s32 s12, s11;
	s23 =	simm.s32 $0x1C900  }
0x363: {  	[hbm4b:s10+s6] =	stream.indirect_vreg.scatter [tilespmem:s23], [sflag:$0x1], $0x80, v7, vm5, $0xb8;
	[tilespmem:$0x1E490] =	vst v63  }
.Ltmp5:
0x364: {  	s24 =	simm.s32 $0x1D100;
	(pc) =	sbr.rel @p1 .LBB2_5-.Ltmp5, $4  }
0x365: {  	[hbm4b:s14+s6] =	stream.indirect_vreg.scatter [tilespmem:s24], [sflag:$0x1], $0x80, v7, vm5, $0xb8;
	[tilespmem:$0x1E490] =	vst v63  }
0x366: {  	_ =	swait.ge [sflag:s22], $0xE000  }
0x367: {  	[sflag:s22] =	ssyncset.done $0x0  }
0x368: {  	[sflag:s22] =	ssyncadd.s32 $0xFFFF2000  }
.LBB2_8:
0x369: {  	v4 =	vld [tilespmem:$0x1E280];
	_ =	sdelay $0x1  }
0x36a: {  	s4 =	simm.s32 $0x0  }
0x36b: {  	s5 =	sand.u32 $0xF000, s4;
	s11 =	sand.u32 $0x380, s4  }
0x36c: {  	s5 =	sor.u32 s11, s5  }
0x36d: {  	[tilespmem:s5+$0xF900] =	vst v4  }
0x36e: {  	v4 =	vld [tilespmem:$0x1E290];
	_ =	sdelay $0x4  }
0x36f: {  	[tilespmem:s5+$0xF910] =	vst v4  }
0x370: {  	v4 =	vld [tilespmem:$0x1E2A0];
	_ =	sdelay $0x4  }
0x371: {  	[tilespmem:s5+$0xF920] =	vst v4  }
0x372: {  	v4 =	vld [tilespmem:$0x1E2B0];
	_ =	sdelay $0x4  }
0x373: {  	[tilespmem:s5+$0xF930] =	vst v4  }
0x374: {  	v4 =	vld [tilespmem:$0x1E2C0];
	_ =	sdelay $0x4  }
0x375: {  	[tilespmem:s5+$0xF940] =	vst v4  }
0x376: {  	v4 =	vld [tilespmem:$0x1E2D0];
	_ =	sdelay $0x4  }
0x377: {  	[tilespmem:s5+$0xF950] =	vst v4  }
0x378: {  	v4 =	vld [tilespmem:$0x1E2E0];
	_ =	sdelay $0x4  }
0x379: {  	[tilespmem:s5+$0xF960] =	vst v4  }
0x37a: {  	v4 =	vld [tilespmem:$0x1E2F0];
	_ =	sdelay $0x4  }
0x37b: {  	[tilespmem:s5+$0xF970] =	vst v4  }
0x37c: {  	v4 =	vld [tilespmem:$0x1E300];
	_ =	sdelay $0x4  }
0x37d: {  	[tilespmem:s5+$0xFD00] =	vst v4  }
0x37e: {  	v4 =	vld [tilespmem:$0x1E310];
	_ =	sdelay $0x4  }
0x37f: {  	[tilespmem:s5+$0xFD10] =	vst v4  }
0x380: {  	v4 =	vld [tilespmem:$0x1E320];
	_ =	sdelay $0x4  }
0x381: {  	[tilespmem:s5+$0xFD20] =	vst v4  }
0x382: {  	v4 =	vld [tilespmem:$0x1E330];
	_ =	sdelay $0x4  }
0x383: {  	[tilespmem:s5+$0xFD30] =	vst v4  }
0x384: {  	v4 =	vld [tilespmem:$0x1E340];
	_ =	sdelay $0x4  }
0x385: {  	[tilespmem:s5+$0xFD40] =	vst v4  }
0x386: {  	v4 =	vld [tilespmem:$0x1E350];
	_ =	sdelay $0x4  }
0x387: {  	[tilespmem:s5+$0xFD50] =	vst v4  }
0x388: {  	v4 =	vld [tilespmem:$0x1E360];
	_ =	sdelay $0x4  }
0x389: {  	[tilespmem:s5+$0xFD60] =	vst v4  }
0x38a: {  	v4 =	vld [tilespmem:$0x1E370];
	_ =	sdelay $0x4  }
0x38b: {  	[tilespmem:s5+$0xFD70] =	vst v4  }
0x38c: {  	v4 =	vld [tilespmem:$0x1E380];
	_ =	sdelay $0x3  }
0x38d: {  	s5 =	sadd.s32 $0xF900, s5  }
0x38e: {  	[tilespmem:s5+$0x800] =	vst v4  }
0x38f: {  	v4 =	vld [tilespmem:$0x1E390];
	_ =	sdelay $0x4  }
0x390: {  	[tilespmem:s5+$0x810] =	vst v4  }
0x391: {  	v4 =	vld [tilespmem:$0x1E3A0];
	_ =	sdelay $0x4  }
0x392: {  	[tilespmem:s5+$0x820] =	vst v4  }
0x393: {  	v4 =	vld [tilespmem:$0x1E3B0];
	_ =	sdelay $0x4  }
0x394: {  	[tilespmem:s5+$0x830] =	vst v4  }
0x395: {  	v4 =	vld [tilespmem:$0x1E3C0];
	_ =	sdelay $0x4  }
0x396: {  	[tilespmem:s5+$0x840] =	vst v4  }
0x397: {  	v4 =	vld [tilespmem:$0x1E3D0];
	_ =	sdelay $0x4  }
0x398: {  	[tilespmem:s5+$0x850] =	vst v4  }
0x399: {  	v4 =	vld [tilespmem:$0x1E3E0];
	_ =	sdelay $0x4  }
0x39a: {  	[tilespmem:s5+$0x860] =	vst v4  }
0x39b: {  	v4 =	vld [tilespmem:$0x1E3F0];
	_ =	sdelay $0x4  }
0x39c: {  	[tilespmem:s5+$0x870] =	vst v4  }
0x39d: {  	v4 =	vld [tilespmem:$0x1E400];
	_ =	sdelay $0x4  }
0x39e: {  	[tilespmem:s5+$0xC00] =	vst v4  }
0x39f: {  	v4 =	vld [tilespmem:$0x1E410];
	_ =	sdelay $0x4  }
0x3a0: {  	[tilespmem:s5+$0xC10] =	vst v4  }
0x3a1: {  	v4 =	vld [tilespmem:$0x1E420];
	_ =	sdelay $0x4  }
0x3a2: {  	[tilespmem:s5+$0xC20] =	vst v4  }
0x3a3: {  	v4 =	vld [tilespmem:$0x1E430]  }
0x3a4: {  	s2 =	rddreg [dreg:$0xc]  }
0x3a5: {  	s3 =	rddreg [dreg:$0xd]  }
0x3a6: {  	s31 =	sld [smem:$0x7F3]  }
0x3a7: {  	s29 =	rddreg [dreg:$0xe];
	s28 =	sadd.s32 s2, s3  }
0x3a8: {  	s30 =	rddreg [dreg:$0xf];
	s11 =	sadd.s32 s29, s28;
	[tilespmem:s5+$0xC30] =	vst v4  }
0x3a9: {  	s2 =	rddreg [dreg:$0x10];
	s11 =	sadd.s32 s30, s11;
	p1 =	seq.s32 s31, $0x1;
	v4 =	vld [tilespmem:$0x1E440]  }
0x3aa: {  	s2 =	simm.s32 @!p6 $0x0;
	s11 =	simm.s32 @!p1 $0x0  }
0x3ab: {  	s11 =	sadd.s32 s2, s11;
	s2 =	rddreg [dreg:$0x11]  }
0x3ac: {  	s2 =	simm.s32 @!p6 $0x0  }
0x3ad: {  	s11 =	sadd.s32 s2, s11;
	s2 =	rddreg [dreg:$0x12]  }
0x3ae: {  	s2 =	simm.s32 @!p6 $0x0;
	[tilespmem:s5+$0xC40] =	vst v4  }
0x3af: {  	s11 =	sadd.s32 s2, s11;
	s2 =	rddreg [dreg:$0x13];
	v4 =	vld [tilespmem:$0x1E450]  }
0x3b0: {  	s2 =	simm.s32 @!p6 $0x0  }
0x3b1: {  	s11 =	sadd.s32 s2, s11;
	s2 =	rddreg [dreg:$0x14]  }
0x3b2: {  	s2 =	simm.s32 @!p3 $0x0  }
0x3b3: {  	s11 =	sadd.s32 s2, s11;
	s2 =	rddreg [dreg:$0x15]  }
0x3b4: {  	s2 =	simm.s32 @!p3 $0x0;
	[tilespmem:s5+$0xC50] =	vst v4  }
0x3b5: {  	s11 =	sadd.s32 s2, s11;
	s2 =	rddreg [dreg:$0x16];
	v4 =	vld [tilespmem:$0x1E460]  }
0x3b6: {  	s2 =	simm.s32 @!p3 $0x0  }
0x3b7: {  	s11 =	sadd.s32 s2, s11;
	s2 =	rddreg [dreg:$0x17]  }
0x3b8: {  	s2 =	simm.s32 @!p3 $0x0  }
0x3b9: {  	s11 =	sadd.s32 s2, s11;
	s2 =	rddreg [dreg:$0x18]  }
0x3ba: {  	s2 =	simm.s32 @!p2 $0x0;
	[tilespmem:s5+$0xC60] =	vst v4  }
0x3bb: {  	s11 =	sadd.s32 s2, s11;
	s2 =	rddreg [dreg:$0x19];
	v4 =	vld [tilespmem:$0x1E470]  }
0x3bc: {  	s2 =	simm.s32 @!p2 $0x0  }
0x3bd: {  	s11 =	sadd.s32 s2, s11;
	s2 =	rddreg [dreg:$0x1a]  }
0x3be: {  	s2 =	simm.s32 @!p2 $0x0  }
0x3bf: {  	s11 =	sadd.s32 s2, s11;
	s2 =	rddreg [dreg:$0x1b]  }
0x3c0: {  	s2 =	simm.s32 @!p2 $0x0;
	[tilespmem:s5+$0xC70] =	vst v4  }
0x3c1: {  	s12 =	simm.s32 $0x200;
	s2 =	sadd.s32 s2, s11;
	s11 =	simm.s32 $0x400;
	v4 =	vld [tilespmem:$0x1E280]  }
.LBB2_9:
0x3c2: {  	p1 =	sne.s32 s11, $0xDE00  }
0x3c3: {  	s4 =	sadd.s32 $0x80, s4  }
0x3c4: {  	s5 =	sand.u32 $0xF000, s12;
	s12 =	smov.u32 s11;
	s16 =	sand.u32 $0x380, s4  }
0x3c5: {  	s5 =	sor.u32 s16, s5  }
0x3c6: {  	[tilespmem:s5+$0xF900] =	vst v4  }
0x3c7: {  	v4 =	vld [tilespmem:$0x1E290];
	_ =	sdelay $0x4  }
0x3c8: {  	[tilespmem:s5+$0xF910] =	vst v4  }
0x3c9: {  	v4 =	vld [tilespmem:$0x1E2A0];
	_ =	sdelay $0x4  }
0x3ca: {  	[tilespmem:s5+$0xF920] =	vst v4  }
0x3cb: {  	v4 =	vld [tilespmem:$0x1E2B0];
	_ =	sdelay $0x4  }
0x3cc: {  	[tilespmem:s5+$0xF930] =	vst v4  }
0x3cd: {  	v4 =	vld [tilespmem:$0x1E2C0];
	_ =	sdelay $0x4  }
0x3ce: {  	[tilespmem:s5+$0xF940] =	vst v4  }
0x3cf: {  	v4 =	vld [tilespmem:$0x1E2D0];
	_ =	sdelay $0x4  }
0x3d0: {  	[tilespmem:s5+$0xF950] =	vst v4  }
0x3d1: {  	v4 =	vld [tilespmem:$0x1E2E0];
	_ =	sdelay $0x4  }
0x3d2: {  	[tilespmem:s5+$0xF960] =	vst v4  }
0x3d3: {  	v4 =	vld [tilespmem:$0x1E2F0];
	_ =	sdelay $0x4  }
0x3d4: {  	[tilespmem:s5+$0xF970] =	vst v4  }
0x3d5: {  	v4 =	vld [tilespmem:$0x1E300];
	_ =	sdelay $0x4  }
0x3d6: {  	[tilespmem:s5+$0xFD00] =	vst v4  }
0x3d7: {  	v4 =	vld [tilespmem:$0x1E310];
	_ =	sdelay $0x4  }
0x3d8: {  	[tilespmem:s5+$0xFD10] =	vst v4  }
0x3d9: {  	v4 =	vld [tilespmem:$0x1E320];
	_ =	sdelay $0x4  }
0x3da: {  	[tilespmem:s5+$0xFD20] =	vst v4  }
0x3db: {  	v4 =	vld [tilespmem:$0x1E330];
	_ =	sdelay $0x4  }
0x3dc: {  	[tilespmem:s5+$0xFD30] =	vst v4  }
0x3dd: {  	v4 =	vld [tilespmem:$0x1E340];
	_ =	sdelay $0x4  }
0x3de: {  	[tilespmem:s5+$0xFD40] =	vst v4  }
0x3df: {  	v4 =	vld [tilespmem:$0x1E350];
	_ =	sdelay $0x4  }
0x3e0: {  	[tilespmem:s5+$0xFD50] =	vst v4  }
0x3e1: {  	v4 =	vld [tilespmem:$0x1E360];
	_ =	sdelay $0x4  }
0x3e2: {  	[tilespmem:s5+$0xFD60] =	vst v4  }
0x3e3: {  	v4 =	vld [tilespmem:$0x1E370];
	_ =	sdelay $0x4  }
0x3e4: {  	[tilespmem:s5+$0xFD70] =	vst v4  }
0x3e5: {  	v4 =	vld [tilespmem:$0x1E380];
	_ =	sdelay $0x3  }
0x3e6: {  	s5 =	sadd.s32 $0xF900, s5  }
0x3e7: {  	[tilespmem:s5+$0x800] =	vst v4  }
0x3e8: {  	v4 =	vld [tilespmem:$0x1E390];
	_ =	sdelay $0x4  }
0x3e9: {  	[tilespmem:s5+$0x810] =	vst v4  }
0x3ea: {  	v4 =	vld [tilespmem:$0x1E3A0];
	_ =	sdelay $0x4  }
0x3eb: {  	[tilespmem:s5+$0x820] =	vst v4  }
0x3ec: {  	v4 =	vld [tilespmem:$0x1E3B0];
	_ =	sdelay $0x4  }
0x3ed: {  	[tilespmem:s5+$0x830] =	vst v4  }
0x3ee: {  	v4 =	vld [tilespmem:$0x1E3C0];
	_ =	sdelay $0x4  }
0x3ef: {  	[tilespmem:s5+$0x840] =	vst v4  }
0x3f0: {  	v4 =	vld [tilespmem:$0x1E3D0];
	_ =	sdelay $0x4  }
0x3f1: {  	[tilespmem:s5+$0x850] =	vst v4  }
0x3f2: {  	v4 =	vld [tilespmem:$0x1E3E0];
	_ =	sdelay $0x4  }
0x3f3: {  	[tilespmem:s5+$0x860] =	vst v4  }
0x3f4: {  	v4 =	vld [tilespmem:$0x1E3F0];
	_ =	sdelay $0x4  }
0x3f5: {  	[tilespmem:s5+$0x870] =	vst v4  }
0x3f6: {  	v4 =	vld [tilespmem:$0x1E400];
	_ =	sdelay $0x4  }
0x3f7: {  	[tilespmem:s5+$0xC00] =	vst v4  }
0x3f8: {  	v4 =	vld [tilespmem:$0x1E410];
	_ =	sdelay $0x4  }
0x3f9: {  	[tilespmem:s5+$0xC10] =	vst v4  }
0x3fa: {  	v4 =	vld [tilespmem:$0x1E420];
	_ =	sdelay $0x4  }
0x3fb: {  	[tilespmem:s5+$0xC20] =	vst v4  }
0x3fc: {  	v4 =	vld [tilespmem:$0x1E430];
	_ =	sdelay $0x4  }
0x3fd: {  	[tilespmem:s5+$0xC30] =	vst v4  }
0x3fe: {  	v4 =	vld [tilespmem:$0x1E440];
	_ =	sdelay $0x4  }
0x3ff: {  	[tilespmem:s5+$0xC40] =	vst v4  }
0x400: {  	v4 =	vld [tilespmem:$0x1E450];
	_ =	sdelay $0x4  }
0x401: {  	[tilespmem:s5+$0xC50] =	vst v4  }
0x402: {  	v4 =	vld [tilespmem:$0x1E460];
	_ =	sdelay $0x4  }
0x403: {  	[tilespmem:s5+$0xC60] =	vst v4  }
0x404: {  	v4 =	vld [tilespmem:$0x1E470];
	_ =	sdelay $0x1  }
.Ltmp6:
0x405: {  	(pc) =	sbr.rel @p1 .LBB2_9-.Ltmp6, $3  }
0x406: {  	_ =	sdelay $0x1  }
0x407: {  	[tilespmem:s5+$0xC70] =	vst v4  }
0x408: {  	s11 =	sadd.s32 $0x200, s11;
	v4 =	vld [tilespmem:$0x1E280]  }
0x409: {  	_ = 	snop  }
0x40a: {  	s4 =	sadd.s32 $0x80, s4  }
0x40b: {  	s5 =	sand.u32 $0xF000, s12;
	s4 =	sand.u32 $0x380, s4  }
0x40c: {  	s4 =	sor.u32 s4, s5  }
0x40d: {  	[tilespmem:s4+$0xF900] =	vst v4  }
0x40e: {  	v4 =	vld [tilespmem:$0x1E290];
	_ =	sdelay $0x4  }
0x40f: {  	[tilespmem:s4+$0xF910] =	vst v4  }
0x410: {  	v4 =	vld [tilespmem:$0x1E2A0];
	_ =	sdelay $0x4  }
0x411: {  	[tilespmem:s4+$0xF920] =	vst v4  }
0x412: {  	v4 =	vld [tilespmem:$0x1E2B0];
	_ =	sdelay $0x4  }
0x413: {  	[tilespmem:s4+$0xF930] =	vst v4  }
0x414: {  	v4 =	vld [tilespmem:$0x1E2C0];
	_ =	sdelay $0x4  }
0x415: {  	[tilespmem:s4+$0xF940] =	vst v4  }
0x416: {  	v4 =	vld [tilespmem:$0x1E2D0];
	_ =	sdelay $0x4  }
0x417: {  	[tilespmem:s4+$0xF950] =	vst v4  }
0x418: {  	v4 =	vld [tilespmem:$0x1E2E0];
	_ =	sdelay $0x4  }
0x419: {  	[tilespmem:s4+$0xF960] =	vst v4  }
0x41a: {  	v4 =	vld [tilespmem:$0x1E2F0];
	_ =	sdelay $0x4  }
0x41b: {  	[tilespmem:s4+$0xF970] =	vst v4  }
0x41c: {  	v4 =	vld [tilespmem:$0x1E300];
	_ =	sdelay $0x4  }
0x41d: {  	[tilespmem:s4+$0xFD00] =	vst v4  }
0x41e: {  	v4 =	vld [tilespmem:$0x1E310];
	_ =	sdelay $0x4  }
0x41f: {  	[tilespmem:s4+$0xFD10] =	vst v4  }
0x420: {  	v4 =	vld [tilespmem:$0x1E320];
	_ =	sdelay $0x4  }
0x421: {  	[tilespmem:s4+$0xFD20] =	vst v4  }
0x422: {  	v4 =	vld [tilespmem:$0x1E330];
	_ =	sdelay $0x4  }
0x423: {  	[tilespmem:s4+$0xFD30] =	vst v4  }
0x424: {  	v4 =	vld [tilespmem:$0x1E340];
	_ =	sdelay $0x4  }
0x425: {  	[tilespmem:s4+$0xFD40] =	vst v4  }
0x426: {  	v4 =	vld [tilespmem:$0x1E350];
	_ =	sdelay $0x4  }
0x427: {  	[tilespmem:s4+$0xFD50] =	vst v4  }
0x428: {  	v4 =	vld [tilespmem:$0x1E360];
	_ =	sdelay $0x4  }
0x429: {  	[tilespmem:s4+$0xFD60] =	vst v4  }
0x42a: {  	v4 =	vld [tilespmem:$0x1E370];
	_ =	sdelay $0x4  }
0x42b: {  	[tilespmem:s4+$0xFD70] =	vst v4  }
0x42c: {  	v4 =	vld [tilespmem:$0x1E380];
	_ =	sdelay $0x3  }
0x42d: {  	s4 =	sadd.s32 $0xF900, s4  }
0x42e: {  	[tilespmem:s4+$0x800] =	vst v4  }
0x42f: {  	v4 =	vld [tilespmem:$0x1E390];
	_ =	sdelay $0x4  }
0x430: {  	[tilespmem:s4+$0x810] =	vst v4  }
0x431: {  	v4 =	vld [tilespmem:$0x1E3A0];
	_ =	sdelay $0x4  }
0x432: {  	[tilespmem:s4+$0x820] =	vst v4  }
0x433: {  	v4 =	vld [tilespmem:$0x1E3B0];
	_ =	sdelay $0x4  }
0x434: {  	[tilespmem:s4+$0x830] =	vst v4  }
0x435: {  	v4 =	vld [tilespmem:$0x1E3C0];
	_ =	sdelay $0x4  }
0x436: {  	[tilespmem:s4+$0x840] =	vst v4  }
0x437: {  	v4 =	vld [tilespmem:$0x1E3D0];
	_ =	sdelay $0x4  }
0x438: {  	[tilespmem:s4+$0x850] =	vst v4  }
0x439: {  	v4 =	vld [tilespmem:$0x1E3E0];
	_ =	sdelay $0x4  }
0x43a: {  	[tilespmem:s4+$0x860] =	vst v4  }
0x43b: {  	v4 =	vld [tilespmem:$0x1E3F0];
	_ =	sdelay $0x4  }
0x43c: {  	[tilespmem:s4+$0x870] =	vst v4  }
0x43d: {  	v4 =	vld [tilespmem:$0x1E400];
	_ =	sdelay $0x4  }
0x43e: {  	[tilespmem:s4+$0xC00] =	vst v4  }
0x43f: {  	v4 =	vld [tilespmem:$0x1E410];
	_ =	sdelay $0x4  }
0x440: {  	[tilespmem:s4+$0xC10] =	vst v4  }
0x441: {  	v4 =	vld [tilespmem:$0x1E420];
	_ =	sdelay $0x4  }
0x442: {  	[tilespmem:s4+$0xC20] =	vst v4  }
0x443: {  	v4 =	vld [tilespmem:$0x1E430];
	_ =	sdelay $0x4  }
0x444: {  	[tilespmem:s4+$0xC30] =	vst v4  }
0x445: {  	v4 =	vld [tilespmem:$0x1E440];
	_ =	sdelay $0x4  }
0x446: {  	[tilespmem:s4+$0xC40] =	vst v4  }
0x447: {  	v4 =	vld [tilespmem:$0x1E450];
	_ =	sdelay $0x1  }
0x448: {  	s22 =	rddreg [dreg:$0x5]  }
0x449: {  	s5 =	sadd.s32 s22, s2  }
0x44a: {  	s11 =	ssub.s32 $0x1003, s5;
	p1 =	sne.s32 s5, $0x1003;
	s5 =	simm.s32 $0x1  }
0x44b: {  	s23 =	sshra.s32 s11, $0x1F;
	s5 =	simm.s32 @!p1 $0x0;
	[tilespmem:s4+$0xC50] =	vst v4  }
0x44c: {  	s16 =	sand.u32 $0x3, s11;
	s5 =	sor.u32 s5, s23;
	v4 =	vld [tilespmem:$0x1E460]  }
0x44d: {  	p4 =	sne.s32 s16, $0x0;
	p5 =	sne.s32 s5, $0x1  }
0x44e: {  	s24 =	sshrl.u32 s23, $0x1E;
	p1 =	por !p4, !p5  }
0x44f: {  	s5 =	sadd.s32 s24, s11;
	s11 =	simm.s32 $0x1;
	p1 =	por !p1, !p1  }
0x450: {  	s5 =	sshra.s32 s5, $0x2;
	s11 =	simm.s32 @!p1 $0x0  }
0x451: {  	s5 =	ssub.s32 s5, s11;
	[tilespmem:s4+$0xC60] =	vst v4  }
0x452: {  	s18 =	simm.s32 $0x18100;
	s28 =	simm.s32 $0x1;
	p1 =	slt.s32 s5, $0x1;
	v4 =	vld [tilespmem:$0x1E470]  }
.Ltmp7:
0x453: {  	s29 =	simm.s32 $0x19100;
	s30 =	simm.s32 $0x19900;
	(pc) =	sbr.rel @p1 .LBB2_13-.Ltmp7, $4  }
0x454: {  	s31 =	simm.s32 $0x1A100;
	s12 =	smov.u32 s2;
	s3 =	simm.s32 $0x1B100  }
0x455: {  	s17 =	simm.s32 $0x1B900;
	s20 =	simm.s32 $0x1C100;
	s21 =	simm.s32 $0x1C900  }
0x456: {  	s15 =	simm.s32 $0x1D100;
	s7 =	simm.s32 $0x10900;
	s22 =	simm.s32 $0x18900  }
0x457: {  	s2 =	simm.s32 $0x1A900;
	s23 =	simm.s32 $0x11100;
	s24 =	simm.s32 $0x17900;
	[tilespmem:s4+$0xC70] =	vst v4  }
0x458: {  	s4 =	sadd.s32 $0x6F, s5;
	s11 =	rddreg [dreg:$0x9]  }
0x459: {  	s4 =	sshrl.u32 s4, $0x4;
	s11 =	sadd.s32 s12, s11  }
0x45a: {  	v4 =	vmov s5;
	s5 =	simm.s32 $0x60;
	s4 =	smulhi.u32 $0x24924925, s4;
	v5 =	vmov s11  }
.LBB2_12:
0x45b: {  	s11 =	sadd.s32 $0xFFFFFFA0, s5;
	s12 =	sadd.s32 $0xFFFFFFB0, s5;
	s16 =	sadd.s32 $0xFFFFFFC0, s5;
	v14 =	vshrl.u32 v0, $0x3  }
0x45c: {  	v6 =	vor.u32 s11, v0;
	v7 =	vor.u32 s12, v0;
	v8 =	vor.u32 s16, v0;
	s11 =	sadd.s32 $0xFFFFFFD0, s5;
	s12 =	sadd.s32 $0xFFFFFFE0, s5  }
0x45d: {  	s16 =	sadd.s32 $0xFFFFFFF0, s5;
	v14 =	vmul.u32 $0x8, v14;
	v9 =	vor.u32 s11, v0;
	v10 =	vor.u32 s12, v0  }
0x45e: {  	v11 =	vor.u32 s16, v0;
	vm5 =	vlt.s32 v6, v4;
	v6 =	vshll.u32 v6, $0x2  }
0x45f: {  	v12 =	vshll.u32 v7, $0x2;
	vm6 =	vlt.s32 v7, v4;
	v6 =	vadd.s32 v5, v6  }
0x460: {  	v7 =	vadd.s32 v5, v12;
	v12 =	vshll.u32 v8, $0x2;
	v6 =	vsel vm5, v6, v1  }
0x461: {  	v7 =	vsel vm6, v7, v1;
	vm5 =	vlt.s32 v8, v4;
	v8 =	vadd.s32 v5, v12  }
0x462: {  	v12 =	vshll.u32 v9, $0x2;
	v8 =	vsel vm5, v8, v1;
	vm5 =	vlt.s32 v9, v4  }
0x463: {  	v9 =	vadd.s32 v5, v12;
	v12 =	vshll.u32 v6, $0x2;
	v13 =	vand.u32 $0x7, v6  }
0x464: {  	v9 =	vsel vm5, v9, v1;
	vm5 =	vlt.s32 v10, v4;
	v12 =	vand.u32 $0xFFFFFFE0, v12  }
0x465: {  	[tilespmem:$0x1D900] =	vst v6;
	v10 =	vshll.u32 v10, $0x2;
	v12 =	vor.u32 v13, v12;
	v13 =	vand.u32 $0x7, v0  }
0x466: {  	[tilespmem:$0x1D910] =	vst v7;
	v7 =	vshll.u32 v11, $0x2;
	v6 =	vadd.s32 v5, v10;
	v10 =	vperm.xlane v12, v13  }
0x467: {  	[tilespmem:$0x1D920] =	vst v8;
	v7 =	vadd.s32 v5, v7;
	v8 =	vor.u32 s5, v0  }
0x468: {  	v6 =	vsel vm5, v6, v1;
	vm5 =	vlt.s32 v11, v4;
	v10 =	vadd.s32 v14, v10  }
0x469: {  	[tilespmem:$0x1D930] =	vst v9;
	v9 =	vshll.u32 v8, $0x2;
	v11 =	vor.u32 $0x8, v0;
	v7 =	vsel vm5, v7, v1  }
0x46a: {  	[tilespmem:$0x1D940] =	vst v6;
	vm5 =	vlt.s32 v8, v4;
	v6 =	vadd.s32 v5, v9;
	v8 =	vperm.xlane v12, v11  }
0x46b: {  	[tilespmem:$0x1D950] =	vst v7;
	v6 =	vsel vm5, v6, v1  }
0x46c: {  	vm5 =	vmmov $0xffff;
	[tilespmem:$0x1D960] =	vst v6;
	v6 =	vadd.s32 v14, v8  }
0x46d: {  	[hbm4b:s10+s6] =	stream.indirect_vreg.scatter [tilespmem:s25], [sflag:$0x1], $0x80, v10, vm5, $0xb8;
	[tilespmem:$0x1E490] =	vst v63  }
0x46e: {  	_ = 	snop  }
0x46f: {  	[hbm4b:s14+s6] =	stream.indirect_vreg.scatter [tilespmem:s26], [sflag:$0x1], $0x80, v10, vm5, $0xb8;
	[tilespmem:$0x1E490] =	vst v63  }
0x470: {  	_ = 	snop  }
0x471: {  	[hbm4b:s10+s6] =	stream.indirect_vreg.scatter [tilespmem:s7], [sflag:$0x1], $0x80, v6, vm5, $0xb8;
	[tilespmem:$0x1E490] =	vst v63  }
0x472: {  	_ = 	snop  }
0x473: {  	[hbm4b:s14+s6] =	stream.indirect_vreg.scatter [tilespmem:s23], [sflag:$0x1], $0x80, v6, vm5, $0xb8;
	[tilespmem:$0x1E490] =	vst v63  }
0x474: {  	v6 =	vld [tilespmem:$0x1D910];
	_ =	sdelay $0x4  }
0x475: {  	v7 =	vshll.u32 v6, $0x2  }
0x476: {  	v6 =	vand.u32 $0x7, v6;
	v7 =	vand.u32 $0xFFFFFFE0, v7  }
0x477: {  	v6 =	vor.u32 v6, v7  }
0x478: {  	v7 =	vperm.xlane v6, v13;
	_ =	sdelay $0x1  }
0x479: {  	v7 =	vadd.s32 v14, v7;
	_ =	sdelay $0x1  }
0x47a: {  	v6 =	vperm.xlane v6, v11;
	_ =	sdelay $0x1  }
0x47b: {  	s11 =	simm.s32 $0x11900;
	v6 =	vadd.s32 v14, v6  }
0x47c: {  	[hbm4b:s10+s6] =	stream.indirect_vreg.scatter [tilespmem:s11], [sflag:$0x1], $0x80, v7, vm5, $0xb8;
	[tilespmem:$0x1E490] =	vst v63  }
0x47d: {  	s12 =	simm.s32 $0x12100  }
0x47e: {  	[hbm4b:s14+s6] =	stream.indirect_vreg.scatter [tilespmem:s12], [sflag:$0x1], $0x80, v7, vm5, $0xb8;
	[tilespmem:$0x1E490] =	vst v63  }
0x47f: {  	s16 =	simm.s32 $0x12900  }
0x480: {  	[hbm4b:s10+s6] =	stream.indirect_vreg.scatter [tilespmem:s16], [sflag:$0x1], $0x80, v6, vm5, $0xb8;
	[tilespmem:$0x1E490] =	vst v63  }
0x481: {  	s11 =	simm.s32 $0x13100  }
0x482: {  	[hbm4b:s14+s6] =	stream.indirect_vreg.scatter [tilespmem:s11], [sflag:$0x1], $0x80, v6, vm5, $0xb8;
	[tilespmem:$0x1E490] =	vst v63  }
0x483: {  	v6 =	vld [tilespmem:$0x1D920];
	_ =	sdelay $0x4  }
0x484: {  	v7 =	vshll.u32 v6, $0x2  }
0x485: {  	v6 =	vand.u32 $0x7, v6;
	v7 =	vand.u32 $0xFFFFFFE0, v7  }
0x486: {  	v6 =	vor.u32 v6, v7  }
0x487: {  	v7 =	vperm.xlane v6, v13;
	_ =	sdelay $0x1  }
0x488: {  	v7 =	vadd.s32 v14, v7;
	_ =	sdelay $0x1  }
0x489: {  	v6 =	vperm.xlane v6, v11;
	_ =	sdelay $0x1  }
0x48a: {  	s12 =	simm.s32 $0x13900;
	v6 =	vadd.s32 v14, v6  }
0x48b: {  	[hbm4b:s10+s6] =	stream.indirect_vreg.scatter [tilespmem:s12], [sflag:$0x1], $0x80, v7, vm5, $0xb8;
	[tilespmem:$0x1E490] =	vst v63  }
0x48c: {  	s16 =	simm.s32 $0x14100  }
0x48d: {  	[hbm4b:s14+s6] =	stream.indirect_vreg.scatter [tilespmem:s16], [sflag:$0x1], $0x80, v7, vm5, $0xb8;
	[tilespmem:$0x1E490] =	vst v63  }
0x48e: {  	s11 =	simm.s32 $0x14900  }
0x48f: {  	[hbm4b:s10+s6] =	stream.indirect_vreg.scatter [tilespmem:s11], [sflag:$0x1], $0x80, v6, vm5, $0xb8;
	[tilespmem:$0x1E490] =	vst v63  }
0x490: {  	s12 =	simm.s32 $0x15100  }
0x491: {  	[hbm4b:s14+s6] =	stream.indirect_vreg.scatter [tilespmem:s12], [sflag:$0x1], $0x80, v6, vm5, $0xb8;
	[tilespmem:$0x1E490] =	vst v63  }
0x492: {  	v6 =	vld [tilespmem:$0x1D930];
	_ =	sdelay $0x4  }
0x493: {  	v7 =	vshll.u32 v6, $0x2  }
0x494: {  	v6 =	vand.u32 $0x7, v6;
	v7 =	vand.u32 $0xFFFFFFE0, v7  }
0x495: {  	v6 =	vor.u32 v6, v7  }
0x496: {  	v7 =	vperm.xlane v6, v13;
	_ =	sdelay $0x1  }
0x497: {  	v7 =	vadd.s32 v14, v7;
	_ =	sdelay $0x1  }
0x498: {  	v6 =	vperm.xlane v6, v11;
	_ =	sdelay $0x1  }
0x499: {  	s16 =	simm.s32 $0x15900;
	v6 =	vadd.s32 v14, v6  }
0x49a: {  	[hbm4b:s10+s6] =	stream.indirect_vreg.scatter [tilespmem:s16], [sflag:$0x1], $0x80, v7, vm5, $0xb8;
	[tilespmem:$0x1E490] =	vst v63  }
0x49b: {  	s11 =	simm.s32 $0x16100  }
0x49c: {  	[hbm4b:s14+s6] =	stream.indirect_vreg.scatter [tilespmem:s11], [sflag:$0x1], $0x80, v7, vm5, $0xb8;
	[tilespmem:$0x1E490] =	vst v63  }
0x49d: {  	s12 =	simm.s32 $0x16900  }
0x49e: {  	[hbm4b:s10+s6] =	stream.indirect_vreg.scatter [tilespmem:s12], [sflag:$0x1], $0x80, v6, vm5, $0xb8;
	[tilespmem:$0x1E490] =	vst v63  }
0x49f: {  	s16 =	simm.s32 $0x17100  }
0x4a0: {  	[hbm4b:s14+s6] =	stream.indirect_vreg.scatter [tilespmem:s16], [sflag:$0x1], $0x80, v6, vm5, $0xb8;
	[tilespmem:$0x1E490] =	vst v63  }
0x4a1: {  	v6 =	vld [tilespmem:$0x1D940];
	_ =	sdelay $0x4  }
0x4a2: {  	v7 =	vshll.u32 v6, $0x2  }
0x4a3: {  	v6 =	vand.u32 $0x7, v6;
	v7 =	vand.u32 $0xFFFFFFE0, v7  }
0x4a4: {  	v6 =	vor.u32 v6, v7  }
0x4a5: {  	v7 =	vperm.xlane v6, v13;
	_ =	sdelay $0x1  }
0x4a6: {  	v7 =	vadd.s32 v14, v7;
	_ =	sdelay $0x1  }
0x4a7: {  	v6 =	vperm.xlane v6, v11;
	_ =	sdelay $0x1  }
0x4a8: {  	v6 =	vadd.s32 v14, v6  }
0x4a9: {  	[hbm4b:s10+s6] =	stream.indirect_vreg.scatter [tilespmem:s24], [sflag:$0x1], $0x80, v7, vm5, $0xb8;
	[tilespmem:$0x1E490] =	vst v63  }
0x4aa: {  	_ = 	snop  }
0x4ab: {  	[hbm4b:s14+s6] =	stream.indirect_vreg.scatter [tilespmem:s18], [sflag:$0x1], $0x80, v7, vm5, $0xb8;
	[tilespmem:$0x1E490] =	vst v63  }
0x4ac: {  	_ = 	snop  }
0x4ad: {  	[hbm4b:s10+s6] =	stream.indirect_vreg.scatter [tilespmem:s22], [sflag:$0x1], $0x80, v6, vm5, $0xb8;
	[tilespmem:$0x1E490] =	vst v63  }
0x4ae: {  	_ = 	snop  }
0x4af: {  	[hbm4b:s14+s6] =	stream.indirect_vreg.scatter [tilespmem:s29], [sflag:$0x1], $0x80, v6, vm5, $0xb8;
	[tilespmem:$0x1E490] =	vst v63  }
0x4b0: {  	v6 =	vld [tilespmem:$0x1D950];
	_ =	sdelay $0x4  }
0x4b1: {  	v7 =	vshll.u32 v6, $0x2  }
0x4b2: {  	v6 =	vand.u32 $0x7, v6;
	v7 =	vand.u32 $0xFFFFFFE0, v7  }
0x4b3: {  	v6 =	vor.u32 v6, v7  }
0x4b4: {  	v7 =	vperm.xlane v6, v13;
	_ =	sdelay $0x1  }
0x4b5: {  	v7 =	vadd.s32 v14, v7;
	_ =	sdelay $0x1  }
0x4b6: {  	v6 =	vperm.xlane v6, v11;
	_ =	sdelay $0x1  }
0x4b7: {  	v6 =	vadd.s32 v14, v6  }
0x4b8: {  	[hbm4b:s10+s6] =	stream.indirect_vreg.scatter [tilespmem:s30], [sflag:$0x1], $0x80, v7, vm5, $0xb8;
	[tilespmem:$0x1E490] =	vst v63  }
0x4b9: {  	_ = 	snop  }
0x4ba: {  	[hbm4b:s14+s6] =	stream.indirect_vreg.scatter [tilespmem:s31], [sflag:$0x1], $0x80, v7, vm5, $0xb8;
	[tilespmem:$0x1E490] =	vst v63  }
0x4bb: {  	_ = 	snop  }
0x4bc: {  	[hbm4b:s10+s6] =	stream.indirect_vreg.scatter [tilespmem:s2], [sflag:$0x1], $0x80, v6, vm5, $0xb8;
	[tilespmem:$0x1E490] =	vst v63  }
0x4bd: {  	_ = 	snop  }
0x4be: {  	[hbm4b:s14+s6] =	stream.indirect_vreg.scatter [tilespmem:s3], [sflag:$0x1], $0x80, v6, vm5, $0xb8;
	[tilespmem:$0x1E490] =	vst v63  }
0x4bf: {  	v6 =	vld [tilespmem:$0x1D960];
	_ =	sdelay $0x4  }
0x4c0: {  	v7 =	vshll.u32 v6, $0x2  }
0x4c1: {  	v6 =	vand.u32 $0x7, v6;
	v7 =	vand.u32 $0xFFFFFFE0, v7  }
0x4c2: {  	v6 =	vor.u32 v6, v7  }
0x4c3: {  	v7 =	vperm.xlane v6, v13;
	_ =	sdelay $0x1  }
0x4c4: {  	v7 =	vadd.s32 v14, v7;
	_ =	sdelay $0x1  }
0x4c5: {  	v6 =	vperm.xlane v6, v11;
	_ =	sdelay $0x1  }
0x4c6: {  	v6 =	vadd.s32 v14, v6  }
0x4c7: {  	[hbm4b:s10+s6] =	stream.indirect_vreg.scatter [tilespmem:s17], [sflag:$0x1], $0x80, v7, vm5, $0xb8;
	[tilespmem:$0x1E490] =	vst v63  }
0x4c8: {  	_ = 	snop  }
0x4c9: {  	[hbm4b:s14+s6] =	stream.indirect_vreg.scatter [tilespmem:s20], [sflag:$0x1], $0x80, v7, vm5, $0xb8;
	[tilespmem:$0x1E490] =	vst v63  }
0x4ca: {  	p1 =	sne.s32 s4, $0x1  }
0x4cb: {  	[hbm4b:s10+s6] =	stream.indirect_vreg.scatter [tilespmem:s21], [sflag:$0x1], $0x80, v6, vm5, $0xb8;
	[tilespmem:$0x1E490] =	vst v63  }
.Ltmp8:
0x4cc: {  	_ = 	snop;
	(pc) =	sbr.rel @p1 .LBB2_12-.Ltmp8, $4  }
0x4cd: {  	[hbm4b:s14+s6] =	stream.indirect_vreg.scatter [tilespmem:s15], [sflag:$0x1], $0x80, v6, vm5, $0xb8;
	[tilespmem:$0x1E490] =	vst v63  }
0x4ce: {  	_ =	swait.ge [sflag:s28], $0xE000  }
0x4cf: {  	[sflag:s28] =	ssyncset.done $0x0  }
0x4d0: {  	s4 =	sadd.s32 $0xFFFFFFFF, s4;
	s5 =	sadd.s32 $0x70, s5;
	[sflag:s28] =	ssyncadd.s32 $0xFFFF2000  }
.Ltmp9:
0x4d1: {  	_ = 	snop;
	(pc) =	sbr.rel .LBB2_13-.Ltmp9, $1  }
0x4d2: {  	_ =	sdelay $0x3  }
.LBB2_14:
0x4d3: {  	_ =	sfence.sel $0x180000  }
0x4d4: {  	[bflag:$0x0] =	sbarrier.arrive $0xFFFF  }
0x4d5: {  	_ =	strace $0x90000047  }
0x4d6: {  	[bflag:$0x2] =	sbarrier.arrive $0xFFFF  }
0x4d7: {  	s1 =	sld [smem:$0x7EF];
	_ =	sdelay $0x2  }
0x4d8: {  	s0 =	rddreg [dreg:$0x4];
	p0 =	seq.s32 s1, $0x1  }
0x4d9: {  	s0 =	sadd.s32 @!p0 $0x100000, s0  }
0x4da: {  	[sflag:s0] =	ssyncadd.tile.s32 @!p0 $0x1;
	_ =	shalt  }
.Lfunc_end2:
_tile_overlayer_lowered:
.L_overlay_start_2:
0x4db: {  	(tag) =	ssettag $0x2  }
0x4dc: {  	s0 =	rddreg [dreg:$0x0];
	s2 =	stileid.u32  }
0x4dd: {  	s1 =	rddreg [dreg:$0x1];
	p0 =	sne.s32 s2, $0x0  }
0x4de: {  	s3 =	rddreg [dreg:$0x2];
	[bflag:$0x3] =	sbarrier.arrive $0xFFFF;
	s2 =	simm.s32 @!p0 $0x1C02  }
0x4df: {  	[timem:s3], [sflag:s2] =	dma.local @!p0 [hbm:s0], s1  }
0x4e0: {  	s0 =	simm.s32 @!p0 $0x2  }
0x4e1: {  	_ =	swait.ge @!p0 [sflag:s0], s1  }
0x4e2: {  	s1 =	ssub.s32 @!p0 $0x0, s1;
	[sflag:s0] =	ssyncset.done @!p0 $0x0  }
0x4e3: {  	[sflag:s0] =	ssyncadd.s32 @!p0 s1  }
0x4e4: {  	[bflag:$0x3] =	sbarrier.arrive $0xFFFF  }
0x4e5: {  	_ =	shalt  }

</sc_bundles>
